<compile_context>
chip_gen: v7x
topology: tpu7x:2x2x1
jax: 0.10.2.dev20260603
libtpu: 0.0.44.dev20260713+nightly
codegen_flags: <defaults>
</compile_context>

<pallas_src>
import functools

import jax
import jax.numpy as jnp
from jax import lax
from jax.experimental import pallas as pl
from jax.experimental.pallas import tpu as pltpu
from jax.experimental.pallas import tpu_sc as plsc

K = 16
B = 8
N = 2048
C = 64
C2 = 2 * C
RT = 256
NT = N // RT
BN = B * N
ROWS = BN * K
HROWS = ROWS // 2
M_ELEMS = float(ROWS)
NEG = -3.0e38
EPS = 1e-5

NC = 2
NS = 16
NW = NC * NS
ROWS_W = ROWS // NW
SUB = 128
NSUB = ROWS_W // SUB
CHROWS = 512
NCH = ROWS_W // CHROWS
SUB_CH = CHROWS // SUB


def _knn_pre_body(ptsc_ref, ptsr_ref, ft_ref, wdt_ref, wbt_ref,
                  idx_ref, a_ref, g_ref):
    b = pl.program_id(0)
    ptsc = ptsc_ref[0]
    ptsr = ptsr_ref[0]
    xx_c = jnp.sum(ptsc * ptsc, axis=0, keepdims=True)
    xx_r = jnp.sum(ptsr * ptsr, axis=1, keepdims=True)
    ptscb = ptsc.astype(jnp.bfloat16).astype(jnp.float32)
    ptsrb = ptsr.astype(jnp.bfloat16).astype(jnp.float32)
    acc = (ptsrb[:, 0:1] * ptscb[0:1, :]
           + ptsrb[:, 1:2] * ptscb[1:2, :]
           + ptsrb[:, 2:3] * ptscb[2:3, :])
    d = (-xx_r - (-2.0 * acc)) - xx_c
    cols = lax.broadcasted_iota(jnp.int32, (RT, N), 1).astype(jnp.float32)
    picked = []
    for j in range(K + 1):
        m = jnp.max(d, axis=1, keepdims=True)
        c = jnp.min(jnp.where(d == m, cols, float(N)), axis=1, keepdims=True)
        if j > 0:
            picked.append(c)
        if j < K:
            d = jnp.where(cols == c, NEG, d)
    sel = jnp.concatenate(picked, axis=1)
    idx_ref[0] = sel.astype(jnp.int32) + b * N
    ft = ft_ref[0]
    a_ref[0] = jnp.dot(ft, wdt_ref[...], precision=lax.Precision.HIGHEST,
                       preferred_element_type=jnp.float32)
    g_ref[0] = jnp.dot(ft, wbt_ref[...], precision=lax.Precision.HIGHEST,
                       preferred_element_type=jnp.float32)


_knn_pre = pl.pallas_call(
    _knn_pre_body,
    grid=(B, NT),
    in_specs=[
        pl.BlockSpec((1, 3, N), lambda b, t: (b, 0, 0)),
        pl.BlockSpec((1, RT, 3), lambda b, t: (b, t, 0)),
        pl.BlockSpec((1, RT, C), lambda b, t: (b, t, 0)),
        pl.BlockSpec((C, C), lambda b, t: (0, 0)),
        pl.BlockSpec((C, C), lambda b, t: (0, 0)),
    ],
    out_specs=[
        pl.BlockSpec((1, RT, K), lambda b, t: (b, t, 0)),
        pl.BlockSpec((1, RT, C), lambda b, t: (b, t, 0)),
        pl.BlockSpec((1, RT, C), lambda b, t: (b, t, 0)),
    ],
    out_shape=[
        jax.ShapeDtypeStruct((B, N, K), jnp.int32),
        jax.ShapeDtypeStruct((B, N, C), jnp.float32),
        jax.ShapeDtypeStruct((B, N, C), jnp.float32),
    ],
)


def _sc_gather_body(table_hbm, idx_hbm, out_hbm, idx_v, rows_a, rows_b, sem,
                    semo):
    wid = lax.axis_index("s") * NC + lax.axis_index("c")
    pltpu.sync_copy(idx_hbm.at[wid], idx_v)
    bufs = (rows_a, rows_b)
    pending = [None, None]
    for ch in range(NCH):
        buf = bufs[ch % 2]
        if pending[ch % 2] is not None:
            pending[ch % 2].wait()
        descs = []
        for j in range(SUB_CH):
            descs.append(pltpu.async_copy(
                table_hbm.at[idx_v.at[ch * SUB_CH + j]],
                buf.at[pl.ds(j * SUB, SUB)], sem))
        for dsc in descs:
            dsc.wait()
        pending[ch % 2] = pltpu.async_copy(
            buf, out_hbm.at[pl.ds(wid * ROWS_W + ch * CHROWS, CHROWS)], semo)
    pending[0].wait()
    pending[1].wait()


@functools.cache
def _make_sc_gather():
    return functools.partial(
        pl.kernel,
        out_type=jax.ShapeDtypeStruct((ROWS, C), jnp.float32),
        mesh=plsc.VectorSubcoreMesh(core_axis_name="c", subcore_axis_name="s",
                                    num_cores=NC, num_subcores=NS),
        scratch_types=[
            pltpu.VMEM((NSUB, SUB), jnp.int32),
            pltpu.VMEM((CHROWS, C), jnp.float32),
            pltpu.VMEM((CHROWS, C), jnp.float32),
            pltpu.SemaphoreType.DMA,
            pltpu.SemaphoreType.DMA,
        ],
        compiler_params=pltpu.CompilerParams(use_tc_tiling_on_sc=False),
    )(_sc_gather_body)


HROWB = 4096
NODB = HROWB // 8
NSTEP = HROWS // HROWB


def _bn_coeffs(st_ref, g_ref, b_ref):
    s = st_ref[0:1, :C] + st_ref[0:1, C:]
    ss = st_ref[1:2, :C] + st_ref[1:2, C:]
    mean = s / M_ELEMS
    var = ss / M_ELEMS - mean * mean
    scale = g_ref[...] * lax.rsqrt(var + EPS)
    shift = b_ref[...] - mean * scale
    scale2 = jnp.concatenate([scale, scale], axis=1)
    shift2 = jnp.concatenate([shift, shift], axis=1)
    return scale2, shift2


def _acc_stats(st_ref, x):
    i = pl.program_id(0)

    @pl.when(i == 0)
    def _():
        st_ref[...] = jnp.zeros_like(st_ref)

    s = jnp.sum(x, axis=0, keepdims=True)
    ss = jnp.sum(x * x, axis=0, keepdims=True)
    st_ref[0:1, :] = st_ref[0:1, :] + s
    st_ref[1:2, :] = st_ref[1:2, :] + ss


def _x1_block(gg_ref, a_ref):
    a2 = jnp.concatenate([a_ref[...], a_ref[...]], axis=1)
    return (gg_ref[...].reshape(NODB, 8, C2)
            + a2[:, None, :]).reshape(HROWB, C2)


def _stats1_body(gg_ref, a_ref, st_ref):
    _acc_stats(st_ref, _x1_block(gg_ref, a_ref))


_stats1 = pl.pallas_call(
    _stats1_body,
    grid=(NSTEP,),
    in_specs=[
        pl.BlockSpec((HROWB, C2), lambda i: (i, 0)),
        pl.BlockSpec((NODB, C), lambda i: (i, 0)),
    ],
    out_specs=pl.BlockSpec((8, C2), lambda i: (0, 0)),
    out_shape=jax.ShapeDtypeStruct((8, C2), jnp.float32),
)


def _p5_body(gg_ref, a_ref, st_ref, w_ref, g_ref, b_ref, x2_ref, st2_ref):
    scale, shift = _bn_coeffs(st_ref, g_ref, b_ref)
    x1 = _x1_block(gg_ref, a_ref)
    y = jnp.maximum(x1 * scale + shift, 0.0).astype(jnp.bfloat16)
    x2 = jnp.dot(y, w_ref[...], preferred_element_type=jnp.float32)
    x2_ref[...] = x2
    _acc_stats(st2_ref, x2)


_p5 = pl.pallas_call(
    _p5_body,
    grid=(NSTEP,),
    in_specs=[
        pl.BlockSpec((HROWB, C2), lambda i: (i, 0)),
        pl.BlockSpec((NODB, C), lambda i: (i, 0)),
        pl.BlockSpec((8, C2), lambda i: (0, 0)),
        pl.BlockSpec((C2, C2), lambda i: (0, 0)),
        pl.BlockSpec((1, C), lambda i: (0, 0)),
        pl.BlockSpec((1, C), lambda i: (0, 0)),
    ],
    out_specs=[
        pl.BlockSpec((HROWB, C2), lambda i: (i, 0)),
        pl.BlockSpec((8, C2), lambda i: (0, 0)),
    ],
    out_shape=[
        jax.ShapeDtypeStruct((HROWS, C2), jnp.float32),
        jax.ShapeDtypeStruct((8, C2), jnp.float32),
    ],
)


def _p6_body(x2_ref, st_ref, w_ref, g_ref, b_ref, x3_ref, st3_ref):
    scale, shift = _bn_coeffs(st_ref, g_ref, b_ref)
    y = jnp.maximum(x2_ref[...] * scale + shift, 0.0).astype(jnp.bfloat16)
    x3 = jnp.dot(y, w_ref[...], preferred_element_type=jnp.float32)
    x3_ref[...] = x3
    _acc_stats(st3_ref, x3)


_p6 = pl.pallas_call(
    _p6_body,
    grid=(NSTEP,),
    in_specs=[
        pl.BlockSpec((HROWB, C2), lambda i: (i, 0)),
        pl.BlockSpec((8, C2), lambda i: (0, 0)),
        pl.BlockSpec((C2, C2), lambda i: (0, 0)),
        pl.BlockSpec((1, C), lambda i: (0, 0)),
        pl.BlockSpec((1, C), lambda i: (0, 0)),
    ],
    out_specs=[
        pl.BlockSpec((HROWB, C2), lambda i: (i, 0)),
        pl.BlockSpec((8, C2), lambda i: (0, 0)),
    ],
    out_shape=[
        jax.ShapeDtypeStruct((HROWS, C2), jnp.float32),
        jax.ShapeDtypeStruct((8, C2), jnp.float32),
    ],
)


def _p7_body(x3_ref, st_ref, ft_ref, g_ref, b_ref, o_ref):
    scale, shift = _bn_coeffs(st_ref, g_ref, b_ref)
    y = jnp.maximum(x3_ref[...] * scale + shift, 0.0)
    acc = jnp.sum(y.reshape(NODB, 8, C2), axis=1)
    fts = (acc[:, :C] + acc[:, C:]) * (1.0 / K)
    res = jnp.maximum(ft_ref[...] + fts, 0.0)
    o_ref[0] = jnp.transpose(res)


_p7 = pl.pallas_call(
    _p7_body,
    grid=(NSTEP,),
    in_specs=[
        pl.BlockSpec((HROWB, C2), lambda i: (i, 0)),
        pl.BlockSpec((8, C2), lambda i: (0, 0)),
        pl.BlockSpec((NODB, C), lambda i: (i, 0)),
        pl.BlockSpec((1, C), lambda i: (0, 0)),
        pl.BlockSpec((1, C), lambda i: (0, 0)),
    ],
    out_specs=pl.BlockSpec((1, C, NODB), lambda i: (i // 4, 0, i % 4)),
    out_shape=jax.ShapeDtypeStruct((B, C, N), jnp.float32),
)


def _dup_blockdiag(w):
    wt = jnp.transpose(w).astype(jnp.bfloat16)
    z = jnp.zeros((C, C), jnp.bfloat16)
    return jnp.concatenate(
        [jnp.concatenate([wt, z], axis=1),
         jnp.concatenate([z, wt], axis=1)], axis=0)


def kernel(points, features, W0, W1, W2, g0, b0, g1, b1, g2, b2):
    ft = jnp.transpose(features, (0, 2, 1))
    pt = jnp.transpose(points, (0, 2, 1))
    wdt = jnp.transpose(W0[:, :C] - W0[:, C:])
    wbt = jnp.transpose(W0[:, C:])
    idx, a_nodes, g_nodes = _knn_pre(points, pt, ft, wdt, wbt)
    gg = _make_sc_gather()(g_nodes.reshape(BN, C), idx.reshape(NW, NSUB, SUB))
    gg2 = gg.reshape(HROWS, C2)
    a2 = a_nodes.reshape(BN, C)
    st1 = _stats1(gg2, a2)
    x2, st2 = _p5(gg2, a2, st1, _dup_blockdiag(W1),
                  g0.reshape(1, C), b0.reshape(1, C))
    x3, st3 = _p6(x2, st2, _dup_blockdiag(W2),
                  g1.reshape(1, C), b1.reshape(1, C))
    return _p7(x3, st3, ft.reshape(BN, C),
               g2.reshape(1, C), b2.reshape(1, C))

# --- scband reference (transcript-rebuilt; emitter-appended) ---
"""Pipeline reference for scband-edge-conv-block-82085414961804 (READ-ONLY COPY).

The authoritative reference and input builder live on the scoring server;
editing this copy changes nothing except your own understanding.
"""

import jax, jax.numpy as jnp
import numpy as np

K = 16

def knn(x, k):
    # x: [B, C, N]
    inner = -2.0 * jnp.einsum('bcn,bcm->bnm', x, x)
    xx = jnp.sum(x ** 2, axis=1, keepdims=True)  # [B,1,N]
    pairwise_distance = -xx - inner - jnp.transpose(xx, (0, 2, 1))
    _, idx = jax.lax.top_k(pairwise_distance, k + 1)
    return idx[:, :, 1:]  # [B, N, k]

def get_graph_feature(x, k, idx):
    # x: [B, C, N], idx: [B, N, k]
    x_t = jnp.transpose(x, (0, 2, 1))  # [B, N, C]
    fts = jax.vmap(lambda ft, id_: ft[id_])(x_t, idx)  # [B, N, k, C]
    fts = jnp.transpose(fts, (0, 3, 1, 2))  # [B, C, N, k]
    xc = jnp.repeat(x[:, :, :, None], k, axis=3)  # [B, C, N, k]
    return jnp.concatenate([xc, fts - xc], axis=1)  # [B, 2C, N, k]

def bn2d(x, gamma, beta, eps=1e-5):
    # training-mode batch norm (torch nn.Module default): batch statistics over (B, H, W)
    mean = jnp.mean(x, axis=(0, 2, 3), keepdims=True)
    var = jnp.var(x, axis=(0, 2, 3), keepdims=True)
    xh = (x - mean) / jnp.sqrt(var + eps)
    return xh * gamma[None, :, None, None] + beta[None, :, None, None]

def setup_inputs(seed: int = 0):
    key = jax.random.key(seed)
    ks = jax.random.split(key, 6)
    points = jax.random.normal(ks[0], (8, 3, 2048), dtype=jnp.float32)
    features = jax.random.normal(ks[1], (8, 64, 2048), dtype=jnp.float32)
    def init_w(k_, shape, fan_in):
        bound = 1.0 / np.sqrt(fan_in)
        return jax.random.uniform(k_, shape, jnp.float32, -bound, bound)
    W0 = init_w(ks[2], (64, 128), 128)
    W1 = init_w(ks[3], (64, 64), 64)
    W2 = init_w(ks[4], (64, 64), 64)
    g0 = jnp.ones((64,), jnp.float32); b0 = jnp.zeros((64,), jnp.float32)
    g1 = jnp.ones((64,), jnp.float32); b1 = jnp.zeros((64,), jnp.float32)
    g2 = jnp.ones((64,), jnp.float32); b2 = jnp.zeros((64,), jnp.float32)
    return {"points": points, "features": features, "W0": W0, "W1": W1, "W2": W2,
            "g0": g0, "b0": b0, "g1": g1, "b1": b1, "g2": g2, "b2": b2}

def reference(points, features, W0, W1, W2, g0, b0, g1, b1, g2, b2):
    idx = knn(points, K)
    x = get_graph_feature(features, K, idx)  # [B, 128, N, k]
    for W, g, b in ((W0, g0, b0), (W1, g1, b1), (W2, g2, b2)):
        x = jnp.einsum('oi,binm->bonm', W, x)  # 1x1 Conv2d, bias=False
        x = bn2d(x, g, b)
        x = jax.nn.relu(x)
    fts = jnp.mean(x, axis=-1)  # [B, 64, N]
    # in_feat == out_feats[-1] -> shortcut is identity (sc is None)
    return jax.nn.relu(features + fts)

if __name__ == "__main__":
    import jax
    _d = setup_inputs()
    print(jax.jit(kernel)(*tuple(_d.values())))

</pallas_src>

<mosaic_0001>
#map = affine_map<(d0, d1) -> (0, 0)>
#map1 = affine_map<(d0, d1) -> (0, 0, 0)>
module attributes {stable_mosaic.version = 14 : i64} {
  func.func @_sc_gather_body(%arg0: i32, %arg1: i32, %arg2: memref<16384x64xf32, #tpu.memory_space<hbm>>, %arg3: memref<32x64x128xi32, #tpu.memory_space<hbm>>, %arg4: memref<262144x64xf32, #tpu.memory_space<hbm>>, %arg5: memref<64x128xi32, #tpu.memory_space<vmem>>, %arg6: memref<512x64xf32, #tpu.memory_space<vmem>>, %arg7: memref<512x64xf32, #tpu.memory_space<vmem>>, %arg8: memref<!tpu.dma_semaphore, #tpu.memory_space<semaphore_mem>>, %arg9: memref<!tpu.dma_semaphore, #tpu.memory_space<semaphore_mem>>) attributes {dimension_semantics = [#tpu.dimension_semantics<core_parallel>, #tpu.dimension_semantics<subcore_parallel>], iteration_bounds = array<i64: 2, 16>, scalar_prefetch = 0 : i64, scratch_operands = 5 : i64, tpu.core_type = #tpu.core_type<sc_vector_subcore>, window_params = [{transform_indices = #map}, {transform_indices = #map1}, {transform_indices = #map}]} {
    %mul3A = arith.constant 2 : i32
    %mul3A_0 = arith.muli %arg1, %mul3A : i32
    %add3A = arith.addi %mul3A_0, %arg0 : i32
    "tpu.region"() ({
      %run_scoped3A = tpu.sem_alloc : memref<!tpu.dma_semaphore, #tpu.memory_space<semaphore_mem>>
      %dma_start3A_1471 = arith.constant 0 : i32
      %dma_start3A_1472 = arith.constant 0 : i32
      %dma_start3A_1473 = tpu.memref_slice %arg3[%add3A, %dma_start3A_1471, %dma_start3A_1472] : memref<32x64x128xi32, #tpu.memory_space<hbm>> -> memref<1x64x128xi32, #tpu.memory_space<hbm>>
      %dma_start3A_1474 = tpu.memref_squeeze %dma_start3A_1473 : memref<1x64x128xi32, #tpu.memory_space<hbm>> -> memref<64x128xi32, #tpu.memory_space<hbm>>
      %dma_start3A_1475 = arith.constant 0 : i32
      %dma_start3A_1476 = arith.constant 0 : i32
      %dma_start3A_1477 = tpu.memref_slice %arg3[%add3A, %dma_start3A_1475, %dma_start3A_1476] : memref<32x64x128xi32, #tpu.memory_space<hbm>> -> memref<1x64x128xi32, #tpu.memory_space<hbm>>
      %dma_start3A_1478 = tpu.memref_squeeze %dma_start3A_1477 : memref<1x64x128xi32, #tpu.memory_space<hbm>> -> memref<64x128xi32, #tpu.memory_space<hbm>>
      tpu.enqueue_dma source(%dma_start3A_1478 : memref<64x128xi32, #tpu.memory_space<hbm>>) target(%arg5 : memref<64x128xi32, #tpu.memory_space<vmem>>) target_semaphore(%run_scoped3A : memref<!tpu.dma_semaphore, #tpu.memory_space<semaphore_mem>>)
      %dma_wait3A_1479 = arith.constant 0 : i32
      %dma_wait3A_1480 = arith.constant 0 : i32
      %dma_wait3A_1481 = tpu.memref_slice %arg3[%add3A, %dma_wait3A_1479, %dma_wait3A_1480] : memref<32x64x128xi32, #tpu.memory_space<hbm>> -> memref<1x64x128xi32, #tpu.memory_space<hbm>>
      %dma_wait3A_1482 = tpu.memref_squeeze %dma_wait3A_1481 : memref<1x64x128xi32, #tpu.memory_space<hbm>> -> memref<64x128xi32, #tpu.memory_space<hbm>>
      %dma_wait3A_1483 = arith.constant 0 : i32
      %dma_wait3A_1484 = arith.constant 0 : i32
      %dma_wait3A_1485 = tpu.memref_slice %arg3[%add3A, %dma_wait3A_1483, %dma_wait3A_1484] : memref<32x64x128xi32, #tpu.memory_space<hbm>> -> memref<1x64x128xi32, #tpu.memory_space<hbm>>
      %dma_wait3A_1486 = tpu.memref_squeeze %dma_wait3A_1485 : memref<1x64x128xi32, #tpu.memory_space<hbm>> -> memref<64x128xi32, #tpu.memory_space<hbm>>
      tpu.wait_dma2 semaphore(%run_scoped3A : memref<!tpu.dma_semaphore, #tpu.memory_space<semaphore_mem>>) src(%dma_wait3A_1486 : memref<64x128xi32, #tpu.memory_space<hbm>>) dst(%arg5 : memref<64x128xi32, #tpu.memory_space<vmem>>)
      tpu.yield
    }) : () -> ()
    %dma_start3A = arith.constant 0 : i32
    %dma_start3A_1 = arith.constant 0 : i32
    %dma_start3A_2 = arith.constant 0 : i32
    %dma_start3A_3 = tpu.memref_slice %arg6[%dma_start3A_1, %dma_start3A_2] : memref<512x64xf32, #tpu.memory_space<vmem>> -> memref<128x64xf32, #tpu.memory_space<vmem>>
    %dma_start3A_4 = arith.constant 0 : i32
    %dma_start3A_5 = tpu.memref_slice %arg5[%dma_start3A, %dma_start3A_4] : memref<64x128xi32, #tpu.memory_space<vmem>> -> memref<1x128xi32, #tpu.memory_space<vmem>>
    %dma_start3A_6 = tpu.memref_squeeze %dma_start3A_5 : memref<1x128xi32, #tpu.memory_space<vmem>> -> memref<128xi32, #tpu.memory_space<vmem>>
    %dma_start3A_7 = arith.constant 0 : i32
    %dma_start3A_8 = arith.constant 0 : i32
    %dma_start3A_9 = tpu.memref_slice %arg2[%dma_start3A_7, %dma_start3A_8] : memref<16384x64xf32, #tpu.memory_space<hbm>> -> memref<16384x64xf32, #tpu.memory_space<hbm>>
    tpu.enqueue_indirect_dma source(%dma_start3A_9 : memref<16384x64xf32, #tpu.memory_space<hbm>>) target(%dma_start3A_3 : memref<128x64xf32, #tpu.memory_space<vmem>>) offsets(%dma_start3A_6 : memref<128xi32, #tpu.memory_space<vmem>>) semaphore(%arg8 : memref<!tpu.dma_semaphore, #tpu.memory_space<semaphore_mem>>)
    %dma_start3A_10 = arith.constant 1 : i32
    %dma_start3A_11 = arith.constant 128 : i32
    %dma_start3A_12 = arith.constant 0 : i32
    %dma_start3A_13 = tpu.memref_slice %arg6[%dma_start3A_11, %dma_start3A_12] : memref<512x64xf32, #tpu.memory_space<vmem>> -> memref<128x64xf32, #tpu.memory_space<vmem>>
    %dma_start3A_14 = arith.constant 0 : i32
    %dma_start3A_15 = tpu.memref_slice %arg5[%dma_start3A_10, %dma_start3A_14] : memref<64x128xi32, #tpu.memory_space<vmem>> -> memref<1x128xi32, #tpu.memory_space<vmem>>
    %dma_start3A_16 = tpu.memref_squeeze %dma_start3A_15 : memref<1x128xi32, #tpu.memory_space<vmem>> -> memref<128xi32, #tpu.memory_space<vmem>>
    %dma_start3A_17 = arith.constant 0 : i32
    %dma_start3A_18 = arith.constant 0 : i32
    %dma_start3A_19 = tpu.memref_slice %arg2[%dma_start3A_17, %dma_start3A_18] : memref<16384x64xf32, #tpu.memory_space<hbm>> -> memref<16384x64xf32, #tpu.memory_space<hbm>>
    tpu.enqueue_indirect_dma source(%dma_start3A_19 : memref<16384x64xf32, #tpu.memory_space<hbm>>) target(%dma_start3A_13 : memref<128x64xf32, #tpu.memory_space<vmem>>) offsets(%dma_start3A_16 : memref<128xi32, #tpu.memory_space<vmem>>) semaphore(%arg8 : memref<!tpu.dma_semaphore, #tpu.memory_space<semaphore_mem>>)
    %dma_start3A_20 = arith.constant 2 : i32
    %dma_start3A_21 = arith.constant 256 : i32
    %dma_start3A_22 = arith.constant 0 : i32
    %dma_start3A_23 = tpu.memref_slice %arg6[%dma_start3A_21, %dma_start3A_22] : memref<512x64xf32, #tpu.memory_space<vmem>> -> memref<128x64xf32, #tpu.memory_space<vmem>>
    %dma_start3A_24 = arith.constant 0 : i32
    %dma_start3A_25 = tpu.memref_slice %arg5[%dma_start3A_20, %dma_start3A_24] : memref<64x128xi32, #tpu.memory_space<vmem>> -> memref<1x128xi32, #tpu.memory_space<vmem>>
    %dma_start3A_26 = tpu.memref_squeeze %dma_start3A_25 : memref<1x128xi32, #tpu.memory_space<vmem>> -> memref<128xi32, #tpu.memory_space<vmem>>
    %dma_start3A_27 = arith.constant 0 : i32
    %dma_start3A_28 = arith.constant 0 : i32
    %dma_start3A_29 = tpu.memref_slice %arg2[%dma_start3A_27, %dma_start3A_28] : memref<16384x64xf32, #tpu.memory_space<hbm>> -> memref<16384x64xf32, #tpu.memory_space<hbm>>
    tpu.enqueue_indirect_dma source(%dma_start3A_29 : memref<16384x64xf32, #tpu.memory_space<hbm>>) target(%dma_start3A_23 : memref<128x64xf32, #tpu.memory_space<vmem>>) offsets(%dma_start3A_26 : memref<128xi32, #tpu.memory_space<vmem>>) semaphore(%arg8 : memref<!tpu.dma_semaphore, #tpu.memory_space<semaphore_mem>>)
    %dma_start3A_30 = arith.constant 3 : i32
    %dma_start3A_31 = arith.constant 384 : i32
    %dma_start3A_32 = arith.constant 0 : i32
    %dma_start3A_33 = tpu.memref_slice %arg6[%dma_start3A_31, %dma_start3A_32] : memref<512x64xf32, #tpu.memory_space<vmem>> -> memref<128x64xf32, #tpu.memory_space<vmem>>
    %dma_start3A_34 = arith.constant 0 : i32
    %dma_start3A_35 = tpu.memref_slice %arg5[%dma_start3A_30, %dma_start3A_34] : memref<64x128xi32, #tpu.memory_space<vmem>> -> memref<1x128xi32, #tpu.memory_space<vmem>>
    %dma_start3A_36 = tpu.memref_squeeze %dma_start3A_35 : memref<1x128xi32, #tpu.memory_space<vmem>> -> memref<128xi32, #tpu.memory_space<vmem>>
    %dma_start3A_37 = arith.constant 0 : i32
    %dma_start3A_38 = arith.constant 0 : i32
    %dma_start3A_39 = tpu.memref_slice %arg2[%dma_start3A_37, %dma_start3A_38] : memref<16384x64xf32, #tpu.memory_space<hbm>> -> memref<16384x64xf32, #tpu.memory_space<hbm>>
    tpu.enqueue_indirect_dma source(%dma_start3A_39 : memref<16384x64xf32, #tpu.memory_space<hbm>>) target(%dma_start3A_33 : memref<128x64xf32, #tpu.memory_space<vmem>>) offsets(%dma_start3A_36 : memref<128xi32, #tpu.memory_space<vmem>>) semaphore(%arg8 : memref<!tpu.dma_semaphore, #tpu.memory_space<semaphore_mem>>)
    %dma_wait3A = arith.constant 0 : i32
    %dma_wait3A_40 = arith.constant 0 : i32
    %dma_wait3A_41 = arith.constant 0 : i32
    %dma_wait3A_42 = tpu.memref_slice %arg6[%dma_wait3A_40, %dma_wait3A_41] : memref<512x64xf32, #tpu.memory_space<vmem>> -> memref<128x64xf32, #tpu.memory_space<vmem>>
    %dma_wait3A_43 = arith.constant 0 : i32
    %dma_wait3A_44 = tpu.memref_slice %arg5[%dma_wait3A, %dma_wait3A_43] : memref<64x128xi32, #tpu.memory_space<vmem>> -> memref<1x128xi32, #tpu.memory_space<vmem>>
    %dma_wait3A_45 = tpu.memref_squeeze %dma_wait3A_44 : memref<1x128xi32, #tpu.memory_space<vmem>> -> memref<128xi32, #tpu.memory_space<vmem>>
    %dma_wait3A_46 = arith.constant 0 : i32
    %dma_wait3A_47 = arith.constant 0 : i32
    %dma_wait3A_48 = tpu.memref_slice %arg2[%dma_wait3A_46, %dma_wait3A_47] : memref<16384x64xf32, #tpu.memory_space<hbm>> -> memref<16384x64xf32, #tpu.memory_space<hbm>>
    tpu.wait_indirect_dma semaphore(%arg8 : memref<!tpu.dma_semaphore, #tpu.memory_space<semaphore_mem>>) src(%dma_wait3A_48 : memref<16384x64xf32, #tpu.memory_space<hbm>>) dst(%dma_wait3A_42 : memref<128x64xf32, #tpu.memory_space<vmem>>)
    %dma_wait3A_49 = arith.constant 1 : i32
    %dma_wait3A_50 = arith.constant 128 : i32
    %dma_wait3A_51 = arith.constant 0 : i32
    %dma_wait3A_52 = tpu.memref_slice %arg6[%dma_wait3A_50, %dma_wait3A_51] : memref<512x64xf32, #tpu.memory_space<vmem>> -> memref<128x64xf32, #tpu.memory_space<vmem>>
    %dma_wait3A_53 = arith.constant 0 : i32
    %dma_wait3A_54 = tpu.memref_slice %arg5[%dma_wait3A_49, %dma_wait3A_53] : memref<64x128xi32, #tpu.memory_space<vmem>> -> memref<1x128xi32, #tpu.memory_space<vmem>>
    %dma_wait3A_55 = tpu.memref_squeeze %dma_wait3A_54 : memref<1x128xi32, #tpu.memory_space<vmem>> -> memref<128xi32, #tpu.memory_space<vmem>>
    %dma_wait3A_56 = arith.constant 0 : i32
    %dma_wait3A_57 = arith.constant 0 : i32
    %dma_wait3A_58 = tpu.memref_slice %arg2[%dma_wait3A_56, %dma_wait3A_57] : memref<16384x64xf32, #tpu.memory_space<hbm>> -> memref<16384x64xf32, #tpu.memory_space<hbm>>
    tpu.wait_indirect_dma semaphore(%arg8 : memref<!tpu.dma_semaphore, #tpu.memory_space<semaphore_mem>>) src(%dma_wait3A_58 : memref<16384x64xf32, #tpu.memory_space<hbm>>) dst(%dma_wait3A_52 : memref<128x64xf32, #tpu.memory_space<vmem>>)
    %dma_wait3A_59 = arith.constant 2 : i32
    %dma_wait3A_60 = arith.constant 256 : i32
    %dma_wait3A_61 = arith.constant 0 : i32
    %dma_wait3A_62 = tpu.memref_slice %arg6[%dma_wait3A_60, %dma_wait3A_61] : memref<512x64xf32, #tpu.memory_space<vmem>> -> memref<128x64xf32, #tpu.memory_space<vmem>>
    %dma_wait3A_63 = arith.constant 0 : i32
    %dma_wait3A_64 = tpu.memref_slice %arg5[%dma_wait3A_59, %dma_wait3A_63] : memref<64x128xi32, #tpu.memory_space<vmem>> -> memref<1x128xi32, #tpu.memory_space<vmem>>
    %dma_wait3A_65 = tpu.memref_squeeze %dma_wait3A_64 : memref<1x128xi32, #tpu.memory_space<vmem>> -> memref<128xi32, #tpu.memory_space<vmem>>
    %dma_wait3A_66 = arith.constant 0 : i32
    %dma_wait3A_67 = arith.constant 0 : i32
    %dma_wait3A_68 = tpu.memref_slice %arg2[%dma_wait3A_66, %dma_wait3A_67] : memref<16384x64xf32, #tpu.memory_space<hbm>> -> memref<16384x64xf32, #tpu.memory_space<hbm>>
    tpu.wait_indirect_dma semaphore(%arg8 : memref<!tpu.dma_semaphore, #tpu.memory_space<semaphore_mem>>) src(%dma_wait3A_68 : memref<16384x64xf32, #tpu.memory_space<hbm>>) dst(%dma_wait3A_62 : memref<128x64xf32, #tpu.memory_space<vmem>>)
    %dma_wait3A_69 = arith.constant 3 : i32
    %dma_wait3A_70 = arith.constant 384 : i32
    %dma_wait3A_71 = arith.constant 0 : i32
    %dma_wait3A_72 = tpu.memref_slice %arg6[%dma_wait3A_70, %dma_wait3A_71] : memref<512x64xf32, #tpu.memory_space<vmem>> -> memref<128x64xf32, #tpu.memory_space<vmem>>
    %dma_wait3A_73 = arith.constant 0 : i32
    %dma_wait3A_74 = tpu.memref_slice %arg5[%dma_wait3A_69, %dma_wait3A_73] : memref<64x128xi32, #tpu.memory_space<vmem>> -> memref<1x128xi32, #tpu.memory_space<vmem>>
    %dma_wait3A_75 = tpu.memref_squeeze %dma_wait3A_74 : memref<1x128xi32, #tpu.memory_space<vmem>> -> memref<128xi32, #tpu.memory_space<vmem>>
    %dma_wait3A_76 = arith.constant 0 : i32
    %dma_wait3A_77 = arith.constant 0 : i32
    %dma_wait3A_78 = tpu.memref_slice %arg2[%dma_wait3A_76, %dma_wait3A_77] : memref<16384x64xf32, #tpu.memory_space<hbm>> -> memref<16384x64xf32, #tpu.memory_space<hbm>>
    tpu.wait_indirect_dma semaphore(%arg8 : memref<!tpu.dma_semaphore, #tpu.memory_space<semaphore_mem>>) src(%dma_wait3A_78 : memref<16384x64xf32, #tpu.memory_space<hbm>>) dst(%dma_wait3A_72 : memref<128x64xf32, #tpu.memory_space<vmem>>)
    %mul3A_79 = arith.constant 8192 : i32
    %mul3A_80 = arith.muli %add3A, %mul3A_79 : i32
    %add3A_81 = arith.constant 0 : i32
    %add3A_82 = arith.addi %mul3A_80, %add3A_81 : i32
    %dma_start3A_83 = arith.constant 0 : i32
    %dma_start3A_84 = tpu.memref_slice %arg4[%add3A_82, %dma_start3A_83] : memref<262144x64xf32, #tpu.memory_space<hbm>> -> memref<512x64xf32, #tpu.memory_space<hbm>>
    %dma_start3A_85 = arith.constant 0 : i32
    %dma_start3A_86 = tpu.memref_slice %arg4[%add3A_82, %dma_start3A_85] : memref<262144x64xf32, #tpu.memory_space<hbm>> -> memref<512x64xf32, #tpu.memory_space<hbm>>
    tpu.enqueue_dma source(%arg6 : memref<512x64xf32, #tpu.memory_space<vmem>>) target(%dma_start3A_86 : memref<512x64xf32, #tpu.memory_space<hbm>>) target_semaphore(%arg9 : memref<!tpu.dma_semaphore, #tpu.memory_space<semaphore_mem>>)
    %dma_start3A_87 = arith.constant 4 : i32
    %dma_start3A_88 = arith.constant 0 : i32
    %dma_start3A_89 = arith.constant 0 : i32
    %dma_start3A_90 = tpu.memref_slice %arg7[%dma_start3A_88, %dma_start3A_89] : memref<512x64xf32, #tpu.memory_space<vmem>> -> memref<128x64xf32, #tpu.memory_space<vmem>>
    %dma_start3A_91 = arith.constant 0 : i32
    %dma_start3A_92 = tpu.memref_slice %arg5[%dma_start3A_87, %dma_start3A_91] : memref<64x128xi32, #tpu.memory_space<vmem>> -> memref<1x128xi32, #tpu.memory_space<vmem>>
    %dma_start3A_93 = tpu.memref_squeeze %dma_start3A_92 : memref<1x128xi32, #tpu.memory_space<vmem>> -> memref<128xi32, #tpu.memory_space<vmem>>
    %dma_start3A_94 = arith.constant 0 : i32
    %dma_start3A_95 = arith.constant 0 : i32
    %dma_start3A_96 = tpu.memref_slice %arg2[%dma_start3A_94, %dma_start3A_95] : memref<16384x64xf32, #tpu.memory_space<hbm>> -> memref<16384x64xf32, #tpu.memory_space<hbm>>
    tpu.enqueue_indirect_dma source(%dma_start3A_96 : memref<16384x64xf32, #tpu.memory_space<hbm>>) target(%dma_start3A_90 : memref<128x64xf32, #tpu.memory_space<vmem>>) offsets(%dma_start3A_93 : memref<128xi32, #tpu.memory_space<vmem>>) semaphore(%arg8 : memref<!tpu.dma_semaphore, #tpu.memory_space<semaphore_mem>>)
    %dma_start3A_97 = arith.constant 5 : i32
    %dma_start3A_98 = arith.constant 128 : i32
    %dma_start3A_99 = arith.constant 0 : i32
    %dma_start3A_100 = tpu.memref_slice %arg7[%dma_start3A_98, %dma_start3A_99] : memref<512x64xf32, #tpu.memory_space<vmem>> -> memref<128x64xf32, #tpu.memory_space<vmem>>
    %dma_start3A_101 = arith.constant 0 : i32
    %dma_start3A_102 = tpu.memref_slice %arg5[%dma_start3A_97, %dma_start3A_101] : memref<64x128xi32, #tpu.memory_space<vmem>> -> memref<1x128xi32, #tpu.memory_space<vmem>>
    %dma_start3A_103 = tpu.memref_squeeze %dma_start3A_102 : memref<1x128xi32, #tpu.memory_space<vmem>> -> memref<128xi32, #tpu.memory_space<vmem>>
    %dma_start3A_104 = arith.constant 0 : i32
    %dma_start3A_105 = arith.constant 0 : i32
    %dma_start3A_106 = tpu.memref_slice %arg2[%dma_start3A_104, %dma_start3A_105] : memref<16384x64xf32, #tpu.memory_space<hbm>> -> memref<16384x64xf32, #tpu.memory_space<hbm>>
    tpu.enqueue_indirect_dma source(%dma_start3A_106 : memref<16384x64xf32, #tpu.memory_space<hbm>>) target(%dma_start3A_100 : memref<128x64xf32, #tpu.memory_space<vmem>>) offsets(%dma_start3A_103 : memref<128xi32, #tpu.memory_space<vmem>>) semaphore(%arg8 : memref<!tpu.dma_semaphore, #tpu.memory_space<semaphore_mem>>)
    %dma_start3A_107 = arith.constant 6 : i32
    %dma_start3A_108 = arith.constant 256 : i32
    %dma_start3A_109 = arith.constant 0 : i32
    %dma_start3A_110 = tpu.memref_slice %arg7[%dma_start3A_108, %dma_start3A_109] : memref<512x64xf32, #tpu.memory_space<vmem>> -> memref<128x64xf32, #tpu.memory_space<vmem>>
    %dma_start3A_111 = arith.constant 0 : i32
    %dma_start3A_112 = tpu.memref_slice %arg5[%dma_start3A_107, %dma_start3A_111] : memref<64x128xi32, #tpu.memory_space<vmem>> -> memref<1x128xi32, #tpu.memory_space<vmem>>
    %dma_start3A_113 = tpu.memref_squeeze %dma_start3A_112 : memref<1x128xi32, #tpu.memory_space<vmem>> -> memref<128xi32, #tpu.memory_space<vmem>>
    %dma_start3A_114 = arith.constant 0 : i32
    %dma_start3A_115 = arith.constant 0 : i32
    %dma_start3A_116 = tpu.memref_slice %arg2[%dma_start3A_114, %dma_start3A_115] : memref<16384x64xf32, #tpu.memory_space<hbm>> -> memref<16384x64xf32, #tpu.memory_space<hbm>>
    tpu.enqueue_indirect_dma source(%dma_start3A_116 : memref<16384x64xf32, #tpu.memory_space<hbm>>) target(%dma_start3A_110 : memref<128x64xf32, #tpu.memory_space<vmem>>) offsets(%dma_start3A_113 : memref<128xi32, #tpu.memory_space<vmem>>) semaphore(%arg8 : memref<!tpu.dma_semaphore, #tpu.memory_space<semaphore_mem>>)
    %dma_start3A_117 = arith.constant 7 : i32
    %dma_start3A_118 = arith.constant 384 : i32
    %dma_start3A_119 = arith.constant 0 : i32
    %dma_start3A_120 = tpu.memref_slice %arg7[%dma_start3A_118, %dma_start3A_119] : memref<512x64xf32, #tpu.memory_space<vmem>> -> memref<128x64xf32, #tpu.memory_space<vmem>>
    %dma_start3A_121 = arith.constant 0 : i32
    %dma_start3A_122 = tpu.memref_slice %arg5[%dma_start3A_117, %dma_start3A_121] : memref<64x128xi32, #tpu.memory_space<vmem>> -> memref<1x128xi32, #tpu.memory_space<vmem>>
    %dma_start3A_123 = tpu.memref_squeeze %dma_start3A_122 : memref<1x128xi32, #tpu.memory_space<vmem>> -> memref<128xi32, #tpu.memory_space<vmem>>
    %dma_start3A_124 = arith.constant 0 : i32
    %dma_start3A_125 = arith.constant 0 : i32
    %dma_start3A_126 = tpu.memref_slice %arg2[%dma_start3A_124, %dma_start3A_125] : memref<16384x64xf32, #tpu.memory_space<hbm>> -> memref<16384x64xf32, #tpu.memory_space<hbm>>
    tpu.enqueue_indirect_dma source(%dma_start3A_126 : memref<16384x64xf32, #tpu.memory_space<hbm>>) target(%dma_start3A_120 : memref<128x64xf32, #tpu.memory_space<vmem>>) offsets(%dma_start3A_123 : memref<128xi32, #tpu.memory_space<vmem>>) semaphore(%arg8 : memref<!tpu.dma_semaphore, #tpu.memory_space<semaphore_mem>>)
    %dma_wait3A_127 = arith.constant 4 : i32
    %dma_wait3A_128 = arith.constant 0 : i32
    %dma_wait3A_129 = arith.constant 0 : i32
    %dma_wait3A_130 = tpu.memref_slice %arg7[%dma_wait3A_128, %dma_wait3A_129] : memref<512x64xf32, #tpu.memory_space<vmem>> -> memref<128x64xf32, #tpu.memory_space<vmem>>
    %dma_wait3A_131 = arith.constant 0 : i32
    %dma_wait3A_132 = tpu.memref_slice %arg5[%dma_wait3A_127, %dma_wait3A_131] : memref<64x128xi32, #tpu.memory_space<vmem>> -> memref<1x128xi32, #tpu.memory_space<vmem>>
    %dma_wait3A_133 = tpu.memref_squeeze %dma_wait3A_132 : memref<1x128xi32, #tpu.memory_space<vmem>> -> memref<128xi32, #tpu.memory_space<vmem>>
    %dma_wait3A_134 = arith.constant 0 : i32
    %dma_wait3A_135 = arith.constant 0 : i32
    %dma_wait3A_136 = tpu.memref_slice %arg2[%dma_wait3A_134, %dma_wait3A_135] : memref<16384x64xf32, #tpu.memory_space<hbm>> -> memref<16384x64xf32, #tpu.memory_space<hbm>>
    tpu.wait_indirect_dma semaphore(%arg8 : memref<!tpu.dma_semaphore, #tpu.memory_space<semaphore_mem>>) src(%dma_wait3A_136 : memref<16384x64xf32, #tpu.memory_space<hbm>>) dst(%dma_wait3A_130 : memref<128x64xf32, #tpu.memory_space<vmem>>)
    %dma_wait3A_137 = arith.constant 5 : i32
    %dma_wait3A_138 = arith.constant 128 : i32
    %dma_wait3A_139 = arith.constant 0 : i32
    %dma_wait3A_140 = tpu.memref_slice %arg7[%dma_wait3A_138, %dma_wait3A_139] : memref<512x64xf32, #tpu.memory_space<vmem>> -> memref<128x64xf32, #tpu.memory_space<vmem>>
    %dma_wait3A_141 = arith.constant 0 : i32
    %dma_wait3A_142 = tpu.memref_slice %arg5[%dma_wait3A_137, %dma_wait3A_141] : memref<64x128xi32, #tpu.memory_space<vmem>> -> memref<1x128xi32, #tpu.memory_space<vmem>>
    %dma_wait3A_143 = tpu.memref_squeeze %dma_wait3A_142 : memref<1x128xi32, #tpu.memory_space<vmem>> -> memref<128xi32, #tpu.memory_space<vmem>>
    %dma_wait3A_144 = arith.constant 0 : i32
    %dma_wait3A_145 = arith.constant 0 : i32
    %dma_wait3A_146 = tpu.memref_slice %arg2[%dma_wait3A_144, %dma_wait3A_145] : memref<16384x64xf32, #tpu.memory_space<hbm>> -> memref<16384x64xf32, #tpu.memory_space<hbm>>
    tpu.wait_indirect_dma semaphore(%arg8 : memref<!tpu.dma_semaphore, #tpu.memory_space<semaphore_mem>>) src(%dma_wait3A_146 : memref<16384x64xf32, #tpu.memory_space<hbm>>) dst(%dma_wait3A_140 : memref<128x64xf32, #tpu.memory_space<vmem>>)
    %dma_wait3A_147 = arith.constant 6 : i32
    %dma_wait3A_148 = arith.constant 256 : i32
    %dma_wait3A_149 = arith.constant 0 : i32
    %dma_wait3A_150 = tpu.memref_slice %arg7[%dma_wait3A_148, %dma_wait3A_149] : memref<512x64xf32, #tpu.memory_space<vmem>> -> memref<128x64xf32, #tpu.memory_space<vmem>>
    %dma_wait3A_151 = arith.constant 0 : i32
    %dma_wait3A_152 = tpu.memref_slice %arg5[%dma_wait3A_147, %dma_wait3A_151] : memref<64x128xi32, #tpu.memory_space<vmem>> -> memref<1x128xi32, #tpu.memory_space<vmem>>
    %dma_wait3A_153 = tpu.memref_squeeze %dma_wait3A_152 : memref<1x128xi32, #tpu.memory_space<vmem>> -> memref<128xi32, #tpu.memory_space<vmem>>
    %dma_wait3A_154 = arith.constant 0 : i32
    %dma_wait3A_155 = arith.constant 0 : i32
    %dma_wait3A_156 = tpu.memref_slice %arg2[%dma_wait3A_154, %dma_wait3A_155] : memref<16384x64xf32, #tpu.memory_space<hbm>> -> memref<16384x64xf32, #tpu.memory_space<hbm>>
    tpu.wait_indirect_dma semaphore(%arg8 : memref<!tpu.dma_semaphore, #tpu.memory_space<semaphore_mem>>) src(%dma_wait3A_156 : memref<16384x64xf32, #tpu.memory_space<hbm>>) dst(%dma_wait3A_150 : memref<128x64xf32, #tpu.memory_space<vmem>>)
    %dma_wait3A_157 = arith.constant 7 : i32
    %dma_wait3A_158 = arith.constant 384 : i32
    %dma_wait3A_159 = arith.constant 0 : i32
    %dma_wait3A_160 = tpu.memref_slice %arg7[%dma_wait3A_158, %dma_wait3A_159] : memref<512x64xf32, #tpu.memory_space<vmem>> -> memref<128x64xf32, #tpu.memory_space<vmem>>
    %dma_wait3A_161 = arith.constant 0 : i32
    %dma_wait3A_162 = tpu.memref_slice %arg5[%dma_wait3A_157, %dma_wait3A_161] : memref<64x128xi32, #tpu.memory_space<vmem>> -> memref<1x128xi32, #tpu.memory_space<vmem>>
    %dma_wait3A_163 = tpu.memref_squeeze %dma_wait3A_162 : memref<1x128xi32, #tpu.memory_space<vmem>> -> memref<128xi32, #tpu.memory_space<vmem>>
    %dma_wait3A_164 = arith.constant 0 : i32
    %dma_wait3A_165 = arith.constant 0 : i32
    %dma_wait3A_166 = tpu.memref_slice %arg2[%dma_wait3A_164, %dma_wait3A_165] : memref<16384x64xf32, #tpu.memory_space<hbm>> -> memref<16384x64xf32, #tpu.memory_space<hbm>>
    tpu.wait_indirect_dma semaphore(%arg8 : memref<!tpu.dma_semaphore, #tpu.memory_space<semaphore_mem>>) src(%dma_wait3A_166 : memref<16384x64xf32, #tpu.memory_space<hbm>>) dst(%dma_wait3A_160 : memref<128x64xf32, #tpu.memory_space<vmem>>)
    %mul3A_167 = arith.constant 8192 : i32
    %mul3A_168 = arith.muli %add3A, %mul3A_167 : i32
    %add3A_169 = arith.constant 512 : i32
    %add3A_170 = arith.addi %mul3A_168, %add3A_169 : i32
    %dma_start3A_171 = arith.constant 0 : i32
    %dma_start3A_172 = tpu.memref_slice %arg4[%add3A_170, %dma_start3A_171] : memref<262144x64xf32, #tpu.memory_space<hbm>> -> memref<512x64xf32, #tpu.memory_space<hbm>>
    %dma_start3A_173 = arith.constant 0 : i32
    %dma_start3A_174 = tpu.memref_slice %arg4[%add3A_170, %dma_start3A_173] : memref<262144x64xf32, #tpu.memory_space<hbm>> -> memref<512x64xf32, #tpu.memory_space<hbm>>
    tpu.enqueue_dma source(%arg7 : memref<512x64xf32, #tpu.memory_space<vmem>>) target(%dma_start3A_174 : memref<512x64xf32, #tpu.memory_space<hbm>>) target_semaphore(%arg9 : memref<!tpu.dma_semaphore, #tpu.memory_space<semaphore_mem>>)
    %dma_wait3A_175 = arith.constant 0 : i32
    %dma_wait3A_176 = tpu.memref_slice %arg4[%add3A_82, %dma_wait3A_175] : memref<262144x64xf32, #tpu.memory_space<hbm>> -> memref<512x64xf32, #tpu.memory_space<hbm>>
    %dma_wait3A_177 = arith.constant 0 : i32
    %dma_wait3A_178 = tpu.memref_slice %arg4[%add3A_82, %dma_wait3A_177] : memref<262144x64xf32, #tpu.memory_space<hbm>> -> memref<512x64xf32, #tpu.memory_space<hbm>>
    tpu.wait_dma2 semaphore(%arg9 : memref<!tpu.dma_semaphore, #tpu.memory_space<semaphore_mem>>) src(%arg6 : memref<512x64xf32, #tpu.memory_space<vmem>>) dst(%dma_wait3A_178 : memref<512x64xf32, #tpu.memory_space<hbm>>)
    %dma_start3A_179 = arith.constant 8 : i32
    %dma_start3A_180 = arith.constant 0 : i32
    %dma_start3A_181 = arith.constant 0 : i32
    %dma_start3A_182 = tpu.memref_slice %arg6[%dma_start3A_180, %dma_start3A_181] : memref<512x64xf32, #tpu.memory_space<vmem>> -> memref<128x64xf32, #tpu.memory_space<vmem>>
    %dma_start3A_183 = arith.constant 0 : i32
    %dma_start3A_184 = tpu.memref_slice %arg5[%dma_start3A_179, %dma_start3A_183] : memref<64x128xi32, #tpu.memory_space<vmem>> -> memref<1x128xi32, #tpu.memory_space<vmem>>
    %dma_start3A_185 = tpu.memref_squeeze %dma_start3A_184 : memref<1x128xi32, #tpu.memory_space<vmem>> -> memref<128xi32, #tpu.memory_space<vmem>>
    %dma_start3A_186 = arith.constant 0 : i32
    %dma_start3A_187 = arith.constant 0 : i32
    %dma_start3A_188 = tpu.memref_slice %arg2[%dma_start3A_186, %dma_start3A_187] : memref<16384x64xf32, #tpu.memory_space<hbm>> -> memref<16384x64xf32, #tpu.memory_space<hbm>>
    tpu.enqueue_indirect_dma source(%dma_start3A_188 : memref<16384x64xf32, #tpu.memory_space<hbm>>) target(%dma_start3A_182 : memref<128x64xf32, #tpu.memory_space<vmem>>) offsets(%dma_start3A_185 : memref<128xi32, #tpu.memory_space<vmem>>) semaphore(%arg8 : memref<!tpu.dma_semaphore, #tpu.memory_space<semaphore_mem>>)
    %dma_start3A_189 = arith.constant 9 : i32
    %dma_start3A_190 = arith.constant 128 : i32
    %dma_start3A_191 = arith.constant 0 : i32
    %dma_start3A_192 = tpu.memref_slice %arg6[%dma_start3A_190, %dma_start3A_191] : memref<512x64xf32, #tpu.memory_space<vmem>> -> memref<128x64xf32, #tpu.memory_space<vmem>>
    %dma_start3A_193 = arith.constant 0 : i32
    %dma_start3A_194 = tpu.memref_slice %arg5[%dma_start3A_189, %dma_start3A_193] : memref<64x128xi32, #tpu.memory_space<vmem>> -> memref<1x128xi32, #tpu.memory_space<vmem>>
    %dma_start3A_195 = tpu.memref_squeeze %dma_start3A_194 : memref<1x128xi32, #tpu.memory_space<vmem>> -> memref<128xi32, #tpu.memory_space<vmem>>
    %dma_start3A_196 = arith.constant 0 : i32
    %dma_start3A_197 = arith.constant 0 : i32
    %dma_start3A_198 = tpu.memref_slice %arg2[%dma_start3A_196, %dma_start3A_197] : memref<16384x64xf32, #tpu.memory_space<hbm>> -> memref<16384x64xf32, #tpu.memory_space<hbm>>
    tpu.enqueue_indirect_dma source(%dma_start3A_198 : memref<16384x64xf32, #tpu.memory_space<hbm>>) target(%dma_start3A_192 : memref<128x64xf32, #tpu.memory_space<vmem>>) offsets(%dma_start3A_195 : memref<128xi32, #tpu.memory_space<vmem>>) semaphore(%arg8 : memref<!tpu.dma_semaphore, #tpu.memory_space<semaphore_mem>>)
    %dma_start3A_199 = arith.constant 10 : i32
    %dma_start3A_200 = arith.constant 256 : i32
    %dma_start3A_201 = arith.constant 0 : i32
    %dma_start3A_202 = tpu.memref_slice %arg6[%dma_start3A_200, %dma_start3A_201] : memref<512x64xf32, #tpu.memory_space<vmem>> -> memref<128x64xf32, #tpu.memory_space<vmem>>
    %dma_start3A_203 = arith.constant 0 : i32
    %dma_start3A_204 = tpu.memref_slice %arg5[%dma_start3A_199, %dma_start3A_203] : memref<64x128xi32, #tpu.memory_space<vmem>> -> memref<1x128xi32, #tpu.memory_space<vmem>>
    %dma_start3A_205 = tpu.memref_squeeze %dma_start3A_204 : memref<1x128xi32, #tpu.memory_space<vmem>> -> memref<128xi32, #tpu.memory_space<vmem>>
    %dma_start3A_206 = arith.constant 0 : i32
    %dma_start3A_207 = arith.constant 0 : i32
    %dma_start3A_208 = tpu.memref_slice %arg2[%dma_start3A_206, %dma_start3A_207] : memref<16384x64xf32, #tpu.memory_space<hbm>> -> memref<16384x64xf32, #tpu.memory_space<hbm>>
    tpu.enqueue_indirect_dma source(%dma_start3A_208 : memref<16384x64xf32, #tpu.memory_space<hbm>>) target(%dma_start3A_202 : memref<128x64xf32, #tpu.memory_space<vmem>>) offsets(%dma_start3A_205 : memref<128xi32, #tpu.memory_space<vmem>>) semaphore(%arg8 : memref<!tpu.dma_semaphore, #tpu.memory_space<semaphore_mem>>)
    %dma_start3A_209 = arith.constant 11 : i32
    %dma_start3A_210 = arith.constant 384 : i32
    %dma_start3A_211 = arith.constant 0 : i32
    %dma_start3A_212 = tpu.memref_slice %arg6[%dma_start3A_210, %dma_start3A_211] : memref<512x64xf32, #tpu.memory_space<vmem>> -> memref<128x64xf32, #tpu.memory_space<vmem>>
    %dma_start3A_213 = arith.constant 0 : i32
    %dma_start3A_214 = tpu.memref_slice %arg5[%dma_start3A_209, %dma_start3A_213] : memref<64x128xi32, #tpu.memory_space<vmem>> -> memref<1x128xi32, #tpu.memory_space<vmem>>
    %dma_start3A_215 = tpu.memref_squeeze %dma_start3A_214 : memref<1x128xi32, #tpu.memory_space<vmem>> -> memref<128xi32, #tpu.memory_space<vmem>>
    %dma_start3A_216 = arith.constant 0 : i32
    %dma_start3A_217 = arith.constant 0 : i32
    %dma_start3A_218 = tpu.memref_slice %arg2[%dma_start3A_216, %dma_start3A_217] : memref<16384x64xf32, #tpu.memory_space<hbm>> -> memref<16384x64xf32, #tpu.memory_space<hbm>>
    tpu.enqueue_indirect_dma source(%dma_start3A_218 : memref<16384x64xf32, #tpu.memory_space<hbm>>) target(%dma_start3A_212 : memref<128x64xf32, #tpu.memory_space<vmem>>) offsets(%dma_start3A_215 : memref<128xi32, #tpu.memory_space<vmem>>) semaphore(%arg8 : memref<!tpu.dma_semaphore, #tpu.memory_space<semaphore_mem>>)
    %dma_wait3A_219 = arith.constant 8 : i32
    %dma_wait3A_220 = arith.constant 0 : i32
    %dma_wait3A_221 = arith.constant 0 : i32
    %dma_wait3A_222 = tpu.memref_slice %arg6[%dma_wait3A_220, %dma_wait3A_221] : memref<512x64xf32, #tpu.memory_space<vmem>> -> memref<128x64xf32, #tpu.memory_space<vmem>>
    %dma_wait3A_223 = arith.constant 0 : i32
    %dma_wait3A_224 = tpu.memref_slice %arg5[%dma_wait3A_219, %dma_wait3A_223] : memref<64x128xi32, #tpu.memory_space<vmem>> -> memref<1x128xi32, #tpu.memory_space<vmem>>
    %dma_wait3A_225 = tpu.memref_squeeze %dma_wait3A_224 : memref<1x128xi32, #tpu.memory_space<vmem>> -> memref<128xi32, #tpu.memory_space<vmem>>
    %dma_wait3A_226 = arith.constant 0 : i32
    %dma_wait3A_227 = arith.constant 0 : i32
    %dma_wait3A_228 = tpu.memref_slice %arg2[%dma_wait3A_226, %dma_wait3A_227] : memref<16384x64xf32, #tpu.memory_space<hbm>> -> memref<16384x64xf32, #tpu.memory_space<hbm>>
    tpu.wait_indirect_dma semaphore(%arg8 : memref<!tpu.dma_semaphore, #tpu.memory_space<semaphore_mem>>) src(%dma_wait3A_228 : memref<16384x64xf32, #tpu.memory_space<hbm>>) dst(%dma_wait3A_222 : memref<128x64xf32, #tpu.memory_space<vmem>>)
    %dma_wait3A_229 = arith.constant 9 : i32
    %dma_wait3A_230 = arith.constant 128 : i32
    %dma_wait3A_231 = arith.constant 0 : i32
    %dma_wait3A_232 = tpu.memref_slice %arg6[%dma_wait3A_230, %dma_wait3A_231] : memref<512x64xf32, #tpu.memory_space<vmem>> -> memref<128x64xf32, #tpu.memory_space<vmem>>
    %dma_wait3A_233 = arith.constant 0 : i32
    %dma_wait3A_234 = tpu.memref_slice %arg5[%dma_wait3A_229, %dma_wait3A_233] : memref<64x128xi32, #tpu.memory_space<vmem>> -> memref<1x128xi32, #tpu.memory_space<vmem>>
    %dma_wait3A_235 = tpu.memref_squeeze %dma_wait3A_234 : memref<1x128xi32, #tpu.memory_space<vmem>> -> memref<128xi32, #tpu.memory_space<vmem>>
    %dma_wait3A_236 = arith.constant 0 : i32
    %dma_wait3A_237 = arith.constant 0 : i32
    %dma_wait3A_238 = tpu.memref_slice %arg2[%dma_wait3A_236, %dma_wait3A_237] : memref<16384x64xf32, #tpu.memory_space<hbm>> -> memref<16384x64xf32, #tpu.memory_space<hbm>>
    tpu.wait_indirect_dma semaphore(%arg8 : memref<!tpu.dma_semaphore, #tpu.memory_space<semaphore_mem>>) src(%dma_wait3A_238 : memref<16384x64xf32, #tpu.memory_space<hbm>>) dst(%dma_wait3A_232 : memref<128x64xf32, #tpu.memory_space<vmem>>)
    %dma_wait3A_239 = arith.constant 10 : i32
    %dma_wait3A_240 = arith.constant 256 : i32
    %dma_wait3A_241 = arith.constant 0 : i32
    %dma_wait3A_242 = tpu.memref_slice %arg6[%dma_wait3A_240, %dma_wait3A_241] : memref<512x64xf32, #tpu.memory_space<vmem>> -> memref<128x64xf32, #tpu.memory_space<vmem>>
    %dma_wait3A_243 = arith.constant 0 : i32
    %dma_wait3A_244 = tpu.memref_slice %arg5[%dma_wait3A_239, %dma_wait3A_243] : memref<64x128xi32, #tpu.memory_space<vmem>> -> memref<1x128xi32, #tpu.memory_space<vmem>>
    %dma_wait3A_245 = tpu.memref_squeeze %dma_wait3A_244 : memref<1x128xi32, #tpu.memory_space<vmem>> -> memref<128xi32, #tpu.memory_space<vmem>>
    %dma_wait3A_246 = arith.constant 0 : i32
    %dma_wait3A_247 = arith.constant 0 : i32
    %dma_wait3A_248 = tpu.memref_slice %arg2[%dma_wait3A_246, %dma_wait3A_247] : memref<16384x64xf32, #tpu.memory_space<hbm>> -> memref<16384x64xf32, #tpu.memory_space<hbm>>
    tpu.wait_indirect_dma semaphore(%arg8 : memref<!tpu.dma_semaphore, #tpu.memory_space<semaphore_mem>>) src(%dma_wait3A_248 : memref<16384x64xf32, #tpu.memory_space<hbm>>) dst(%dma_wait3A_242 : memref<128x64xf32, #tpu.memory_space<vmem>>)
    %dma_wait3A_249 = arith.constant 11 : i32
    %dma_wait3A_250 = arith.constant 384 : i32
    %dma_wait3A_251 = arith.constant 0 : i32
    %dma_wait3A_252 = tpu.memref_slice %arg6[%dma_wait3A_250, %dma_wait3A_251] : memref<512x64xf32, #tpu.memory_space<vmem>> -> memref<128x64xf32, #tpu.memory_space<vmem>>
    %dma_wait3A_253 = arith.constant 0 : i32
    %dma_wait3A_254 = tpu.memref_slice %arg5[%dma_wait3A_249, %dma_wait3A_253] : memref<64x128xi32, #tpu.memory_space<vmem>> -> memref<1x128xi32, #tpu.memory_space<vmem>>
    %dma_wait3A_255 = tpu.memref_squeeze %dma_wait3A_254 : memref<1x128xi32, #tpu.memory_space<vmem>> -> memref<128xi32, #tpu.memory_space<vmem>>
    %dma_wait3A_256 = arith.constant 0 : i32
    %dma_wait3A_257 = arith.constant 0 : i32
    %dma_wait3A_258 = tpu.memref_slice %arg2[%dma_wait3A_256, %dma_wait3A_257] : memref<16384x64xf32, #tpu.memory_space<hbm>> -> memref<16384x64xf32, #tpu.memory_space<hbm>>
    tpu.wait_indirect_dma semaphore(%arg8 : memref<!tpu.dma_semaphore, #tpu.memory_space<semaphore_mem>>) src(%dma_wait3A_258 : memref<16384x64xf32, #tpu.memory_space<hbm>>) dst(%dma_wait3A_252 : memref<128x64xf32, #tpu.memory_space<vmem>>)
    %mul3A_259 = arith.constant 8192 : i32
    %mul3A_260 = arith.muli %add3A, %mul3A_259 : i32
    %add3A_261 = arith.constant 1024 : i32
    %add3A_262 = arith.addi %mul3A_260, %add3A_261 : i32
    %dma_start3A_263 = arith.constant 0 : i32
    %dma_start3A_264 = tpu.memref_slice %arg4[%add3A_262, %dma_start3A_263] : memref<262144x64xf32, #tpu.memory_space<hbm>> -> memref<512x64xf32, #tpu.memory_space<hbm>>
    %dma_start3A_265 = arith.constant 0 : i32
    %dma_start3A_266 = tpu.memref_slice %arg4[%add3A_262, %dma_start3A_265] : memref<262144x64xf32, #tpu.memory_space<hbm>> -> memref<512x64xf32, #tpu.memory_space<hbm>>
    tpu.enqueue_dma source(%arg6 : memref<512x64xf32, #tpu.memory_space<vmem>>) target(%dma_start3A_266 : memref<512x64xf32, #tpu.memory_space<hbm>>) target_semaphore(%arg9 : memref<!tpu.dma_semaphore, #tpu.memory_space<semaphore_mem>>)
    %dma_wait3A_267 = arith.constant 0 : i32
    %dma_wait3A_268 = tpu.memref_slice %arg4[%add3A_170, %dma_wait3A_267] : memref<262144x64xf32, #tpu.memory_space<hbm>> -> memref<512x64xf32, #tpu.memory_space<hbm>>
    %dma_wait3A_269 = arith.constant 0 : i32
    %dma_wait3A_270 = tpu.memref_slice %arg4[%add3A_170, %dma_wait3A_269] : memref<262144x64xf32, #tpu.memory_space<hbm>> -> memref<512x64xf32, #tpu.memory_space<hbm>>
    tpu.wait_dma2 semaphore(%arg9 : memref<!tpu.dma_semaphore, #tpu.memory_space<semaphore_mem>>) src(%arg7 : memref<512x64xf32, #tpu.memory_space<vmem>>) dst(%dma_wait3A_270 : memref<512x64xf32, #tpu.memory_space<hbm>>)
    %dma_start3A_271 = arith.constant 12 : i32
    %dma_start3A_272 = arith.constant 0 : i32
    %dma_start3A_273 = arith.constant 0 : i32
    %dma_start3A_274 = tpu.memref_slice %arg7[%dma_start3A_272, %dma_start3A_273] : memref<512x64xf32, #tpu.memory_space<vmem>> -> memref<128x64xf32, #tpu.memory_space<vmem>>
    %dma_start3A_275 = arith.constant 0 : i32
    %dma_start3A_276 = tpu.memref_slice %arg5[%dma_start3A_271, %dma_start3A_275] : memref<64x128xi32, #tpu.memory_space<vmem>> -> memref<1x128xi32, #tpu.memory_space<vmem>>
    %dma_start3A_277 = tpu.memref_squeeze %dma_start3A_276 : memref<1x128xi32, #tpu.memory_space<vmem>> -> memref<128xi32, #tpu.memory_space<vmem>>
    %dma_start3A_278 = arith.constant 0 : i32
    %dma_start3A_279 = arith.constant 0 : i32
    %dma_start3A_280 = tpu.memref_slice %arg2[%dma_start3A_278, %dma_start3A_279] : memref<16384x64xf32, #tpu.memory_space<hbm>> -> memref<16384x64xf32, #tpu.memory_space<hbm>>
    tpu.enqueue_indirect_dma source(%dma_start3A_280 : memref<16384x64xf32, #tpu.memory_space<hbm>>) target(%dma_start3A_274 : memref<128x64xf32, #tpu.memory_space<vmem>>) offsets(%dma_start3A_277 : memref<128xi32, #tpu.memory_space<vmem>>) semaphore(%arg8 : memref<!tpu.dma_semaphore, #tpu.memory_space<semaphore_mem>>)
    %dma_start3A_281 = arith.constant 13 : i32
    %dma_start3A_282 = arith.constant 128 : i32
    %dma_start3A_283 = arith.constant 0 : i32
    %dma_start3A_284 = tpu.memref_slice %arg7[%dma_start3A_282, %dma_start3A_283] : memref<512x64xf32, #tpu.memory_space<vmem>> -> memref<128x64xf32, #tpu.memory_space<vmem>>
    %dma_start3A_285 = arith.constant 0 : i32
    %dma_start3A_286 = tpu.memref_slice %arg5[%dma_start3A_281, %dma_start3A_285] : memref<64x128xi32, #tpu.memory_space<vmem>> -> memref<1x128xi32, #tpu.memory_space<vmem>>
    %dma_start3A_287 = tpu.memref_squeeze %dma_start3A_286 : memref<1x128xi32, #tpu.memory_space<vmem>> -> memref<128xi32, #tpu.memory_space<vmem>>
    %dma_start3A_288 = arith.constant 0 : i32
    %dma_start3A_289 = arith.constant 0 : i32
    %dma_start3A_290 = tpu.memref_slice %arg2[%dma_start3A_288, %dma_start3A_289] : memref<16384x64xf32, #tpu.memory_space<hbm>> -> memref<16384x64xf32, #tpu.memory_space<hbm>>
    tpu.enqueue_indirect_dma source(%dma_start3A_290 : memref<16384x64xf32, #tpu.memory_space<hbm>>) target(%dma_start3A_284 : memref<128x64xf32, #tpu.memory_space<vmem>>) offsets(%dma_start3A_287 : memref<128xi32, #tpu.memory_space<vmem>>) semaphore(%arg8 : memref<!tpu.dma_semaphore, #tpu.memory_space<semaphore_mem>>)
    %dma_start3A_291 = arith.constant 14 : i32
    %dma_start3A_292 = arith.constant 256 : i32
    %dma_start3A_293 = arith.constant 0 : i32
    %dma_start3A_294 = tpu.memref_slice %arg7[%dma_start3A_292, %dma_start3A_293] : memref<512x64xf32, #tpu.memory_space<vmem>> -> memref<128x64xf32, #tpu.memory_space<vmem>>
    %dma_start3A_295 = arith.constant 0 : i32
    %dma_start3A_296 = tpu.memref_slice %arg5[%dma_start3A_291, %dma_start3A_295] : memref<64x128xi32, #tpu.memory_space<vmem>> -> memref<1x128xi32, #tpu.memory_space<vmem>>
    %dma_start3A_297 = tpu.memref_squeeze %dma_start3A_296 : memref<1x128xi32, #tpu.memory_space<vmem>> -> memref<128xi32, #tpu.memory_space<vmem>>
    %dma_start3A_298 = arith.constant 0 : i32
    %dma_start3A_299 = arith.constant 0 : i32
    %dma_start3A_300 = tpu.memref_slice %arg2[%dma_start3A_298, %dma_start3A_299] : memref<16384x64xf32, #tpu.memory_space<hbm>> -> memref<16384x64xf32, #tpu.memory_space<hbm>>
    tpu.enqueue_indirect_dma source(%dma_start3A_300 : memref<16384x64xf32, #tpu.memory_space<hbm>>) target(%dma_start3A_294 : memref<128x64xf32, #tpu.memory_space<vmem>>) offsets(%dma_start3A_297 : memref<128xi32, #tpu.memory_space<vmem>>) semaphore(%arg8 : memref<!tpu.dma_semaphore, #tpu.memory_space<semaphore_mem>>)
    %dma_start3A_301 = arith.constant 15 : i32
    %dma_start3A_302 = arith.constant 384 : i32
    %dma_start3A_303 = arith.constant 0 : i32
    %dma_start3A_304 = tpu.memref_slice %arg7[%dma_start3A_302, %dma_start3A_303] : memref<512x64xf32, #tpu.memory_space<vmem>> -> memref<128x64xf32, #tpu.memory_space<vmem>>
    %dma_start3A_305 = arith.constant 0 : i32
    %dma_start3A_306 = tpu.memref_slice %arg5[%dma_start3A_301, %dma_start3A_305] : memref<64x128xi32, #tpu.memory_space<vmem>> -> memref<1x128xi32, #tpu.memory_space<vmem>>
    %dma_start3A_307 = tpu.memref_squeeze %dma_start3A_306 : memref<1x128xi32, #tpu.memory_space<vmem>> -> memref<128xi32, #tpu.memory_space<vmem>>
    %dma_start3A_308 = arith.constant 0 : i32
    %dma_start3A_309 = arith.constant 0 : i32
    %dma_start3A_310 = tpu.memref_slice %arg2[%dma_start3A_308, %dma_start3A_309] : memref<16384x64xf32, #tpu.memory_space<hbm>> -> memref<16384x64xf32, #tpu.memory_space<hbm>>
    tpu.enqueue_indirect_dma source(%dma_start3A_310 : memref<16384x64xf32, #tpu.memory_space<hbm>>) target(%dma_start3A_304 : memref<128x64xf32, #tpu.memory_space<vmem>>) offsets(%dma_start3A_307 : memref<128xi32, #tpu.memory_space<vmem>>) semaphore(%arg8 : memref<!tpu.dma_semaphore, #tpu.memory_space<semaphore_mem>>)
    %dma_wait3A_311 = arith.constant 12 : i32
    %dma_wait3A_312 = arith.constant 0 : i32
    %dma_wait3A_313 = arith.constant 0 : i32
    %dma_wait3A_314 = tpu.memref_slice %arg7[%dma_wait3A_312, %dma_wait3A_313] : memref<512x64xf32, #tpu.memory_space<vmem>> -> memref<128x64xf32, #tpu.memory_space<vmem>>
    %dma_wait3A_315 = arith.constant 0 : i32
    %dma_wait3A_316 = tpu.memref_slice %arg5[%dma_wait3A_311, %dma_wait3A_315] : memref<64x128xi32, #tpu.memory_space<vmem>> -> memref<1x128xi32, #tpu.memory_space<vmem>>
    %dma_wait3A_317 = tpu.memref_squeeze %dma_wait3A_316 : memref<1x128xi32, #tpu.memory_space<vmem>> -> memref<128xi32, #tpu.memory_space<vmem>>
    %dma_wait3A_318 = arith.constant 0 : i32
    %dma_wait3A_319 = arith.constant 0 : i32
    %dma_wait3A_320 = tpu.memref_slice %arg2[%dma_wait3A_318, %dma_wait3A_319] : memref<16384x64xf32, #tpu.memory_space<hbm>> -> memref<16384x64xf32, #tpu.memory_space<hbm>>
    tpu.wait_indirect_dma semaphore(%arg8 : memref<!tpu.dma_semaphore, #tpu.memory_space<semaphore_mem>>) src(%dma_wait3A_320 : memref<16384x64xf32, #tpu.memory_space<hbm>>) dst(%dma_wait3A_314 : memref<128x64xf32, #tpu.memory_space<vmem>>)
    %dma_wait3A_321 = arith.constant 13 : i32
    %dma_wait3A_322 = arith.constant 128 : i32
    %dma_wait3A_323 = arith.constant 0 : i32
    %dma_wait3A_324 = tpu.memref_slice %arg7[%dma_wait3A_322, %dma_wait3A_323] : memref<512x64xf32, #tpu.memory_space<vmem>> -> memref<128x64xf32, #tpu.memory_space<vmem>>
    %dma_wait3A_325 = arith.constant 0 : i32
    %dma_wait3A_326 = tpu.memref_slice %arg5[%dma_wait3A_321, %dma_wait3A_325] : memref<64x128xi32, #tpu.memory_space<vmem>> -> memref<1x128xi32, #tpu.memory_space<vmem>>
    %dma_wait3A_327 = tpu.memref_squeeze %dma_wait3A_326 : memref<1x128xi32, #tpu.memory_space<vmem>> -> memref<128xi32, #tpu.memory_space<vmem>>
    %dma_wait3A_328 = arith.constant 0 : i32
    %dma_wait3A_329 = arith.constant 0 : i32
    %dma_wait3A_330 = tpu.memref_slice %arg2[%dma_wait3A_328, %dma_wait3A_329] : memref<16384x64xf32, #tpu.memory_space<hbm>> -> memref<16384x64xf32, #tpu.memory_space<hbm>>
    tpu.wait_indirect_dma semaphore(%arg8 : memref<!tpu.dma_semaphore, #tpu.memory_space<semaphore_mem>>) src(%dma_wait3A_330 : memref<16384x64xf32, #tpu.memory_space<hbm>>) dst(%dma_wait3A_324 : memref<128x64xf32, #tpu.memory_space<vmem>>)
    %dma_wait3A_331 = arith.constant 14 : i32
    %dma_wait3A_332 = arith.constant 256 : i32
    %dma_wait3A_333 = arith.constant 0 : i32
    %dma_wait3A_334 = tpu.memref_slice %arg7[%dma_wait3A_332, %dma_wait3A_333] : memref<512x64xf32, #tpu.memory_space<vmem>> -> memref<128x64xf32, #tpu.memory_space<vmem>>
    %dma_wait3A_335 = arith.constant 0 : i32
    %dma_wait3A_336 = tpu.memref_slice %arg5[%dma_wait3A_331, %dma_wait3A_335] : memref<64x128xi32, #tpu.memory_space<vmem>> -> memref<1x128xi32, #tpu.memory_space<vmem>>
    %dma_wait3A_337 = tpu.memref_squeeze %dma_wait3A_336 : memref<1x128xi32, #tpu.memory_space<vmem>> -> memref<128xi32, #tpu.memory_space<vmem>>
    %dma_wait3A_338 = arith.constant 0 : i32
    %dma_wait3A_339 = arith.constant 0 : i32
    %dma_wait3A_340 = tpu.memref_slice %arg2[%dma_wait3A_338, %dma_wait3A_339] : memref<16384x64xf32, #tpu.memory_space<hbm>> -> memref<16384x64xf32, #tpu.memory_space<hbm>>
    tpu.wait_indirect_dma semaphore(%arg8 : memref<!tpu.dma_semaphore, #tpu.memory_space<semaphore_mem>>) src(%dma_wait3A_340 : memref<16384x64xf32, #tpu.memory_space<hbm>>) dst(%dma_wait3A_334 : memref<128x64xf32, #tpu.memory_space<vmem>>)
    %dma_wait3A_341 = arith.constant 15 : i32
    %dma_wait3A_342 = arith.constant 384 : i32
    %dma_wait3A_343 = arith.constant 0 : i32
    %dma_wait3A_344 = tpu.memref_slice %arg7[%dma_wait3A_342, %dma_wait3A_343] : memref<512x64xf32, #tpu.memory_space<vmem>> -> memref<128x64xf32, #tpu.memory_space<vmem>>
    %dma_wait3A_345 = arith.constant 0 : i32
    %dma_wait3A_346 = tpu.memref_slice %arg5[%dma_wait3A_341, %dma_wait3A_345] : memref<64x128xi32, #tpu.memory_space<vmem>> -> memref<1x128xi32, #tpu.memory_space<vmem>>
    %dma_wait3A_347 = tpu.memref_squeeze %dma_wait3A_346 : memref<1x128xi32, #tpu.memory_space<vmem>> -> memref<128xi32, #tpu.memory_space<vmem>>
    %dma_wait3A_348 = arith.constant 0 : i32
    %dma_wait3A_349 = arith.constant 0 : i32
    %dma_wait3A_350 = tpu.memref_slice %arg2[%dma_wait3A_348, %dma_wait3A_349] : memref<16384x64xf32, #tpu.memory_space<hbm>> -> memref<16384x64xf32, #tpu.memory_space<hbm>>
    tpu.wait_indirect_dma semaphore(%arg8 : memref<!tpu.dma_semaphore, #tpu.memory_space<semaphore_mem>>) src(%dma_wait3A_350 : memref<16384x64xf32, #tpu.memory_space<hbm>>) dst(%dma_wait3A_344 : memref<128x64xf32, #tpu.memory_space<vmem>>)
    %mul3A_351 = arith.constant 8192 : i32
    %mul3A_352 = arith.muli %add3A, %mul3A_351 : i32
    %add3A_353 = arith.constant 1536 : i32
    %add3A_354 = arith.addi %mul3A_352, %add3A_353 : i32
    %dma_start3A_355 = arith.constant 0 : i32
    %dma_start3A_356 = tpu.memref_slice %arg4[%add3A_354, %dma_start3A_355] : memref<262144x64xf32, #tpu.memory_space<hbm>> -> memref<512x64xf32, #tpu.memory_space<hbm>>
    %dma_start3A_357 = arith.constant 0 : i32
    %dma_start3A_358 = tpu.memref_slice %arg4[%add3A_354, %dma_start3A_357] : memref<262144x64xf32, #tpu.memory_space<hbm>> -> memref<512x64xf32, #tpu.memory_space<hbm>>
    tpu.enqueue_dma source(%arg7 : memref<512x64xf32, #tpu.memory_space<vmem>>) target(%dma_start3A_358 : memref<512x64xf32, #tpu.memory_space<hbm>>) target_semaphore(%arg9 : memref<!tpu.dma_semaphore, #tpu.memory_space<semaphore_mem>>)
    %dma_wait3A_359 = arith.constant 0 : i32
    %dma_wait3A_360 = tpu.memref_slice %arg4[%add3A_262, %dma_wait3A_359] : memref<262144x64xf32, #tpu.memory_space<hbm>> -> memref<512x64xf32, #tpu.memory_space<hbm>>
    %dma_wait3A_361 = arith.constant 0 : i32
    %dma_wait3A_362 = tpu.memref_slice %arg4[%add3A_262, %dma_wait3A_361] : memref<262144x64xf32, #tpu.memory_space<hbm>> -> memref<512x64xf32, #tpu.memory_space<hbm>>
    tpu.wait_dma2 semaphore(%arg9 : memref<!tpu.dma_semaphore, #tpu.memory_space<semaphore_mem>>) src(%arg6 : memref<512x64xf32, #tpu.memory_space<vmem>>) dst(%dma_wait3A_362 : memref<512x64xf32, #tpu.memory_space<hbm>>)
    %dma_start3A_363 = arith.constant 16 : i32
    %dma_start3A_364 = arith.constant 0 : i32
    %dma_start3A_365 = arith.constant 0 : i32
    %dma_start3A_366 = tpu.memref_slice %arg6[%dma_start3A_364, %dma_start3A_365] : memref<512x64xf32, #tpu.memory_space<vmem>> -> memref<128x64xf32, #tpu.memory_space<vmem>>
    %dma_start3A_367 = arith.constant 0 : i32
    %dma_start3A_368 = tpu.memref_slice %arg5[%dma_start3A_363, %dma_start3A_367] : memref<64x128xi32, #tpu.memory_space<vmem>> -> memref<1x128xi32, #tpu.memory_space<vmem>>
    %dma_start3A_369 = tpu.memref_squeeze %dma_start3A_368 : memref<1x128xi32, #tpu.memory_space<vmem>> -> memref<128xi32, #tpu.memory_space<vmem>>
    %dma_start3A_370 = arith.constant 0 : i32
    %dma_start3A_371 = arith.constant 0 : i32
    %dma_start3A_372 = tpu.memref_slice %arg2[%dma_start3A_370, %dma_start3A_371] : memref<16384x64xf32, #tpu.memory_space<hbm>> -> memref<16384x64xf32, #tpu.memory_space<hbm>>
    tpu.enqueue_indirect_dma source(%dma_start3A_372 : memref<16384x64xf32, #tpu.memory_space<hbm>>) target(%dma_start3A_366 : memref<128x64xf32, #tpu.memory_space<vmem>>) offsets(%dma_start3A_369 : memref<128xi32, #tpu.memory_space<vmem>>) semaphore(%arg8 : memref<!tpu.dma_semaphore, #tpu.memory_space<semaphore_mem>>)
    %dma_start3A_373 = arith.constant 17 : i32
    %dma_start3A_374 = arith.constant 128 : i32
    %dma_start3A_375 = arith.constant 0 : i32
    %dma_start3A_376 = tpu.memref_slice %arg6[%dma_start3A_374, %dma_start3A_375] : memref<512x64xf32, #tpu.memory_space<vmem>> -> memref<128x64xf32, #tpu.memory_space<vmem>>
    %dma_start3A_377 = arith.constant 0 : i32
    %dma_start3A_378 = tpu.memref_slice %arg5[%dma_start3A_373, %dma_start3A_377] : memref<64x128xi32, #tpu.memory_space<vmem>> -> memref<1x128xi32, #tpu.memory_space<vmem>>
    %dma_start3A_379 = tpu.memref_squeeze %dma_start3A_378 : memref<1x128xi32, #tpu.memory_space<vmem>> -> memref<128xi32, #tpu.memory_space<vmem>>
    %dma_start3A_380 = arith.constant 0 : i32
    %dma_start3A_381 = arith.constant 0 : i32
    %dma_start3A_382 = tpu.memref_slice %arg2[%dma_start3A_380, %dma_start3A_381] : memref<16384x64xf32, #tpu.memory_space<hbm>> -> memref<16384x64xf32, #tpu.memory_space<hbm>>
    tpu.enqueue_indirect_dma source(%dma_start3A_382 : memref<16384x64xf32, #tpu.memory_space<hbm>>) target(%dma_start3A_376 : memref<128x64xf32, #tpu.memory_space<vmem>>) offsets(%dma_start3A_379 : memref<128xi32, #tpu.memory_space<vmem>>) semaphore(%arg8 : memref<!tpu.dma_semaphore, #tpu.memory_space<semaphore_mem>>)
    %dma_start3A_383 = arith.constant 18 : i32
    %dma_start3A_384 = arith.constant 256 : i32
    %dma_start3A_385 = arith.constant 0 : i32
    %dma_start3A_386 = tpu.memref_slice %arg6[%dma_start3A_384, %dma_start3A_385] : memref<512x64xf32, #tpu.memory_space<vmem>> -> memref<128x64xf32, #tpu.memory_space<vmem>>
    %dma_start3A_387 = arith.constant 0 : i32
    %dma_start3A_388 = tpu.memref_slice %arg5[%dma_start3A_383, %dma_start3A_387] : memref<64x128xi32, #tpu.memory_space<vmem>> -> memref<1x128xi32, #tpu.memory_space<vmem>>
    %dma_start3A_389 = tpu.memref_squeeze %dma_start3A_388 : memref<1x128xi32, #tpu.memory_space<vmem>> -> memref<128xi32, #tpu.memory_space<vmem>>
    %dma_start3A_390 = arith.constant 0 : i32
    %dma_start3A_391 = arith.constant 0 : i32
    %dma_start3A_392 = tpu.memref_slice %arg2[%dma_start3A_390, %dma_start3A_391] : memref<16384x64xf32, #tpu.memory_space<hbm>> -> memref<16384x64xf32, #tpu.memory_space<hbm>>
    tpu.enqueue_indirect_dma source(%dma_start3A_392 : memref<16384x64xf32, #tpu.memory_space<hbm>>) target(%dma_start3A_386 : memref<128x64xf32, #tpu.memory_space<vmem>>) offsets(%dma_start3A_389 : memref<128xi32, #tpu.memory_space<vmem>>) semaphore(%arg8 : memref<!tpu.dma_semaphore, #tpu.memory_space<semaphore_mem>>)
    %dma_start3A_393 = arith.constant 19 : i32
    %dma_start3A_394 = arith.constant 384 : i32
    %dma_start3A_395 = arith.constant 0 : i32
    %dma_start3A_396 = tpu.memref_slice %arg6[%dma_start3A_394, %dma_start3A_395] : memref<512x64xf32, #tpu.memory_space<vmem>> -> memref<128x64xf32, #tpu.memory_space<vmem>>
    %dma_start3A_397 = arith.constant 0 : i32
    %dma_start3A_398 = tpu.memref_slice %arg5[%dma_start3A_393, %dma_start3A_397] : memref<64x128xi32, #tpu.memory_space<vmem>> -> memref<1x128xi32, #tpu.memory_space<vmem>>
    %dma_start3A_399 = tpu.memref_squeeze %dma_start3A_398 : memref<1x128xi32, #tpu.memory_space<vmem>> -> memref<128xi32, #tpu.memory_space<vmem>>
    %dma_start3A_400 = arith.constant 0 : i32
    %dma_start3A_401 = arith.constant 0 : i32
    %dma_start3A_402 = tpu.memref_slice %arg2[%dma_start3A_400, %dma_start3A_401] : memref<16384x64xf32, #tpu.memory_space<hbm>> -> memref<16384x64xf32, #tpu.memory_space<hbm>>
    tpu.enqueue_indirect_dma source(%dma_start3A_402 : memref<16384x64xf32, #tpu.memory_space<hbm>>) target(%dma_start3A_396 : memref<128x64xf32, #tpu.memory_space<vmem>>) offsets(%dma_start3A_399 : memref<128xi32, #tpu.memory_space<vmem>>) semaphore(%arg8 : memref<!tpu.dma_semaphore, #tpu.memory_space<semaphore_mem>>)
    %dma_wait3A_403 = arith.constant 16 : i32
    %dma_wait3A_404 = arith.constant 0 : i32
    %dma_wait3A_405 = arith.constant 0 : i32
    %dma_wait3A_406 = tpu.memref_slice %arg6[%dma_wait3A_404, %dma_wait3A_405] : memref<512x64xf32, #tpu.memory_space<vmem>> -> memref<128x64xf32, #tpu.memory_space<vmem>>
    %dma_wait3A_407 = arith.constant 0 : i32
    %dma_wait3A_408 = tpu.memref_slice %arg5[%dma_wait3A_403, %dma_wait3A_407] : memref<64x128xi32, #tpu.memory_space<vmem>> -> memref<1x128xi32, #tpu.memory_space<vmem>>
    %dma_wait3A_409 = tpu.memref_squeeze %dma_wait3A_408 : memref<1x128xi32, #tpu.memory_space<vmem>> -> memref<128xi32, #tpu.memory_space<vmem>>
    %dma_wait3A_410 = arith.constant 0 : i32
    %dma_wait3A_411 = arith.constant 0 : i32
    %dma_wait3A_412 = tpu.memref_slice %arg2[%dma_wait3A_410, %dma_wait3A_411] : memref<16384x64xf32, #tpu.memory_space<hbm>> -> memref<16384x64xf32, #tpu.memory_space<hbm>>
    tpu.wait_indirect_dma semaphore(%arg8 : memref<!tpu.dma_semaphore, #tpu.memory_space<semaphore_mem>>) src(%dma_wait3A_412 : memref<16384x64xf32, #tpu.memory_space<hbm>>) dst(%dma_wait3A_406 : memref<128x64xf32, #tpu.memory_space<vmem>>)
    %dma_wait3A_413 = arith.constant 17 : i32
    %dma_wait3A_414 = arith.constant 128 : i32
    %dma_wait3A_415 = arith.constant 0 : i32
    %dma_wait3A_416 = tpu.memref_slice %arg6[%dma_wait3A_414, %dma_wait3A_415] : memref<512x64xf32, #tpu.memory_space<vmem>> -> memref<128x64xf32, #tpu.memory_space<vmem>>
    %dma_wait3A_417 = arith.constant 0 : i32
    %dma_wait3A_418 = tpu.memref_slice %arg5[%dma_wait3A_413, %dma_wait3A_417] : memref<64x128xi32, #tpu.memory_space<vmem>> -> memref<1x128xi32, #tpu.memory_space<vmem>>
    %dma_wait3A_419 = tpu.memref_squeeze %dma_wait3A_418 : memref<1x128xi32, #tpu.memory_space<vmem>> -> memref<128xi32, #tpu.memory_space<vmem>>
    %dma_wait3A_420 = arith.constant 0 : i32
    %dma_wait3A_421 = arith.constant 0 : i32
    %dma_wait3A_422 = tpu.memref_slice %arg2[%dma_wait3A_420, %dma_wait3A_421] : memref<16384x64xf32, #tpu.memory_space<hbm>> -> memref<16384x64xf32, #tpu.memory_space<hbm>>
    tpu.wait_indirect_dma semaphore(%arg8 : memref<!tpu.dma_semaphore, #tpu.memory_space<semaphore_mem>>) src(%dma_wait3A_422 : memref<16384x64xf32, #tpu.memory_space<hbm>>) dst(%dma_wait3A_416 : memref<128x64xf32, #tpu.memory_space<vmem>>)
    %dma_wait3A_423 = arith.constant 18 : i32
    %dma_wait3A_424 = arith.constant 256 : i32
    %dma_wait3A_425 = arith.constant 0 : i32
    %dma_wait3A_426 = tpu.memref_slice %arg6[%dma_wait3A_424, %dma_wait3A_425] : memref<512x64xf32, #tpu.memory_space<vmem>> -> memref<128x64xf32, #tpu.memory_space<vmem>>
    %dma_wait3A_427 = arith.constant 0 : i32
    %dma_wait3A_428 = tpu.memref_slice %arg5[%dma_wait3A_423, %dma_wait3A_427] : memref<64x128xi32, #tpu.memory_space<vmem>> -> memref<1x128xi32, #tpu.memory_space<vmem>>
    %dma_wait3A_429 = tpu.memref_squeeze %dma_wait3A_428 : memref<1x128xi32, #tpu.memory_space<vmem>> -> memref<128xi32, #tpu.memory_space<vmem>>
    %dma_wait3A_430 = arith.constant 0 : i32
    %dma_wait3A_431 = arith.constant 0 : i32
    %dma_wait3A_432 = tpu.memref_slice %arg2[%dma_wait3A_430, %dma_wait3A_431] : memref<16384x64xf32, #tpu.memory_space<hbm>> -> memref<16384x64xf32, #tpu.memory_space<hbm>>
    tpu.wait_indirect_dma semaphore(%arg8 : memref<!tpu.dma_semaphore, #tpu.memory_space<semaphore_mem>>) src(%dma_wait3A_432 : memref<16384x64xf32, #tpu.memory_space<hbm>>) dst(%dma_wait3A_426 : memref<128x64xf32, #tpu.memory_space<vmem>>)
    %dma_wait3A_433 = arith.constant 19 : i32
    %dma_wait3A_434 = arith.constant 384 : i32
    %dma_wait3A_435 = arith.constant 0 : i32
    %dma_wait3A_436 = tpu.memref_slice %arg6[%dma_wait3A_434, %dma_wait3A_435] : memref<512x64xf32, #tpu.memory_space<vmem>> -> memref<128x64xf32, #tpu.memory_space<vmem>>
    %dma_wait3A_437 = arith.constant 0 : i32
    %dma_wait3A_438 = tpu.memref_slice %arg5[%dma_wait3A_433, %dma_wait3A_437] : memref<64x128xi32, #tpu.memory_space<vmem>> -> memref<1x128xi32, #tpu.memory_space<vmem>>
    %dma_wait3A_439 = tpu.memref_squeeze %dma_wait3A_438 : memref<1x128xi32, #tpu.memory_space<vmem>> -> memref<128xi32, #tpu.memory_space<vmem>>
    %dma_wait3A_440 = arith.constant 0 : i32
    %dma_wait3A_441 = arith.constant 0 : i32
    %dma_wait3A_442 = tpu.memref_slice %arg2[%dma_wait3A_440, %dma_wait3A_441] : memref<16384x64xf32, #tpu.memory_space<hbm>> -> memref<16384x64xf32, #tpu.memory_space<hbm>>
    tpu.wait_indirect_dma semaphore(%arg8 : memref<!tpu.dma_semaphore, #tpu.memory_space<semaphore_mem>>) src(%dma_wait3A_442 : memref<16384x64xf32, #tpu.memory_space<hbm>>) dst(%dma_wait3A_436 : memref<128x64xf32, #tpu.memory_space<vmem>>)
    %mul3A_443 = arith.constant 8192 : i32
    %mul3A_444 = arith.muli %add3A, %mul3A_443 : i32
    %add3A_445 = arith.constant 2048 : i32
    %add3A_446 = arith.addi %mul3A_444, %add3A_445 : i32
    %dma_start3A_447 = arith.constant 0 : i32
    %dma_start3A_448 = tpu.memref_slice %arg4[%add3A_446, %dma_start3A_447] : memref<262144x64xf32, #tpu.memory_space<hbm>> -> memref<512x64xf32, #tpu.memory_space<hbm>>
    %dma_start3A_449 = arith.constant 0 : i32
    %dma_start3A_450 = tpu.memref_slice %arg4[%add3A_446, %dma_start3A_449] : memref<262144x64xf32, #tpu.memory_space<hbm>> -> memref<512x64xf32, #tpu.memory_space<hbm>>
    tpu.enqueue_dma source(%arg6 : memref<512x64xf32, #tpu.memory_space<vmem>>) target(%dma_start3A_450 : memref<512x64xf32, #tpu.memory_space<hbm>>) target_semaphore(%arg9 : memref<!tpu.dma_semaphore, #tpu.memory_space<semaphore_mem>>)
    %dma_wait3A_451 = arith.constant 0 : i32
    %dma_wait3A_452 = tpu.memref_slice %arg4[%add3A_354, %dma_wait3A_451] : memref<262144x64xf32, #tpu.memory_space<hbm>> -> memref<512x64xf32, #tpu.memory_space<hbm>>
    %dma_wait3A_453 = arith.constant 0 : i32
    %dma_wait3A_454 = tpu.memref_slice %arg4[%add3A_354, %dma_wait3A_453] : memref<262144x64xf32, #tpu.memory_space<hbm>> -> memref<512x64xf32, #tpu.memory_space<hbm>>
    tpu.wait_dma2 semaphore(%arg9 : memref<!tpu.dma_semaphore, #tpu.memory_space<semaphore_mem>>) src(%arg7 : memref<512x64xf32, #tpu.memory_space<vmem>>) dst(%dma_wait3A_454 : memref<512x64xf32, #tpu.memory_space<hbm>>)
    %dma_start3A_455 = arith.constant 20 : i32
    %dma_start3A_456 = arith.constant 0 : i32
    %dma_start3A_457 = arith.constant 0 : i32
    %dma_start3A_458 = tpu.memref_slice %arg7[%dma_start3A_456, %dma_start3A_457] : memref<512x64xf32, #tpu.memory_space<vmem>> -> memref<128x64xf32, #tpu.memory_space<vmem>>
    %dma_start3A_459 = arith.constant 0 : i32
    %dma_start3A_460 = tpu.memref_slice %arg5[%dma_start3A_455, %dma_start3A_459] : memref<64x128xi32, #tpu.memory_space<vmem>> -> memref<1x128xi32, #tpu.memory_space<vmem>>
    %dma_start3A_461 = tpu.memref_squeeze %dma_start3A_460 : memref<1x128xi32, #tpu.memory_space<vmem>> -> memref<128xi32, #tpu.memory_space<vmem>>
    %dma_start3A_462 = arith.constant 0 : i32
    %dma_start3A_463 = arith.constant 0 : i32
    %dma_start3A_464 = tpu.memref_slice %arg2[%dma_start3A_462, %dma_start3A_463] : memref<16384x64xf32, #tpu.memory_space<hbm>> -> memref<16384x64xf32, #tpu.memory_space<hbm>>
    tpu.enqueue_indirect_dma source(%dma_start3A_464 : memref<16384x64xf32, #tpu.memory_space<hbm>>) target(%dma_start3A_458 : memref<128x64xf32, #tpu.memory_space<vmem>>) offsets(%dma_start3A_461 : memref<128xi32, #tpu.memory_space<vmem>>) semaphore(%arg8 : memref<!tpu.dma_semaphore, #tpu.memory_space<semaphore_mem>>)
    %dma_start3A_465 = arith.constant 21 : i32
    %dma_start3A_466 = arith.constant 128 : i32
    %dma_start3A_467 = arith.constant 0 : i32
    %dma_start3A_468 = tpu.memref_slice %arg7[%dma_start3A_466, %dma_start3A_467] : memref<512x64xf32, #tpu.memory_space<vmem>> -> memref<128x64xf32, #tpu.memory_space<vmem>>
    %dma_start3A_469 = arith.constant 0 : i32
    %dma_start3A_470 = tpu.memref_slice %arg5[%dma_start3A_465, %dma_start3A_469] : memref<64x128xi32, #tpu.memory_space<vmem>> -> memref<1x128xi32, #tpu.memory_space<vmem>>
    %dma_start3A_471 = tpu.memref_squeeze %dma_start3A_470 : memref<1x128xi32, #tpu.memory_space<vmem>> -> memref<128xi32, #tpu.memory_space<vmem>>
    %dma_start3A_472 = arith.constant 0 : i32
    %dma_start3A_473 = arith.constant 0 : i32
    %dma_start3A_474 = tpu.memref_slice %arg2[%dma_start3A_472, %dma_start3A_473] : memref<16384x64xf32, #tpu.memory_space<hbm>> -> memref<16384x64xf32, #tpu.memory_space<hbm>>
    tpu.enqueue_indirect_dma source(%dma_start3A_474 : memref<16384x64xf32, #tpu.memory_space<hbm>>) target(%dma_start3A_468 : memref<128x64xf32, #tpu.memory_space<vmem>>) offsets(%dma_start3A_471 : memref<128xi32, #tpu.memory_space<vmem>>) semaphore(%arg8 : memref<!tpu.dma_semaphore, #tpu.memory_space<semaphore_mem>>)
    %dma_start3A_475 = arith.constant 22 : i32
    %dma_start3A_476 = arith.constant 256 : i32
    %dma_start3A_477 = arith.constant 0 : i32
    %dma_start3A_478 = tpu.memref_slice %arg7[%dma_start3A_476, %dma_start3A_477] : memref<512x64xf32, #tpu.memory_space<vmem>> -> memref<128x64xf32, #tpu.memory_space<vmem>>
    %dma_start3A_479 = arith.constant 0 : i32
    %dma_start3A_480 = tpu.memref_slice %arg5[%dma_start3A_475, %dma_start3A_479] : memref<64x128xi32, #tpu.memory_space<vmem>> -> memref<1x128xi32, #tpu.memory_space<vmem>>
    %dma_start3A_481 = tpu.memref_squeeze %dma_start3A_480 : memref<1x128xi32, #tpu.memory_space<vmem>> -> memref<128xi32, #tpu.memory_space<vmem>>
    %dma_start3A_482 = arith.constant 0 : i32
    %dma_start3A_483 = arith.constant 0 : i32
    %dma_start3A_484 = tpu.memref_slice %arg2[%dma_start3A_482, %dma_start3A_483] : memref<16384x64xf32, #tpu.memory_space<hbm>> -> memref<16384x64xf32, #tpu.memory_space<hbm>>
    tpu.enqueue_indirect_dma source(%dma_start3A_484 : memref<16384x64xf32, #tpu.memory_space<hbm>>) target(%dma_start3A_478 : memref<128x64xf32, #tpu.memory_space<vmem>>) offsets(%dma_start3A_481 : memref<128xi32, #tpu.memory_space<vmem>>) semaphore(%arg8 : memref<!tpu.dma_semaphore, #tpu.memory_space<semaphore_mem>>)
    %dma_start3A_485 = arith.constant 23 : i32
    %dma_start3A_486 = arith.constant 384 : i32
    %dma_start3A_487 = arith.constant 0 : i32
    %dma_start3A_488 = tpu.memref_slice %arg7[%dma_start3A_486, %dma_start3A_487] : memref<512x64xf32, #tpu.memory_space<vmem>> -> memref<128x64xf32, #tpu.memory_space<vmem>>
    %dma_start3A_489 = arith.constant 0 : i32
    %dma_start3A_490 = tpu.memref_slice %arg5[%dma_start3A_485, %dma_start3A_489] : memref<64x128xi32, #tpu.memory_space<vmem>> -> memref<1x128xi32, #tpu.memory_space<vmem>>
    %dma_start3A_491 = tpu.memref_squeeze %dma_start3A_490 : memref<1x128xi32, #tpu.memory_space<vmem>> -> memref<128xi32, #tpu.memory_space<vmem>>
    %dma_start3A_492 = arith.constant 0 : i32
    %dma_start3A_493 = arith.constant 0 : i32
    %dma_start3A_494 = tpu.memref_slice %arg2[%dma_start3A_492, %dma_start3A_493] : memref<16384x64xf32, #tpu.memory_space<hbm>> -> memref<16384x64xf32, #tpu.memory_space<hbm>>
    tpu.enqueue_indirect_dma source(%dma_start3A_494 : memref<16384x64xf32, #tpu.memory_space<hbm>>) target(%dma_start3A_488 : memref<128x64xf32, #tpu.memory_space<vmem>>) offsets(%dma_start3A_491 : memref<128xi32, #tpu.memory_space<vmem>>) semaphore(%arg8 : memref<!tpu.dma_semaphore, #tpu.memory_space<semaphore_mem>>)
    %dma_wait3A_495 = arith.constant 20 : i32
    %dma_wait3A_496 = arith.constant 0 : i32
    %dma_wait3A_497 = arith.constant 0 : i32
    %dma_wait3A_498 = tpu.memref_slice %arg7[%dma_wait3A_496, %dma_wait3A_497] : memref<512x64xf32, #tpu.memory_space<vmem>> -> memref<128x64xf32, #tpu.memory_space<vmem>>
    %dma_wait3A_499 = arith.constant 0 : i32
    %dma_wait3A_500 = tpu.memref_slice %arg5[%dma_wait3A_495, %dma_wait3A_499] : memref<64x128xi32, #tpu.memory_space<vmem>> -> memref<1x128xi32, #tpu.memory_space<vmem>>
    %dma_wait3A_501 = tpu.memref_squeeze %dma_wait3A_500 : memref<1x128xi32, #tpu.memory_space<vmem>> -> memref<128xi32, #tpu.memory_space<vmem>>
    %dma_wait3A_502 = arith.constant 0 : i32
    %dma_wait3A_503 = arith.constant 0 : i32
    %dma_wait3A_504 = tpu.memref_slice %arg2[%dma_wait3A_502, %dma_wait3A_503] : memref<16384x64xf32, #tpu.memory_space<hbm>> -> memref<16384x64xf32, #tpu.memory_space<hbm>>
    tpu.wait_indirect_dma semaphore(%arg8 : memref<!tpu.dma_semaphore, #tpu.memory_space<semaphore_mem>>) src(%dma_wait3A_504 : memref<16384x64xf32, #tpu.memory_space<hbm>>) dst(%dma_wait3A_498 : memref<128x64xf32, #tpu.memory_space<vmem>>)
    %dma_wait3A_505 = arith.constant 21 : i32
    %dma_wait3A_506 = arith.constant 128 : i32
    %dma_wait3A_507 = arith.constant 0 : i32
    %dma_wait3A_508 = tpu.memref_slice %arg7[%dma_wait3A_506, %dma_wait3A_507] : memref<512x64xf32, #tpu.memory_space<vmem>> -> memref<128x64xf32, #tpu.memory_space<vmem>>
    %dma_wait3A_509 = arith.constant 0 : i32
    %dma_wait3A_510 = tpu.memref_slice %arg5[%dma_wait3A_505, %dma_wait3A_509] : memref<64x128xi32, #tpu.memory_space<vmem>> -> memref<1x128xi32, #tpu.memory_space<vmem>>
    %dma_wait3A_511 = tpu.memref_squeeze %dma_wait3A_510 : memref<1x128xi32, #tpu.memory_space<vmem>> -> memref<128xi32, #tpu.memory_space<vmem>>
    %dma_wait3A_512 = arith.constant 0 : i32
    %dma_wait3A_513 = arith.constant 0 : i32
    %dma_wait3A_514 = tpu.memref_slice %arg2[%dma_wait3A_512, %dma_wait3A_513] : memref<16384x64xf32, #tpu.memory_space<hbm>> -> memref<16384x64xf32, #tpu.memory_space<hbm>>
    tpu.wait_indirect_dma semaphore(%arg8 : memref<!tpu.dma_semaphore, #tpu.memory_space<semaphore_mem>>) src(%dma_wait3A_514 : memref<16384x64xf32, #tpu.memory_space<hbm>>) dst(%dma_wait3A_508 : memref<128x64xf32, #tpu.memory_space<vmem>>)
    %dma_wait3A_515 = arith.constant 22 : i32
    %dma_wait3A_516 = arith.constant 256 : i32
    %dma_wait3A_517 = arith.constant 0 : i32
    %dma_wait3A_518 = tpu.memref_slice %arg7[%dma_wait3A_516, %dma_wait3A_517] : memref<512x64xf32, #tpu.memory_space<vmem>> -> memref<128x64xf32, #tpu.memory_space<vmem>>
    %dma_wait3A_519 = arith.constant 0 : i32
    %dma_wait3A_520 = tpu.memref_slice %arg5[%dma_wait3A_515, %dma_wait3A_519] : memref<64x128xi32, #tpu.memory_space<vmem>> -> memref<1x128xi32, #tpu.memory_space<vmem>>
    %dma_wait3A_521 = tpu.memref_squeeze %dma_wait3A_520 : memref<1x128xi32, #tpu.memory_space<vmem>> -> memref<128xi32, #tpu.memory_space<vmem>>
    %dma_wait3A_522 = arith.constant 0 : i32
    %dma_wait3A_523 = arith.constant 0 : i32
    %dma_wait3A_524 = tpu.memref_slice %arg2[%dma_wait3A_522, %dma_wait3A_523] : memref<16384x64xf32, #tpu.memory_space<hbm>> -> memref<16384x64xf32, #tpu.memory_space<hbm>>
    tpu.wait_indirect_dma semaphore(%arg8 : memref<!tpu.dma_semaphore, #tpu.memory_space<semaphore_mem>>) src(%dma_wait3A_524 : memref<16384x64xf32, #tpu.memory_space<hbm>>) dst(%dma_wait3A_518 : memref<128x64xf32, #tpu.memory_space<vmem>>)
    %dma_wait3A_525 = arith.constant 23 : i32
    %dma_wait3A_526 = arith.constant 384 : i32
    %dma_wait3A_527 = arith.constant 0 : i32
    %dma_wait3A_528 = tpu.memref_slice %arg7[%dma_wait3A_526, %dma_wait3A_527] : memref<512x64xf32, #tpu.memory_space<vmem>> -> memref<128x64xf32, #tpu.memory_space<vmem>>
    %dma_wait3A_529 = arith.constant 0 : i32
    %dma_wait3A_530 = tpu.memref_slice %arg5[%dma_wait3A_525, %dma_wait3A_529] : memref<64x128xi32, #tpu.memory_space<vmem>> -> memref<1x128xi32, #tpu.memory_space<vmem>>
    %dma_wait3A_531 = tpu.memref_squeeze %dma_wait3A_530 : memref<1x128xi32, #tpu.memory_space<vmem>> -> memref<128xi32, #tpu.memory_space<vmem>>
    %dma_wait3A_532 = arith.constant 0 : i32
    %dma_wait3A_533 = arith.constant 0 : i32
    %dma_wait3A_534 = tpu.memref_slice %arg2[%dma_wait3A_532, %dma_wait3A_533] : memref<16384x64xf32, #tpu.memory_space<hbm>> -> memref<16384x64xf32, #tpu.memory_space<hbm>>
    tpu.wait_indirect_dma semaphore(%arg8 : memref<!tpu.dma_semaphore, #tpu.memory_space<semaphore_mem>>) src(%dma_wait3A_534 : memref<16384x64xf32, #tpu.memory_space<hbm>>) dst(%dma_wait3A_528 : memref<128x64xf32, #tpu.memory_space<vmem>>)
    %mul3A_535 = arith.constant 8192 : i32
    %mul3A_536 = arith.muli %add3A, %mul3A_535 : i32
    %add3A_537 = arith.constant 2560 : i32
    %add3A_538 = arith.addi %mul3A_536, %add3A_537 : i32
    %dma_start3A_539 = arith.constant 0 : i32
    %dma_start3A_540 = tpu.memref_slice %arg4[%add3A_538, %dma_start3A_539] : memref<262144x64xf32, #tpu.memory_space<hbm>> -> memref<512x64xf32, #tpu.memory_space<hbm>>
    %dma_start3A_541 = arith.constant 0 : i32
    %dma_start3A_542 = tpu.memref_slice %arg4[%add3A_538, %dma_start3A_541] : memref<262144x64xf32, #tpu.memory_space<hbm>> -> memref<512x64xf32, #tpu.memory_space<hbm>>
    tpu.enqueue_dma source(%arg7 : memref<512x64xf32, #tpu.memory_space<vmem>>) target(%dma_start3A_542 : memref<512x64xf32, #tpu.memory_space<hbm>>) target_semaphore(%arg9 : memref<!tpu.dma_semaphore, #tpu.memory_space<semaphore_mem>>)
    %dma_wait3A_543 = arith.constant 0 : i32
    %dma_wait3A_544 = tpu.memref_slice %arg4[%add3A_446, %dma_wait3A_543] : memref<262144x64xf32, #tpu.memory_space<hbm>> -> memref<512x64xf32, #tpu.memory_space<hbm>>
    %dma_wait3A_545 = arith.constant 0 : i32
    %dma_wait3A_546 = tpu.memref_slice %arg4[%add3A_446, %dma_wait3A_545] : memref<262144x64xf32, #tpu.memory_space<hbm>> -> memref<512x64xf32, #tpu.memory_space<hbm>>
    tpu.wait_dma2 semaphore(%arg9 : memref<!tpu.dma_semaphore, #tpu.memory_space<semaphore_mem>>) src(%arg6 : memref<512x64xf32, #tpu.memory_space<vmem>>) dst(%dma_wait3A_546 : memref<512x64xf32, #tpu.memory_space<hbm>>)
    %dma_start3A_547 = arith.constant 24 : i32
    %dma_start3A_548 = arith.constant 0 : i32
    %dma_start3A_549 = arith.constant 0 : i32
    %dma_start3A_550 = tpu.memref_slice %arg6[%dma_start3A_548, %dma_start3A_549] : memref<512x64xf32, #tpu.memory_space<vmem>> -> memref<128x64xf32, #tpu.memory_space<vmem>>
    %dma_start3A_551 = arith.constant 0 : i32
    %dma_start3A_552 = tpu.memref_slice %arg5[%dma_start3A_547, %dma_start3A_551] : memref<64x128xi32, #tpu.memory_space<vmem>> -> memref<1x128xi32, #tpu.memory_space<vmem>>
    %dma_start3A_553 = tpu.memref_squeeze %dma_start3A_552 : memref<1x128xi32, #tpu.memory_space<vmem>> -> memref<128xi32, #tpu.memory_space<vmem>>
    %dma_start3A_554 = arith.constant 0 : i32
    %dma_start3A_555 = arith.constant 0 : i32
    %dma_start3A_556 = tpu.memref_slice %arg2[%dma_start3A_554, %dma_start3A_555] : memref<16384x64xf32, #tpu.memory_space<hbm>> -> memref<16384x64xf32, #tpu.memory_space<hbm>>
    tpu.enqueue_indirect_dma source(%dma_start3A_556 : memref<16384x64xf32, #tpu.memory_space<hbm>>) target(%dma_start3A_550 : memref<128x64xf32, #tpu.memory_space<vmem>>) offsets(%dma_start3A_553 : memref<128xi32, #tpu.memory_space<vmem>>) semaphore(%arg8 : memref<!tpu.dma_semaphore, #tpu.memory_space<semaphore_mem>>)
    %dma_start3A_557 = arith.constant 25 : i32
    %dma_start3A_558 = arith.constant 128 : i32
    %dma_start3A_559 = arith.constant 0 : i32
    %dma_start3A_560 = tpu.memref_slice %arg6[%dma_start3A_558, %dma_start3A_559] : memref<512x64xf32, #tpu.memory_space<vmem>> -> memref<128x64xf32, #tpu.memory_space<vmem>>
    %dma_start3A_561 = arith.constant 0 : i32
    %dma_start3A_562 = tpu.memref_slice %arg5[%dma_start3A_557, %dma_start3A_561] : memref<64x128xi32, #tpu.memory_space<vmem>> -> memref<1x128xi32, #tpu.memory_space<vmem>>
    %dma_start3A_563 = tpu.memref_squeeze %dma_start3A_562 : memref<1x128xi32, #tpu.memory_space<vmem>> -> memref<128xi32, #tpu.memory_space<vmem>>
    %dma_start3A_564 = arith.constant 0 : i32
    %dma_start3A_565 = arith.constant 0 : i32
    %dma_start3A_566 = tpu.memref_slice %arg2[%dma_start3A_564, %dma_start3A_565] : memref<16384x64xf32, #tpu.memory_space<hbm>> -> memref<16384x64xf32, #tpu.memory_space<hbm>>
    tpu.enqueue_indirect_dma source(%dma_start3A_566 : memref<16384x64xf32, #tpu.memory_space<hbm>>) target(%dma_start3A_560 : memref<128x64xf32, #tpu.memory_space<vmem>>) offsets(%dma_start3A_563 : memref<128xi32, #tpu.memory_space<vmem>>) semaphore(%arg8 : memref<!tpu.dma_semaphore, #tpu.memory_space<semaphore_mem>>)
    %dma_start3A_567 = arith.constant 26 : i32
    %dma_start3A_568 = arith.constant 256 : i32
    %dma_start3A_569 = arith.constant 0 : i32
    %dma_start3A_570 = tpu.memref_slice %arg6[%dma_start3A_568, %dma_start3A_569] : memref<512x64xf32, #tpu.memory_space<vmem>> -> memref<128x64xf32, #tpu.memory_space<vmem>>
    %dma_start3A_571 = arith.constant 0 : i32
    %dma_start3A_572 = tpu.memref_slice %arg5[%dma_start3A_567, %dma_start3A_571] : memref<64x128xi32, #tpu.memory_space<vmem>> -> memref<1x128xi32, #tpu.memory_space<vmem>>
    %dma_start3A_573 = tpu.memref_squeeze %dma_start3A_572 : memref<1x128xi32, #tpu.memory_space<vmem>> -> memref<128xi32, #tpu.memory_space<vmem>>
    %dma_start3A_574 = arith.constant 0 : i32
    %dma_start3A_575 = arith.constant 0 : i32
    %dma_start3A_576 = tpu.memref_slice %arg2[%dma_start3A_574, %dma_start3A_575] : memref<16384x64xf32, #tpu.memory_space<hbm>> -> memref<16384x64xf32, #tpu.memory_space<hbm>>
    tpu.enqueue_indirect_dma source(%dma_start3A_576 : memref<16384x64xf32, #tpu.memory_space<hbm>>) target(%dma_start3A_570 : memref<128x64xf32, #tpu.memory_space<vmem>>) offsets(%dma_start3A_573 : memref<128xi32, #tpu.memory_space<vmem>>) semaphore(%arg8 : memref<!tpu.dma_semaphore, #tpu.memory_space<semaphore_mem>>)
    %dma_start3A_577 = arith.constant 27 : i32
    %dma_start3A_578 = arith.constant 384 : i32
    %dma_start3A_579 = arith.constant 0 : i32
    %dma_start3A_580 = tpu.memref_slice %arg6[%dma_start3A_578, %dma_start3A_579] : memref<512x64xf32, #tpu.memory_space<vmem>> -> memref<128x64xf32, #tpu.memory_space<vmem>>
    %dma_start3A_581 = arith.constant 0 : i32
    %dma_start3A_582 = tpu.memref_slice %arg5[%dma_start3A_577, %dma_start3A_581] : memref<64x128xi32, #tpu.memory_space<vmem>> -> memref<1x128xi32, #tpu.memory_space<vmem>>
    %dma_start3A_583 = tpu.memref_squeeze %dma_start3A_582 : memref<1x128xi32, #tpu.memory_space<vmem>> -> memref<128xi32, #tpu.memory_space<vmem>>
    %dma_start3A_584 = arith.constant 0 : i32
    %dma_start3A_585 = arith.constant 0 : i32
    %dma_start3A_586 = tpu.memref_slice %arg2[%dma_start3A_584, %dma_start3A_585] : memref<16384x64xf32, #tpu.memory_space<hbm>> -> memref<16384x64xf32, #tpu.memory_space<hbm>>
    tpu.enqueue_indirect_dma source(%dma_start3A_586 : memref<16384x64xf32, #tpu.memory_space<hbm>>) target(%dma_start3A_580 : memref<128x64xf32, #tpu.memory_space<vmem>>) offsets(%dma_start3A_583 : memref<128xi32, #tpu.memory_space<vmem>>) semaphore(%arg8 : memref<!tpu.dma_semaphore, #tpu.memory_space<semaphore_mem>>)
    %dma_wait3A_587 = arith.constant 24 : i32
    %dma_wait3A_588 = arith.constant 0 : i32
    %dma_wait3A_589 = arith.constant 0 : i32
    %dma_wait3A_590 = tpu.memref_slice %arg6[%dma_wait3A_588, %dma_wait3A_589] : memref<512x64xf32, #tpu.memory_space<vmem>> -> memref<128x64xf32, #tpu.memory_space<vmem>>
    %dma_wait3A_591 = arith.constant 0 : i32
    %dma_wait3A_592 = tpu.memref_slice %arg5[%dma_wait3A_587, %dma_wait3A_591] : memref<64x128xi32, #tpu.memory_space<vmem>> -> memref<1x128xi32, #tpu.memory_space<vmem>>
    %dma_wait3A_593 = tpu.memref_squeeze %dma_wait3A_592 : memref<1x128xi32, #tpu.memory_space<vmem>> -> memref<128xi32, #tpu.memory_space<vmem>>
    %dma_wait3A_594 = arith.constant 0 : i32
    %dma_wait3A_595 = arith.constant 0 : i32
    %dma_wait3A_596 = tpu.memref_slice %arg2[%dma_wait3A_594, %dma_wait3A_595] : memref<16384x64xf32, #tpu.memory_space<hbm>> -> memref<16384x64xf32, #tpu.memory_space<hbm>>
    tpu.wait_indirect_dma semaphore(%arg8 : memref<!tpu.dma_semaphore, #tpu.memory_space<semaphore_mem>>) src(%dma_wait3A_596 : memref<16384x64xf32, #tpu.memory_space<hbm>>) dst(%dma_wait3A_590 : memref<128x64xf32, #tpu.memory_space<vmem>>)
    %dma_wait3A_597 = arith.constant 25 : i32
    %dma_wait3A_598 = arith.constant 128 : i32
    %dma_wait3A_599 = arith.constant 0 : i32
    %dma_wait3A_600 = tpu.memref_slice %arg6[%dma_wait3A_598, %dma_wait3A_599] : memref<512x64xf32, #tpu.memory_space<vmem>> -> memref<128x64xf32, #tpu.memory_space<vmem>>
    %dma_wait3A_601 = arith.constant 0 : i32
    %dma_wait3A_602 = tpu.memref_slice %arg5[%dma_wait3A_597, %dma_wait3A_601] : memref<64x128xi32, #tpu.memory_space<vmem>> -> memref<1x128xi32, #tpu.memory_space<vmem>>
    %dma_wait3A_603 = tpu.memref_squeeze %dma_wait3A_602 : memref<1x128xi32, #tpu.memory_space<vmem>> -> memref<128xi32, #tpu.memory_space<vmem>>
    %dma_wait3A_604 = arith.constant 0 : i32
    %dma_wait3A_605 = arith.constant 0 : i32
    %dma_wait3A_606 = tpu.memref_slice %arg2[%dma_wait3A_604, %dma_wait3A_605] : memref<16384x64xf32, #tpu.memory_space<hbm>> -> memref<16384x64xf32, #tpu.memory_space<hbm>>
    tpu.wait_indirect_dma semaphore(%arg8 : memref<!tpu.dma_semaphore, #tpu.memory_space<semaphore_mem>>) src(%dma_wait3A_606 : memref<16384x64xf32, #tpu.memory_space<hbm>>) dst(%dma_wait3A_600 : memref<128x64xf32, #tpu.memory_space<vmem>>)
    %dma_wait3A_607 = arith.constant 26 : i32
    %dma_wait3A_608 = arith.constant 256 : i32
    %dma_wait3A_609 = arith.constant 0 : i32
    %dma_wait3A_610 = tpu.memref_slice %arg6[%dma_wait3A_608, %dma_wait3A_609] : memref<512x64xf32, #tpu.memory_space<vmem>> -> memref<128x64xf32, #tpu.memory_space<vmem>>
    %dma_wait3A_611 = arith.constant 0 : i32
    %dma_wait3A_612 = tpu.memref_slice %arg5[%dma_wait3A_607, %dma_wait3A_611] : memref<64x128xi32, #tpu.memory_space<vmem>> -> memref<1x128xi32, #tpu.memory_space<vmem>>
    %dma_wait3A_613 = tpu.memref_squeeze %dma_wait3A_612 : memref<1x128xi32, #tpu.memory_space<vmem>> -> memref<128xi32, #tpu.memory_space<vmem>>
    %dma_wait3A_614 = arith.constant 0 : i32
    %dma_wait3A_615 = arith.constant 0 : i32
    %dma_wait3A_616 = tpu.memref_slice %arg2[%dma_wait3A_614, %dma_wait3A_615] : memref<16384x64xf32, #tpu.memory_space<hbm>> -> memref<16384x64xf32, #tpu.memory_space<hbm>>
    tpu.wait_indirect_dma semaphore(%arg8 : memref<!tpu.dma_semaphore, #tpu.memory_space<semaphore_mem>>) src(%dma_wait3A_616 : memref<16384x64xf32, #tpu.memory_space<hbm>>) dst(%dma_wait3A_610 : memref<128x64xf32, #tpu.memory_space<vmem>>)
    %dma_wait3A_617 = arith.constant 27 : i32
    %dma_wait3A_618 = arith.constant 384 : i32
    %dma_wait3A_619 = arith.constant 0 : i32
    %dma_wait3A_620 = tpu.memref_slice %arg6[%dma_wait3A_618, %dma_wait3A_619] : memref<512x64xf32, #tpu.memory_space<vmem>> -> memref<128x64xf32, #tpu.memory_space<vmem>>
    %dma_wait3A_621 = arith.constant 0 : i32
    %dma_wait3A_622 = tpu.memref_slice %arg5[%dma_wait3A_617, %dma_wait3A_621] : memref<64x128xi32, #tpu.memory_space<vmem>> -> memref<1x128xi32, #tpu.memory_space<vmem>>
    %dma_wait3A_623 = tpu.memref_squeeze %dma_wait3A_622 : memref<1x128xi32, #tpu.memory_space<vmem>> -> memref<128xi32, #tpu.memory_space<vmem>>
    %dma_wait3A_624 = arith.constant 0 : i32
    %dma_wait3A_625 = arith.constant 0 : i32
    %dma_wait3A_626 = tpu.memref_slice %arg2[%dma_wait3A_624, %dma_wait3A_625] : memref<16384x64xf32, #tpu.memory_space<hbm>> -> memref<16384x64xf32, #tpu.memory_space<hbm>>
    tpu.wait_indirect_dma semaphore(%arg8 : memref<!tpu.dma_semaphore, #tpu.memory_space<semaphore_mem>>) src(%dma_wait3A_626 : memref<16384x64xf32, #tpu.memory_space<hbm>>) dst(%dma_wait3A_620 : memref<128x64xf32, #tpu.memory_space<vmem>>)
    %mul3A_627 = arith.constant 8192 : i32
    %mul3A_628 = arith.muli %add3A, %mul3A_627 : i32
    %add3A_629 = arith.constant 3072 : i32
    %add3A_630 = arith.addi %mul3A_628, %add3A_629 : i32
    %dma_start3A_631 = arith.constant 0 : i32
    %dma_start3A_632 = tpu.memref_slice %arg4[%add3A_630, %dma_start3A_631] : memref<262144x64xf32, #tpu.memory_space<hbm>> -> memref<512x64xf32, #tpu.memory_space<hbm>>
    %dma_start3A_633 = arith.constant 0 : i32
    %dma_start3A_634 = tpu.memref_slice %arg4[%add3A_630, %dma_start3A_633] : memref<262144x64xf32, #tpu.memory_space<hbm>> -> memref<512x64xf32, #tpu.memory_space<hbm>>
    tpu.enqueue_dma source(%arg6 : memref<512x64xf32, #tpu.memory_space<vmem>>) target(%dma_start3A_634 : memref<512x64xf32, #tpu.memory_space<hbm>>) target_semaphore(%arg9 : memref<!tpu.dma_semaphore, #tpu.memory_space<semaphore_mem>>)
    %dma_wait3A_635 = arith.constant 0 : i32
    %dma_wait3A_636 = tpu.memref_slice %arg4[%add3A_538, %dma_wait3A_635] : memref<262144x64xf32, #tpu.memory_space<hbm>> -> memref<512x64xf32, #tpu.memory_space<hbm>>
    %dma_wait3A_637 = arith.constant 0 : i32
    %dma_wait3A_638 = tpu.memref_slice %arg4[%add3A_538, %dma_wait3A_637] : memref<262144x64xf32, #tpu.memory_space<hbm>> -> memref<512x64xf32, #tpu.memory_space<hbm>>
    tpu.wait_dma2 semaphore(%arg9 : memref<!tpu.dma_semaphore, #tpu.memory_space<semaphore_mem>>) src(%arg7 : memref<512x64xf32, #tpu.memory_space<vmem>>) dst(%dma_wait3A_638 : memref<512x64xf32, #tpu.memory_space<hbm>>)
    %dma_start3A_639 = arith.constant 28 : i32
    %dma_start3A_640 = arith.constant 0 : i32
    %dma_start3A_641 = arith.constant 0 : i32
    %dma_start3A_642 = tpu.memref_slice %arg7[%dma_start3A_640, %dma_start3A_641] : memref<512x64xf32, #tpu.memory_space<vmem>> -> memref<128x64xf32, #tpu.memory_space<vmem>>
    %dma_start3A_643 = arith.constant 0 : i32
    %dma_start3A_644 = tpu.memref_slice %arg5[%dma_start3A_639, %dma_start3A_643] : memref<64x128xi32, #tpu.memory_space<vmem>> -> memref<1x128xi32, #tpu.memory_space<vmem>>
    %dma_start3A_645 = tpu.memref_squeeze %dma_start3A_644 : memref<1x128xi32, #tpu.memory_space<vmem>> -> memref<128xi32, #tpu.memory_space<vmem>>
    %dma_start3A_646 = arith.constant 0 : i32
    %dma_start3A_647 = arith.constant 0 : i32
    %dma_start3A_648 = tpu.memref_slice %arg2[%dma_start3A_646, %dma_start3A_647] : memref<16384x64xf32, #tpu.memory_space<hbm>> -> memref<16384x64xf32, #tpu.memory_space<hbm>>
    tpu.enqueue_indirect_dma source(%dma_start3A_648 : memref<16384x64xf32, #tpu.memory_space<hbm>>) target(%dma_start3A_642 : memref<128x64xf32, #tpu.memory_space<vmem>>) offsets(%dma_start3A_645 : memref<128xi32, #tpu.memory_space<vmem>>) semaphore(%arg8 : memref<!tpu.dma_semaphore, #tpu.memory_space<semaphore_mem>>)
    %dma_start3A_649 = arith.constant 29 : i32
    %dma_start3A_650 = arith.constant 128 : i32
    %dma_start3A_651 = arith.constant 0 : i32
    %dma_start3A_652 = tpu.memref_slice %arg7[%dma_start3A_650, %dma_start3A_651] : memref<512x64xf32, #tpu.memory_space<vmem>> -> memref<128x64xf32, #tpu.memory_space<vmem>>
    %dma_start3A_653 = arith.constant 0 : i32
    %dma_start3A_654 = tpu.memref_slice %arg5[%dma_start3A_649, %dma_start3A_653] : memref<64x128xi32, #tpu.memory_space<vmem>> -> memref<1x128xi32, #tpu.memory_space<vmem>>
    %dma_start3A_655 = tpu.memref_squeeze %dma_start3A_654 : memref<1x128xi32, #tpu.memory_space<vmem>> -> memref<128xi32, #tpu.memory_space<vmem>>
    %dma_start3A_656 = arith.constant 0 : i32
    %dma_start3A_657 = arith.constant 0 : i32
    %dma_start3A_658 = tpu.memref_slice %arg2[%dma_start3A_656, %dma_start3A_657] : memref<16384x64xf32, #tpu.memory_space<hbm>> -> memref<16384x64xf32, #tpu.memory_space<hbm>>
    tpu.enqueue_indirect_dma source(%dma_start3A_658 : memref<16384x64xf32, #tpu.memory_space<hbm>>) target(%dma_start3A_652 : memref<128x64xf32, #tpu.memory_space<vmem>>) offsets(%dma_start3A_655 : memref<128xi32, #tpu.memory_space<vmem>>) semaphore(%arg8 : memref<!tpu.dma_semaphore, #tpu.memory_space<semaphore_mem>>)
    %dma_start3A_659 = arith.constant 30 : i32
    %dma_start3A_660 = arith.constant 256 : i32
    %dma_start3A_661 = arith.constant 0 : i32
    %dma_start3A_662 = tpu.memref_slice %arg7[%dma_start3A_660, %dma_start3A_661] : memref<512x64xf32, #tpu.memory_space<vmem>> -> memref<128x64xf32, #tpu.memory_space<vmem>>
    %dma_start3A_663 = arith.constant 0 : i32
    %dma_start3A_664 = tpu.memref_slice %arg5[%dma_start3A_659, %dma_start3A_663] : memref<64x128xi32, #tpu.memory_space<vmem>> -> memref<1x128xi32, #tpu.memory_space<vmem>>
    %dma_start3A_665 = tpu.memref_squeeze %dma_start3A_664 : memref<1x128xi32, #tpu.memory_space<vmem>> -> memref<128xi32, #tpu.memory_space<vmem>>
    %dma_start3A_666 = arith.constant 0 : i32
    %dma_start3A_667 = arith.constant 0 : i32
    %dma_start3A_668 = tpu.memref_slice %arg2[%dma_start3A_666, %dma_start3A_667] : memref<16384x64xf32, #tpu.memory_space<hbm>> -> memref<16384x64xf32, #tpu.memory_space<hbm>>
    tpu.enqueue_indirect_dma source(%dma_start3A_668 : memref<16384x64xf32, #tpu.memory_space<hbm>>) target(%dma_start3A_662 : memref<128x64xf32, #tpu.memory_space<vmem>>) offsets(%dma_start3A_665 : memref<128xi32, #tpu.memory_space<vmem>>) semaphore(%arg8 : memref<!tpu.dma_semaphore, #tpu.memory_space<semaphore_mem>>)
    %dma_start3A_669 = arith.constant 31 : i32
    %dma_start3A_670 = arith.constant 384 : i32
    %dma_start3A_671 = arith.constant 0 : i32
    %dma_start3A_672 = tpu.memref_slice %arg7[%dma_start3A_670, %dma_start3A_671] : memref<512x64xf32, #tpu.memory_space<vmem>> -> memref<128x64xf32, #tpu.memory_space<vmem>>
    %dma_start3A_673 = arith.constant 0 : i32
    %dma_start3A_674 = tpu.memref_slice %arg5[%dma_start3A_669, %dma_start3A_673] : memref<64x128xi32, #tpu.memory_space<vmem>> -> memref<1x128xi32, #tpu.memory_space<vmem>>
    %dma_start3A_675 = tpu.memref_squeeze %dma_start3A_674 : memref<1x128xi32, #tpu.memory_space<vmem>> -> memref<128xi32, #tpu.memory_space<vmem>>
    %dma_start3A_676 = arith.constant 0 : i32
    %dma_start3A_677 = arith.constant 0 : i32
    %dma_start3A_678 = tpu.memref_slice %arg2[%dma_start3A_676, %dma_start3A_677] : memref<16384x64xf32, #tpu.memory_space<hbm>> -> memref<16384x64xf32, #tpu.memory_space<hbm>>
    tpu.enqueue_indirect_dma source(%dma_start3A_678 : memref<16384x64xf32, #tpu.memory_space<hbm>>) target(%dma_start3A_672 : memref<128x64xf32, #tpu.memory_space<vmem>>) offsets(%dma_start3A_675 : memref<128xi32, #tpu.memory_space<vmem>>) semaphore(%arg8 : memref<!tpu.dma_semaphore, #tpu.memory_space<semaphore_mem>>)
    %dma_wait3A_679 = arith.constant 28 : i32
    %dma_wait3A_680 = arith.constant 0 : i32
    %dma_wait3A_681 = arith.constant 0 : i32
    %dma_wait3A_682 = tpu.memref_slice %arg7[%dma_wait3A_680, %dma_wait3A_681] : memref<512x64xf32, #tpu.memory_space<vmem>> -> memref<128x64xf32, #tpu.memory_space<vmem>>
    %dma_wait3A_683 = arith.constant 0 : i32
    %dma_wait3A_684 = tpu.memref_slice %arg5[%dma_wait3A_679, %dma_wait3A_683] : memref<64x128xi32, #tpu.memory_space<vmem>> -> memref<1x128xi32, #tpu.memory_space<vmem>>
    %dma_wait3A_685 = tpu.memref_squeeze %dma_wait3A_684 : memref<1x128xi32, #tpu.memory_space<vmem>> -> memref<128xi32, #tpu.memory_space<vmem>>
    %dma_wait3A_686 = arith.constant 0 : i32
    %dma_wait3A_687 = arith.constant 0 : i32
    %dma_wait3A_688 = tpu.memref_slice %arg2[%dma_wait3A_686, %dma_wait3A_687] : memref<16384x64xf32, #tpu.memory_space<hbm>> -> memref<16384x64xf32, #tpu.memory_space<hbm>>
    tpu.wait_indirect_dma semaphore(%arg8 : memref<!tpu.dma_semaphore, #tpu.memory_space<semaphore_mem>>) src(%dma_wait3A_688 : memref<16384x64xf32, #tpu.memory_space<hbm>>) dst(%dma_wait3A_682 : memref<128x64xf32, #tpu.memory_space<vmem>>)
    %dma_wait3A_689 = arith.constant 29 : i32
    %dma_wait3A_690 = arith.constant 128 : i32
    %dma_wait3A_691 = arith.constant 0 : i32
    %dma_wait3A_692 = tpu.memref_slice %arg7[%dma_wait3A_690, %dma_wait3A_691] : memref<512x64xf32, #tpu.memory_space<vmem>> -> memref<128x64xf32, #tpu.memory_space<vmem>>
    %dma_wait3A_693 = arith.constant 0 : i32
    %dma_wait3A_694 = tpu.memref_slice %arg5[%dma_wait3A_689, %dma_wait3A_693] : memref<64x128xi32, #tpu.memory_space<vmem>> -> memref<1x128xi32, #tpu.memory_space<vmem>>
    %dma_wait3A_695 = tpu.memref_squeeze %dma_wait3A_694 : memref<1x128xi32, #tpu.memory_space<vmem>> -> memref<128xi32, #tpu.memory_space<vmem>>
    %dma_wait3A_696 = arith.constant 0 : i32
    %dma_wait3A_697 = arith.constant 0 : i32
    %dma_wait3A_698 = tpu.memref_slice %arg2[%dma_wait3A_696, %dma_wait3A_697] : memref<16384x64xf32, #tpu.memory_space<hbm>> -> memref<16384x64xf32, #tpu.memory_space<hbm>>
    tpu.wait_indirect_dma semaphore(%arg8 : memref<!tpu.dma_semaphore, #tpu.memory_space<semaphore_mem>>) src(%dma_wait3A_698 : memref<16384x64xf32, #tpu.memory_space<hbm>>) dst(%dma_wait3A_692 : memref<128x64xf32, #tpu.memory_space<vmem>>)
    %dma_wait3A_699 = arith.constant 30 : i32
    %dma_wait3A_700 = arith.constant 256 : i32
    %dma_wait3A_701 = arith.constant 0 : i32
    %dma_wait3A_702 = tpu.memref_slice %arg7[%dma_wait3A_700, %dma_wait3A_701] : memref<512x64xf32, #tpu.memory_space<vmem>> -> memref<128x64xf32, #tpu.memory_space<vmem>>
    %dma_wait3A_703 = arith.constant 0 : i32
    %dma_wait3A_704 = tpu.memref_slice %arg5[%dma_wait3A_699, %dma_wait3A_703] : memref<64x128xi32, #tpu.memory_space<vmem>> -> memref<1x128xi32, #tpu.memory_space<vmem>>
    %dma_wait3A_705 = tpu.memref_squeeze %dma_wait3A_704 : memref<1x128xi32, #tpu.memory_space<vmem>> -> memref<128xi32, #tpu.memory_space<vmem>>
    %dma_wait3A_706 = arith.constant 0 : i32
    %dma_wait3A_707 = arith.constant 0 : i32
    %dma_wait3A_708 = tpu.memref_slice %arg2[%dma_wait3A_706, %dma_wait3A_707] : memref<16384x64xf32, #tpu.memory_space<hbm>> -> memref<16384x64xf32, #tpu.memory_space<hbm>>
    tpu.wait_indirect_dma semaphore(%arg8 : memref<!tpu.dma_semaphore, #tpu.memory_space<semaphore_mem>>) src(%dma_wait3A_708 : memref<16384x64xf32, #tpu.memory_space<hbm>>) dst(%dma_wait3A_702 : memref<128x64xf32, #tpu.memory_space<vmem>>)
    %dma_wait3A_709 = arith.constant 31 : i32
    %dma_wait3A_710 = arith.constant 384 : i32
    %dma_wait3A_711 = arith.constant 0 : i32
    %dma_wait3A_712 = tpu.memref_slice %arg7[%dma_wait3A_710, %dma_wait3A_711] : memref<512x64xf32, #tpu.memory_space<vmem>> -> memref<128x64xf32, #tpu.memory_space<vmem>>
    %dma_wait3A_713 = arith.constant 0 : i32
    %dma_wait3A_714 = tpu.memref_slice %arg5[%dma_wait3A_709, %dma_wait3A_713] : memref<64x128xi32, #tpu.memory_space<vmem>> -> memref<1x128xi32, #tpu.memory_space<vmem>>
    %dma_wait3A_715 = tpu.memref_squeeze %dma_wait3A_714 : memref<1x128xi32, #tpu.memory_space<vmem>> -> memref<128xi32, #tpu.memory_space<vmem>>
    %dma_wait3A_716 = arith.constant 0 : i32
    %dma_wait3A_717 = arith.constant 0 : i32
    %dma_wait3A_718 = tpu.memref_slice %arg2[%dma_wait3A_716, %dma_wait3A_717] : memref<16384x64xf32, #tpu.memory_space<hbm>> -> memref<16384x64xf32, #tpu.memory_space<hbm>>
    tpu.wait_indirect_dma semaphore(%arg8 : memref<!tpu.dma_semaphore, #tpu.memory_space<semaphore_mem>>) src(%dma_wait3A_718 : memref<16384x64xf32, #tpu.memory_space<hbm>>) dst(%dma_wait3A_712 : memref<128x64xf32, #tpu.memory_space<vmem>>)
    %mul3A_719 = arith.constant 8192 : i32
    %mul3A_720 = arith.muli %add3A, %mul3A_719 : i32
    %add3A_721 = arith.constant 3584 : i32
    %add3A_722 = arith.addi %mul3A_720, %add3A_721 : i32
    %dma_start3A_723 = arith.constant 0 : i32
    %dma_start3A_724 = tpu.memref_slice %arg4[%add3A_722, %dma_start3A_723] : memref<262144x64xf32, #tpu.memory_space<hbm>> -> memref<512x64xf32, #tpu.memory_space<hbm>>
    %dma_start3A_725 = arith.constant 0 : i32
    %dma_start3A_726 = tpu.memref_slice %arg4[%add3A_722, %dma_start3A_725] : memref<262144x64xf32, #tpu.memory_space<hbm>> -> memref<512x64xf32, #tpu.memory_space<hbm>>
    tpu.enqueue_dma source(%arg7 : memref<512x64xf32, #tpu.memory_space<vmem>>) target(%dma_start3A_726 : memref<512x64xf32, #tpu.memory_space<hbm>>) target_semaphore(%arg9 : memref<!tpu.dma_semaphore, #tpu.memory_space<semaphore_mem>>)
    %dma_wait3A_727 = arith.constant 0 : i32
    %dma_wait3A_728 = tpu.memref_slice %arg4[%add3A_630, %dma_wait3A_727] : memref<262144x64xf32, #tpu.memory_space<hbm>> -> memref<512x64xf32, #tpu.memory_space<hbm>>
    %dma_wait3A_729 = arith.constant 0 : i32
    %dma_wait3A_730 = tpu.memref_slice %arg4[%add3A_630, %dma_wait3A_729] : memref<262144x64xf32, #tpu.memory_space<hbm>> -> memref<512x64xf32, #tpu.memory_space<hbm>>
    tpu.wait_dma2 semaphore(%arg9 : memref<!tpu.dma_semaphore, #tpu.memory_space<semaphore_mem>>) src(%arg6 : memref<512x64xf32, #tpu.memory_space<vmem>>) dst(%dma_wait3A_730 : memref<512x64xf32, #tpu.memory_space<hbm>>)
    %dma_start3A_731 = arith.constant 32 : i32
    %dma_start3A_732 = arith.constant 0 : i32
    %dma_start3A_733 = arith.constant 0 : i32
    %dma_start3A_734 = tpu.memref_slice %arg6[%dma_start3A_732, %dma_start3A_733] : memref<512x64xf32, #tpu.memory_space<vmem>> -> memref<128x64xf32, #tpu.memory_space<vmem>>
    %dma_start3A_735 = arith.constant 0 : i32
    %dma_start3A_736 = tpu.memref_slice %arg5[%dma_start3A_731, %dma_start3A_735] : memref<64x128xi32, #tpu.memory_space<vmem>> -> memref<1x128xi32, #tpu.memory_space<vmem>>
    %dma_start3A_737 = tpu.memref_squeeze %dma_start3A_736 : memref<1x128xi32, #tpu.memory_space<vmem>> -> memref<128xi32, #tpu.memory_space<vmem>>
    %dma_start3A_738 = arith.constant 0 : i32
    %dma_start3A_739 = arith.constant 0 : i32
    %dma_start3A_740 = tpu.memref_slice %arg2[%dma_start3A_738, %dma_start3A_739] : memref<16384x64xf32, #tpu.memory_space<hbm>> -> memref<16384x64xf32, #tpu.memory_space<hbm>>
    tpu.enqueue_indirect_dma source(%dma_start3A_740 : memref<16384x64xf32, #tpu.memory_space<hbm>>) target(%dma_start3A_734 : memref<128x64xf32, #tpu.memory_space<vmem>>) offsets(%dma_start3A_737 : memref<128xi32, #tpu.memory_space<vmem>>) semaphore(%arg8 : memref<!tpu.dma_semaphore, #tpu.memory_space<semaphore_mem>>)
    %dma_start3A_741 = arith.constant 33 : i32
    %dma_start3A_742 = arith.constant 128 : i32
    %dma_start3A_743 = arith.constant 0 : i32
    %dma_start3A_744 = tpu.memref_slice %arg6[%dma_start3A_742, %dma_start3A_743] : memref<512x64xf32, #tpu.memory_space<vmem>> -> memref<128x64xf32, #tpu.memory_space<vmem>>
    %dma_start3A_745 = arith.constant 0 : i32
    %dma_start3A_746 = tpu.memref_slice %arg5[%dma_start3A_741, %dma_start3A_745] : memref<64x128xi32, #tpu.memory_space<vmem>> -> memref<1x128xi32, #tpu.memory_space<vmem>>
    %dma_start3A_747 = tpu.memref_squeeze %dma_start3A_746 : memref<1x128xi32, #tpu.memory_space<vmem>> -> memref<128xi32, #tpu.memory_space<vmem>>
    %dma_start3A_748 = arith.constant 0 : i32
    %dma_start3A_749 = arith.constant 0 : i32
    %dma_start3A_750 = tpu.memref_slice %arg2[%dma_start3A_748, %dma_start3A_749] : memref<16384x64xf32, #tpu.memory_space<hbm>> -> memref<16384x64xf32, #tpu.memory_space<hbm>>
    tpu.enqueue_indirect_dma source(%dma_start3A_750 : memref<16384x64xf32, #tpu.memory_space<hbm>>) target(%dma_start3A_744 : memref<128x64xf32, #tpu.memory_space<vmem>>) offsets(%dma_start3A_747 : memref<128xi32, #tpu.memory_space<vmem>>) semaphore(%arg8 : memref<!tpu.dma_semaphore, #tpu.memory_space<semaphore_mem>>)
    %dma_start3A_751 = arith.constant 34 : i32
    %dma_start3A_752 = arith.constant 256 : i32
    %dma_start3A_753 = arith.constant 0 : i32
    %dma_start3A_754 = tpu.memref_slice %arg6[%dma_start3A_752, %dma_start3A_753] : memref<512x64xf32, #tpu.memory_space<vmem>> -> memref<128x64xf32, #tpu.memory_space<vmem>>
    %dma_start3A_755 = arith.constant 0 : i32
    %dma_start3A_756 = tpu.memref_slice %arg5[%dma_start3A_751, %dma_start3A_755] : memref<64x128xi32, #tpu.memory_space<vmem>> -> memref<1x128xi32, #tpu.memory_space<vmem>>
    %dma_start3A_757 = tpu.memref_squeeze %dma_start3A_756 : memref<1x128xi32, #tpu.memory_space<vmem>> -> memref<128xi32, #tpu.memory_space<vmem>>
    %dma_start3A_758 = arith.constant 0 : i32
    %dma_start3A_759 = arith.constant 0 : i32
    %dma_start3A_760 = tpu.memref_slice %arg2[%dma_start3A_758, %dma_start3A_759] : memref<16384x64xf32, #tpu.memory_space<hbm>> -> memref<16384x64xf32, #tpu.memory_space<hbm>>
    tpu.enqueue_indirect_dma source(%dma_start3A_760 : memref<16384x64xf32, #tpu.memory_space<hbm>>) target(%dma_start3A_754 : memref<128x64xf32, #tpu.memory_space<vmem>>) offsets(%dma_start3A_757 : memref<128xi32, #tpu.memory_space<vmem>>) semaphore(%arg8 : memref<!tpu.dma_semaphore, #tpu.memory_space<semaphore_mem>>)
    %dma_start3A_761 = arith.constant 35 : i32
    %dma_start3A_762 = arith.constant 384 : i32
    %dma_start3A_763 = arith.constant 0 : i32
    %dma_start3A_764 = tpu.memref_slice %arg6[%dma_start3A_762, %dma_start3A_763] : memref<512x64xf32, #tpu.memory_space<vmem>> -> memref<128x64xf32, #tpu.memory_space<vmem>>
    %dma_start3A_765 = arith.constant 0 : i32
    %dma_start3A_766 = tpu.memref_slice %arg5[%dma_start3A_761, %dma_start3A_765] : memref<64x128xi32, #tpu.memory_space<vmem>> -> memref<1x128xi32, #tpu.memory_space<vmem>>
    %dma_start3A_767 = tpu.memref_squeeze %dma_start3A_766 : memref<1x128xi32, #tpu.memory_space<vmem>> -> memref<128xi32, #tpu.memory_space<vmem>>
    %dma_start3A_768 = arith.constant 0 : i32
    %dma_start3A_769 = arith.constant 0 : i32
    %dma_start3A_770 = tpu.memref_slice %arg2[%dma_start3A_768, %dma_start3A_769] : memref<16384x64xf32, #tpu.memory_space<hbm>> -> memref<16384x64xf32, #tpu.memory_space<hbm>>
    tpu.enqueue_indirect_dma source(%dma_start3A_770 : memref<16384x64xf32, #tpu.memory_space<hbm>>) target(%dma_start3A_764 : memref<128x64xf32, #tpu.memory_space<vmem>>) offsets(%dma_start3A_767 : memref<128xi32, #tpu.memory_space<vmem>>) semaphore(%arg8 : memref<!tpu.dma_semaphore, #tpu.memory_space<semaphore_mem>>)
    %dma_wait3A_771 = arith.constant 32 : i32
    %dma_wait3A_772 = arith.constant 0 : i32
    %dma_wait3A_773 = arith.constant 0 : i32
    %dma_wait3A_774 = tpu.memref_slice %arg6[%dma_wait3A_772, %dma_wait3A_773] : memref<512x64xf32, #tpu.memory_space<vmem>> -> memref<128x64xf32, #tpu.memory_space<vmem>>
    %dma_wait3A_775 = arith.constant 0 : i32
    %dma_wait3A_776 = tpu.memref_slice %arg5[%dma_wait3A_771, %dma_wait3A_775] : memref<64x128xi32, #tpu.memory_space<vmem>> -> memref<1x128xi32, #tpu.memory_space<vmem>>
    %dma_wait3A_777 = tpu.memref_squeeze %dma_wait3A_776 : memref<1x128xi32, #tpu.memory_space<vmem>> -> memref<128xi32, #tpu.memory_space<vmem>>
    %dma_wait3A_778 = arith.constant 0 : i32
    %dma_wait3A_779 = arith.constant 0 : i32
    %dma_wait3A_780 = tpu.memref_slice %arg2[%dma_wait3A_778, %dma_wait3A_779] : memref<16384x64xf32, #tpu.memory_space<hbm>> -> memref<16384x64xf32, #tpu.memory_space<hbm>>
    tpu.wait_indirect_dma semaphore(%arg8 : memref<!tpu.dma_semaphore, #tpu.memory_space<semaphore_mem>>) src(%dma_wait3A_780 : memref<16384x64xf32, #tpu.memory_space<hbm>>) dst(%dma_wait3A_774 : memref<128x64xf32, #tpu.memory_space<vmem>>)
    %dma_wait3A_781 = arith.constant 33 : i32
    %dma_wait3A_782 = arith.constant 128 : i32
    %dma_wait3A_783 = arith.constant 0 : i32
    %dma_wait3A_784 = tpu.memref_slice %arg6[%dma_wait3A_782, %dma_wait3A_783] : memref<512x64xf32, #tpu.memory_space<vmem>> -> memref<128x64xf32, #tpu.memory_space<vmem>>
    %dma_wait3A_785 = arith.constant 0 : i32
    %dma_wait3A_786 = tpu.memref_slice %arg5[%dma_wait3A_781, %dma_wait3A_785] : memref<64x128xi32, #tpu.memory_space<vmem>> -> memref<1x128xi32, #tpu.memory_space<vmem>>
    %dma_wait3A_787 = tpu.memref_squeeze %dma_wait3A_786 : memref<1x128xi32, #tpu.memory_space<vmem>> -> memref<128xi32, #tpu.memory_space<vmem>>
    %dma_wait3A_788 = arith.constant 0 : i32
    %dma_wait3A_789 = arith.constant 0 : i32
    %dma_wait3A_790 = tpu.memref_slice %arg2[%dma_wait3A_788, %dma_wait3A_789] : memref<16384x64xf32, #tpu.memory_space<hbm>> -> memref<16384x64xf32, #tpu.memory_space<hbm>>
    tpu.wait_indirect_dma semaphore(%arg8 : memref<!tpu.dma_semaphore, #tpu.memory_space<semaphore_mem>>) src(%dma_wait3A_790 : memref<16384x64xf32, #tpu.memory_space<hbm>>) dst(%dma_wait3A_784 : memref<128x64xf32, #tpu.memory_space<vmem>>)
    %dma_wait3A_791 = arith.constant 34 : i32
    %dma_wait3A_792 = arith.constant 256 : i32
    %dma_wait3A_793 = arith.constant 0 : i32
    %dma_wait3A_794 = tpu.memref_slice %arg6[%dma_wait3A_792, %dma_wait3A_793] : memref<512x64xf32, #tpu.memory_space<vmem>> -> memref<128x64xf32, #tpu.memory_space<vmem>>
    %dma_wait3A_795 = arith.constant 0 : i32
    %dma_wait3A_796 = tpu.memref_slice %arg5[%dma_wait3A_791, %dma_wait3A_795] : memref<64x128xi32, #tpu.memory_space<vmem>> -> memref<1x128xi32, #tpu.memory_space<vmem>>
    %dma_wait3A_797 = tpu.memref_squeeze %dma_wait3A_796 : memref<1x128xi32, #tpu.memory_space<vmem>> -> memref<128xi32, #tpu.memory_space<vmem>>
    %dma_wait3A_798 = arith.constant 0 : i32
    %dma_wait3A_799 = arith.constant 0 : i32
    %dma_wait3A_800 = tpu.memref_slice %arg2[%dma_wait3A_798, %dma_wait3A_799] : memref<16384x64xf32, #tpu.memory_space<hbm>> -> memref<16384x64xf32, #tpu.memory_space<hbm>>
    tpu.wait_indirect_dma semaphore(%arg8 : memref<!tpu.dma_semaphore, #tpu.memory_space<semaphore_mem>>) src(%dma_wait3A_800 : memref<16384x64xf32, #tpu.memory_space<hbm>>) dst(%dma_wait3A_794 : memref<128x64xf32, #tpu.memory_space<vmem>>)
    %dma_wait3A_801 = arith.constant 35 : i32
    %dma_wait3A_802 = arith.constant 384 : i32
    %dma_wait3A_803 = arith.constant 0 : i32
    %dma_wait3A_804 = tpu.memref_slice %arg6[%dma_wait3A_802, %dma_wait3A_803] : memref<512x64xf32, #tpu.memory_space<vmem>> -> memref<128x64xf32, #tpu.memory_space<vmem>>
    %dma_wait3A_805 = arith.constant 0 : i32
    %dma_wait3A_806 = tpu.memref_slice %arg5[%dma_wait3A_801, %dma_wait3A_805] : memref<64x128xi32, #tpu.memory_space<vmem>> -> memref<1x128xi32, #tpu.memory_space<vmem>>
    %dma_wait3A_807 = tpu.memref_squeeze %dma_wait3A_806 : memref<1x128xi32, #tpu.memory_space<vmem>> -> memref<128xi32, #tpu.memory_space<vmem>>
    %dma_wait3A_808 = arith.constant 0 : i32
    %dma_wait3A_809 = arith.constant 0 : i32
    %dma_wait3A_810 = tpu.memref_slice %arg2[%dma_wait3A_808, %dma_wait3A_809] : memref<16384x64xf32, #tpu.memory_space<hbm>> -> memref<16384x64xf32, #tpu.memory_space<hbm>>
    tpu.wait_indirect_dma semaphore(%arg8 : memref<!tpu.dma_semaphore, #tpu.memory_space<semaphore_mem>>) src(%dma_wait3A_810 : memref<16384x64xf32, #tpu.memory_space<hbm>>) dst(%dma_wait3A_804 : memref<128x64xf32, #tpu.memory_space<vmem>>)
    %mul3A_811 = arith.constant 8192 : i32
    %mul3A_812 = arith.muli %add3A, %mul3A_811 : i32
    %add3A_813 = arith.constant 4096 : i32
    %add3A_814 = arith.addi %mul3A_812, %add3A_813 : i32
    %dma_start3A_815 = arith.constant 0 : i32
    %dma_start3A_816 = tpu.memref_slice %arg4[%add3A_814, %dma_start3A_815] : memref<262144x64xf32, #tpu.memory_space<hbm>> -> memref<512x64xf32, #tpu.memory_space<hbm>>
    %dma_start3A_817 = arith.constant 0 : i32
    %dma_start3A_818 = tpu.memref_slice %arg4[%add3A_814, %dma_start3A_817] : memref<262144x64xf32, #tpu.memory_space<hbm>> -> memref<512x64xf32, #tpu.memory_space<hbm>>
    tpu.enqueue_dma source(%arg6 : memref<512x64xf32, #tpu.memory_space<vmem>>) target(%dma_start3A_818 : memref<512x64xf32, #tpu.memory_space<hbm>>) target_semaphore(%arg9 : memref<!tpu.dma_semaphore, #tpu.memory_space<semaphore_mem>>)
    %dma_wait3A_819 = arith.constant 0 : i32
    %dma_wait3A_820 = tpu.memref_slice %arg4[%add3A_722, %dma_wait3A_819] : memref<262144x64xf32, #tpu.memory_space<hbm>> -> memref<512x64xf32, #tpu.memory_space<hbm>>
    %dma_wait3A_821 = arith.constant 0 : i32
    %dma_wait3A_822 = tpu.memref_slice %arg4[%add3A_722, %dma_wait3A_821] : memref<262144x64xf32, #tpu.memory_space<hbm>> -> memref<512x64xf32, #tpu.memory_space<hbm>>
    tpu.wait_dma2 semaphore(%arg9 : memref<!tpu.dma_semaphore, #tpu.memory_space<semaphore_mem>>) src(%arg7 : memref<512x64xf32, #tpu.memory_space<vmem>>) dst(%dma_wait3A_822 : memref<512x64xf32, #tpu.memory_space<hbm>>)
    %dma_start3A_823 = arith.constant 36 : i32
    %dma_start3A_824 = arith.constant 0 : i32
    %dma_start3A_825 = arith.constant 0 : i32
    %dma_start3A_826 = tpu.memref_slice %arg7[%dma_start3A_824, %dma_start3A_825] : memref<512x64xf32, #tpu.memory_space<vmem>> -> memref<128x64xf32, #tpu.memory_space<vmem>>
    %dma_start3A_827 = arith.constant 0 : i32
    %dma_start3A_828 = tpu.memref_slice %arg5[%dma_start3A_823, %dma_start3A_827] : memref<64x128xi32, #tpu.memory_space<vmem>> -> memref<1x128xi32, #tpu.memory_space<vmem>>
    %dma_start3A_829 = tpu.memref_squeeze %dma_start3A_828 : memref<1x128xi32, #tpu.memory_space<vmem>> -> memref<128xi32, #tpu.memory_space<vmem>>
    %dma_start3A_830 = arith.constant 0 : i32
    %dma_start3A_831 = arith.constant 0 : i32
    %dma_start3A_832 = tpu.memref_slice %arg2[%dma_start3A_830, %dma_start3A_831] : memref<16384x64xf32, #tpu.memory_space<hbm>> -> memref<16384x64xf32, #tpu.memory_space<hbm>>
    tpu.enqueue_indirect_dma source(%dma_start3A_832 : memref<16384x64xf32, #tpu.memory_space<hbm>>) target(%dma_start3A_826 : memref<128x64xf32, #tpu.memory_space<vmem>>) offsets(%dma_start3A_829 : memref<128xi32, #tpu.memory_space<vmem>>) semaphore(%arg8 : memref<!tpu.dma_semaphore, #tpu.memory_space<semaphore_mem>>)
    %dma_start3A_833 = arith.constant 37 : i32
    %dma_start3A_834 = arith.constant 128 : i32
    %dma_start3A_835 = arith.constant 0 : i32
    %dma_start3A_836 = tpu.memref_slice %arg7[%dma_start3A_834, %dma_start3A_835] : memref<512x64xf32, #tpu.memory_space<vmem>> -> memref<128x64xf32, #tpu.memory_space<vmem>>
    %dma_start3A_837 = arith.constant 0 : i32
    %dma_start3A_838 = tpu.memref_slice %arg5[%dma_start3A_833, %dma_start3A_837] : memref<64x128xi32, #tpu.memory_space<vmem>> -> memref<1x128xi32, #tpu.memory_space<vmem>>
    %dma_start3A_839 = tpu.memref_squeeze %dma_start3A_838 : memref<1x128xi32, #tpu.memory_space<vmem>> -> memref<128xi32, #tpu.memory_space<vmem>>
    %dma_start3A_840 = arith.constant 0 : i32
    %dma_start3A_841 = arith.constant 0 : i32
    %dma_start3A_842 = tpu.memref_slice %arg2[%dma_start3A_840, %dma_start3A_841] : memref<16384x64xf32, #tpu.memory_space<hbm>> -> memref<16384x64xf32, #tpu.memory_space<hbm>>
    tpu.enqueue_indirect_dma source(%dma_start3A_842 : memref<16384x64xf32, #tpu.memory_space<hbm>>) target(%dma_start3A_836 : memref<128x64xf32, #tpu.memory_space<vmem>>) offsets(%dma_start3A_839 : memref<128xi32, #tpu.memory_space<vmem>>) semaphore(%arg8 : memref<!tpu.dma_semaphore, #tpu.memory_space<semaphore_mem>>)
    %dma_start3A_843 = arith.constant 38 : i32
    %dma_start3A_844 = arith.constant 256 : i32
    %dma_start3A_845 = arith.constant 0 : i32
    %dma_start3A_846 = tpu.memref_slice %arg7[%dma_start3A_844, %dma_start3A_845] : memref<512x64xf32, #tpu.memory_space<vmem>> -> memref<128x64xf32, #tpu.memory_space<vmem>>
    %dma_start3A_847 = arith.constant 0 : i32
    %dma_start3A_848 = tpu.memref_slice %arg5[%dma_start3A_843, %dma_start3A_847] : memref<64x128xi32, #tpu.memory_space<vmem>> -> memref<1x128xi32, #tpu.memory_space<vmem>>
    %dma_start3A_849 = tpu.memref_squeeze %dma_start3A_848 : memref<1x128xi32, #tpu.memory_space<vmem>> -> memref<128xi32, #tpu.memory_space<vmem>>
    %dma_start3A_850 = arith.constant 0 : i32
    %dma_start3A_851 = arith.constant 0 : i32
    %dma_start3A_852 = tpu.memref_slice %arg2[%dma_start3A_850, %dma_start3A_851] : memref<16384x64xf32, #tpu.memory_space<hbm>> -> memref<16384x64xf32, #tpu.memory_space<hbm>>
    tpu.enqueue_indirect_dma source(%dma_start3A_852 : memref<16384x64xf32, #tpu.memory_space<hbm>>) target(%dma_start3A_846 : memref<128x64xf32, #tpu.memory_space<vmem>>) offsets(%dma_start3A_849 : memref<128xi32, #tpu.memory_space<vmem>>) semaphore(%arg8 : memref<!tpu.dma_semaphore, #tpu.memory_space<semaphore_mem>>)
    %dma_start3A_853 = arith.constant 39 : i32
    %dma_start3A_854 = arith.constant 384 : i32
    %dma_start3A_855 = arith.constant 0 : i32
    %dma_start3A_856 = tpu.memref_slice %arg7[%dma_start3A_854, %dma_start3A_855] : memref<512x64xf32, #tpu.memory_space<vmem>> -> memref<128x64xf32, #tpu.memory_space<vmem>>
    %dma_start3A_857 = arith.constant 0 : i32
    %dma_start3A_858 = tpu.memref_slice %arg5[%dma_start3A_853, %dma_start3A_857] : memref<64x128xi32, #tpu.memory_space<vmem>> -> memref<1x128xi32, #tpu.memory_space<vmem>>
    %dma_start3A_859 = tpu.memref_squeeze %dma_start3A_858 : memref<1x128xi32, #tpu.memory_space<vmem>> -> memref<128xi32, #tpu.memory_space<vmem>>
    %dma_start3A_860 = arith.constant 0 : i32
    %dma_start3A_861 = arith.constant 0 : i32
    %dma_start3A_862 = tpu.memref_slice %arg2[%dma_start3A_860, %dma_start3A_861] : memref<16384x64xf32, #tpu.memory_space<hbm>> -> memref<16384x64xf32, #tpu.memory_space<hbm>>
    tpu.enqueue_indirect_dma source(%dma_start3A_862 : memref<16384x64xf32, #tpu.memory_space<hbm>>) target(%dma_start3A_856 : memref<128x64xf32, #tpu.memory_space<vmem>>) offsets(%dma_start3A_859 : memref<128xi32, #tpu.memory_space<vmem>>) semaphore(%arg8 : memref<!tpu.dma_semaphore, #tpu.memory_space<semaphore_mem>>)
    %dma_wait3A_863 = arith.constant 36 : i32
    %dma_wait3A_864 = arith.constant 0 : i32
    %dma_wait3A_865 = arith.constant 0 : i32
    %dma_wait3A_866 = tpu.memref_slice %arg7[%dma_wait3A_864, %dma_wait3A_865] : memref<512x64xf32, #tpu.memory_space<vmem>> -> memref<128x64xf32, #tpu.memory_space<vmem>>
    %dma_wait3A_867 = arith.constant 0 : i32
    %dma_wait3A_868 = tpu.memref_slice %arg5[%dma_wait3A_863, %dma_wait3A_867] : memref<64x128xi32, #tpu.memory_space<vmem>> -> memref<1x128xi32, #tpu.memory_space<vmem>>
    %dma_wait3A_869 = tpu.memref_squeeze %dma_wait3A_868 : memref<1x128xi32, #tpu.memory_space<vmem>> -> memref<128xi32, #tpu.memory_space<vmem>>
    %dma_wait3A_870 = arith.constant 0 : i32
    %dma_wait3A_871 = arith.constant 0 : i32
    %dma_wait3A_872 = tpu.memref_slice %arg2[%dma_wait3A_870, %dma_wait3A_871] : memref<16384x64xf32, #tpu.memory_space<hbm>> -> memref<16384x64xf32, #tpu.memory_space<hbm>>
    tpu.wait_indirect_dma semaphore(%arg8 : memref<!tpu.dma_semaphore, #tpu.memory_space<semaphore_mem>>) src(%dma_wait3A_872 : memref<16384x64xf32, #tpu.memory_space<hbm>>) dst(%dma_wait3A_866 : memref<128x64xf32, #tpu.memory_space<vmem>>)
    %dma_wait3A_873 = arith.constant 37 : i32
    %dma_wait3A_874 = arith.constant 128 : i32
    %dma_wait3A_875 = arith.constant 0 : i32
    %dma_wait3A_876 = tpu.memref_slice %arg7[%dma_wait3A_874, %dma_wait3A_875] : memref<512x64xf32, #tpu.memory_space<vmem>> -> memref<128x64xf32, #tpu.memory_space<vmem>>
    %dma_wait3A_877 = arith.constant 0 : i32
    %dma_wait3A_878 = tpu.memref_slice %arg5[%dma_wait3A_873, %dma_wait3A_877] : memref<64x128xi32, #tpu.memory_space<vmem>> -> memref<1x128xi32, #tpu.memory_space<vmem>>
    %dma_wait3A_879 = tpu.memref_squeeze %dma_wait3A_878 : memref<1x128xi32, #tpu.memory_space<vmem>> -> memref<128xi32, #tpu.memory_space<vmem>>
    %dma_wait3A_880 = arith.constant 0 : i32
    %dma_wait3A_881 = arith.constant 0 : i32
    %dma_wait3A_882 = tpu.memref_slice %arg2[%dma_wait3A_880, %dma_wait3A_881] : memref<16384x64xf32, #tpu.memory_space<hbm>> -> memref<16384x64xf32, #tpu.memory_space<hbm>>
    tpu.wait_indirect_dma semaphore(%arg8 : memref<!tpu.dma_semaphore, #tpu.memory_space<semaphore_mem>>) src(%dma_wait3A_882 : memref<16384x64xf32, #tpu.memory_space<hbm>>) dst(%dma_wait3A_876 : memref<128x64xf32, #tpu.memory_space<vmem>>)
    %dma_wait3A_883 = arith.constant 38 : i32
    %dma_wait3A_884 = arith.constant 256 : i32
    %dma_wait3A_885 = arith.constant 0 : i32
    %dma_wait3A_886 = tpu.memref_slice %arg7[%dma_wait3A_884, %dma_wait3A_885] : memref<512x64xf32, #tpu.memory_space<vmem>> -> memref<128x64xf32, #tpu.memory_space<vmem>>
    %dma_wait3A_887 = arith.constant 0 : i32
    %dma_wait3A_888 = tpu.memref_slice %arg5[%dma_wait3A_883, %dma_wait3A_887] : memref<64x128xi32, #tpu.memory_space<vmem>> -> memref<1x128xi32, #tpu.memory_space<vmem>>
    %dma_wait3A_889 = tpu.memref_squeeze %dma_wait3A_888 : memref<1x128xi32, #tpu.memory_space<vmem>> -> memref<128xi32, #tpu.memory_space<vmem>>
    %dma_wait3A_890 = arith.constant 0 : i32
    %dma_wait3A_891 = arith.constant 0 : i32
    %dma_wait3A_892 = tpu.memref_slice %arg2[%dma_wait3A_890, %dma_wait3A_891] : memref<16384x64xf32, #tpu.memory_space<hbm>> -> memref<16384x64xf32, #tpu.memory_space<hbm>>
    tpu.wait_indirect_dma semaphore(%arg8 : memref<!tpu.dma_semaphore, #tpu.memory_space<semaphore_mem>>) src(%dma_wait3A_892 : memref<16384x64xf32, #tpu.memory_space<hbm>>) dst(%dma_wait3A_886 : memref<128x64xf32, #tpu.memory_space<vmem>>)
    %dma_wait3A_893 = arith.constant 39 : i32
    %dma_wait3A_894 = arith.constant 384 : i32
    %dma_wait3A_895 = arith.constant 0 : i32
    %dma_wait3A_896 = tpu.memref_slice %arg7[%dma_wait3A_894, %dma_wait3A_895] : memref<512x64xf32, #tpu.memory_space<vmem>> -> memref<128x64xf32, #tpu.memory_space<vmem>>
    %dma_wait3A_897 = arith.constant 0 : i32
    %dma_wait3A_898 = tpu.memref_slice %arg5[%dma_wait3A_893, %dma_wait3A_897] : memref<64x128xi32, #tpu.memory_space<vmem>> -> memref<1x128xi32, #tpu.memory_space<vmem>>
    %dma_wait3A_899 = tpu.memref_squeeze %dma_wait3A_898 : memref<1x128xi32, #tpu.memory_space<vmem>> -> memref<128xi32, #tpu.memory_space<vmem>>
    %dma_wait3A_900 = arith.constant 0 : i32
    %dma_wait3A_901 = arith.constant 0 : i32
    %dma_wait3A_902 = tpu.memref_slice %arg2[%dma_wait3A_900, %dma_wait3A_901] : memref<16384x64xf32, #tpu.memory_space<hbm>> -> memref<16384x64xf32, #tpu.memory_space<hbm>>
    tpu.wait_indirect_dma semaphore(%arg8 : memref<!tpu.dma_semaphore, #tpu.memory_space<semaphore_mem>>) src(%dma_wait3A_902 : memref<16384x64xf32, #tpu.memory_space<hbm>>) dst(%dma_wait3A_896 : memref<128x64xf32, #tpu.memory_space<vmem>>)
    %mul3A_903 = arith.constant 8192 : i32
    %mul3A_904 = arith.muli %add3A, %mul3A_903 : i32
    %add3A_905 = arith.constant 4608 : i32
    %add3A_906 = arith.addi %mul3A_904, %add3A_905 : i32
    %dma_start3A_907 = arith.constant 0 : i32
    %dma_start3A_908 = tpu.memref_slice %arg4[%add3A_906, %dma_start3A_907] : memref<262144x64xf32, #tpu.memory_space<hbm>> -> memref<512x64xf32, #tpu.memory_space<hbm>>
    %dma_start3A_909 = arith.constant 0 : i32
    %dma_start3A_910 = tpu.memref_slice %arg4[%add3A_906, %dma_start3A_909] : memref<262144x64xf32, #tpu.memory_space<hbm>> -> memref<512x64xf32, #tpu.memory_space<hbm>>
    tpu.enqueue_dma source(%arg7 : memref<512x64xf32, #tpu.memory_space<vmem>>) target(%dma_start3A_910 : memref<512x64xf32, #tpu.memory_space<hbm>>) target_semaphore(%arg9 : memref<!tpu.dma_semaphore, #tpu.memory_space<semaphore_mem>>)
    %dma_wait3A_911 = arith.constant 0 : i32
    %dma_wait3A_912 = tpu.memref_slice %arg4[%add3A_814, %dma_wait3A_911] : memref<262144x64xf32, #tpu.memory_space<hbm>> -> memref<512x64xf32, #tpu.memory_space<hbm>>
    %dma_wait3A_913 = arith.constant 0 : i32
    %dma_wait3A_914 = tpu.memref_slice %arg4[%add3A_814, %dma_wait3A_913] : memref<262144x64xf32, #tpu.memory_space<hbm>> -> memref<512x64xf32, #tpu.memory_space<hbm>>
    tpu.wait_dma2 semaphore(%arg9 : memref<!tpu.dma_semaphore, #tpu.memory_space<semaphore_mem>>) src(%arg6 : memref<512x64xf32, #tpu.memory_space<vmem>>) dst(%dma_wait3A_914 : memref<512x64xf32, #tpu.memory_space<hbm>>)
    %dma_start3A_915 = arith.constant 40 : i32
    %dma_start3A_916 = arith.constant 0 : i32
    %dma_start3A_917 = arith.constant 0 : i32
    %dma_start3A_918 = tpu.memref_slice %arg6[%dma_start3A_916, %dma_start3A_917] : memref<512x64xf32, #tpu.memory_space<vmem>> -> memref<128x64xf32, #tpu.memory_space<vmem>>
    %dma_start3A_919 = arith.constant 0 : i32
    %dma_start3A_920 = tpu.memref_slice %arg5[%dma_start3A_915, %dma_start3A_919] : memref<64x128xi32, #tpu.memory_space<vmem>> -> memref<1x128xi32, #tpu.memory_space<vmem>>
    %dma_start3A_921 = tpu.memref_squeeze %dma_start3A_920 : memref<1x128xi32, #tpu.memory_space<vmem>> -> memref<128xi32, #tpu.memory_space<vmem>>
    %dma_start3A_922 = arith.constant 0 : i32
    %dma_start3A_923 = arith.constant 0 : i32
    %dma_start3A_924 = tpu.memref_slice %arg2[%dma_start3A_922, %dma_start3A_923] : memref<16384x64xf32, #tpu.memory_space<hbm>> -> memref<16384x64xf32, #tpu.memory_space<hbm>>
    tpu.enqueue_indirect_dma source(%dma_start3A_924 : memref<16384x64xf32, #tpu.memory_space<hbm>>) target(%dma_start3A_918 : memref<128x64xf32, #tpu.memory_space<vmem>>) offsets(%dma_start3A_921 : memref<128xi32, #tpu.memory_space<vmem>>) semaphore(%arg8 : memref<!tpu.dma_semaphore, #tpu.memory_space<semaphore_mem>>)
    %dma_start3A_925 = arith.constant 41 : i32
    %dma_start3A_926 = arith.constant 128 : i32
    %dma_start3A_927 = arith.constant 0 : i32
    %dma_start3A_928 = tpu.memref_slice %arg6[%dma_start3A_926, %dma_start3A_927] : memref<512x64xf32, #tpu.memory_space<vmem>> -> memref<128x64xf32, #tpu.memory_space<vmem>>
    %dma_start3A_929 = arith.constant 0 : i32
    %dma_start3A_930 = tpu.memref_slice %arg5[%dma_start3A_925, %dma_start3A_929] : memref<64x128xi32, #tpu.memory_space<vmem>> -> memref<1x128xi32, #tpu.memory_space<vmem>>
    %dma_start3A_931 = tpu.memref_squeeze %dma_start3A_930 : memref<1x128xi32, #tpu.memory_space<vmem>> -> memref<128xi32, #tpu.memory_space<vmem>>
    %dma_start3A_932 = arith.constant 0 : i32
    %dma_start3A_933 = arith.constant 0 : i32
    %dma_start3A_934 = tpu.memref_slice %arg2[%dma_start3A_932, %dma_start3A_933] : memref<16384x64xf32, #tpu.memory_space<hbm>> -> memref<16384x64xf32, #tpu.memory_space<hbm>>
    tpu.enqueue_indirect_dma source(%dma_start3A_934 : memref<16384x64xf32, #tpu.memory_space<hbm>>) target(%dma_start3A_928 : memref<128x64xf32, #tpu.memory_space<vmem>>) offsets(%dma_start3A_931 : memref<128xi32, #tpu.memory_space<vmem>>) semaphore(%arg8 : memref<!tpu.dma_semaphore, #tpu.memory_space<semaphore_mem>>)
    %dma_start3A_935 = arith.constant 42 : i32
    %dma_start3A_936 = arith.constant 256 : i32
    %dma_start3A_937 = arith.constant 0 : i32
    %dma_start3A_938 = tpu.memref_slice %arg6[%dma_start3A_936, %dma_start3A_937] : memref<512x64xf32, #tpu.memory_space<vmem>> -> memref<128x64xf32, #tpu.memory_space<vmem>>
    %dma_start3A_939 = arith.constant 0 : i32
    %dma_start3A_940 = tpu.memref_slice %arg5[%dma_start3A_935, %dma_start3A_939] : memref<64x128xi32, #tpu.memory_space<vmem>> -> memref<1x128xi32, #tpu.memory_space<vmem>>
    %dma_start3A_941 = tpu.memref_squeeze %dma_start3A_940 : memref<1x128xi32, #tpu.memory_space<vmem>> -> memref<128xi32, #tpu.memory_space<vmem>>
    %dma_start3A_942 = arith.constant 0 : i32
    %dma_start3A_943 = arith.constant 0 : i32
    %dma_start3A_944 = tpu.memref_slice %arg2[%dma_start3A_942, %dma_start3A_943] : memref<16384x64xf32, #tpu.memory_space<hbm>> -> memref<16384x64xf32, #tpu.memory_space<hbm>>
    tpu.enqueue_indirect_dma source(%dma_start3A_944 : memref<16384x64xf32, #tpu.memory_space<hbm>>) target(%dma_start3A_938 : memref<128x64xf32, #tpu.memory_space<vmem>>) offsets(%dma_start3A_941 : memref<128xi32, #tpu.memory_space<vmem>>) semaphore(%arg8 : memref<!tpu.dma_semaphore, #tpu.memory_space<semaphore_mem>>)
    %dma_start3A_945 = arith.constant 43 : i32
    %dma_start3A_946 = arith.constant 384 : i32
    %dma_start3A_947 = arith.constant 0 : i32
    %dma_start3A_948 = tpu.memref_slice %arg6[%dma_start3A_946, %dma_start3A_947] : memref<512x64xf32, #tpu.memory_space<vmem>> -> memref<128x64xf32, #tpu.memory_space<vmem>>
    %dma_start3A_949 = arith.constant 0 : i32
    %dma_start3A_950 = tpu.memref_slice %arg5[%dma_start3A_945, %dma_start3A_949] : memref<64x128xi32, #tpu.memory_space<vmem>> -> memref<1x128xi32, #tpu.memory_space<vmem>>
    %dma_start3A_951 = tpu.memref_squeeze %dma_start3A_950 : memref<1x128xi32, #tpu.memory_space<vmem>> -> memref<128xi32, #tpu.memory_space<vmem>>
    %dma_start3A_952 = arith.constant 0 : i32
    %dma_start3A_953 = arith.constant 0 : i32
    %dma_start3A_954 = tpu.memref_slice %arg2[%dma_start3A_952, %dma_start3A_953] : memref<16384x64xf32, #tpu.memory_space<hbm>> -> memref<16384x64xf32, #tpu.memory_space<hbm>>
    tpu.enqueue_indirect_dma source(%dma_start3A_954 : memref<16384x64xf32, #tpu.memory_space<hbm>>) target(%dma_start3A_948 : memref<128x64xf32, #tpu.memory_space<vmem>>) offsets(%dma_start3A_951 : memref<128xi32, #tpu.memory_space<vmem>>) semaphore(%arg8 : memref<!tpu.dma_semaphore, #tpu.memory_space<semaphore_mem>>)
    %dma_wait3A_955 = arith.constant 40 : i32
    %dma_wait3A_956 = arith.constant 0 : i32
    %dma_wait3A_957 = arith.constant 0 : i32
    %dma_wait3A_958 = tpu.memref_slice %arg6[%dma_wait3A_956, %dma_wait3A_957] : memref<512x64xf32, #tpu.memory_space<vmem>> -> memref<128x64xf32, #tpu.memory_space<vmem>>
    %dma_wait3A_959 = arith.constant 0 : i32
    %dma_wait3A_960 = tpu.memref_slice %arg5[%dma_wait3A_955, %dma_wait3A_959] : memref<64x128xi32, #tpu.memory_space<vmem>> -> memref<1x128xi32, #tpu.memory_space<vmem>>
    %dma_wait3A_961 = tpu.memref_squeeze %dma_wait3A_960 : memref<1x128xi32, #tpu.memory_space<vmem>> -> memref<128xi32, #tpu.memory_space<vmem>>
    %dma_wait3A_962 = arith.constant 0 : i32
    %dma_wait3A_963 = arith.constant 0 : i32
    %dma_wait3A_964 = tpu.memref_slice %arg2[%dma_wait3A_962, %dma_wait3A_963] : memref<16384x64xf32, #tpu.memory_space<hbm>> -> memref<16384x64xf32, #tpu.memory_space<hbm>>
    tpu.wait_indirect_dma semaphore(%arg8 : memref<!tpu.dma_semaphore, #tpu.memory_space<semaphore_mem>>) src(%dma_wait3A_964 : memref<16384x64xf32, #tpu.memory_space<hbm>>) dst(%dma_wait3A_958 : memref<128x64xf32, #tpu.memory_space<vmem>>)
    %dma_wait3A_965 = arith.constant 41 : i32
    %dma_wait3A_966 = arith.constant 128 : i32
    %dma_wait3A_967 = arith.constant 0 : i32
    %dma_wait3A_968 = tpu.memref_slice %arg6[%dma_wait3A_966, %dma_wait3A_967] : memref<512x64xf32, #tpu.memory_space<vmem>> -> memref<128x64xf32, #tpu.memory_space<vmem>>
    %dma_wait3A_969 = arith.constant 0 : i32
    %dma_wait3A_970 = tpu.memref_slice %arg5[%dma_wait3A_965, %dma_wait3A_969] : memref<64x128xi32, #tpu.memory_space<vmem>> -> memref<1x128xi32, #tpu.memory_space<vmem>>
    %dma_wait3A_971 = tpu.memref_squeeze %dma_wait3A_970 : memref<1x128xi32, #tpu.memory_space<vmem>> -> memref<128xi32, #tpu.memory_space<vmem>>
    %dma_wait3A_972 = arith.constant 0 : i32
    %dma_wait3A_973 = arith.constant 0 : i32
    %dma_wait3A_974 = tpu.memref_slice %arg2[%dma_wait3A_972, %dma_wait3A_973] : memref<16384x64xf32, #tpu.memory_space<hbm>> -> memref<16384x64xf32, #tpu.memory_space<hbm>>
    tpu.wait_indirect_dma semaphore(%arg8 : memref<!tpu.dma_semaphore, #tpu.memory_space<semaphore_mem>>) src(%dma_wait3A_974 : memref<16384x64xf32, #tpu.memory_space<hbm>>) dst(%dma_wait3A_968 : memref<128x64xf32, #tpu.memory_space<vmem>>)
    %dma_wait3A_975 = arith.constant 42 : i32
    %dma_wait3A_976 = arith.constant 256 : i32
    %dma_wait3A_977 = arith.constant 0 : i32
    %dma_wait3A_978 = tpu.memref_slice %arg6[%dma_wait3A_976, %dma_wait3A_977] : memref<512x64xf32, #tpu.memory_space<vmem>> -> memref<128x64xf32, #tpu.memory_space<vmem>>
    %dma_wait3A_979 = arith.constant 0 : i32
    %dma_wait3A_980 = tpu.memref_slice %arg5[%dma_wait3A_975, %dma_wait3A_979] : memref<64x128xi32, #tpu.memory_space<vmem>> -> memref<1x128xi32, #tpu.memory_space<vmem>>
    %dma_wait3A_981 = tpu.memref_squeeze %dma_wait3A_980 : memref<1x128xi32, #tpu.memory_space<vmem>> -> memref<128xi32, #tpu.memory_space<vmem>>
    %dma_wait3A_982 = arith.constant 0 : i32
    %dma_wait3A_983 = arith.constant 0 : i32
    %dma_wait3A_984 = tpu.memref_slice %arg2[%dma_wait3A_982, %dma_wait3A_983] : memref<16384x64xf32, #tpu.memory_space<hbm>> -> memref<16384x64xf32, #tpu.memory_space<hbm>>
    tpu.wait_indirect_dma semaphore(%arg8 : memref<!tpu.dma_semaphore, #tpu.memory_space<semaphore_mem>>) src(%dma_wait3A_984 : memref<16384x64xf32, #tpu.memory_space<hbm>>) dst(%dma_wait3A_978 : memref<128x64xf32, #tpu.memory_space<vmem>>)
    %dma_wait3A_985 = arith.constant 43 : i32
    %dma_wait3A_986 = arith.constant 384 : i32
    %dma_wait3A_987 = arith.constant 0 : i32
    %dma_wait3A_988 = tpu.memref_slice %arg6[%dma_wait3A_986, %dma_wait3A_987] : memref<512x64xf32, #tpu.memory_space<vmem>> -> memref<128x64xf32, #tpu.memory_space<vmem>>
    %dma_wait3A_989 = arith.constant 0 : i32
    %dma_wait3A_990 = tpu.memref_slice %arg5[%dma_wait3A_985, %dma_wait3A_989] : memref<64x128xi32, #tpu.memory_space<vmem>> -> memref<1x128xi32, #tpu.memory_space<vmem>>
    %dma_wait3A_991 = tpu.memref_squeeze %dma_wait3A_990 : memref<1x128xi32, #tpu.memory_space<vmem>> -> memref<128xi32, #tpu.memory_space<vmem>>
    %dma_wait3A_992 = arith.constant 0 : i32
    %dma_wait3A_993 = arith.constant 0 : i32
    %dma_wait3A_994 = tpu.memref_slice %arg2[%dma_wait3A_992, %dma_wait3A_993] : memref<16384x64xf32, #tpu.memory_space<hbm>> -> memref<16384x64xf32, #tpu.memory_space<hbm>>
    tpu.wait_indirect_dma semaphore(%arg8 : memref<!tpu.dma_semaphore, #tpu.memory_space<semaphore_mem>>) src(%dma_wait3A_994 : memref<16384x64xf32, #tpu.memory_space<hbm>>) dst(%dma_wait3A_988 : memref<128x64xf32, #tpu.memory_space<vmem>>)
    %mul3A_995 = arith.constant 8192 : i32
    %mul3A_996 = arith.muli %add3A, %mul3A_995 : i32
    %add3A_997 = arith.constant 5120 : i32
    %add3A_998 = arith.addi %mul3A_996, %add3A_997 : i32
    %dma_start3A_999 = arith.constant 0 : i32
    %dma_start3A_1000 = tpu.memref_slice %arg4[%add3A_998, %dma_start3A_999] : memref<262144x64xf32, #tpu.memory_space<hbm>> -> memref<512x64xf32, #tpu.memory_space<hbm>>
    %dma_start3A_1001 = arith.constant 0 : i32
    %dma_start3A_1002 = tpu.memref_slice %arg4[%add3A_998, %dma_start3A_1001] : memref<262144x64xf32, #tpu.memory_space<hbm>> -> memref<512x64xf32, #tpu.memory_space<hbm>>
    tpu.enqueue_dma source(%arg6 : memref<512x64xf32, #tpu.memory_space<vmem>>) target(%dma_start3A_1002 : memref<512x64xf32, #tpu.memory_space<hbm>>) target_semaphore(%arg9 : memref<!tpu.dma_semaphore, #tpu.memory_space<semaphore_mem>>)
    %dma_wait3A_1003 = arith.constant 0 : i32
    %dma_wait3A_1004 = tpu.memref_slice %arg4[%add3A_906, %dma_wait3A_1003] : memref<262144x64xf32, #tpu.memory_space<hbm>> -> memref<512x64xf32, #tpu.memory_space<hbm>>
    %dma_wait3A_1005 = arith.constant 0 : i32
    %dma_wait3A_1006 = tpu.memref_slice %arg4[%add3A_906, %dma_wait3A_1005] : memref<262144x64xf32, #tpu.memory_space<hbm>> -> memref<512x64xf32, #tpu.memory_space<hbm>>
    tpu.wait_dma2 semaphore(%arg9 : memref<!tpu.dma_semaphore, #tpu.memory_space<semaphore_mem>>) src(%arg7 : memref<512x64xf32, #tpu.memory_space<vmem>>) dst(%dma_wait3A_1006 : memref<512x64xf32, #tpu.memory_space<hbm>>)
    %dma_start3A_1007 = arith.constant 44 : i32
    %dma_start3A_1008 = arith.constant 0 : i32
    %dma_start3A_1009 = arith.constant 0 : i32
    %dma_start3A_1010 = tpu.memref_slice %arg7[%dma_start3A_1008, %dma_start3A_1009] : memref<512x64xf32, #tpu.memory_space<vmem>> -> memref<128x64xf32, #tpu.memory_space<vmem>>
    %dma_start3A_1011 = arith.constant 0 : i32
    %dma_start3A_1012 = tpu.memref_slice %arg5[%dma_start3A_1007, %dma_start3A_1011] : memref<64x128xi32, #tpu.memory_space<vmem>> -> memref<1x128xi32, #tpu.memory_space<vmem>>
    %dma_start3A_1013 = tpu.memref_squeeze %dma_start3A_1012 : memref<1x128xi32, #tpu.memory_space<vmem>> -> memref<128xi32, #tpu.memory_space<vmem>>
    %dma_start3A_1014 = arith.constant 0 : i32
    %dma_start3A_1015 = arith.constant 0 : i32
    %dma_start3A_1016 = tpu.memref_slice %arg2[%dma_start3A_1014, %dma_start3A_1015] : memref<16384x64xf32, #tpu.memory_space<hbm>> -> memref<16384x64xf32, #tpu.memory_space<hbm>>
    tpu.enqueue_indirect_dma source(%dma_start3A_1016 : memref<16384x64xf32, #tpu.memory_space<hbm>>) target(%dma_start3A_1010 : memref<128x64xf32, #tpu.memory_space<vmem>>) offsets(%dma_start3A_1013 : memref<128xi32, #tpu.memory_space<vmem>>) semaphore(%arg8 : memref<!tpu.dma_semaphore, #tpu.memory_space<semaphore_mem>>)
    %dma_start3A_1017 = arith.constant 45 : i32
    %dma_start3A_1018 = arith.constant 128 : i32
    %dma_start3A_1019 = arith.constant 0 : i32
    %dma_start3A_1020 = tpu.memref_slice %arg7[%dma_start3A_1018, %dma_start3A_1019] : memref<512x64xf32, #tpu.memory_space<vmem>> -> memref<128x64xf32, #tpu.memory_space<vmem>>
    %dma_start3A_1021 = arith.constant 0 : i32
    %dma_start3A_1022 = tpu.memref_slice %arg5[%dma_start3A_1017, %dma_start3A_1021] : memref<64x128xi32, #tpu.memory_space<vmem>> -> memref<1x128xi32, #tpu.memory_space<vmem>>
    %dma_start3A_1023 = tpu.memref_squeeze %dma_start3A_1022 : memref<1x128xi32, #tpu.memory_space<vmem>> -> memref<128xi32, #tpu.memory_space<vmem>>
    %dma_start3A_1024 = arith.constant 0 : i32
    %dma_start3A_1025 = arith.constant 0 : i32
    %dma_start3A_1026 = tpu.memref_slice %arg2[%dma_start3A_1024, %dma_start3A_1025] : memref<16384x64xf32, #tpu.memory_space<hbm>> -> memref<16384x64xf32, #tpu.memory_space<hbm>>
    tpu.enqueue_indirect_dma source(%dma_start3A_1026 : memref<16384x64xf32, #tpu.memory_space<hbm>>) target(%dma_start3A_1020 : memref<128x64xf32, #tpu.memory_space<vmem>>) offsets(%dma_start3A_1023 : memref<128xi32, #tpu.memory_space<vmem>>) semaphore(%arg8 : memref<!tpu.dma_semaphore, #tpu.memory_space<semaphore_mem>>)
    %dma_start3A_1027 = arith.constant 46 : i32
    %dma_start3A_1028 = arith.constant 256 : i32
    %dma_start3A_1029 = arith.constant 0 : i32
    %dma_start3A_1030 = tpu.memref_slice %arg7[%dma_start3A_1028, %dma_start3A_1029] : memref<512x64xf32, #tpu.memory_space<vmem>> -> memref<128x64xf32, #tpu.memory_space<vmem>>
    %dma_start3A_1031 = arith.constant 0 : i32
    %dma_start3A_1032 = tpu.memref_slice %arg5[%dma_start3A_1027, %dma_start3A_1031] : memref<64x128xi32, #tpu.memory_space<vmem>> -> memref<1x128xi32, #tpu.memory_space<vmem>>
    %dma_start3A_1033 = tpu.memref_squeeze %dma_start3A_1032 : memref<1x128xi32, #tpu.memory_space<vmem>> -> memref<128xi32, #tpu.memory_space<vmem>>
    %dma_start3A_1034 = arith.constant 0 : i32
    %dma_start3A_1035 = arith.constant 0 : i32
    %dma_start3A_1036 = tpu.memref_slice %arg2[%dma_start3A_1034, %dma_start3A_1035] : memref<16384x64xf32, #tpu.memory_space<hbm>> -> memref<16384x64xf32, #tpu.memory_space<hbm>>
    tpu.enqueue_indirect_dma source(%dma_start3A_1036 : memref<16384x64xf32, #tpu.memory_space<hbm>>) target(%dma_start3A_1030 : memref<128x64xf32, #tpu.memory_space<vmem>>) offsets(%dma_start3A_1033 : memref<128xi32, #tpu.memory_space<vmem>>) semaphore(%arg8 : memref<!tpu.dma_semaphore, #tpu.memory_space<semaphore_mem>>)
    %dma_start3A_1037 = arith.constant 47 : i32
    %dma_start3A_1038 = arith.constant 384 : i32
    %dma_start3A_1039 = arith.constant 0 : i32
    %dma_start3A_1040 = tpu.memref_slice %arg7[%dma_start3A_1038, %dma_start3A_1039] : memref<512x64xf32, #tpu.memory_space<vmem>> -> memref<128x64xf32, #tpu.memory_space<vmem>>
    %dma_start3A_1041 = arith.constant 0 : i32
    %dma_start3A_1042 = tpu.memref_slice %arg5[%dma_start3A_1037, %dma_start3A_1041] : memref<64x128xi32, #tpu.memory_space<vmem>> -> memref<1x128xi32, #tpu.memory_space<vmem>>
    %dma_start3A_1043 = tpu.memref_squeeze %dma_start3A_1042 : memref<1x128xi32, #tpu.memory_space<vmem>> -> memref<128xi32, #tpu.memory_space<vmem>>
    %dma_start3A_1044 = arith.constant 0 : i32
    %dma_start3A_1045 = arith.constant 0 : i32
    %dma_start3A_1046 = tpu.memref_slice %arg2[%dma_start3A_1044, %dma_start3A_1045] : memref<16384x64xf32, #tpu.memory_space<hbm>> -> memref<16384x64xf32, #tpu.memory_space<hbm>>
    tpu.enqueue_indirect_dma source(%dma_start3A_1046 : memref<16384x64xf32, #tpu.memory_space<hbm>>) target(%dma_start3A_1040 : memref<128x64xf32, #tpu.memory_space<vmem>>) offsets(%dma_start3A_1043 : memref<128xi32, #tpu.memory_space<vmem>>) semaphore(%arg8 : memref<!tpu.dma_semaphore, #tpu.memory_space<semaphore_mem>>)
    %dma_wait3A_1047 = arith.constant 44 : i32
    %dma_wait3A_1048 = arith.constant 0 : i32
    %dma_wait3A_1049 = arith.constant 0 : i32
    %dma_wait3A_1050 = tpu.memref_slice %arg7[%dma_wait3A_1048, %dma_wait3A_1049] : memref<512x64xf32, #tpu.memory_space<vmem>> -> memref<128x64xf32, #tpu.memory_space<vmem>>
    %dma_wait3A_1051 = arith.constant 0 : i32
    %dma_wait3A_1052 = tpu.memref_slice %arg5[%dma_wait3A_1047, %dma_wait3A_1051] : memref<64x128xi32, #tpu.memory_space<vmem>> -> memref<1x128xi32, #tpu.memory_space<vmem>>
    %dma_wait3A_1053 = tpu.memref_squeeze %dma_wait3A_1052 : memref<1x128xi32, #tpu.memory_space<vmem>> -> memref<128xi32, #tpu.memory_space<vmem>>
    %dma_wait3A_1054 = arith.constant 0 : i32
    %dma_wait3A_1055 = arith.constant 0 : i32
    %dma_wait3A_1056 = tpu.memref_slice %arg2[%dma_wait3A_1054, %dma_wait3A_1055] : memref<16384x64xf32, #tpu.memory_space<hbm>> -> memref<16384x64xf32, #tpu.memory_space<hbm>>
    tpu.wait_indirect_dma semaphore(%arg8 : memref<!tpu.dma_semaphore, #tpu.memory_space<semaphore_mem>>) src(%dma_wait3A_1056 : memref<16384x64xf32, #tpu.memory_space<hbm>>) dst(%dma_wait3A_1050 : memref<128x64xf32, #tpu.memory_space<vmem>>)
    %dma_wait3A_1057 = arith.constant 45 : i32
    %dma_wait3A_1058 = arith.constant 128 : i32
    %dma_wait3A_1059 = arith.constant 0 : i32
    %dma_wait3A_1060 = tpu.memref_slice %arg7[%dma_wait3A_1058, %dma_wait3A_1059] : memref<512x64xf32, #tpu.memory_space<vmem>> -> memref<128x64xf32, #tpu.memory_space<vmem>>
    %dma_wait3A_1061 = arith.constant 0 : i32
    %dma_wait3A_1062 = tpu.memref_slice %arg5[%dma_wait3A_1057, %dma_wait3A_1061] : memref<64x128xi32, #tpu.memory_space<vmem>> -> memref<1x128xi32, #tpu.memory_space<vmem>>
    %dma_wait3A_1063 = tpu.memref_squeeze %dma_wait3A_1062 : memref<1x128xi32, #tpu.memory_space<vmem>> -> memref<128xi32, #tpu.memory_space<vmem>>
    %dma_wait3A_1064 = arith.constant 0 : i32
    %dma_wait3A_1065 = arith.constant 0 : i32
    %dma_wait3A_1066 = tpu.memref_slice %arg2[%dma_wait3A_1064, %dma_wait3A_1065] : memref<16384x64xf32, #tpu.memory_space<hbm>> -> memref<16384x64xf32, #tpu.memory_space<hbm>>
    tpu.wait_indirect_dma semaphore(%arg8 : memref<!tpu.dma_semaphore, #tpu.memory_space<semaphore_mem>>) src(%dma_wait3A_1066 : memref<16384x64xf32, #tpu.memory_space<hbm>>) dst(%dma_wait3A_1060 : memref<128x64xf32, #tpu.memory_space<vmem>>)
    %dma_wait3A_1067 = arith.constant 46 : i32
    %dma_wait3A_1068 = arith.constant 256 : i32
    %dma_wait3A_1069 = arith.constant 0 : i32
    %dma_wait3A_1070 = tpu.memref_slice %arg7[%dma_wait3A_1068, %dma_wait3A_1069] : memref<512x64xf32, #tpu.memory_space<vmem>> -> memref<128x64xf32, #tpu.memory_space<vmem>>
    %dma_wait3A_1071 = arith.constant 0 : i32
    %dma_wait3A_1072 = tpu.memref_slice %arg5[%dma_wait3A_1067, %dma_wait3A_1071] : memref<64x128xi32, #tpu.memory_space<vmem>> -> memref<1x128xi32, #tpu.memory_space<vmem>>
    %dma_wait3A_1073 = tpu.memref_squeeze %dma_wait3A_1072 : memref<1x128xi32, #tpu.memory_space<vmem>> -> memref<128xi32, #tpu.memory_space<vmem>>
    %dma_wait3A_1074 = arith.constant 0 : i32
    %dma_wait3A_1075 = arith.constant 0 : i32
    %dma_wait3A_1076 = tpu.memref_slice %arg2[%dma_wait3A_1074, %dma_wait3A_1075] : memref<16384x64xf32, #tpu.memory_space<hbm>> -> memref<16384x64xf32, #tpu.memory_space<hbm>>
    tpu.wait_indirect_dma semaphore(%arg8 : memref<!tpu.dma_semaphore, #tpu.memory_space<semaphore_mem>>) src(%dma_wait3A_1076 : memref<16384x64xf32, #tpu.memory_space<hbm>>) dst(%dma_wait3A_1070 : memref<128x64xf32, #tpu.memory_space<vmem>>)
    %dma_wait3A_1077 = arith.constant 47 : i32
    %dma_wait3A_1078 = arith.constant 384 : i32
    %dma_wait3A_1079 = arith.constant 0 : i32
    %dma_wait3A_1080 = tpu.memref_slice %arg7[%dma_wait3A_1078, %dma_wait3A_1079] : memref<512x64xf32, #tpu.memory_space<vmem>> -> memref<128x64xf32, #tpu.memory_space<vmem>>
    %dma_wait3A_1081 = arith.constant 0 : i32
    %dma_wait3A_1082 = tpu.memref_slice %arg5[%dma_wait3A_1077, %dma_wait3A_1081] : memref<64x128xi32, #tpu.memory_space<vmem>> -> memref<1x128xi32, #tpu.memory_space<vmem>>
    %dma_wait3A_1083 = tpu.memref_squeeze %dma_wait3A_1082 : memref<1x128xi32, #tpu.memory_space<vmem>> -> memref<128xi32, #tpu.memory_space<vmem>>
    %dma_wait3A_1084 = arith.constant 0 : i32
    %dma_wait3A_1085 = arith.constant 0 : i32
    %dma_wait3A_1086 = tpu.memref_slice %arg2[%dma_wait3A_1084, %dma_wait3A_1085] : memref<16384x64xf32, #tpu.memory_space<hbm>> -> memref<16384x64xf32, #tpu.memory_space<hbm>>
    tpu.wait_indirect_dma semaphore(%arg8 : memref<!tpu.dma_semaphore, #tpu.memory_space<semaphore_mem>>) src(%dma_wait3A_1086 : memref<16384x64xf32, #tpu.memory_space<hbm>>) dst(%dma_wait3A_1080 : memref<128x64xf32, #tpu.memory_space<vmem>>)
    %mul3A_1087 = arith.constant 8192 : i32
    %mul3A_1088 = arith.muli %add3A, %mul3A_1087 : i32
    %add3A_1089 = arith.constant 5632 : i32
    %add3A_1090 = arith.addi %mul3A_1088, %add3A_1089 : i32
    %dma_start3A_1091 = arith.constant 0 : i32
    %dma_start3A_1092 = tpu.memref_slice %arg4[%add3A_1090, %dma_start3A_1091] : memref<262144x64xf32, #tpu.memory_space<hbm>> -> memref<512x64xf32, #tpu.memory_space<hbm>>
    %dma_start3A_1093 = arith.constant 0 : i32
    %dma_start3A_1094 = tpu.memref_slice %arg4[%add3A_1090, %dma_start3A_1093] : memref<262144x64xf32, #tpu.memory_space<hbm>> -> memref<512x64xf32, #tpu.memory_space<hbm>>
    tpu.enqueue_dma source(%arg7 : memref<512x64xf32, #tpu.memory_space<vmem>>) target(%dma_start3A_1094 : memref<512x64xf32, #tpu.memory_space<hbm>>) target_semaphore(%arg9 : memref<!tpu.dma_semaphore, #tpu.memory_space<semaphore_mem>>)
    %dma_wait3A_1095 = arith.constant 0 : i32
    %dma_wait3A_1096 = tpu.memref_slice %arg4[%add3A_998, %dma_wait3A_1095] : memref<262144x64xf32, #tpu.memory_space<hbm>> -> memref<512x64xf32, #tpu.memory_space<hbm>>
    %dma_wait3A_1097 = arith.constant 0 : i32
    %dma_wait3A_1098 = tpu.memref_slice %arg4[%add3A_998, %dma_wait3A_1097] : memref<262144x64xf32, #tpu.memory_space<hbm>> -> memref<512x64xf32, #tpu.memory_space<hbm>>
    tpu.wait_dma2 semaphore(%arg9 : memref<!tpu.dma_semaphore, #tpu.memory_space<semaphore_mem>>) src(%arg6 : memref<512x64xf32, #tpu.memory_space<vmem>>) dst(%dma_wait3A_1098 : memref<512x64xf32, #tpu.memory_space<hbm>>)
    %dma_start3A_1099 = arith.constant 48 : i32
    %dma_start3A_1100 = arith.constant 0 : i32
    %dma_start3A_1101 = arith.constant 0 : i32
    %dma_start3A_1102 = tpu.memref_slice %arg6[%dma_start3A_1100, %dma_start3A_1101] : memref<512x64xf32, #tpu.memory_space<vmem>> -> memref<128x64xf32, #tpu.memory_space<vmem>>
    %dma_start3A_1103 = arith.constant 0 : i32
    %dma_start3A_1104 = tpu.memref_slice %arg5[%dma_start3A_1099, %dma_start3A_1103] : memref<64x128xi32, #tpu.memory_space<vmem>> -> memref<1x128xi32, #tpu.memory_space<vmem>>
    %dma_start3A_1105 = tpu.memref_squeeze %dma_start3A_1104 : memref<1x128xi32, #tpu.memory_space<vmem>> -> memref<128xi32, #tpu.memory_space<vmem>>
    %dma_start3A_1106 = arith.constant 0 : i32
    %dma_start3A_1107 = arith.constant 0 : i32
    %dma_start3A_1108 = tpu.memref_slice %arg2[%dma_start3A_1106, %dma_start3A_1107] : memref<16384x64xf32, #tpu.memory_space<hbm>> -> memref<16384x64xf32, #tpu.memory_space<hbm>>
    tpu.enqueue_indirect_dma source(%dma_start3A_1108 : memref<16384x64xf32, #tpu.memory_space<hbm>>) target(%dma_start3A_1102 : memref<128x64xf32, #tpu.memory_space<vmem>>) offsets(%dma_start3A_1105 : memref<128xi32, #tpu.memory_space<vmem>>) semaphore(%arg8 : memref<!tpu.dma_semaphore, #tpu.memory_space<semaphore_mem>>)
    %dma_start3A_1109 = arith.constant 49 : i32
    %dma_start3A_1110 = arith.constant 128 : i32
    %dma_start3A_1111 = arith.constant 0 : i32
    %dma_start3A_1112 = tpu.memref_slice %arg6[%dma_start3A_1110, %dma_start3A_1111] : memref<512x64xf32, #tpu.memory_space<vmem>> -> memref<128x64xf32, #tpu.memory_space<vmem>>
    %dma_start3A_1113 = arith.constant 0 : i32
    %dma_start3A_1114 = tpu.memref_slice %arg5[%dma_start3A_1109, %dma_start3A_1113] : memref<64x128xi32, #tpu.memory_space<vmem>> -> memref<1x128xi32, #tpu.memory_space<vmem>>
    %dma_start3A_1115 = tpu.memref_squeeze %dma_start3A_1114 : memref<1x128xi32, #tpu.memory_space<vmem>> -> memref<128xi32, #tpu.memory_space<vmem>>
    %dma_start3A_1116 = arith.constant 0 : i32
    %dma_start3A_1117 = arith.constant 0 : i32
    %dma_start3A_1118 = tpu.memref_slice %arg2[%dma_start3A_1116, %dma_start3A_1117] : memref<16384x64xf32, #tpu.memory_space<hbm>> -> memref<16384x64xf32, #tpu.memory_space<hbm>>
    tpu.enqueue_indirect_dma source(%dma_start3A_1118 : memref<16384x64xf32, #tpu.memory_space<hbm>>) target(%dma_start3A_1112 : memref<128x64xf32, #tpu.memory_space<vmem>>) offsets(%dma_start3A_1115 : memref<128xi32, #tpu.memory_space<vmem>>) semaphore(%arg8 : memref<!tpu.dma_semaphore, #tpu.memory_space<semaphore_mem>>)
    %dma_start3A_1119 = arith.constant 50 : i32
    %dma_start3A_1120 = arith.constant 256 : i32
    %dma_start3A_1121 = arith.constant 0 : i32
    %dma_start3A_1122 = tpu.memref_slice %arg6[%dma_start3A_1120, %dma_start3A_1121] : memref<512x64xf32, #tpu.memory_space<vmem>> -> memref<128x64xf32, #tpu.memory_space<vmem>>
    %dma_start3A_1123 = arith.constant 0 : i32
    %dma_start3A_1124 = tpu.memref_slice %arg5[%dma_start3A_1119, %dma_start3A_1123] : memref<64x128xi32, #tpu.memory_space<vmem>> -> memref<1x128xi32, #tpu.memory_space<vmem>>
    %dma_start3A_1125 = tpu.memref_squeeze %dma_start3A_1124 : memref<1x128xi32, #tpu.memory_space<vmem>> -> memref<128xi32, #tpu.memory_space<vmem>>
    %dma_start3A_1126 = arith.constant 0 : i32
    %dma_start3A_1127 = arith.constant 0 : i32
    %dma_start3A_1128 = tpu.memref_slice %arg2[%dma_start3A_1126, %dma_start3A_1127] : memref<16384x64xf32, #tpu.memory_space<hbm>> -> memref<16384x64xf32, #tpu.memory_space<hbm>>
    tpu.enqueue_indirect_dma source(%dma_start3A_1128 : memref<16384x64xf32, #tpu.memory_space<hbm>>) target(%dma_start3A_1122 : memref<128x64xf32, #tpu.memory_space<vmem>>) offsets(%dma_start3A_1125 : memref<128xi32, #tpu.memory_space<vmem>>) semaphore(%arg8 : memref<!tpu.dma_semaphore, #tpu.memory_space<semaphore_mem>>)
    %dma_start3A_1129 = arith.constant 51 : i32
    %dma_start3A_1130 = arith.constant 384 : i32
    %dma_start3A_1131 = arith.constant 0 : i32
    %dma_start3A_1132 = tpu.memref_slice %arg6[%dma_start3A_1130, %dma_start3A_1131] : memref<512x64xf32, #tpu.memory_space<vmem>> -> memref<128x64xf32, #tpu.memory_space<vmem>>
    %dma_start3A_1133 = arith.constant 0 : i32
    %dma_start3A_1134 = tpu.memref_slice %arg5[%dma_start3A_1129, %dma_start3A_1133] : memref<64x128xi32, #tpu.memory_space<vmem>> -> memref<1x128xi32, #tpu.memory_space<vmem>>
    %dma_start3A_1135 = tpu.memref_squeeze %dma_start3A_1134 : memref<1x128xi32, #tpu.memory_space<vmem>> -> memref<128xi32, #tpu.memory_space<vmem>>
    %dma_start3A_1136 = arith.constant 0 : i32
    %dma_start3A_1137 = arith.constant 0 : i32
    %dma_start3A_1138 = tpu.memref_slice %arg2[%dma_start3A_1136, %dma_start3A_1137] : memref<16384x64xf32, #tpu.memory_space<hbm>> -> memref<16384x64xf32, #tpu.memory_space<hbm>>
    tpu.enqueue_indirect_dma source(%dma_start3A_1138 : memref<16384x64xf32, #tpu.memory_space<hbm>>) target(%dma_start3A_1132 : memref<128x64xf32, #tpu.memory_space<vmem>>) offsets(%dma_start3A_1135 : memref<128xi32, #tpu.memory_space<vmem>>) semaphore(%arg8 : memref<!tpu.dma_semaphore, #tpu.memory_space<semaphore_mem>>)
    %dma_wait3A_1139 = arith.constant 48 : i32
    %dma_wait3A_1140 = arith.constant 0 : i32
    %dma_wait3A_1141 = arith.constant 0 : i32
    %dma_wait3A_1142 = tpu.memref_slice %arg6[%dma_wait3A_1140, %dma_wait3A_1141] : memref<512x64xf32, #tpu.memory_space<vmem>> -> memref<128x64xf32, #tpu.memory_space<vmem>>
    %dma_wait3A_1143 = arith.constant 0 : i32
    %dma_wait3A_1144 = tpu.memref_slice %arg5[%dma_wait3A_1139, %dma_wait3A_1143] : memref<64x128xi32, #tpu.memory_space<vmem>> -> memref<1x128xi32, #tpu.memory_space<vmem>>
    %dma_wait3A_1145 = tpu.memref_squeeze %dma_wait3A_1144 : memref<1x128xi32, #tpu.memory_space<vmem>> -> memref<128xi32, #tpu.memory_space<vmem>>
    %dma_wait3A_1146 = arith.constant 0 : i32
    %dma_wait3A_1147 = arith.constant 0 : i32
    %dma_wait3A_1148 = tpu.memref_slice %arg2[%dma_wait3A_1146, %dma_wait3A_1147] : memref<16384x64xf32, #tpu.memory_space<hbm>> -> memref<16384x64xf32, #tpu.memory_space<hbm>>
    tpu.wait_indirect_dma semaphore(%arg8 : memref<!tpu.dma_semaphore, #tpu.memory_space<semaphore_mem>>) src(%dma_wait3A_1148 : memref<16384x64xf32, #tpu.memory_space<hbm>>) dst(%dma_wait3A_1142 : memref<128x64xf32, #tpu.memory_space<vmem>>)
    %dma_wait3A_1149 = arith.constant 49 : i32
    %dma_wait3A_1150 = arith.constant 128 : i32
    %dma_wait3A_1151 = arith.constant 0 : i32
    %dma_wait3A_1152 = tpu.memref_slice %arg6[%dma_wait3A_1150, %dma_wait3A_1151] : memref<512x64xf32, #tpu.memory_space<vmem>> -> memref<128x64xf32, #tpu.memory_space<vmem>>
    %dma_wait3A_1153 = arith.constant 0 : i32
    %dma_wait3A_1154 = tpu.memref_slice %arg5[%dma_wait3A_1149, %dma_wait3A_1153] : memref<64x128xi32, #tpu.memory_space<vmem>> -> memref<1x128xi32, #tpu.memory_space<vmem>>
    %dma_wait3A_1155 = tpu.memref_squeeze %dma_wait3A_1154 : memref<1x128xi32, #tpu.memory_space<vmem>> -> memref<128xi32, #tpu.memory_space<vmem>>
    %dma_wait3A_1156 = arith.constant 0 : i32
    %dma_wait3A_1157 = arith.constant 0 : i32
    %dma_wait3A_1158 = tpu.memref_slice %arg2[%dma_wait3A_1156, %dma_wait3A_1157] : memref<16384x64xf32, #tpu.memory_space<hbm>> -> memref<16384x64xf32, #tpu.memory_space<hbm>>
    tpu.wait_indirect_dma semaphore(%arg8 : memref<!tpu.dma_semaphore, #tpu.memory_space<semaphore_mem>>) src(%dma_wait3A_1158 : memref<16384x64xf32, #tpu.memory_space<hbm>>) dst(%dma_wait3A_1152 : memref<128x64xf32, #tpu.memory_space<vmem>>)
    %dma_wait3A_1159 = arith.constant 50 : i32
    %dma_wait3A_1160 = arith.constant 256 : i32
    %dma_wait3A_1161 = arith.constant 0 : i32
    %dma_wait3A_1162 = tpu.memref_slice %arg6[%dma_wait3A_1160, %dma_wait3A_1161] : memref<512x64xf32, #tpu.memory_space<vmem>> -> memref<128x64xf32, #tpu.memory_space<vmem>>
    %dma_wait3A_1163 = arith.constant 0 : i32
    %dma_wait3A_1164 = tpu.memref_slice %arg5[%dma_wait3A_1159, %dma_wait3A_1163] : memref<64x128xi32, #tpu.memory_space<vmem>> -> memref<1x128xi32, #tpu.memory_space<vmem>>
    %dma_wait3A_1165 = tpu.memref_squeeze %dma_wait3A_1164 : memref<1x128xi32, #tpu.memory_space<vmem>> -> memref<128xi32, #tpu.memory_space<vmem>>
    %dma_wait3A_1166 = arith.constant 0 : i32
    %dma_wait3A_1167 = arith.constant 0 : i32
    %dma_wait3A_1168 = tpu.memref_slice %arg2[%dma_wait3A_1166, %dma_wait3A_1167] : memref<16384x64xf32, #tpu.memory_space<hbm>> -> memref<16384x64xf32, #tpu.memory_space<hbm>>
    tpu.wait_indirect_dma semaphore(%arg8 : memref<!tpu.dma_semaphore, #tpu.memory_space<semaphore_mem>>) src(%dma_wait3A_1168 : memref<16384x64xf32, #tpu.memory_space<hbm>>) dst(%dma_wait3A_1162 : memref<128x64xf32, #tpu.memory_space<vmem>>)
    %dma_wait3A_1169 = arith.constant 51 : i32
    %dma_wait3A_1170 = arith.constant 384 : i32
    %dma_wait3A_1171 = arith.constant 0 : i32
    %dma_wait3A_1172 = tpu.memref_slice %arg6[%dma_wait3A_1170, %dma_wait3A_1171] : memref<512x64xf32, #tpu.memory_space<vmem>> -> memref<128x64xf32, #tpu.memory_space<vmem>>
    %dma_wait3A_1173 = arith.constant 0 : i32
    %dma_wait3A_1174 = tpu.memref_slice %arg5[%dma_wait3A_1169, %dma_wait3A_1173] : memref<64x128xi32, #tpu.memory_space<vmem>> -> memref<1x128xi32, #tpu.memory_space<vmem>>
    %dma_wait3A_1175 = tpu.memref_squeeze %dma_wait3A_1174 : memref<1x128xi32, #tpu.memory_space<vmem>> -> memref<128xi32, #tpu.memory_space<vmem>>
    %dma_wait3A_1176 = arith.constant 0 : i32
    %dma_wait3A_1177 = arith.constant 0 : i32
    %dma_wait3A_1178 = tpu.memref_slice %arg2[%dma_wait3A_1176, %dma_wait3A_1177] : memref<16384x64xf32, #tpu.memory_space<hbm>> -> memref<16384x64xf32, #tpu.memory_space<hbm>>
    tpu.wait_indirect_dma semaphore(%arg8 : memref<!tpu.dma_semaphore, #tpu.memory_space<semaphore_mem>>) src(%dma_wait3A_1178 : memref<16384x64xf32, #tpu.memory_space<hbm>>) dst(%dma_wait3A_1172 : memref<128x64xf32, #tpu.memory_space<vmem>>)
    %mul3A_1179 = arith.constant 8192 : i32
    %mul3A_1180 = arith.muli %add3A, %mul3A_1179 : i32
    %add3A_1181 = arith.constant 6144 : i32
    %add3A_1182 = arith.addi %mul3A_1180, %add3A_1181 : i32
    %dma_start3A_1183 = arith.constant 0 : i32
    %dma_start3A_1184 = tpu.memref_slice %arg4[%add3A_1182, %dma_start3A_1183] : memref<262144x64xf32, #tpu.memory_space<hbm>> -> memref<512x64xf32, #tpu.memory_space<hbm>>
    %dma_start3A_1185 = arith.constant 0 : i32
    %dma_start3A_1186 = tpu.memref_slice %arg4[%add3A_1182, %dma_start3A_1185] : memref<262144x64xf32, #tpu.memory_space<hbm>> -> memref<512x64xf32, #tpu.memory_space<hbm>>
    tpu.enqueue_dma source(%arg6 : memref<512x64xf32, #tpu.memory_space<vmem>>) target(%dma_start3A_1186 : memref<512x64xf32, #tpu.memory_space<hbm>>) target_semaphore(%arg9 : memref<!tpu.dma_semaphore, #tpu.memory_space<semaphore_mem>>)
    %dma_wait3A_1187 = arith.constant 0 : i32
    %dma_wait3A_1188 = tpu.memref_slice %arg4[%add3A_1090, %dma_wait3A_1187] : memref<262144x64xf32, #tpu.memory_space<hbm>> -> memref<512x64xf32, #tpu.memory_space<hbm>>
    %dma_wait3A_1189 = arith.constant 0 : i32
    %dma_wait3A_1190 = tpu.memref_slice %arg4[%add3A_1090, %dma_wait3A_1189] : memref<262144x64xf32, #tpu.memory_space<hbm>> -> memref<512x64xf32, #tpu.memory_space<hbm>>
    tpu.wait_dma2 semaphore(%arg9 : memref<!tpu.dma_semaphore, #tpu.memory_space<semaphore_mem>>) src(%arg7 : memref<512x64xf32, #tpu.memory_space<vmem>>) dst(%dma_wait3A_1190 : memref<512x64xf32, #tpu.memory_space<hbm>>)
    %dma_start3A_1191 = arith.constant 52 : i32
    %dma_start3A_1192 = arith.constant 0 : i32
    %dma_start3A_1193 = arith.constant 0 : i32
    %dma_start3A_1194 = tpu.memref_slice %arg7[%dma_start3A_1192, %dma_start3A_1193] : memref<512x64xf32, #tpu.memory_space<vmem>> -> memref<128x64xf32, #tpu.memory_space<vmem>>
    %dma_start3A_1195 = arith.constant 0 : i32
    %dma_start3A_1196 = tpu.memref_slice %arg5[%dma_start3A_1191, %dma_start3A_1195] : memref<64x128xi32, #tpu.memory_space<vmem>> -> memref<1x128xi32, #tpu.memory_space<vmem>>
    %dma_start3A_1197 = tpu.memref_squeeze %dma_start3A_1196 : memref<1x128xi32, #tpu.memory_space<vmem>> -> memref<128xi32, #tpu.memory_space<vmem>>
    %dma_start3A_1198 = arith.constant 0 : i32
    %dma_start3A_1199 = arith.constant 0 : i32
    %dma_start3A_1200 = tpu.memref_slice %arg2[%dma_start3A_1198, %dma_start3A_1199] : memref<16384x64xf32, #tpu.memory_space<hbm>> -> memref<16384x64xf32, #tpu.memory_space<hbm>>
    tpu.enqueue_indirect_dma source(%dma_start3A_1200 : memref<16384x64xf32, #tpu.memory_space<hbm>>) target(%dma_start3A_1194 : memref<128x64xf32, #tpu.memory_space<vmem>>) offsets(%dma_start3A_1197 : memref<128xi32, #tpu.memory_space<vmem>>) semaphore(%arg8 : memref<!tpu.dma_semaphore, #tpu.memory_space<semaphore_mem>>)
    %dma_start3A_1201 = arith.constant 53 : i32
    %dma_start3A_1202 = arith.constant 128 : i32
    %dma_start3A_1203 = arith.constant 0 : i32
    %dma_start3A_1204 = tpu.memref_slice %arg7[%dma_start3A_1202, %dma_start3A_1203] : memref<512x64xf32, #tpu.memory_space<vmem>> -> memref<128x64xf32, #tpu.memory_space<vmem>>
    %dma_start3A_1205 = arith.constant 0 : i32
    %dma_start3A_1206 = tpu.memref_slice %arg5[%dma_start3A_1201, %dma_start3A_1205] : memref<64x128xi32, #tpu.memory_space<vmem>> -> memref<1x128xi32, #tpu.memory_space<vmem>>
    %dma_start3A_1207 = tpu.memref_squeeze %dma_start3A_1206 : memref<1x128xi32, #tpu.memory_space<vmem>> -> memref<128xi32, #tpu.memory_space<vmem>>
    %dma_start3A_1208 = arith.constant 0 : i32
    %dma_start3A_1209 = arith.constant 0 : i32
    %dma_start3A_1210 = tpu.memref_slice %arg2[%dma_start3A_1208, %dma_start3A_1209] : memref<16384x64xf32, #tpu.memory_space<hbm>> -> memref<16384x64xf32, #tpu.memory_space<hbm>>
    tpu.enqueue_indirect_dma source(%dma_start3A_1210 : memref<16384x64xf32, #tpu.memory_space<hbm>>) target(%dma_start3A_1204 : memref<128x64xf32, #tpu.memory_space<vmem>>) offsets(%dma_start3A_1207 : memref<128xi32, #tpu.memory_space<vmem>>) semaphore(%arg8 : memref<!tpu.dma_semaphore, #tpu.memory_space<semaphore_mem>>)
    %dma_start3A_1211 = arith.constant 54 : i32
    %dma_start3A_1212 = arith.constant 256 : i32
    %dma_start3A_1213 = arith.constant 0 : i32
    %dma_start3A_1214 = tpu.memref_slice %arg7[%dma_start3A_1212, %dma_start3A_1213] : memref<512x64xf32, #tpu.memory_space<vmem>> -> memref<128x64xf32, #tpu.memory_space<vmem>>
    %dma_start3A_1215 = arith.constant 0 : i32
    %dma_start3A_1216 = tpu.memref_slice %arg5[%dma_start3A_1211, %dma_start3A_1215] : memref<64x128xi32, #tpu.memory_space<vmem>> -> memref<1x128xi32, #tpu.memory_space<vmem>>
    %dma_start3A_1217 = tpu.memref_squeeze %dma_start3A_1216 : memref<1x128xi32, #tpu.memory_space<vmem>> -> memref<128xi32, #tpu.memory_space<vmem>>
    %dma_start3A_1218 = arith.constant 0 : i32
    %dma_start3A_1219 = arith.constant 0 : i32
    %dma_start3A_1220 = tpu.memref_slice %arg2[%dma_start3A_1218, %dma_start3A_1219] : memref<16384x64xf32, #tpu.memory_space<hbm>> -> memref<16384x64xf32, #tpu.memory_space<hbm>>
    tpu.enqueue_indirect_dma source(%dma_start3A_1220 : memref<16384x64xf32, #tpu.memory_space<hbm>>) target(%dma_start3A_1214 : memref<128x64xf32, #tpu.memory_space<vmem>>) offsets(%dma_start3A_1217 : memref<128xi32, #tpu.memory_space<vmem>>) semaphore(%arg8 : memref<!tpu.dma_semaphore, #tpu.memory_space<semaphore_mem>>)
    %dma_start3A_1221 = arith.constant 55 : i32
    %dma_start3A_1222 = arith.constant 384 : i32
    %dma_start3A_1223 = arith.constant 0 : i32
    %dma_start3A_1224 = tpu.memref_slice %arg7[%dma_start3A_1222, %dma_start3A_1223] : memref<512x64xf32, #tpu.memory_space<vmem>> -> memref<128x64xf32, #tpu.memory_space<vmem>>
    %dma_start3A_1225 = arith.constant 0 : i32
    %dma_start3A_1226 = tpu.memref_slice %arg5[%dma_start3A_1221, %dma_start3A_1225] : memref<64x128xi32, #tpu.memory_space<vmem>> -> memref<1x128xi32, #tpu.memory_space<vmem>>
    %dma_start3A_1227 = tpu.memref_squeeze %dma_start3A_1226 : memref<1x128xi32, #tpu.memory_space<vmem>> -> memref<128xi32, #tpu.memory_space<vmem>>
    %dma_start3A_1228 = arith.constant 0 : i32
    %dma_start3A_1229 = arith.constant 0 : i32
    %dma_start3A_1230 = tpu.memref_slice %arg2[%dma_start3A_1228, %dma_start3A_1229] : memref<16384x64xf32, #tpu.memory_space<hbm>> -> memref<16384x64xf32, #tpu.memory_space<hbm>>
    tpu.enqueue_indirect_dma source(%dma_start3A_1230 : memref<16384x64xf32, #tpu.memory_space<hbm>>) target(%dma_start3A_1224 : memref<128x64xf32, #tpu.memory_space<vmem>>) offsets(%dma_start3A_1227 : memref<128xi32, #tpu.memory_space<vmem>>) semaphore(%arg8 : memref<!tpu.dma_semaphore, #tpu.memory_space<semaphore_mem>>)
    %dma_wait3A_1231 = arith.constant 52 : i32
    %dma_wait3A_1232 = arith.constant 0 : i32
    %dma_wait3A_1233 = arith.constant 0 : i32
    %dma_wait3A_1234 = tpu.memref_slice %arg7[%dma_wait3A_1232, %dma_wait3A_1233] : memref<512x64xf32, #tpu.memory_space<vmem>> -> memref<128x64xf32, #tpu.memory_space<vmem>>
    %dma_wait3A_1235 = arith.constant 0 : i32
    %dma_wait3A_1236 = tpu.memref_slice %arg5[%dma_wait3A_1231, %dma_wait3A_1235] : memref<64x128xi32, #tpu.memory_space<vmem>> -> memref<1x128xi32, #tpu.memory_space<vmem>>
    %dma_wait3A_1237 = tpu.memref_squeeze %dma_wait3A_1236 : memref<1x128xi32, #tpu.memory_space<vmem>> -> memref<128xi32, #tpu.memory_space<vmem>>
    %dma_wait3A_1238 = arith.constant 0 : i32
    %dma_wait3A_1239 = arith.constant 0 : i32
    %dma_wait3A_1240 = tpu.memref_slice %arg2[%dma_wait3A_1238, %dma_wait3A_1239] : memref<16384x64xf32, #tpu.memory_space<hbm>> -> memref<16384x64xf32, #tpu.memory_space<hbm>>
    tpu.wait_indirect_dma semaphore(%arg8 : memref<!tpu.dma_semaphore, #tpu.memory_space<semaphore_mem>>) src(%dma_wait3A_1240 : memref<16384x64xf32, #tpu.memory_space<hbm>>) dst(%dma_wait3A_1234 : memref<128x64xf32, #tpu.memory_space<vmem>>)
    %dma_wait3A_1241 = arith.constant 53 : i32
    %dma_wait3A_1242 = arith.constant 128 : i32
    %dma_wait3A_1243 = arith.constant 0 : i32
    %dma_wait3A_1244 = tpu.memref_slice %arg7[%dma_wait3A_1242, %dma_wait3A_1243] : memref<512x64xf32, #tpu.memory_space<vmem>> -> memref<128x64xf32, #tpu.memory_space<vmem>>
    %dma_wait3A_1245 = arith.constant 0 : i32
    %dma_wait3A_1246 = tpu.memref_slice %arg5[%dma_wait3A_1241, %dma_wait3A_1245] : memref<64x128xi32, #tpu.memory_space<vmem>> -> memref<1x128xi32, #tpu.memory_space<vmem>>
    %dma_wait3A_1247 = tpu.memref_squeeze %dma_wait3A_1246 : memref<1x128xi32, #tpu.memory_space<vmem>> -> memref<128xi32, #tpu.memory_space<vmem>>
    %dma_wait3A_1248 = arith.constant 0 : i32
    %dma_wait3A_1249 = arith.constant 0 : i32
    %dma_wait3A_1250 = tpu.memref_slice %arg2[%dma_wait3A_1248, %dma_wait3A_1249] : memref<16384x64xf32, #tpu.memory_space<hbm>> -> memref<16384x64xf32, #tpu.memory_space<hbm>>
    tpu.wait_indirect_dma semaphore(%arg8 : memref<!tpu.dma_semaphore, #tpu.memory_space<semaphore_mem>>) src(%dma_wait3A_1250 : memref<16384x64xf32, #tpu.memory_space<hbm>>) dst(%dma_wait3A_1244 : memref<128x64xf32, #tpu.memory_space<vmem>>)
    %dma_wait3A_1251 = arith.constant 54 : i32
    %dma_wait3A_1252 = arith.constant 256 : i32
    %dma_wait3A_1253 = arith.constant 0 : i32
    %dma_wait3A_1254 = tpu.memref_slice %arg7[%dma_wait3A_1252, %dma_wait3A_1253] : memref<512x64xf32, #tpu.memory_space<vmem>> -> memref<128x64xf32, #tpu.memory_space<vmem>>
    %dma_wait3A_1255 = arith.constant 0 : i32
    %dma_wait3A_1256 = tpu.memref_slice %arg5[%dma_wait3A_1251, %dma_wait3A_1255] : memref<64x128xi32, #tpu.memory_space<vmem>> -> memref<1x128xi32, #tpu.memory_space<vmem>>
    %dma_wait3A_1257 = tpu.memref_squeeze %dma_wait3A_1256 : memref<1x128xi32, #tpu.memory_space<vmem>> -> memref<128xi32, #tpu.memory_space<vmem>>
    %dma_wait3A_1258 = arith.constant 0 : i32
    %dma_wait3A_1259 = arith.constant 0 : i32
    %dma_wait3A_1260 = tpu.memref_slice %arg2[%dma_wait3A_1258, %dma_wait3A_1259] : memref<16384x64xf32, #tpu.memory_space<hbm>> -> memref<16384x64xf32, #tpu.memory_space<hbm>>
    tpu.wait_indirect_dma semaphore(%arg8 : memref<!tpu.dma_semaphore, #tpu.memory_space<semaphore_mem>>) src(%dma_wait3A_1260 : memref<16384x64xf32, #tpu.memory_space<hbm>>) dst(%dma_wait3A_1254 : memref<128x64xf32, #tpu.memory_space<vmem>>)
    %dma_wait3A_1261 = arith.constant 55 : i32
    %dma_wait3A_1262 = arith.constant 384 : i32
    %dma_wait3A_1263 = arith.constant 0 : i32
    %dma_wait3A_1264 = tpu.memref_slice %arg7[%dma_wait3A_1262, %dma_wait3A_1263] : memref<512x64xf32, #tpu.memory_space<vmem>> -> memref<128x64xf32, #tpu.memory_space<vmem>>
    %dma_wait3A_1265 = arith.constant 0 : i32
    %dma_wait3A_1266 = tpu.memref_slice %arg5[%dma_wait3A_1261, %dma_wait3A_1265] : memref<64x128xi32, #tpu.memory_space<vmem>> -> memref<1x128xi32, #tpu.memory_space<vmem>>
    %dma_wait3A_1267 = tpu.memref_squeeze %dma_wait3A_1266 : memref<1x128xi32, #tpu.memory_space<vmem>> -> memref<128xi32, #tpu.memory_space<vmem>>
    %dma_wait3A_1268 = arith.constant 0 : i32
    %dma_wait3A_1269 = arith.constant 0 : i32
    %dma_wait3A_1270 = tpu.memref_slice %arg2[%dma_wait3A_1268, %dma_wait3A_1269] : memref<16384x64xf32, #tpu.memory_space<hbm>> -> memref<16384x64xf32, #tpu.memory_space<hbm>>
    tpu.wait_indirect_dma semaphore(%arg8 : memref<!tpu.dma_semaphore, #tpu.memory_space<semaphore_mem>>) src(%dma_wait3A_1270 : memref<16384x64xf32, #tpu.memory_space<hbm>>) dst(%dma_wait3A_1264 : memref<128x64xf32, #tpu.memory_space<vmem>>)
    %mul3A_1271 = arith.constant 8192 : i32
    %mul3A_1272 = arith.muli %add3A, %mul3A_1271 : i32
    %add3A_1273 = arith.constant 6656 : i32
    %add3A_1274 = arith.addi %mul3A_1272, %add3A_1273 : i32
    %dma_start3A_1275 = arith.constant 0 : i32
    %dma_start3A_1276 = tpu.memref_slice %arg4[%add3A_1274, %dma_start3A_1275] : memref<262144x64xf32, #tpu.memory_space<hbm>> -> memref<512x64xf32, #tpu.memory_space<hbm>>
    %dma_start3A_1277 = arith.constant 0 : i32
    %dma_start3A_1278 = tpu.memref_slice %arg4[%add3A_1274, %dma_start3A_1277] : memref<262144x64xf32, #tpu.memory_space<hbm>> -> memref<512x64xf32, #tpu.memory_space<hbm>>
    tpu.enqueue_dma source(%arg7 : memref<512x64xf32, #tpu.memory_space<vmem>>) target(%dma_start3A_1278 : memref<512x64xf32, #tpu.memory_space<hbm>>) target_semaphore(%arg9 : memref<!tpu.dma_semaphore, #tpu.memory_space<semaphore_mem>>)
    %dma_wait3A_1279 = arith.constant 0 : i32
    %dma_wait3A_1280 = tpu.memref_slice %arg4[%add3A_1182, %dma_wait3A_1279] : memref<262144x64xf32, #tpu.memory_space<hbm>> -> memref<512x64xf32, #tpu.memory_space<hbm>>
    %dma_wait3A_1281 = arith.constant 0 : i32
    %dma_wait3A_1282 = tpu.memref_slice %arg4[%add3A_1182, %dma_wait3A_1281] : memref<262144x64xf32, #tpu.memory_space<hbm>> -> memref<512x64xf32, #tpu.memory_space<hbm>>
    tpu.wait_dma2 semaphore(%arg9 : memref<!tpu.dma_semaphore, #tpu.memory_space<semaphore_mem>>) src(%arg6 : memref<512x64xf32, #tpu.memory_space<vmem>>) dst(%dma_wait3A_1282 : memref<512x64xf32, #tpu.memory_space<hbm>>)
    %dma_start3A_1283 = arith.constant 56 : i32
    %dma_start3A_1284 = arith.constant 0 : i32
    %dma_start3A_1285 = arith.constant 0 : i32
    %dma_start3A_1286 = tpu.memref_slice %arg6[%dma_start3A_1284, %dma_start3A_1285] : memref<512x64xf32, #tpu.memory_space<vmem>> -> memref<128x64xf32, #tpu.memory_space<vmem>>
    %dma_start3A_1287 = arith.constant 0 : i32
    %dma_start3A_1288 = tpu.memref_slice %arg5[%dma_start3A_1283, %dma_start3A_1287] : memref<64x128xi32, #tpu.memory_space<vmem>> -> memref<1x128xi32, #tpu.memory_space<vmem>>
    %dma_start3A_1289 = tpu.memref_squeeze %dma_start3A_1288 : memref<1x128xi32, #tpu.memory_space<vmem>> -> memref<128xi32, #tpu.memory_space<vmem>>
    %dma_start3A_1290 = arith.constant 0 : i32
    %dma_start3A_1291 = arith.constant 0 : i32
    %dma_start3A_1292 = tpu.memref_slice %arg2[%dma_start3A_1290, %dma_start3A_1291] : memref<16384x64xf32, #tpu.memory_space<hbm>> -> memref<16384x64xf32, #tpu.memory_space<hbm>>
    tpu.enqueue_indirect_dma source(%dma_start3A_1292 : memref<16384x64xf32, #tpu.memory_space<hbm>>) target(%dma_start3A_1286 : memref<128x64xf32, #tpu.memory_space<vmem>>) offsets(%dma_start3A_1289 : memref<128xi32, #tpu.memory_space<vmem>>) semaphore(%arg8 : memref<!tpu.dma_semaphore, #tpu.memory_space<semaphore_mem>>)
    %dma_start3A_1293 = arith.constant 57 : i32
    %dma_start3A_1294 = arith.constant 128 : i32
    %dma_start3A_1295 = arith.constant 0 : i32
    %dma_start3A_1296 = tpu.memref_slice %arg6[%dma_start3A_1294, %dma_start3A_1295] : memref<512x64xf32, #tpu.memory_space<vmem>> -> memref<128x64xf32, #tpu.memory_space<vmem>>
    %dma_start3A_1297 = arith.constant 0 : i32
    %dma_start3A_1298 = tpu.memref_slice %arg5[%dma_start3A_1293, %dma_start3A_1297] : memref<64x128xi32, #tpu.memory_space<vmem>> -> memref<1x128xi32, #tpu.memory_space<vmem>>
    %dma_start3A_1299 = tpu.memref_squeeze %dma_start3A_1298 : memref<1x128xi32, #tpu.memory_space<vmem>> -> memref<128xi32, #tpu.memory_space<vmem>>
    %dma_start3A_1300 = arith.constant 0 : i32
    %dma_start3A_1301 = arith.constant 0 : i32
    %dma_start3A_1302 = tpu.memref_slice %arg2[%dma_start3A_1300, %dma_start3A_1301] : memref<16384x64xf32, #tpu.memory_space<hbm>> -> memref<16384x64xf32, #tpu.memory_space<hbm>>
    tpu.enqueue_indirect_dma source(%dma_start3A_1302 : memref<16384x64xf32, #tpu.memory_space<hbm>>) target(%dma_start3A_1296 : memref<128x64xf32, #tpu.memory_space<vmem>>) offsets(%dma_start3A_1299 : memref<128xi32, #tpu.memory_space<vmem>>) semaphore(%arg8 : memref<!tpu.dma_semaphore, #tpu.memory_space<semaphore_mem>>)
    %dma_start3A_1303 = arith.constant 58 : i32
    %dma_start3A_1304 = arith.constant 256 : i32
    %dma_start3A_1305 = arith.constant 0 : i32
    %dma_start3A_1306 = tpu.memref_slice %arg6[%dma_start3A_1304, %dma_start3A_1305] : memref<512x64xf32, #tpu.memory_space<vmem>> -> memref<128x64xf32, #tpu.memory_space<vmem>>
    %dma_start3A_1307 = arith.constant 0 : i32
    %dma_start3A_1308 = tpu.memref_slice %arg5[%dma_start3A_1303, %dma_start3A_1307] : memref<64x128xi32, #tpu.memory_space<vmem>> -> memref<1x128xi32, #tpu.memory_space<vmem>>
    %dma_start3A_1309 = tpu.memref_squeeze %dma_start3A_1308 : memref<1x128xi32, #tpu.memory_space<vmem>> -> memref<128xi32, #tpu.memory_space<vmem>>
    %dma_start3A_1310 = arith.constant 0 : i32
    %dma_start3A_1311 = arith.constant 0 : i32
    %dma_start3A_1312 = tpu.memref_slice %arg2[%dma_start3A_1310, %dma_start3A_1311] : memref<16384x64xf32, #tpu.memory_space<hbm>> -> memref<16384x64xf32, #tpu.memory_space<hbm>>
    tpu.enqueue_indirect_dma source(%dma_start3A_1312 : memref<16384x64xf32, #tpu.memory_space<hbm>>) target(%dma_start3A_1306 : memref<128x64xf32, #tpu.memory_space<vmem>>) offsets(%dma_start3A_1309 : memref<128xi32, #tpu.memory_space<vmem>>) semaphore(%arg8 : memref<!tpu.dma_semaphore, #tpu.memory_space<semaphore_mem>>)
    %dma_start3A_1313 = arith.constant 59 : i32
    %dma_start3A_1314 = arith.constant 384 : i32
    %dma_start3A_1315 = arith.constant 0 : i32
    %dma_start3A_1316 = tpu.memref_slice %arg6[%dma_start3A_1314, %dma_start3A_1315] : memref<512x64xf32, #tpu.memory_space<vmem>> -> memref<128x64xf32, #tpu.memory_space<vmem>>
    %dma_start3A_1317 = arith.constant 0 : i32
    %dma_start3A_1318 = tpu.memref_slice %arg5[%dma_start3A_1313, %dma_start3A_1317] : memref<64x128xi32, #tpu.memory_space<vmem>> -> memref<1x128xi32, #tpu.memory_space<vmem>>
    %dma_start3A_1319 = tpu.memref_squeeze %dma_start3A_1318 : memref<1x128xi32, #tpu.memory_space<vmem>> -> memref<128xi32, #tpu.memory_space<vmem>>
    %dma_start3A_1320 = arith.constant 0 : i32
    %dma_start3A_1321 = arith.constant 0 : i32
    %dma_start3A_1322 = tpu.memref_slice %arg2[%dma_start3A_1320, %dma_start3A_1321] : memref<16384x64xf32, #tpu.memory_space<hbm>> -> memref<16384x64xf32, #tpu.memory_space<hbm>>
    tpu.enqueue_indirect_dma source(%dma_start3A_1322 : memref<16384x64xf32, #tpu.memory_space<hbm>>) target(%dma_start3A_1316 : memref<128x64xf32, #tpu.memory_space<vmem>>) offsets(%dma_start3A_1319 : memref<128xi32, #tpu.memory_space<vmem>>) semaphore(%arg8 : memref<!tpu.dma_semaphore, #tpu.memory_space<semaphore_mem>>)
    %dma_wait3A_1323 = arith.constant 56 : i32
    %dma_wait3A_1324 = arith.constant 0 : i32
    %dma_wait3A_1325 = arith.constant 0 : i32
    %dma_wait3A_1326 = tpu.memref_slice %arg6[%dma_wait3A_1324, %dma_wait3A_1325] : memref<512x64xf32, #tpu.memory_space<vmem>> -> memref<128x64xf32, #tpu.memory_space<vmem>>
    %dma_wait3A_1327 = arith.constant 0 : i32
    %dma_wait3A_1328 = tpu.memref_slice %arg5[%dma_wait3A_1323, %dma_wait3A_1327] : memref<64x128xi32, #tpu.memory_space<vmem>> -> memref<1x128xi32, #tpu.memory_space<vmem>>
    %dma_wait3A_1329 = tpu.memref_squeeze %dma_wait3A_1328 : memref<1x128xi32, #tpu.memory_space<vmem>> -> memref<128xi32, #tpu.memory_space<vmem>>
    %dma_wait3A_1330 = arith.constant 0 : i32
    %dma_wait3A_1331 = arith.constant 0 : i32
    %dma_wait3A_1332 = tpu.memref_slice %arg2[%dma_wait3A_1330, %dma_wait3A_1331] : memref<16384x64xf32, #tpu.memory_space<hbm>> -> memref<16384x64xf32, #tpu.memory_space<hbm>>
    tpu.wait_indirect_dma semaphore(%arg8 : memref<!tpu.dma_semaphore, #tpu.memory_space<semaphore_mem>>) src(%dma_wait3A_1332 : memref<16384x64xf32, #tpu.memory_space<hbm>>) dst(%dma_wait3A_1326 : memref<128x64xf32, #tpu.memory_space<vmem>>)
    %dma_wait3A_1333 = arith.constant 57 : i32
    %dma_wait3A_1334 = arith.constant 128 : i32
    %dma_wait3A_1335 = arith.constant 0 : i32
    %dma_wait3A_1336 = tpu.memref_slice %arg6[%dma_wait3A_1334, %dma_wait3A_1335] : memref<512x64xf32, #tpu.memory_space<vmem>> -> memref<128x64xf32, #tpu.memory_space<vmem>>
    %dma_wait3A_1337 = arith.constant 0 : i32
    %dma_wait3A_1338 = tpu.memref_slice %arg5[%dma_wait3A_1333, %dma_wait3A_1337] : memref<64x128xi32, #tpu.memory_space<vmem>> -> memref<1x128xi32, #tpu.memory_space<vmem>>
    %dma_wait3A_1339 = tpu.memref_squeeze %dma_wait3A_1338 : memref<1x128xi32, #tpu.memory_space<vmem>> -> memref<128xi32, #tpu.memory_space<vmem>>
    %dma_wait3A_1340 = arith.constant 0 : i32
    %dma_wait3A_1341 = arith.constant 0 : i32
    %dma_wait3A_1342 = tpu.memref_slice %arg2[%dma_wait3A_1340, %dma_wait3A_1341] : memref<16384x64xf32, #tpu.memory_space<hbm>> -> memref<16384x64xf32, #tpu.memory_space<hbm>>
    tpu.wait_indirect_dma semaphore(%arg8 : memref<!tpu.dma_semaphore, #tpu.memory_space<semaphore_mem>>) src(%dma_wait3A_1342 : memref<16384x64xf32, #tpu.memory_space<hbm>>) dst(%dma_wait3A_1336 : memref<128x64xf32, #tpu.memory_space<vmem>>)
    %dma_wait3A_1343 = arith.constant 58 : i32
    %dma_wait3A_1344 = arith.constant 256 : i32
    %dma_wait3A_1345 = arith.constant 0 : i32
    %dma_wait3A_1346 = tpu.memref_slice %arg6[%dma_wait3A_1344, %dma_wait3A_1345] : memref<512x64xf32, #tpu.memory_space<vmem>> -> memref<128x64xf32, #tpu.memory_space<vmem>>
    %dma_wait3A_1347 = arith.constant 0 : i32
    %dma_wait3A_1348 = tpu.memref_slice %arg5[%dma_wait3A_1343, %dma_wait3A_1347] : memref<64x128xi32, #tpu.memory_space<vmem>> -> memref<1x128xi32, #tpu.memory_space<vmem>>
    %dma_wait3A_1349 = tpu.memref_squeeze %dma_wait3A_1348 : memref<1x128xi32, #tpu.memory_space<vmem>> -> memref<128xi32, #tpu.memory_space<vmem>>
    %dma_wait3A_1350 = arith.constant 0 : i32
    %dma_wait3A_1351 = arith.constant 0 : i32
    %dma_wait3A_1352 = tpu.memref_slice %arg2[%dma_wait3A_1350, %dma_wait3A_1351] : memref<16384x64xf32, #tpu.memory_space<hbm>> -> memref<16384x64xf32, #tpu.memory_space<hbm>>
    tpu.wait_indirect_dma semaphore(%arg8 : memref<!tpu.dma_semaphore, #tpu.memory_space<semaphore_mem>>) src(%dma_wait3A_1352 : memref<16384x64xf32, #tpu.memory_space<hbm>>) dst(%dma_wait3A_1346 : memref<128x64xf32, #tpu.memory_space<vmem>>)
    %dma_wait3A_1353 = arith.constant 59 : i32
    %dma_wait3A_1354 = arith.constant 384 : i32
    %dma_wait3A_1355 = arith.constant 0 : i32
    %dma_wait3A_1356 = tpu.memref_slice %arg6[%dma_wait3A_1354, %dma_wait3A_1355] : memref<512x64xf32, #tpu.memory_space<vmem>> -> memref<128x64xf32, #tpu.memory_space<vmem>>
    %dma_wait3A_1357 = arith.constant 0 : i32
    %dma_wait3A_1358 = tpu.memref_slice %arg5[%dma_wait3A_1353, %dma_wait3A_1357] : memref<64x128xi32, #tpu.memory_space<vmem>> -> memref<1x128xi32, #tpu.memory_space<vmem>>
    %dma_wait3A_1359 = tpu.memref_squeeze %dma_wait3A_1358 : memref<1x128xi32, #tpu.memory_space<vmem>> -> memref<128xi32, #tpu.memory_space<vmem>>
    %dma_wait3A_1360 = arith.constant 0 : i32
    %dma_wait3A_1361 = arith.constant 0 : i32
    %dma_wait3A_1362 = tpu.memref_slice %arg2[%dma_wait3A_1360, %dma_wait3A_1361] : memref<16384x64xf32, #tpu.memory_space<hbm>> -> memref<16384x64xf32, #tpu.memory_space<hbm>>
    tpu.wait_indirect_dma semaphore(%arg8 : memref<!tpu.dma_semaphore, #tpu.memory_space<semaphore_mem>>) src(%dma_wait3A_1362 : memref<16384x64xf32, #tpu.memory_space<hbm>>) dst(%dma_wait3A_1356 : memref<128x64xf32, #tpu.memory_space<vmem>>)
    %mul3A_1363 = arith.constant 8192 : i32
    %mul3A_1364 = arith.muli %add3A, %mul3A_1363 : i32
    %add3A_1365 = arith.constant 7168 : i32
    %add3A_1366 = arith.addi %mul3A_1364, %add3A_1365 : i32
    %dma_start3A_1367 = arith.constant 0 : i32
    %dma_start3A_1368 = tpu.memref_slice %arg4[%add3A_1366, %dma_start3A_1367] : memref<262144x64xf32, #tpu.memory_space<hbm>> -> memref<512x64xf32, #tpu.memory_space<hbm>>
    %dma_start3A_1369 = arith.constant 0 : i32
    %dma_start3A_1370 = tpu.memref_slice %arg4[%add3A_1366, %dma_start3A_1369] : memref<262144x64xf32, #tpu.memory_space<hbm>> -> memref<512x64xf32, #tpu.memory_space<hbm>>
    tpu.enqueue_dma source(%arg6 : memref<512x64xf32, #tpu.memory_space<vmem>>) target(%dma_start3A_1370 : memref<512x64xf32, #tpu.memory_space<hbm>>) target_semaphore(%arg9 : memref<!tpu.dma_semaphore, #tpu.memory_space<semaphore_mem>>)
    %dma_wait3A_1371 = arith.constant 0 : i32
    %dma_wait3A_1372 = tpu.memref_slice %arg4[%add3A_1274, %dma_wait3A_1371] : memref<262144x64xf32, #tpu.memory_space<hbm>> -> memref<512x64xf32, #tpu.memory_space<hbm>>
    %dma_wait3A_1373 = arith.constant 0 : i32
    %dma_wait3A_1374 = tpu.memref_slice %arg4[%add3A_1274, %dma_wait3A_1373] : memref<262144x64xf32, #tpu.memory_space<hbm>> -> memref<512x64xf32, #tpu.memory_space<hbm>>
    tpu.wait_dma2 semaphore(%arg9 : memref<!tpu.dma_semaphore, #tpu.memory_space<semaphore_mem>>) src(%arg7 : memref<512x64xf32, #tpu.memory_space<vmem>>) dst(%dma_wait3A_1374 : memref<512x64xf32, #tpu.memory_space<hbm>>)
    %dma_start3A_1375 = arith.constant 60 : i32
    %dma_start3A_1376 = arith.constant 0 : i32
    %dma_start3A_1377 = arith.constant 0 : i32
    %dma_start3A_1378 = tpu.memref_slice %arg7[%dma_start3A_1376, %dma_start3A_1377] : memref<512x64xf32, #tpu.memory_space<vmem>> -> memref<128x64xf32, #tpu.memory_space<vmem>>
    %dma_start3A_1379 = arith.constant 0 : i32
    %dma_start3A_1380 = tpu.memref_slice %arg5[%dma_start3A_1375, %dma_start3A_1379] : memref<64x128xi32, #tpu.memory_space<vmem>> -> memref<1x128xi32, #tpu.memory_space<vmem>>
    %dma_start3A_1381 = tpu.memref_squeeze %dma_start3A_1380 : memref<1x128xi32, #tpu.memory_space<vmem>> -> memref<128xi32, #tpu.memory_space<vmem>>
    %dma_start3A_1382 = arith.constant 0 : i32
    %dma_start3A_1383 = arith.constant 0 : i32
    %dma_start3A_1384 = tpu.memref_slice %arg2[%dma_start3A_1382, %dma_start3A_1383] : memref<16384x64xf32, #tpu.memory_space<hbm>> -> memref<16384x64xf32, #tpu.memory_space<hbm>>
    tpu.enqueue_indirect_dma source(%dma_start3A_1384 : memref<16384x64xf32, #tpu.memory_space<hbm>>) target(%dma_start3A_1378 : memref<128x64xf32, #tpu.memory_space<vmem>>) offsets(%dma_start3A_1381 : memref<128xi32, #tpu.memory_space<vmem>>) semaphore(%arg8 : memref<!tpu.dma_semaphore, #tpu.memory_space<semaphore_mem>>)
    %dma_start3A_1385 = arith.constant 61 : i32
    %dma_start3A_1386 = arith.constant 128 : i32
    %dma_start3A_1387 = arith.constant 0 : i32
    %dma_start3A_1388 = tpu.memref_slice %arg7[%dma_start3A_1386, %dma_start3A_1387] : memref<512x64xf32, #tpu.memory_space<vmem>> -> memref<128x64xf32, #tpu.memory_space<vmem>>
    %dma_start3A_1389 = arith.constant 0 : i32
    %dma_start3A_1390 = tpu.memref_slice %arg5[%dma_start3A_1385, %dma_start3A_1389] : memref<64x128xi32, #tpu.memory_space<vmem>> -> memref<1x128xi32, #tpu.memory_space<vmem>>
    %dma_start3A_1391 = tpu.memref_squeeze %dma_start3A_1390 : memref<1x128xi32, #tpu.memory_space<vmem>> -> memref<128xi32, #tpu.memory_space<vmem>>
    %dma_start3A_1392 = arith.constant 0 : i32
    %dma_start3A_1393 = arith.constant 0 : i32
    %dma_start3A_1394 = tpu.memref_slice %arg2[%dma_start3A_1392, %dma_start3A_1393] : memref<16384x64xf32, #tpu.memory_space<hbm>> -> memref<16384x64xf32, #tpu.memory_space<hbm>>
    tpu.enqueue_indirect_dma source(%dma_start3A_1394 : memref<16384x64xf32, #tpu.memory_space<hbm>>) target(%dma_start3A_1388 : memref<128x64xf32, #tpu.memory_space<vmem>>) offsets(%dma_start3A_1391 : memref<128xi32, #tpu.memory_space<vmem>>) semaphore(%arg8 : memref<!tpu.dma_semaphore, #tpu.memory_space<semaphore_mem>>)
    %dma_start3A_1395 = arith.constant 62 : i32
    %dma_start3A_1396 = arith.constant 256 : i32
    %dma_start3A_1397 = arith.constant 0 : i32
    %dma_start3A_1398 = tpu.memref_slice %arg7[%dma_start3A_1396, %dma_start3A_1397] : memref<512x64xf32, #tpu.memory_space<vmem>> -> memref<128x64xf32, #tpu.memory_space<vmem>>
    %dma_start3A_1399 = arith.constant 0 : i32
    %dma_start3A_1400 = tpu.memref_slice %arg5[%dma_start3A_1395, %dma_start3A_1399] : memref<64x128xi32, #tpu.memory_space<vmem>> -> memref<1x128xi32, #tpu.memory_space<vmem>>
    %dma_start3A_1401 = tpu.memref_squeeze %dma_start3A_1400 : memref<1x128xi32, #tpu.memory_space<vmem>> -> memref<128xi32, #tpu.memory_space<vmem>>
    %dma_start3A_1402 = arith.constant 0 : i32
    %dma_start3A_1403 = arith.constant 0 : i32
    %dma_start3A_1404 = tpu.memref_slice %arg2[%dma_start3A_1402, %dma_start3A_1403] : memref<16384x64xf32, #tpu.memory_space<hbm>> -> memref<16384x64xf32, #tpu.memory_space<hbm>>
    tpu.enqueue_indirect_dma source(%dma_start3A_1404 : memref<16384x64xf32, #tpu.memory_space<hbm>>) target(%dma_start3A_1398 : memref<128x64xf32, #tpu.memory_space<vmem>>) offsets(%dma_start3A_1401 : memref<128xi32, #tpu.memory_space<vmem>>) semaphore(%arg8 : memref<!tpu.dma_semaphore, #tpu.memory_space<semaphore_mem>>)
    %dma_start3A_1405 = arith.constant 63 : i32
    %dma_start3A_1406 = arith.constant 384 : i32
    %dma_start3A_1407 = arith.constant 0 : i32
    %dma_start3A_1408 = tpu.memref_slice %arg7[%dma_start3A_1406, %dma_start3A_1407] : memref<512x64xf32, #tpu.memory_space<vmem>> -> memref<128x64xf32, #tpu.memory_space<vmem>>
    %dma_start3A_1409 = arith.constant 0 : i32
    %dma_start3A_1410 = tpu.memref_slice %arg5[%dma_start3A_1405, %dma_start3A_1409] : memref<64x128xi32, #tpu.memory_space<vmem>> -> memref<1x128xi32, #tpu.memory_space<vmem>>
    %dma_start3A_1411 = tpu.memref_squeeze %dma_start3A_1410 : memref<1x128xi32, #tpu.memory_space<vmem>> -> memref<128xi32, #tpu.memory_space<vmem>>
    %dma_start3A_1412 = arith.constant 0 : i32
    %dma_start3A_1413 = arith.constant 0 : i32
    %dma_start3A_1414 = tpu.memref_slice %arg2[%dma_start3A_1412, %dma_start3A_1413] : memref<16384x64xf32, #tpu.memory_space<hbm>> -> memref<16384x64xf32, #tpu.memory_space<hbm>>
    tpu.enqueue_indirect_dma source(%dma_start3A_1414 : memref<16384x64xf32, #tpu.memory_space<hbm>>) target(%dma_start3A_1408 : memref<128x64xf32, #tpu.memory_space<vmem>>) offsets(%dma_start3A_1411 : memref<128xi32, #tpu.memory_space<vmem>>) semaphore(%arg8 : memref<!tpu.dma_semaphore, #tpu.memory_space<semaphore_mem>>)
    %dma_wait3A_1415 = arith.constant 60 : i32
    %dma_wait3A_1416 = arith.constant 0 : i32
    %dma_wait3A_1417 = arith.constant 0 : i32
    %dma_wait3A_1418 = tpu.memref_slice %arg7[%dma_wait3A_1416, %dma_wait3A_1417] : memref<512x64xf32, #tpu.memory_space<vmem>> -> memref<128x64xf32, #tpu.memory_space<vmem>>
    %dma_wait3A_1419 = arith.constant 0 : i32
    %dma_wait3A_1420 = tpu.memref_slice %arg5[%dma_wait3A_1415, %dma_wait3A_1419] : memref<64x128xi32, #tpu.memory_space<vmem>> -> memref<1x128xi32, #tpu.memory_space<vmem>>
    %dma_wait3A_1421 = tpu.memref_squeeze %dma_wait3A_1420 : memref<1x128xi32, #tpu.memory_space<vmem>> -> memref<128xi32, #tpu.memory_space<vmem>>
    %dma_wait3A_1422 = arith.constant 0 : i32
    %dma_wait3A_1423 = arith.constant 0 : i32
    %dma_wait3A_1424 = tpu.memref_slice %arg2[%dma_wait3A_1422, %dma_wait3A_1423] : memref<16384x64xf32, #tpu.memory_space<hbm>> -> memref<16384x64xf32, #tpu.memory_space<hbm>>
    tpu.wait_indirect_dma semaphore(%arg8 : memref<!tpu.dma_semaphore, #tpu.memory_space<semaphore_mem>>) src(%dma_wait3A_1424 : memref<16384x64xf32, #tpu.memory_space<hbm>>) dst(%dma_wait3A_1418 : memref<128x64xf32, #tpu.memory_space<vmem>>)
    %dma_wait3A_1425 = arith.constant 61 : i32
    %dma_wait3A_1426 = arith.constant 128 : i32
    %dma_wait3A_1427 = arith.constant 0 : i32
    %dma_wait3A_1428 = tpu.memref_slice %arg7[%dma_wait3A_1426, %dma_wait3A_1427] : memref<512x64xf32, #tpu.memory_space<vmem>> -> memref<128x64xf32, #tpu.memory_space<vmem>>
    %dma_wait3A_1429 = arith.constant 0 : i32
    %dma_wait3A_1430 = tpu.memref_slice %arg5[%dma_wait3A_1425, %dma_wait3A_1429] : memref<64x128xi32, #tpu.memory_space<vmem>> -> memref<1x128xi32, #tpu.memory_space<vmem>>
    %dma_wait3A_1431 = tpu.memref_squeeze %dma_wait3A_1430 : memref<1x128xi32, #tpu.memory_space<vmem>> -> memref<128xi32, #tpu.memory_space<vmem>>
    %dma_wait3A_1432 = arith.constant 0 : i32
    %dma_wait3A_1433 = arith.constant 0 : i32
    %dma_wait3A_1434 = tpu.memref_slice %arg2[%dma_wait3A_1432, %dma_wait3A_1433] : memref<16384x64xf32, #tpu.memory_space<hbm>> -> memref<16384x64xf32, #tpu.memory_space<hbm>>
    tpu.wait_indirect_dma semaphore(%arg8 : memref<!tpu.dma_semaphore, #tpu.memory_space<semaphore_mem>>) src(%dma_wait3A_1434 : memref<16384x64xf32, #tpu.memory_space<hbm>>) dst(%dma_wait3A_1428 : memref<128x64xf32, #tpu.memory_space<vmem>>)
    %dma_wait3A_1435 = arith.constant 62 : i32
    %dma_wait3A_1436 = arith.constant 256 : i32
    %dma_wait3A_1437 = arith.constant 0 : i32
    %dma_wait3A_1438 = tpu.memref_slice %arg7[%dma_wait3A_1436, %dma_wait3A_1437] : memref<512x64xf32, #tpu.memory_space<vmem>> -> memref<128x64xf32, #tpu.memory_space<vmem>>
    %dma_wait3A_1439 = arith.constant 0 : i32
    %dma_wait3A_1440 = tpu.memref_slice %arg5[%dma_wait3A_1435, %dma_wait3A_1439] : memref<64x128xi32, #tpu.memory_space<vmem>> -> memref<1x128xi32, #tpu.memory_space<vmem>>
    %dma_wait3A_1441 = tpu.memref_squeeze %dma_wait3A_1440 : memref<1x128xi32, #tpu.memory_space<vmem>> -> memref<128xi32, #tpu.memory_space<vmem>>
    %dma_wait3A_1442 = arith.constant 0 : i32
    %dma_wait3A_1443 = arith.constant 0 : i32
    %dma_wait3A_1444 = tpu.memref_slice %arg2[%dma_wait3A_1442, %dma_wait3A_1443] : memref<16384x64xf32, #tpu.memory_space<hbm>> -> memref<16384x64xf32, #tpu.memory_space<hbm>>
    tpu.wait_indirect_dma semaphore(%arg8 : memref<!tpu.dma_semaphore, #tpu.memory_space<semaphore_mem>>) src(%dma_wait3A_1444 : memref<16384x64xf32, #tpu.memory_space<hbm>>) dst(%dma_wait3A_1438 : memref<128x64xf32, #tpu.memory_space<vmem>>)
    %dma_wait3A_1445 = arith.constant 63 : i32
    %dma_wait3A_1446 = arith.constant 384 : i32
    %dma_wait3A_1447 = arith.constant 0 : i32
    %dma_wait3A_1448 = tpu.memref_slice %arg7[%dma_wait3A_1446, %dma_wait3A_1447] : memref<512x64xf32, #tpu.memory_space<vmem>> -> memref<128x64xf32, #tpu.memory_space<vmem>>
    %dma_wait3A_1449 = arith.constant 0 : i32
    %dma_wait3A_1450 = tpu.memref_slice %arg5[%dma_wait3A_1445, %dma_wait3A_1449] : memref<64x128xi32, #tpu.memory_space<vmem>> -> memref<1x128xi32, #tpu.memory_space<vmem>>
    %dma_wait3A_1451 = tpu.memref_squeeze %dma_wait3A_1450 : memref<1x128xi32, #tpu.memory_space<vmem>> -> memref<128xi32, #tpu.memory_space<vmem>>
    %dma_wait3A_1452 = arith.constant 0 : i32
    %dma_wait3A_1453 = arith.constant 0 : i32
    %dma_wait3A_1454 = tpu.memref_slice %arg2[%dma_wait3A_1452, %dma_wait3A_1453] : memref<16384x64xf32, #tpu.memory_space<hbm>> -> memref<16384x64xf32, #tpu.memory_space<hbm>>
    tpu.wait_indirect_dma semaphore(%arg8 : memref<!tpu.dma_semaphore, #tpu.memory_space<semaphore_mem>>) src(%dma_wait3A_1454 : memref<16384x64xf32, #tpu.memory_space<hbm>>) dst(%dma_wait3A_1448 : memref<128x64xf32, #tpu.memory_space<vmem>>)
    %mul3A_1455 = arith.constant 8192 : i32
    %mul3A_1456 = arith.muli %add3A, %mul3A_1455 : i32
    %add3A_1457 = arith.constant 7680 : i32
    %add3A_1458 = arith.addi %mul3A_1456, %add3A_1457 : i32
    %dma_start3A_1459 = arith.constant 0 : i32
    %dma_start3A_1460 = tpu.memref_slice %arg4[%add3A_1458, %dma_start3A_1459] : memref<262144x64xf32, #tpu.memory_space<hbm>> -> memref<512x64xf32, #tpu.memory_space<hbm>>
    %dma_start3A_1461 = arith.constant 0 : i32
    %dma_start3A_1462 = tpu.memref_slice %arg4[%add3A_1458, %dma_start3A_1461] : memref<262144x64xf32, #tpu.memory_space<hbm>> -> memref<512x64xf32, #tpu.memory_space<hbm>>
    tpu.enqueue_dma source(%arg7 : memref<512x64xf32, #tpu.memory_space<vmem>>) target(%dma_start3A_1462 : memref<512x64xf32, #tpu.memory_space<hbm>>) target_semaphore(%arg9 : memref<!tpu.dma_semaphore, #tpu.memory_space<semaphore_mem>>)
    %dma_wait3A_1463 = arith.constant 0 : i32
    %dma_wait3A_1464 = tpu.memref_slice %arg4[%add3A_1366, %dma_wait3A_1463] : memref<262144x64xf32, #tpu.memory_space<hbm>> -> memref<512x64xf32, #tpu.memory_space<hbm>>
    %dma_wait3A_1465 = arith.constant 0 : i32
    %dma_wait3A_1466 = tpu.memref_slice %arg4[%add3A_1366, %dma_wait3A_1465] : memref<262144x64xf32, #tpu.memory_space<hbm>> -> memref<512x64xf32, #tpu.memory_space<hbm>>
    tpu.wait_dma2 semaphore(%arg9 : memref<!tpu.dma_semaphore, #tpu.memory_space<semaphore_mem>>) src(%arg6 : memref<512x64xf32, #tpu.memory_space<vmem>>) dst(%dma_wait3A_1466 : memref<512x64xf32, #tpu.memory_space<hbm>>)
    %dma_wait3A_1467 = arith.constant 0 : i32
    %dma_wait3A_1468 = tpu.memref_slice %arg4[%add3A_1458, %dma_wait3A_1467] : memref<262144x64xf32, #tpu.memory_space<hbm>> -> memref<512x64xf32, #tpu.memory_space<hbm>>
    %dma_wait3A_1469 = arith.constant 0 : i32
    %dma_wait3A_1470 = tpu.memref_slice %arg4[%add3A_1458, %dma_wait3A_1469] : memref<262144x64xf32, #tpu.memory_space<hbm>> -> memref<512x64xf32, #tpu.memory_space<hbm>>
    tpu.wait_dma2 semaphore(%arg9 : memref<!tpu.dma_semaphore, #tpu.memory_space<semaphore_mem>>) src(%arg7 : memref<512x64xf32, #tpu.memory_space<vmem>>) dst(%dma_wait3A_1470 : memref<512x64xf32, #tpu.memory_space<hbm>>)
    return
  }
}

module attributes {stable_mosaic.version = 14 : i64} {
  func.func @_knn_pre_body(%arg0: i32, %arg1: i32, %arg2: memref<1x3x2048xf32, #tpu.memory_space<vmem>>, %arg3: memref<1x256x3xf32, #tpu.memory_space<vmem>>, %arg4: memref<1x256x64xf32, #tpu.memory_space<vmem>>, %arg5: memref<64x64xf32, #tpu.memory_space<vmem>>, %arg6: memref<64x64xf32, #tpu.memory_space<vmem>>, %arg7: memref<1x256x16xi32, #tpu.memory_space<vmem>>, %arg8: memref<1x256x64xf32, #tpu.memory_space<vmem>>, %arg9: memref<1x256x64xf32, #tpu.memory_space<vmem>>) attributes {dimension_semantics = [#tpu.dimension_semantics<arbitrary>, #tpu.dimension_semantics<arbitrary>], iteration_bounds = array<i64: 8, 8>, scalar_prefetch = 0 : i64, scratch_operands = 0 : i64, tpu.core_type = #tpu.core_type<tc>, window_params = [{transform_indices = @transform_0, window_bounds = array<i64: 1, 3, 2048>}, {transform_indices = @transform_1, window_bounds = array<i64: 1, 256, 3>}, {transform_indices = @transform_2, window_bounds = array<i64: 1, 256, 64>}, {pipeline_mode = #tpu.pipeline_mode<synchronous>, transform_indices = @transform_3, window_bounds = array<i64: 64, 64>}, {pipeline_mode = #tpu.pipeline_mode<synchronous>, transform_indices = @transform_4, window_bounds = array<i64: 64, 64>}, {transform_indices = @transform_5, window_bounds = array<i64: 1, 256, 16>}, {transform_indices = @transform_6, window_bounds = array<i64: 1, 256, 64>}, {transform_indices = @transform_7, window_bounds = array<i64: 1, 256, 64>}]} {
    %get3A = arith.constant 0 : index
    %get3A_0 = arith.constant 0 : index
    %get3A_1 = arith.constant 0 : index
    %get3A_2 = vector.load %arg2[%get3A, %get3A_0, %get3A_1] : memref<1x3x2048xf32, #tpu.memory_space<vmem>>, vector<1x3x2048xf32>
    %get3A_3 = vector.shape_cast %get3A_2 : vector<1x3x2048xf32> to vector<3x2048xf32>
    %get3A_4 = arith.constant 0 : index
    %get3A_5 = arith.constant 0 : index
    %get3A_6 = arith.constant 0 : index
    %get3A_7 = vector.load %arg3[%get3A_4, %get3A_5, %get3A_6] : memref<1x256x3xf32, #tpu.memory_space<vmem>>, vector<1x256x3xf32>
    %get3A_8 = vector.shape_cast %get3A_7 : vector<1x256x3xf32> to vector<256x3xf32>
    %mul3A = arith.mulf %get3A_3, %get3A_3 : vector<3x2048xf32>
    %reduce_sum3A = arith.constant dense<0.000000e+00> : vector<2048xf32>
    %reduce_sum3A_9 = vector.multi_reduction <add>, %mul3A, %reduce_sum3A [0] : vector<3x2048xf32> to vector<2048xf32>
    %broadcast_in_dim3A = vector.shape_cast %reduce_sum3A_9 : vector<2048xf32> to vector<1x2048xf32>
    %mul3A_10 = arith.mulf %get3A_8, %get3A_8 : vector<256x3xf32>
    %reduce_sum3A_11 = arith.constant dense<0.000000e+00> : vector<256xf32>
    %reduce_sum3A_12 = vector.multi_reduction <add>, %mul3A_10, %reduce_sum3A_11 [1] : vector<256x3xf32> to vector<256xf32>
    %broadcast_in_dim3A_13 = vector.shape_cast %reduce_sum3A_12 : vector<256xf32> to vector<256x1xf32>
    %convert_element_type3A = arith.truncf %get3A_3 : vector<3x2048xf32> to vector<3x2048xbf16>
    %convert_element_type3A_14 = arith.extf %convert_element_type3A : vector<3x2048xbf16> to vector<3x2048xf32>
    %convert_element_type3A_15 = arith.truncf %get3A_8 : vector<256x3xf32> to vector<256x3xbf16>
    %convert_element_type3A_16 = arith.extf %convert_element_type3A_15 : vector<256x3xbf16> to vector<256x3xf32>
    %slice3A = vector.extract_strided_slice %convert_element_type3A_16 {offsets = [0, 0], sizes = [256, 1], strides = [1, 1]} : vector<256x3xf32> to vector<256x1xf32>
    %slice3A_17 = vector.extract_strided_slice %convert_element_type3A_14 {offsets = [0, 0], sizes = [1, 2048], strides = [1, 1]} : vector<3x2048xf32> to vector<1x2048xf32>
    %mul3A_18 = vector.broadcast %slice3A : vector<256x1xf32> to vector<256x2048xf32>
    %mul3A_19 = vector.broadcast %slice3A_17 : vector<1x2048xf32> to vector<256x2048xf32>
    %mul3A_20 = arith.mulf %mul3A_18, %mul3A_19 : vector<256x2048xf32>
    %slice3A_21 = vector.extract_strided_slice %convert_element_type3A_16 {offsets = [0, 1], sizes = [256, 1], strides = [1, 1]} : vector<256x3xf32> to vector<256x1xf32>
    %slice3A_22 = vector.extract_strided_slice %convert_element_type3A_14 {offsets = [1, 0], sizes = [1, 2048], strides = [1, 1]} : vector<3x2048xf32> to vector<1x2048xf32>
    %mul3A_23 = vector.broadcast %slice3A_21 : vector<256x1xf32> to vector<256x2048xf32>
    %mul3A_24 = vector.broadcast %slice3A_22 : vector<1x2048xf32> to vector<256x2048xf32>
    %mul3A_25 = arith.mulf %mul3A_23, %mul3A_24 : vector<256x2048xf32>
    %add3A = arith.addf %mul3A_20, %mul3A_25 : vector<256x2048xf32>
    %slice3A_26 = vector.extract_strided_slice %convert_element_type3A_16 {offsets = [0, 2], sizes = [256, 1], strides = [1, 1]} : vector<256x3xf32> to vector<256x1xf32>
    %slice3A_27 = vector.extract_strided_slice %convert_element_type3A_14 {offsets = [2, 0], sizes = [1, 2048], strides = [1, 1]} : vector<3x2048xf32> to vector<1x2048xf32>
    %mul3A_28 = vector.broadcast %slice3A_26 : vector<256x1xf32> to vector<256x2048xf32>
    %mul3A_29 = vector.broadcast %slice3A_27 : vector<1x2048xf32> to vector<256x2048xf32>
    %mul3A_30 = arith.mulf %mul3A_28, %mul3A_29 : vector<256x2048xf32>
    %add3A_31 = arith.addf %add3A, %mul3A_30 : vector<256x2048xf32>
    %neg3A = arith.constant 0.000000e+00 : f32
    %neg3A_32 = vector.broadcast %neg3A : f32 to vector<256x1xf32>
    %neg3A_33 = arith.subf %neg3A_32, %broadcast_in_dim3A_13 : vector<256x1xf32>
    %mul3A_34 = arith.constant -2.000000e+00 : f32
    %mul3A_35 = vector.broadcast %mul3A_34 : f32 to vector<256x2048xf32>
    %mul3A_36 = arith.mulf %mul3A_35, %add3A_31 : vector<256x2048xf32>
    %sub3A = vector.broadcast %neg3A_33 : vector<256x1xf32> to vector<256x2048xf32>
    %sub3A_37 = arith.subf %sub3A, %mul3A_36 : vector<256x2048xf32>
    %sub3A_38 = vector.broadcast %broadcast_in_dim3A : vector<1x2048xf32> to vector<256x2048xf32>
    %sub3A_39 = arith.subf %sub3A_37, %sub3A_38 : vector<256x2048xf32>
    %iota3A = tpu.iota {dimensions = array<i32: 1>} : vector<256x2048xi32>
    %convert_element_type3A_40 = arith.sitofp %iota3A : vector<256x2048xi32> to vector<256x2048xf32>
    %reduce_max3A = arith.constant dense<0xFF800000> : vector<256xf32>
    %reduce_max3A_41 = vector.multi_reduction <maximumf>, %sub3A_39, %reduce_max3A [1] : vector<256x2048xf32> to vector<256xf32>
    %broadcast_in_dim3A_42 = vector.shape_cast %reduce_max3A_41 : vector<256xf32> to vector<256x1xf32>
    %eq3A = vector.broadcast %broadcast_in_dim3A_42 : vector<256x1xf32> to vector<256x2048xf32>
    %eq3A_43 = arith.cmpf oeq, %sub3A_39, %eq3A : vector<256x2048xf32>
    %jit3A = arith.constant 2.048000e+03 : f32
    %broadcast_in_dim3A_44 = vector.broadcast %jit3A : f32 to vector<256x2048xf32>
    %select_n3A = arith.select %eq3A_43, %convert_element_type3A_40, %broadcast_in_dim3A_44 : vector<256x2048xi1>, vector<256x2048xf32>
    %reduce_min3A = arith.constant dense<0x7F800000> : vector<256xf32>
    %reduce_min3A_45 = vector.multi_reduction <minimumf>, %select_n3A, %reduce_min3A [1] : vector<256x2048xf32> to vector<256xf32>
    %broadcast_in_dim3A_46 = vector.shape_cast %reduce_min3A_45 : vector<256xf32> to vector<256x1xf32>
    %eq3A_47 = vector.broadcast %broadcast_in_dim3A_46 : vector<256x1xf32> to vector<256x2048xf32>
    %eq3A_48 = arith.cmpf oeq, %convert_element_type3A_40, %eq3A_47 : vector<256x2048xf32>
    %jit3A_49 = arith.constant -3.000000e+38 : f32
    %broadcast_in_dim3A_50 = vector.broadcast %jit3A_49 : f32 to vector<256x2048xf32>
    %select_n3A_51 = arith.select %eq3A_48, %broadcast_in_dim3A_50, %sub3A_39 : vector<256x2048xi1>, vector<256x2048xf32>
    %reduce_max3A_52 = arith.constant dense<0xFF800000> : vector<256xf32>
    %reduce_max3A_53 = vector.multi_reduction <maximumf>, %select_n3A_51, %reduce_max3A_52 [1] : vector<256x2048xf32> to vector<256xf32>
    %broadcast_in_dim3A_54 = vector.shape_cast %reduce_max3A_53 : vector<256xf32> to vector<256x1xf32>
    %eq3A_55 = vector.broadcast %broadcast_in_dim3A_54 : vector<256x1xf32> to vector<256x2048xf32>
    %eq3A_56 = arith.cmpf oeq, %select_n3A_51, %eq3A_55 : vector<256x2048xf32>
    %jit3A_57 = arith.constant 2.048000e+03 : f32
    %broadcast_in_dim3A_58 = vector.broadcast %jit3A_57 : f32 to vector<256x2048xf32>
    %select_n3A_59 = arith.select %eq3A_56, %convert_element_type3A_40, %broadcast_in_dim3A_58 : vector<256x2048xi1>, vector<256x2048xf32>
    %reduce_min3A_60 = arith.constant dense<0x7F800000> : vector<256xf32>
    %reduce_min3A_61 = vector.multi_reduction <minimumf>, %select_n3A_59, %reduce_min3A_60 [1] : vector<256x2048xf32> to vector<256xf32>
    %broadcast_in_dim3A_62 = vector.shape_cast %reduce_min3A_61 : vector<256xf32> to vector<256x1xf32>
    %eq3A_63 = vector.broadcast %broadcast_in_dim3A_62 : vector<256x1xf32> to vector<256x2048xf32>
    %eq3A_64 = arith.cmpf oeq, %convert_element_type3A_40, %eq3A_63 : vector<256x2048xf32>
    %jit3A_65 = arith.constant -3.000000e+38 : f32
    %broadcast_in_dim3A_66 = vector.broadcast %jit3A_65 : f32 to vector<256x2048xf32>
    %select_n3A_67 = arith.select %eq3A_64, %broadcast_in_dim3A_66, %select_n3A_51 : vector<256x2048xi1>, vector<256x2048xf32>
    %reduce_max3A_68 = arith.constant dense<0xFF800000> : vector<256xf32>
    %reduce_max3A_69 = vector.multi_reduction <maximumf>, %select_n3A_67, %reduce_max3A_68 [1] : vector<256x2048xf32> to vector<256xf32>
    %broadcast_in_dim3A_70 = vector.shape_cast %reduce_max3A_69 : vector<256xf32> to vector<256x1xf32>
    %eq3A_71 = vector.broadcast %broadcast_in_dim3A_70 : vector<256x1xf32> to vector<256x2048xf32>
    %eq3A_72 = arith.cmpf oeq, %select_n3A_67, %eq3A_71 : vector<256x2048xf32>
    %jit3A_73 = arith.constant 2.048000e+03 : f32
    %broadcast_in_dim3A_74 = vector.broadcast %jit3A_73 : f32 to vector<256x2048xf32>
    %select_n3A_75 = arith.select %eq3A_72, %convert_element_type3A_40, %broadcast_in_dim3A_74 : vector<256x2048xi1>, vector<256x2048xf32>
    %reduce_min3A_76 = arith.constant dense<0x7F800000> : vector<256xf32>
    %reduce_min3A_77 = vector.multi_reduction <minimumf>, %select_n3A_75, %reduce_min3A_76 [1] : vector<256x2048xf32> to vector<256xf32>
    %broadcast_in_dim3A_78 = vector.shape_cast %reduce_min3A_77 : vector<256xf32> to vector<256x1xf32>
    %eq3A_79 = vector.broadcast %broadcast_in_dim3A_78 : vector<256x1xf32> to vector<256x2048xf32>
    %eq3A_80 = arith.cmpf oeq, %convert_element_type3A_40, %eq3A_79 : vector<256x2048xf32>
    %jit3A_81 = arith.constant -3.000000e+38 : f32
    %broadcast_in_dim3A_82 = vector.broadcast %jit3A_81 : f32 to vector<256x2048xf32>
    %select_n3A_83 = arith.select %eq3A_80, %broadcast_in_dim3A_82, %select_n3A_67 : vector<256x2048xi1>, vector<256x2048xf32>
    %reduce_max3A_84 = arith.constant dense<0xFF800000> : vector<256xf32>
    %reduce_max3A_85 = vector.multi_reduction <maximumf>, %select_n3A_83, %reduce_max3A_84 [1] : vector<256x2048xf32> to vector<256xf32>
    %broadcast_in_dim3A_86 = vector.shape_cast %reduce_max3A_85 : vector<256xf32> to vector<256x1xf32>
    %eq3A_87 = vector.broadcast %broadcast_in_dim3A_86 : vector<256x1xf32> to vector<256x2048xf32>
    %eq3A_88 = arith.cmpf oeq, %select_n3A_83, %eq3A_87 : vector<256x2048xf32>
    %jit3A_89 = arith.constant 2.048000e+03 : f32
    %broadcast_in_dim3A_90 = vector.broadcast %jit3A_89 : f32 to vector<256x2048xf32>
    %select_n3A_91 = arith.select %eq3A_88, %convert_element_type3A_40, %broadcast_in_dim3A_90 : vector<256x2048xi1>, vector<256x2048xf32>
    %reduce_min3A_92 = arith.constant dense<0x7F800000> : vector<256xf32>
    %reduce_min3A_93 = vector.multi_reduction <minimumf>, %select_n3A_91, %reduce_min3A_92 [1] : vector<256x2048xf32> to vector<256xf32>
    %broadcast_in_dim3A_94 = vector.shape_cast %reduce_min3A_93 : vector<256xf32> to vector<256x1xf32>
    %eq3A_95 = vector.broadcast %broadcast_in_dim3A_94 : vector<256x1xf32> to vector<256x2048xf32>
    %eq3A_96 = arith.cmpf oeq, %convert_element_type3A_40, %eq3A_95 : vector<256x2048xf32>
    %jit3A_97 = arith.constant -3.000000e+38 : f32
    %broadcast_in_dim3A_98 = vector.broadcast %jit3A_97 : f32 to vector<256x2048xf32>
    %select_n3A_99 = arith.select %eq3A_96, %broadcast_in_dim3A_98, %select_n3A_83 : vector<256x2048xi1>, vector<256x2048xf32>
    %reduce_max3A_100 = arith.constant dense<0xFF800000> : vector<256xf32>
    %reduce_max3A_101 = vector.multi_reduction <maximumf>, %select_n3A_99, %reduce_max3A_100 [1] : vector<256x2048xf32> to vector<256xf32>
    %broadcast_in_dim3A_102 = vector.shape_cast %reduce_max3A_101 : vector<256xf32> to vector<256x1xf32>
    %eq3A_103 = vector.broadcast %broadcast_in_dim3A_102 : vector<256x1xf32> to vector<256x2048xf32>
    %eq3A_104 = arith.cmpf oeq, %select_n3A_99, %eq3A_103 : vector<256x2048xf32>
    %jit3A_105 = arith.constant 2.048000e+03 : f32
    %broadcast_in_dim3A_106 = vector.broadcast %jit3A_105 : f32 to vector<256x2048xf32>
    %select_n3A_107 = arith.select %eq3A_104, %convert_element_type3A_40, %broadcast_in_dim3A_106 : vector<256x2048xi1>, vector<256x2048xf32>
    %reduce_min3A_108 = arith.constant dense<0x7F800000> : vector<256xf32>
    %reduce_min3A_109 = vector.multi_reduction <minimumf>, %select_n3A_107, %reduce_min3A_108 [1] : vector<256x2048xf32> to vector<256xf32>
    %broadcast_in_dim3A_110 = vector.shape_cast %reduce_min3A_109 : vector<256xf32> to vector<256x1xf32>
    %eq3A_111 = vector.broadcast %broadcast_in_dim3A_110 : vector<256x1xf32> to vector<256x2048xf32>
    %eq3A_112 = arith.cmpf oeq, %convert_element_type3A_40, %eq3A_111 : vector<256x2048xf32>
    %jit3A_113 = arith.constant -3.000000e+38 : f32
    %broadcast_in_dim3A_114 = vector.broadcast %jit3A_113 : f32 to vector<256x2048xf32>
    %select_n3A_115 = arith.select %eq3A_112, %broadcast_in_dim3A_114, %select_n3A_99 : vector<256x2048xi1>, vector<256x2048xf32>
    %reduce_max3A_116 = arith.constant dense<0xFF800000> : vector<256xf32>
    %reduce_max3A_117 = vector.multi_reduction <maximumf>, %select_n3A_115, %reduce_max3A_116 [1] : vector<256x2048xf32> to vector<256xf32>
    %broadcast_in_dim3A_118 = vector.shape_cast %reduce_max3A_117 : vector<256xf32> to vector<256x1xf32>
    %eq3A_119 = vector.broadcast %broadcast_in_dim3A_118 : vector<256x1xf32> to vector<256x2048xf32>
    %eq3A_120 = arith.cmpf oeq, %select_n3A_115, %eq3A_119 : vector<256x2048xf32>
    %jit3A_121 = arith.constant 2.048000e+03 : f32
    %broadcast_in_dim3A_122 = vector.broadcast %jit3A_121 : f32 to vector<256x2048xf32>
    %select_n3A_123 = arith.select %eq3A_120, %convert_element_type3A_40, %broadcast_in_dim3A_122 : vector<256x2048xi1>, vector<256x2048xf32>
    %reduce_min3A_124 = arith.constant dense<0x7F800000> : vector<256xf32>
    %reduce_min3A_125 = vector.multi_reduction <minimumf>, %select_n3A_123, %reduce_min3A_124 [1] : vector<256x2048xf32> to vector<256xf32>
    %broadcast_in_dim3A_126 = vector.shape_cast %reduce_min3A_125 : vector<256xf32> to vector<256x1xf32>
    %eq3A_127 = vector.broadcast %broadcast_in_dim3A_126 : vector<256x1xf32> to vector<256x2048xf32>
    %eq3A_128 = arith.cmpf oeq, %convert_element_type3A_40, %eq3A_127 : vector<256x2048xf32>
    %jit3A_129 = arith.constant -3.000000e+38 : f32
    %broadcast_in_dim3A_130 = vector.broadcast %jit3A_129 : f32 to vector<256x2048xf32>
    %select_n3A_131 = arith.select %eq3A_128, %broadcast_in_dim3A_130, %select_n3A_115 : vector<256x2048xi1>, vector<256x2048xf32>
    %reduce_max3A_132 = arith.constant dense<0xFF800000> : vector<256xf32>
    %reduce_max3A_133 = vector.multi_reduction <maximumf>, %select_n3A_131, %reduce_max3A_132 [1] : vector<256x2048xf32> to vector<256xf32>
    %broadcast_in_dim3A_134 = vector.shape_cast %reduce_max3A_133 : vector<256xf32> to vector<256x1xf32>
    %eq3A_135 = vector.broadcast %broadcast_in_dim3A_134 : vector<256x1xf32> to vector<256x2048xf32>
    %eq3A_136 = arith.cmpf oeq, %select_n3A_131, %eq3A_135 : vector<256x2048xf32>
    %jit3A_137 = arith.constant 2.048000e+03 : f32
    %broadcast_in_dim3A_138 = vector.broadcast %jit3A_137 : f32 to vector<256x2048xf32>
    %select_n3A_139 = arith.select %eq3A_136, %convert_element_type3A_40, %broadcast_in_dim3A_138 : vector<256x2048xi1>, vector<256x2048xf32>
    %reduce_min3A_140 = arith.constant dense<0x7F800000> : vector<256xf32>
    %reduce_min3A_141 = vector.multi_reduction <minimumf>, %select_n3A_139, %reduce_min3A_140 [1] : vector<256x2048xf32> to vector<256xf32>
    %broadcast_in_dim3A_142 = vector.shape_cast %reduce_min3A_141 : vector<256xf32> to vector<256x1xf32>
    %eq3A_143 = vector.broadcast %broadcast_in_dim3A_142 : vector<256x1xf32> to vector<256x2048xf32>
    %eq3A_144 = arith.cmpf oeq, %convert_element_type3A_40, %eq3A_143 : vector<256x2048xf32>
    %jit3A_145 = arith.constant -3.000000e+38 : f32
    %broadcast_in_dim3A_146 = vector.broadcast %jit3A_145 : f32 to vector<256x2048xf32>
    %select_n3A_147 = arith.select %eq3A_144, %broadcast_in_dim3A_146, %select_n3A_131 : vector<256x2048xi1>, vector<256x2048xf32>
    %reduce_max3A_148 = arith.constant dense<0xFF800000> : vector<256xf32>
    %reduce_max3A_149 = vector.multi_reduction <maximumf>, %select_n3A_147, %reduce_max3A_148 [1] : vector<256x2048xf32> to vector<256xf32>
    %broadcast_in_dim3A_150 = vector.shape_cast %reduce_max3A_149 : vector<256xf32> to vector<256x1xf32>
    %eq3A_151 = vector.broadcast %broadcast_in_dim3A_150 : vector<256x1xf32> to vector<256x2048xf32>
    %eq3A_152 = arith.cmpf oeq, %select_n3A_147, %eq3A_151 : vector<256x2048xf32>
    %jit3A_153 = arith.constant 2.048000e+03 : f32
    %broadcast_in_dim3A_154 = vector.broadcast %jit3A_153 : f32 to vector<256x2048xf32>
    %select_n3A_155 = arith.select %eq3A_152, %convert_element_type3A_40, %broadcast_in_dim3A_154 : vector<256x2048xi1>, vector<256x2048xf32>
    %reduce_min3A_156 = arith.constant dense<0x7F800000> : vector<256xf32>
    %reduce_min3A_157 = vector.multi_reduction <minimumf>, %select_n3A_155, %reduce_min3A_156 [1] : vector<256x2048xf32> to vector<256xf32>
    %broadcast_in_dim3A_158 = vector.shape_cast %reduce_min3A_157 : vector<256xf32> to vector<256x1xf32>
    %eq3A_159 = vector.broadcast %broadcast_in_dim3A_158 : vector<256x1xf32> to vector<256x2048xf32>
    %eq3A_160 = arith.cmpf oeq, %convert_element_type3A_40, %eq3A_159 : vector<256x2048xf32>
    %jit3A_161 = arith.constant -3.000000e+38 : f32
    %broadcast_in_dim3A_162 = vector.broadcast %jit3A_161 : f32 to vector<256x2048xf32>
    %select_n3A_163 = arith.select %eq3A_160, %broadcast_in_dim3A_162, %select_n3A_147 : vector<256x2048xi1>, vector<256x2048xf32>
    %reduce_max3A_164 = arith.constant dense<0xFF800000> : vector<256xf32>
    %reduce_max3A_165 = vector.multi_reduction <maximumf>, %select_n3A_163, %reduce_max3A_164 [1] : vector<256x2048xf32> to vector<256xf32>
    %broadcast_in_dim3A_166 = vector.shape_cast %reduce_max3A_165 : vector<256xf32> to vector<256x1xf32>
    %eq3A_167 = vector.broadcast %broadcast_in_dim3A_166 : vector<256x1xf32> to vector<256x2048xf32>
    %eq3A_168 = arith.cmpf oeq, %select_n3A_163, %eq3A_167 : vector<256x2048xf32>
    %jit3A_169 = arith.constant 2.048000e+03 : f32
    %broadcast_in_dim3A_170 = vector.broadcast %jit3A_169 : f32 to vector<256x2048xf32>
    %select_n3A_171 = arith.select %eq3A_168, %convert_element_type3A_40, %broadcast_in_dim3A_170 : vector<256x2048xi1>, vector<256x2048xf32>
    %reduce_min3A_172 = arith.constant dense<0x7F800000> : vector<256xf32>
    %reduce_min3A_173 = vector.multi_reduction <minimumf>, %select_n3A_171, %reduce_min3A_172 [1] : vector<256x2048xf32> to vector<256xf32>
    %broadcast_in_dim3A_174 = vector.shape_cast %reduce_min3A_173 : vector<256xf32> to vector<256x1xf32>
    %eq3A_175 = vector.broadcast %broadcast_in_dim3A_174 : vector<256x1xf32> to vector<256x2048xf32>
    %eq3A_176 = arith.cmpf oeq, %convert_element_type3A_40, %eq3A_175 : vector<256x2048xf32>
    %jit3A_177 = arith.constant -3.000000e+38 : f32
    %broadcast_in_dim3A_178 = vector.broadcast %jit3A_177 : f32 to vector<256x2048xf32>
    %select_n3A_179 = arith.select %eq3A_176, %broadcast_in_dim3A_178, %select_n3A_163 : vector<256x2048xi1>, vector<256x2048xf32>
    %reduce_max3A_180 = arith.constant dense<0xFF800000> : vector<256xf32>
    %reduce_max3A_181 = vector.multi_reduction <maximumf>, %select_n3A_179, %reduce_max3A_180 [1] : vector<256x2048xf32> to vector<256xf32>
    %broadcast_in_dim3A_182 = vector.shape_cast %reduce_max3A_181 : vector<256xf32> to vector<256x1xf32>
    %eq3A_183 = vector.broadcast %broadcast_in_dim3A_182 : vector<256x1xf32> to vector<256x2048xf32>
    %eq3A_184 = arith.cmpf oeq, %select_n3A_179, %eq3A_183 : vector<256x2048xf32>
    %jit3A_185 = arith.constant 2.048000e+03 : f32
    %broadcast_in_dim3A_186 = vector.broadcast %jit3A_185 : f32 to vector<256x2048xf32>
    %select_n3A_187 = arith.select %eq3A_184, %convert_element_type3A_40, %broadcast_in_dim3A_186 : vector<256x2048xi1>, vector<256x2048xf32>
    %reduce_min3A_188 = arith.constant dense<0x7F800000> : vector<256xf32>
    %reduce_min3A_189 = vector.multi_reduction <minimumf>, %select_n3A_187, %reduce_min3A_188 [1] : vector<256x2048xf32> to vector<256xf32>
    %broadcast_in_dim3A_190 = vector.shape_cast %reduce_min3A_189 : vector<256xf32> to vector<256x1xf32>
    %eq3A_191 = vector.broadcast %broadcast_in_dim3A_190 : vector<256x1xf32> to vector<256x2048xf32>
    %eq3A_192 = arith.cmpf oeq, %convert_element_type3A_40, %eq3A_191 : vector<256x2048xf32>
    %jit3A_193 = arith.constant -3.000000e+38 : f32
    %broadcast_in_dim3A_194 = vector.broadcast %jit3A_193 : f32 to vector<256x2048xf32>
    %select_n3A_195 = arith.select %eq3A_192, %broadcast_in_dim3A_194, %select_n3A_179 : vector<256x2048xi1>, vector<256x2048xf32>
    %reduce_max3A_196 = arith.constant dense<0xFF800000> : vector<256xf32>
    %reduce_max3A_197 = vector.multi_reduction <maximumf>, %select_n3A_195, %reduce_max3A_196 [1] : vector<256x2048xf32> to vector<256xf32>
    %broadcast_in_dim3A_198 = vector.shape_cast %reduce_max3A_197 : vector<256xf32> to vector<256x1xf32>
    %eq3A_199 = vector.broadcast %broadcast_in_dim3A_198 : vector<256x1xf32> to vector<256x2048xf32>
    %eq3A_200 = arith.cmpf oeq, %select_n3A_195, %eq3A_199 : vector<256x2048xf32>
    %jit3A_201 = arith.constant 2.048000e+03 : f32
    %broadcast_in_dim3A_202 = vector.broadcast %jit3A_201 : f32 to vector<256x2048xf32>
    %select_n3A_203 = arith.select %eq3A_200, %convert_element_type3A_40, %broadcast_in_dim3A_202 : vector<256x2048xi1>, vector<256x2048xf32>
    %reduce_min3A_204 = arith.constant dense<0x7F800000> : vector<256xf32>
    %reduce_min3A_205 = vector.multi_reduction <minimumf>, %select_n3A_203, %reduce_min3A_204 [1] : vector<256x2048xf32> to vector<256xf32>
    %broadcast_in_dim3A_206 = vector.shape_cast %reduce_min3A_205 : vector<256xf32> to vector<256x1xf32>
    %eq3A_207 = vector.broadcast %broadcast_in_dim3A_206 : vector<256x1xf32> to vector<256x2048xf32>
    %eq3A_208 = arith.cmpf oeq, %convert_element_type3A_40, %eq3A_207 : vector<256x2048xf32>
    %jit3A_209 = arith.constant -3.000000e+38 : f32
    %broadcast_in_dim3A_210 = vector.broadcast %jit3A_209 : f32 to vector<256x2048xf32>
    %select_n3A_211 = arith.select %eq3A_208, %broadcast_in_dim3A_210, %select_n3A_195 : vector<256x2048xi1>, vector<256x2048xf32>
    %reduce_max3A_212 = arith.constant dense<0xFF800000> : vector<256xf32>
    %reduce_max3A_213 = vector.multi_reduction <maximumf>, %select_n3A_211, %reduce_max3A_212 [1] : vector<256x2048xf32> to vector<256xf32>
    %broadcast_in_dim3A_214 = vector.shape_cast %reduce_max3A_213 : vector<256xf32> to vector<256x1xf32>
    %eq3A_215 = vector.broadcast %broadcast_in_dim3A_214 : vector<256x1xf32> to vector<256x2048xf32>
    %eq3A_216 = arith.cmpf oeq, %select_n3A_211, %eq3A_215 : vector<256x2048xf32>
    %jit3A_217 = arith.constant 2.048000e+03 : f32
    %broadcast_in_dim3A_218 = vector.broadcast %jit3A_217 : f32 to vector<256x2048xf32>
    %select_n3A_219 = arith.select %eq3A_216, %convert_element_type3A_40, %broadcast_in_dim3A_218 : vector<256x2048xi1>, vector<256x2048xf32>
    %reduce_min3A_220 = arith.constant dense<0x7F800000> : vector<256xf32>
    %reduce_min3A_221 = vector.multi_reduction <minimumf>, %select_n3A_219, %reduce_min3A_220 [1] : vector<256x2048xf32> to vector<256xf32>
    %broadcast_in_dim3A_222 = vector.shape_cast %reduce_min3A_221 : vector<256xf32> to vector<256x1xf32>
    %eq3A_223 = vector.broadcast %broadcast_in_dim3A_222 : vector<256x1xf32> to vector<256x2048xf32>
    %eq3A_224 = arith.cmpf oeq, %convert_element_type3A_40, %eq3A_223 : vector<256x2048xf32>
    %jit3A_225 = arith.constant -3.000000e+38 : f32
    %broadcast_in_dim3A_226 = vector.broadcast %jit3A_225 : f32 to vector<256x2048xf32>
    %select_n3A_227 = arith.select %eq3A_224, %broadcast_in_dim3A_226, %select_n3A_211 : vector<256x2048xi1>, vector<256x2048xf32>
    %reduce_max3A_228 = arith.constant dense<0xFF800000> : vector<256xf32>
    %reduce_max3A_229 = vector.multi_reduction <maximumf>, %select_n3A_227, %reduce_max3A_228 [1] : vector<256x2048xf32> to vector<256xf32>
    %broadcast_in_dim3A_230 = vector.shape_cast %reduce_max3A_229 : vector<256xf32> to vector<256x1xf32>
    %eq3A_231 = vector.broadcast %broadcast_in_dim3A_230 : vector<256x1xf32> to vector<256x2048xf32>
    %eq3A_232 = arith.cmpf oeq, %select_n3A_227, %eq3A_231 : vector<256x2048xf32>
    %jit3A_233 = arith.constant 2.048000e+03 : f32
    %broadcast_in_dim3A_234 = vector.broadcast %jit3A_233 : f32 to vector<256x2048xf32>
    %select_n3A_235 = arith.select %eq3A_232, %convert_element_type3A_40, %broadcast_in_dim3A_234 : vector<256x2048xi1>, vector<256x2048xf32>
    %reduce_min3A_236 = arith.constant dense<0x7F800000> : vector<256xf32>
    %reduce_min3A_237 = vector.multi_reduction <minimumf>, %select_n3A_235, %reduce_min3A_236 [1] : vector<256x2048xf32> to vector<256xf32>
    %broadcast_in_dim3A_238 = vector.shape_cast %reduce_min3A_237 : vector<256xf32> to vector<256x1xf32>
    %eq3A_239 = vector.broadcast %broadcast_in_dim3A_238 : vector<256x1xf32> to vector<256x2048xf32>
    %eq3A_240 = arith.cmpf oeq, %convert_element_type3A_40, %eq3A_239 : vector<256x2048xf32>
    %jit3A_241 = arith.constant -3.000000e+38 : f32
    %broadcast_in_dim3A_242 = vector.broadcast %jit3A_241 : f32 to vector<256x2048xf32>
    %select_n3A_243 = arith.select %eq3A_240, %broadcast_in_dim3A_242, %select_n3A_227 : vector<256x2048xi1>, vector<256x2048xf32>
    %reduce_max3A_244 = arith.constant dense<0xFF800000> : vector<256xf32>
    %reduce_max3A_245 = vector.multi_reduction <maximumf>, %select_n3A_243, %reduce_max3A_244 [1] : vector<256x2048xf32> to vector<256xf32>
    %broadcast_in_dim3A_246 = vector.shape_cast %reduce_max3A_245 : vector<256xf32> to vector<256x1xf32>
    %eq3A_247 = vector.broadcast %broadcast_in_dim3A_246 : vector<256x1xf32> to vector<256x2048xf32>
    %eq3A_248 = arith.cmpf oeq, %select_n3A_243, %eq3A_247 : vector<256x2048xf32>
    %jit3A_249 = arith.constant 2.048000e+03 : f32
    %broadcast_in_dim3A_250 = vector.broadcast %jit3A_249 : f32 to vector<256x2048xf32>
    %select_n3A_251 = arith.select %eq3A_248, %convert_element_type3A_40, %broadcast_in_dim3A_250 : vector<256x2048xi1>, vector<256x2048xf32>
    %reduce_min3A_252 = arith.constant dense<0x7F800000> : vector<256xf32>
    %reduce_min3A_253 = vector.multi_reduction <minimumf>, %select_n3A_251, %reduce_min3A_252 [1] : vector<256x2048xf32> to vector<256xf32>
    %broadcast_in_dim3A_254 = vector.shape_cast %reduce_min3A_253 : vector<256xf32> to vector<256x1xf32>
    %eq3A_255 = vector.broadcast %broadcast_in_dim3A_254 : vector<256x1xf32> to vector<256x2048xf32>
    %eq3A_256 = arith.cmpf oeq, %convert_element_type3A_40, %eq3A_255 : vector<256x2048xf32>
    %jit3A_257 = arith.constant -3.000000e+38 : f32
    %broadcast_in_dim3A_258 = vector.broadcast %jit3A_257 : f32 to vector<256x2048xf32>
    %select_n3A_259 = arith.select %eq3A_256, %broadcast_in_dim3A_258, %select_n3A_243 : vector<256x2048xi1>, vector<256x2048xf32>
    %reduce_max3A_260 = arith.constant dense<0xFF800000> : vector<256xf32>
    %reduce_max3A_261 = vector.multi_reduction <maximumf>, %select_n3A_259, %reduce_max3A_260 [1] : vector<256x2048xf32> to vector<256xf32>
    %broadcast_in_dim3A_262 = vector.shape_cast %reduce_max3A_261 : vector<256xf32> to vector<256x1xf32>
    %eq3A_263 = vector.broadcast %broadcast_in_dim3A_262 : vector<256x1xf32> to vector<256x2048xf32>
    %eq3A_264 = arith.cmpf oeq, %select_n3A_259, %eq3A_263 : vector<256x2048xf32>
    %jit3A_265 = arith.constant 2.048000e+03 : f32
    %broadcast_in_dim3A_266 = vector.broadcast %jit3A_265 : f32 to vector<256x2048xf32>
    %select_n3A_267 = arith.select %eq3A_264, %convert_element_type3A_40, %broadcast_in_dim3A_266 : vector<256x2048xi1>, vector<256x2048xf32>
    %reduce_min3A_268 = arith.constant dense<0x7F800000> : vector<256xf32>
    %reduce_min3A_269 = vector.multi_reduction <minimumf>, %select_n3A_267, %reduce_min3A_268 [1] : vector<256x2048xf32> to vector<256xf32>
    %broadcast_in_dim3A_270 = vector.shape_cast %reduce_min3A_269 : vector<256xf32> to vector<256x1xf32>
    %eq3A_271 = vector.broadcast %broadcast_in_dim3A_270 : vector<256x1xf32> to vector<256x2048xf32>
    %eq3A_272 = arith.cmpf oeq, %convert_element_type3A_40, %eq3A_271 : vector<256x2048xf32>
    %jit3A_273 = arith.constant -3.000000e+38 : f32
    %broadcast_in_dim3A_274 = vector.broadcast %jit3A_273 : f32 to vector<256x2048xf32>
    %select_n3A_275 = arith.select %eq3A_272, %broadcast_in_dim3A_274, %select_n3A_259 : vector<256x2048xi1>, vector<256x2048xf32>
    %reduce_max3A_276 = arith.constant dense<0xFF800000> : vector<256xf32>
    %reduce_max3A_277 = vector.multi_reduction <maximumf>, %select_n3A_275, %reduce_max3A_276 [1] : vector<256x2048xf32> to vector<256xf32>
    %broadcast_in_dim3A_278 = vector.shape_cast %reduce_max3A_277 : vector<256xf32> to vector<256x1xf32>
    %eq3A_279 = vector.broadcast %broadcast_in_dim3A_278 : vector<256x1xf32> to vector<256x2048xf32>
    %eq3A_280 = arith.cmpf oeq, %select_n3A_275, %eq3A_279 : vector<256x2048xf32>
    %jit3A_281 = arith.constant 2.048000e+03 : f32
    %broadcast_in_dim3A_282 = vector.broadcast %jit3A_281 : f32 to vector<256x2048xf32>
    %select_n3A_283 = arith.select %eq3A_280, %convert_element_type3A_40, %broadcast_in_dim3A_282 : vector<256x2048xi1>, vector<256x2048xf32>
    %reduce_min3A_284 = arith.constant dense<0x7F800000> : vector<256xf32>
    %reduce_min3A_285 = vector.multi_reduction <minimumf>, %select_n3A_283, %reduce_min3A_284 [1] : vector<256x2048xf32> to vector<256xf32>
    %broadcast_in_dim3A_286 = vector.shape_cast %reduce_min3A_285 : vector<256xf32> to vector<256x1xf32>
    %eq3A_287 = vector.broadcast %broadcast_in_dim3A_286 : vector<256x1xf32> to vector<256x2048xf32>
    %eq3A_288 = arith.cmpf oeq, %convert_element_type3A_40, %eq3A_287 : vector<256x2048xf32>
    %jit3A_289 = arith.constant -3.000000e+38 : f32
    %broadcast_in_dim3A_290 = vector.broadcast %jit3A_289 : f32 to vector<256x2048xf32>
    %select_n3A_291 = arith.select %eq3A_288, %broadcast_in_dim3A_290, %select_n3A_275 : vector<256x2048xi1>, vector<256x2048xf32>
    %reduce_max3A_292 = arith.constant dense<0xFF800000> : vector<256xf32>
    %reduce_max3A_293 = vector.multi_reduction <maximumf>, %select_n3A_291, %reduce_max3A_292 [1] : vector<256x2048xf32> to vector<256xf32>
    %broadcast_in_dim3A_294 = vector.shape_cast %reduce_max3A_293 : vector<256xf32> to vector<256x1xf32>
    %eq3A_295 = vector.broadcast %broadcast_in_dim3A_294 : vector<256x1xf32> to vector<256x2048xf32>
    %eq3A_296 = arith.cmpf oeq, %select_n3A_291, %eq3A_295 : vector<256x2048xf32>
    %jit3A_297 = arith.constant 2.048000e+03 : f32
    %broadcast_in_dim3A_298 = vector.broadcast %jit3A_297 : f32 to vector<256x2048xf32>
    %select_n3A_299 = arith.select %eq3A_296, %convert_element_type3A_40, %broadcast_in_dim3A_298 : vector<256x2048xi1>, vector<256x2048xf32>
    %reduce_min3A_300 = arith.constant dense<0x7F800000> : vector<256xf32>
    %reduce_min3A_301 = vector.multi_reduction <minimumf>, %select_n3A_299, %reduce_min3A_300 [1] : vector<256x2048xf32> to vector<256xf32>
    %broadcast_in_dim3A_302 = vector.shape_cast %reduce_min3A_301 : vector<256xf32> to vector<256x1xf32>
    %concatenate3A = tpu.concatenate %broadcast_in_dim3A_62, %broadcast_in_dim3A_78, %broadcast_in_dim3A_94, %broadcast_in_dim3A_110, %broadcast_in_dim3A_126, %broadcast_in_dim3A_142, %broadcast_in_dim3A_158, %broadcast_in_dim3A_174, %broadcast_in_dim3A_190, %broadcast_in_dim3A_206, %broadcast_in_dim3A_222, %broadcast_in_dim3A_238, %broadcast_in_dim3A_254, %broadcast_in_dim3A_270, %broadcast_in_dim3A_286, %broadcast_in_dim3A_302 in 1 : vector<256x1xf32>, vector<256x1xf32>, vector<256x1xf32>, vector<256x1xf32>, vector<256x1xf32>, vector<256x1xf32>, vector<256x1xf32>, vector<256x1xf32>, vector<256x1xf32>, vector<256x1xf32>, vector<256x1xf32>, vector<256x1xf32>, vector<256x1xf32>, vector<256x1xf32>, vector<256x1xf32>, vector<256x1xf32> -> vector<256x16xf32>
    %convert_element_type3A_303 = arith.fptosi %concatenate3A : vector<256x16xf32> to vector<256x16xi32>
    %mul3A_304 = arith.constant 2048 : i32
    %mul3A_305 = arith.muli %arg0, %mul3A_304 : i32
    %add3A_306 = vector.broadcast %mul3A_305 : i32 to vector<256x16xi32>
    %add3A_307 = arith.addi %convert_element_type3A_303, %add3A_306 : vector<256x16xi32>
    %swap3A = arith.constant 0 : index
    %swap3A_308 = arith.constant 0 : index
    %swap3A_309 = arith.constant 0 : index
    %swap3A_310 = vector.load %arg7[%swap3A, %swap3A_308, %swap3A_309] : memref<1x256x16xi32, #tpu.memory_space<vmem>>, vector<1x256x16xi32>
    %swap3A_311 = vector.shape_cast %swap3A_310 : vector<1x256x16xi32> to vector<256x16xi32>
    %swap3A_312 = vector.shape_cast %add3A_307 : vector<256x16xi32> to vector<1x256x16xi32>
    tpu.vector_store %arg7[%swap3A, %swap3A_308, %swap3A_309], %swap3A_312 {strides = array<i32>} : memref<1x256x16xi32, #tpu.memory_space<vmem>>, vector<1x256x16xi32>,
    %get3A_313 = arith.constant 0 : index
    %get3A_314 = arith.constant 0 : index
    %get3A_315 = arith.constant 0 : index
    %get3A_316 = vector.load %arg4[%get3A_313, %get3A_314, %get3A_315] : memref<1x256x64xf32, #tpu.memory_space<vmem>>, vector<1x256x64xf32>
    %get3A_317 = vector.shape_cast %get3A_316 : vector<1x256x64xf32> to vector<256x64xf32>
    %get3A_318 = arith.constant 0 : index
    %get3A_319 = arith.constant 0 : index
    %get3A_320 = vector.load %arg5[%get3A_318, %get3A_319] : memref<64x64xf32, #tpu.memory_space<vmem>>, vector<64x64xf32>
    %dot_general3A = arith.constant dense<0.000000e+00> : vector<256x64xf32>
    %dot_general3A_321 = tpu.matmul %get3A_317, %get3A_320, %dot_general3A {dimension_numbers = #tpu.dot_dimension_numbers<[1], [0], [0], [1], [0, 0, 1, 1], [], []>, precision = #tpu.contract_precision<fp32>, transpose_lhs_hint = false} : vector<256x64xf32>, vector<64x64xf32>, vector<256x64xf32> -> vector<256x64xf32>
    %swap3A_322 = arith.constant 0 : index
    %swap3A_323 = arith.constant 0 : index
    %swap3A_324 = arith.constant 0 : index
    %swap3A_325 = vector.load %arg8[%swap3A_322, %swap3A_323, %swap3A_324] : memref<1x256x64xf32, #tpu.memory_space<vmem>>, vector<1x256x64xf32>
    %swap3A_326 = vector.shape_cast %swap3A_325 : vector<1x256x64xf32> to vector<256x64xf32>
    %swap3A_327 = vector.shape_cast %dot_general3A_321 : vector<256x64xf32> to vector<1x256x64xf32>
    tpu.vector_store %arg8[%swap3A_322, %swap3A_323, %swap3A_324], %swap3A_327 {strides = array<i32>} : memref<1x256x64xf32, #tpu.memory_space<vmem>>, vector<1x256x64xf32>,
    %get3A_328 = arith.constant 0 : index
    %get3A_329 = arith.constant 0 : index
    %get3A_330 = vector.load %arg6[%get3A_328, %get3A_329] : memref<64x64xf32, #tpu.memory_space<vmem>>, vector<64x64xf32>
    %dot_general3A_331 = arith.constant dense<0.000000e+00> : vector<256x64xf32>
    %dot_general3A_332 = tpu.matmul %get3A_317, %get3A_330, %dot_general3A_331 {dimension_numbers = #tpu.dot_dimension_numbers<[1], [0], [0], [1], [0, 0, 1, 1], [], []>, precision = #tpu.contract_precision<fp32>, transpose_lhs_hint = false} : vector<256x64xf32>, vector<64x64xf32>, vector<256x64xf32> -> vector<256x64xf32>
    %swap3A_333 = arith.constant 0 : index
    %swap3A_334 = arith.constant 0 : index
    %swap3A_335 = arith.constant 0 : index
    %swap3A_336 = vector.load %arg9[%swap3A_333, %swap3A_334, %swap3A_335] : memref<1x256x64xf32, #tpu.memory_space<vmem>>, vector<1x256x64xf32>
    %swap3A_337 = vector.shape_cast %swap3A_336 : vector<1x256x64xf32> to vector<256x64xf32>
    %swap3A_338 = vector.shape_cast %dot_general3A_332 : vector<256x64xf32> to vector<1x256x64xf32>
    tpu.vector_store %arg9[%swap3A_333, %swap3A_334, %swap3A_335], %swap3A_338 {strides = array<i32>} : memref<1x256x64xf32, #tpu.memory_space<vmem>>, vector<1x256x64xf32>,
    return
  }
  func.func @transform_0(%arg0: i32, %arg1: i32) -> (i32, i32, i32) {
    %c0_i32 = arith.constant 0 : i32
    %c0_i32_0 = arith.constant 0 : i32
    %c0_i32_1 = arith.constant 0 : i32
    return %arg0, %c0_i32, %c0_i32_0 : i32, i32, i32
  }
  func.func @transform_1(%arg0: i32, %arg1: i32) -> (i32, i32, i32) {
    %c0_i32 = arith.constant 0 : i32
    %c0_i32_0 = arith.constant 0 : i32
    return %arg0, %arg1, %c0_i32 : i32, i32, i32
  }
  func.func @transform_2(%arg0: i32, %arg1: i32) -> (i32, i32, i32) {
    %c0_i32 = arith.constant 0 : i32
    %c0_i32_0 = arith.constant 0 : i32
    return %arg0, %arg1, %c0_i32 : i32, i32, i32
  }
  func.func @transform_3(%arg0: i32, %arg1: i32) -> (i32, i32) {
    %c0_i32 = arith.constant 0 : i32
    %c0_i32_0 = arith.constant 0 : i32
    %c0_i32_1 = arith.constant 0 : i32
    return %c0_i32, %c0_i32_0 : i32, i32
  }
  func.func @transform_4(%arg0: i32, %arg1: i32) -> (i32, i32) {
    %c0_i32 = arith.constant 0 : i32
    %c0_i32_0 = arith.constant 0 : i32
    %c0_i32_1 = arith.constant 0 : i32
    return %c0_i32, %c0_i32_0 : i32, i32
  }
  func.func @transform_5(%arg0: i32, %arg1: i32) -> (i32, i32, i32) {
    %c0_i32 = arith.constant 0 : i32
    %c0_i32_0 = arith.constant 0 : i32
    return %arg0, %arg1, %c0_i32 : i32, i32, i32
  }
  func.func @transform_6(%arg0: i32, %arg1: i32) -> (i32, i32, i32) {
    %c0_i32 = arith.constant 0 : i32
    %c0_i32_0 = arith.constant 0 : i32
    return %arg0, %arg1, %c0_i32 : i32, i32, i32
  }
  func.func @transform_7(%arg0: i32, %arg1: i32) -> (i32, i32, i32) {
    %c0_i32 = arith.constant 0 : i32
    %c0_i32_0 = arith.constant 0 : i32
    return %arg0, %arg1, %c0_i32 : i32, i32, i32
  }
}

module attributes {stable_mosaic.version = 14 : i64} {
  func.func @_stats1_body(%arg0: i32, %arg1: memref<4096x128xf32, #tpu.memory_space<vmem>>, %arg2: memref<512x64xf32, #tpu.memory_space<vmem>>, %arg3: memref<8x128xf32, #tpu.memory_space<vmem>>) attributes {dimension_semantics = [#tpu.dimension_semantics<arbitrary>], iteration_bounds = array<i64: 32>, scalar_prefetch = 0 : i64, scratch_operands = 0 : i64, tpu.core_type = #tpu.core_type<tc>, window_params = [{transform_indices = @transform_0, window_bounds = array<i64: 4096, 128>}, {transform_indices = @transform_1, window_bounds = array<i64: 512, 64>}, {pipeline_mode = #tpu.pipeline_mode<synchronous>, transform_indices = @transform_2, window_bounds = array<i64: 8, 128>}]} {
    %get3A = arith.constant 0 : index
    %get3A_0 = arith.constant 0 : index
    %get3A_1 = vector.load %arg2[%get3A, %get3A_0] : memref<512x64xf32, #tpu.memory_space<vmem>>, vector<512x64xf32>
    %get3A_2 = arith.constant 0 : index
    %get3A_3 = arith.constant 0 : index
    %get3A_4 = vector.load %arg2[%get3A_2, %get3A_3] : memref<512x64xf32, #tpu.memory_space<vmem>>, vector<512x64xf32>
    %concatenate3A = tpu.concatenate %get3A_1, %get3A_4 in 1 : vector<512x64xf32>, vector<512x64xf32> -> vector<512x128xf32>
    %get3A_5 = arith.constant 0 : index
    %get3A_6 = arith.constant 0 : index
    %get3A_7 = vector.load %arg1[%get3A_5, %get3A_6] : memref<4096x128xf32, #tpu.memory_space<vmem>>, vector<4096x128xf32>
    %reshape3A = vector.shape_cast %get3A_7 : vector<4096x128xf32> to vector<512x8x128xf32>
    %broadcast_in_dim3A = vector.shape_cast %concatenate3A : vector<512x128xf32> to vector<512x1x128xf32>
    %add3A = vector.broadcast %broadcast_in_dim3A : vector<512x1x128xf32> to vector<512x8x128xf32>
    %add3A_8 = arith.addf %reshape3A, %add3A : vector<512x8x128xf32>
    %reshape3A_9 = vector.shape_cast %add3A_8 : vector<512x8x128xf32> to vector<4096x128xf32>
    %eq3A = arith.constant 0 : i32
    %eq3A_10 = arith.cmpi eq, %arg0, %eq3A : i32
    %convert_element_type3A = arith.extui %eq3A_10 : i1 to i32
    %cond3A = arith.constant 0 : i32
    %cond3A_11 = arith.cmpi ne, %convert_element_type3A, %cond3A : i32
    scf.if %cond3A_11 {
      %broadcast_in_dim3A_30 = arith.constant 0.000000e+00 : f32
      %broadcast_in_dim3A_31 = vector.broadcast %broadcast_in_dim3A_30 : f32 to vector<8x128xf32>
      %swap3A_32 = arith.constant 0 : index
      %swap3A_33 = arith.constant 0 : index
      %swap3A_34 = vector.load %arg3[%swap3A_32, %swap3A_33] : memref<8x128xf32, #tpu.memory_space<vmem>>, vector<8x128xf32>
      tpu.vector_store %arg3[%swap3A_32, %swap3A_33], %broadcast_in_dim3A_31 {strides = array<i32>} : memref<8x128xf32, #tpu.memory_space<vmem>>, vector<8x128xf32>,
    } else {
    }
    %reduce_sum3A = arith.constant dense<0.000000e+00> : vector<128xf32>
    %reduce_sum3A_12 = vector.multi_reduction <add>, %reshape3A_9, %reduce_sum3A [0] : vector<4096x128xf32> to vector<128xf32>
    %broadcast_in_dim3A_13 = vector.shape_cast %reduce_sum3A_12 : vector<128xf32> to vector<1x128xf32>
    %mul3A = arith.mulf %reshape3A_9, %reshape3A_9 : vector<4096x128xf32>
    %reduce_sum3A_14 = arith.constant dense<0.000000e+00> : vector<128xf32>
    %reduce_sum3A_15 = vector.multi_reduction <add>, %mul3A, %reduce_sum3A_14 [0] : vector<4096x128xf32> to vector<128xf32>
    %broadcast_in_dim3A_16 = vector.shape_cast %reduce_sum3A_15 : vector<128xf32> to vector<1x128xf32>
    %get3A_17 = arith.constant 0 : index
    %get3A_18 = arith.constant 0 : index
    %get3A_19 = vector.load %arg3[%get3A_17, %get3A_18] : memref<8x128xf32, #tpu.memory_space<vmem>>, vector<1x128xf32>
    %add3A_20 = arith.addf %get3A_19, %broadcast_in_dim3A_13 : vector<1x128xf32>
    %swap3A = arith.constant 0 : index
    %swap3A_21 = arith.constant 0 : index
    %swap3A_22 = vector.load %arg3[%swap3A, %swap3A_21] : memref<8x128xf32, #tpu.memory_space<vmem>>, vector<1x128xf32>
    tpu.vector_store %arg3[%swap3A, %swap3A_21], %add3A_20 {strides = array<i32>} : memref<8x128xf32, #tpu.memory_space<vmem>>, vector<1x128xf32>,
    %get3A_23 = arith.constant 1 : index
    %get3A_24 = arith.constant 0 : index
    %get3A_25 = vector.load %arg3[%get3A_23, %get3A_24] : memref<8x128xf32, #tpu.memory_space<vmem>>, vector<1x128xf32>
    %add3A_26 = arith.addf %get3A_25, %broadcast_in_dim3A_16 : vector<1x128xf32>
    %swap3A_27 = arith.constant 1 : index
    %swap3A_28 = arith.constant 0 : index
    %swap3A_29 = vector.load %arg3[%swap3A_27, %swap3A_28] : memref<8x128xf32, #tpu.memory_space<vmem>>, vector<1x128xf32>
    tpu.vector_store %arg3[%swap3A_27, %swap3A_28], %add3A_26 {strides = array<i32>} : memref<8x128xf32, #tpu.memory_space<vmem>>, vector<1x128xf32>,
    return
  }
  func.func @transform_0(%arg0: i32) -> (i32, i32) {
    %c0_i32 = arith.constant 0 : i32
    %c0_i32_0 = arith.constant 0 : i32
    return %arg0, %c0_i32 : i32, i32
  }
  func.func @transform_1(%arg0: i32) -> (i32, i32) {
    %c0_i32 = arith.constant 0 : i32
    %c0_i32_0 = arith.constant 0 : i32
    return %arg0, %c0_i32 : i32, i32
  }
  func.func @transform_2(%arg0: i32) -> (i32, i32) {
    %c0_i32 = arith.constant 0 : i32
    %c0_i32_0 = arith.constant 0 : i32
    %c0_i32_1 = arith.constant 0 : i32
    return %c0_i32, %c0_i32_0 : i32, i32
  }
}

module attributes {stable_mosaic.version = 14 : i64} {
  func.func @_p5_body(%arg0: i32, %arg1: memref<4096x128xf32, #tpu.memory_space<vmem>>, %arg2: memref<512x64xf32, #tpu.memory_space<vmem>>, %arg3: memref<8x128xf32, #tpu.memory_space<vmem>>, %arg4: memref<128x128xbf16, #tpu.memory_space<vmem>>, %arg5: memref<1x64xf32, #tpu.memory_space<vmem>>, %arg6: memref<1x64xf32, #tpu.memory_space<vmem>>, %arg7: memref<4096x128xf32, #tpu.memory_space<vmem>>, %arg8: memref<8x128xf32, #tpu.memory_space<vmem>>) attributes {dimension_semantics = [#tpu.dimension_semantics<arbitrary>], iteration_bounds = array<i64: 32>, scalar_prefetch = 0 : i64, scratch_operands = 0 : i64, tpu.core_type = #tpu.core_type<tc>, window_params = [{transform_indices = @transform_0, window_bounds = array<i64: 4096, 128>}, {transform_indices = @transform_1, window_bounds = array<i64: 512, 64>}, {pipeline_mode = #tpu.pipeline_mode<synchronous>, transform_indices = @transform_2, window_bounds = array<i64: 8, 128>}, {pipeline_mode = #tpu.pipeline_mode<synchronous>, transform_indices = @transform_3, window_bounds = array<i64: 128, 128>}, {pipeline_mode = #tpu.pipeline_mode<synchronous>, transform_indices = @transform_4, window_bounds = array<i64: 1, 64>}, {pipeline_mode = #tpu.pipeline_mode<synchronous>, transform_indices = @transform_5, window_bounds = array<i64: 1, 64>}, {transform_indices = @transform_6, window_bounds = array<i64: 4096, 128>}, {pipeline_mode = #tpu.pipeline_mode<synchronous>, transform_indices = @transform_7, window_bounds = array<i64: 8, 128>}]} {
    %get3A = arith.constant 0 : index
    %get3A_0 = arith.constant 0 : index
    %get3A_1 = vector.load %arg3[%get3A, %get3A_0] : memref<8x128xf32, #tpu.memory_space<vmem>>, vector<1x64xf32>
    %get3A_2 = arith.constant 0 : index
    %get3A_3 = arith.constant 64 : index
    %get3A_4 = vector.load %arg3[%get3A_2, %get3A_3] : memref<8x128xf32, #tpu.memory_space<vmem>>, vector<1x64xf32>
    %add3A = arith.addf %get3A_1, %get3A_4 : vector<1x64xf32>
    %get3A_5 = arith.constant 1 : index
    %get3A_6 = arith.constant 0 : index
    %get3A_7 = vector.load %arg3[%get3A_5, %get3A_6] : memref<8x128xf32, #tpu.memory_space<vmem>>, vector<1x64xf32>
    %get3A_8 = arith.constant 1 : index
    %get3A_9 = arith.constant 64 : index
    %get3A_10 = vector.load %arg3[%get3A_8, %get3A_9] : memref<8x128xf32, #tpu.memory_space<vmem>>, vector<1x64xf32>
    %add3A_11 = arith.addf %get3A_7, %get3A_10 : vector<1x64xf32>
    %div3A = arith.constant 2.621440e+05 : f32
    %div3A_12 = vector.broadcast %div3A : f32 to vector<1x64xf32>
    %div3A_13 = arith.divf %add3A, %div3A_12 : vector<1x64xf32>
    %div3A_14 = arith.constant 2.621440e+05 : f32
    %div3A_15 = vector.broadcast %div3A_14 : f32 to vector<1x64xf32>
    %div3A_16 = arith.divf %add3A_11, %div3A_15 : vector<1x64xf32>
    %mul3A = arith.mulf %div3A_13, %div3A_13 : vector<1x64xf32>
    %sub3A = arith.subf %div3A_16, %mul3A : vector<1x64xf32>
    %get3A_17 = arith.constant 0 : index
    %get3A_18 = arith.constant 0 : index
    %get3A_19 = vector.load %arg5[%get3A_17, %get3A_18] : memref<1x64xf32, #tpu.memory_space<vmem>>, vector<1x64xf32>
    %add3A_20 = arith.constant 9.99999974E-6 : f32
    %add3A_21 = vector.broadcast %add3A_20 : f32 to vector<1x64xf32>
    %add3A_22 = arith.addf %sub3A, %add3A_21 : vector<1x64xf32>
    %rsqrt3A = math.rsqrt %add3A_22 : vector<1x64xf32>
    %mul3A_23 = arith.mulf %get3A_19, %rsqrt3A : vector<1x64xf32>
    %get3A_24 = arith.constant 0 : index
    %get3A_25 = arith.constant 0 : index
    %get3A_26 = vector.load %arg6[%get3A_24, %get3A_25] : memref<1x64xf32, #tpu.memory_space<vmem>>, vector<1x64xf32>
    %mul3A_27 = arith.mulf %div3A_13, %mul3A_23 : vector<1x64xf32>
    %sub3A_28 = arith.subf %get3A_26, %mul3A_27 : vector<1x64xf32>
    %concatenate3A = tpu.concatenate %mul3A_23, %mul3A_23 in 1 : vector<1x64xf32>, vector<1x64xf32> -> vector<1x128xf32>
    %concatenate3A_29 = tpu.concatenate %sub3A_28, %sub3A_28 in 1 : vector<1x64xf32>, vector<1x64xf32> -> vector<1x128xf32>
    %get3A_30 = arith.constant 0 : index
    %get3A_31 = arith.constant 0 : index
    %get3A_32 = vector.load %arg2[%get3A_30, %get3A_31] : memref<512x64xf32, #tpu.memory_space<vmem>>, vector<512x64xf32>
    %get3A_33 = arith.constant 0 : index
    %get3A_34 = arith.constant 0 : index
    %get3A_35 = vector.load %arg2[%get3A_33, %get3A_34] : memref<512x64xf32, #tpu.memory_space<vmem>>, vector<512x64xf32>
    %concatenate3A_36 = tpu.concatenate %get3A_32, %get3A_35 in 1 : vector<512x64xf32>, vector<512x64xf32> -> vector<512x128xf32>
    %get3A_37 = arith.constant 0 : index
    %get3A_38 = arith.constant 0 : index
    %get3A_39 = vector.load %arg1[%get3A_37, %get3A_38] : memref<4096x128xf32, #tpu.memory_space<vmem>>, vector<4096x128xf32>
    %reshape3A = vector.shape_cast %get3A_39 : vector<4096x128xf32> to vector<512x8x128xf32>
    %broadcast_in_dim3A = vector.shape_cast %concatenate3A_36 : vector<512x128xf32> to vector<512x1x128xf32>
    %add3A_40 = vector.broadcast %broadcast_in_dim3A : vector<512x1x128xf32> to vector<512x8x128xf32>
    %add3A_41 = arith.addf %reshape3A, %add3A_40 : vector<512x8x128xf32>
    %reshape3A_42 = vector.shape_cast %add3A_41 : vector<512x8x128xf32> to vector<4096x128xf32>
    %mul3A_43 = vector.broadcast %concatenate3A : vector<1x128xf32> to vector<4096x128xf32>
    %mul3A_44 = arith.mulf %reshape3A_42, %mul3A_43 : vector<4096x128xf32>
    %add3A_45 = vector.broadcast %concatenate3A_29 : vector<1x128xf32> to vector<4096x128xf32>
    %add3A_46 = arith.addf %mul3A_44, %add3A_45 : vector<4096x128xf32>
    %max3A = arith.constant 0.000000e+00 : f32
    %max3A_47 = vector.broadcast %max3A : f32 to vector<4096x128xf32>
    %max3A_48 = arith.maximumf %add3A_46, %max3A_47 : vector<4096x128xf32>
    %convert_element_type3A = arith.truncf %max3A_48 : vector<4096x128xf32> to vector<4096x128xbf16>
    %get3A_49 = arith.constant 0 : index
    %get3A_50 = arith.constant 0 : index
    %get3A_51 = vector.load %arg4[%get3A_49, %get3A_50] : memref<128x128xbf16, #tpu.memory_space<vmem>>, vector<128x128xbf16>
    %dot_general3A = arith.constant dense<0.000000e+00> : vector<4096x128xf32>
    %dot_general3A_52 = tpu.matmul %convert_element_type3A, %get3A_51, %dot_general3A {dimension_numbers = #tpu.dot_dimension_numbers<[1], [0], [0], [1], [0, 0, 1, 1], [], []>, transpose_lhs_hint = false} : vector<4096x128xbf16>, vector<128x128xbf16>, vector<4096x128xf32> -> vector<4096x128xf32>
    %swap3A = arith.constant 0 : index
    %swap3A_53 = arith.constant 0 : index
    %swap3A_54 = vector.load %arg7[%swap3A, %swap3A_53] : memref<4096x128xf32, #tpu.memory_space<vmem>>, vector<4096x128xf32>
    tpu.vector_store %arg7[%swap3A, %swap3A_53], %dot_general3A_52 {strides = array<i32>} : memref<4096x128xf32, #tpu.memory_space<vmem>>, vector<4096x128xf32>,
    %eq3A = arith.constant 0 : i32
    %eq3A_55 = arith.cmpi eq, %arg0, %eq3A : i32
    %convert_element_type3A_56 = arith.extui %eq3A_55 : i1 to i32
    %cond3A = arith.constant 0 : i32
    %cond3A_57 = arith.cmpi ne, %convert_element_type3A_56, %cond3A : i32
    scf.if %cond3A_57 {
      %broadcast_in_dim3A_78 = arith.constant 0.000000e+00 : f32
      %broadcast_in_dim3A_79 = vector.broadcast %broadcast_in_dim3A_78 : f32 to vector<8x128xf32>
      %swap3A_80 = arith.constant 0 : index
      %swap3A_81 = arith.constant 0 : index
      %swap3A_82 = vector.load %arg8[%swap3A_80, %swap3A_81] : memref<8x128xf32, #tpu.memory_space<vmem>>, vector<8x128xf32>
      tpu.vector_store %arg8[%swap3A_80, %swap3A_81], %broadcast_in_dim3A_79 {strides = array<i32>} : memref<8x128xf32, #tpu.memory_space<vmem>>, vector<8x128xf32>,
    } else {
    }
    %reduce_sum3A = arith.constant dense<0.000000e+00> : vector<128xf32>
    %reduce_sum3A_58 = vector.multi_reduction <add>, %dot_general3A_52, %reduce_sum3A [0] : vector<4096x128xf32> to vector<128xf32>
    %broadcast_in_dim3A_59 = vector.shape_cast %reduce_sum3A_58 : vector<128xf32> to vector<1x128xf32>
    %mul3A_60 = arith.mulf %dot_general3A_52, %dot_general3A_52 : vector<4096x128xf32>
    %reduce_sum3A_61 = arith.constant dense<0.000000e+00> : vector<128xf32>
    %reduce_sum3A_62 = vector.multi_reduction <add>, %mul3A_60, %reduce_sum3A_61 [0] : vector<4096x128xf32> to vector<128xf32>
    %broadcast_in_dim3A_63 = vector.shape_cast %reduce_sum3A_62 : vector<128xf32> to vector<1x128xf32>
    %get3A_64 = arith.constant 0 : index
    %get3A_65 = arith.constant 0 : index
    %get3A_66 = vector.load %arg8[%get3A_64, %get3A_65] : memref<8x128xf32, #tpu.memory_space<vmem>>, vector<1x128xf32>
    %add3A_67 = arith.addf %get3A_66, %broadcast_in_dim3A_59 : vector<1x128xf32>
    %swap3A_68 = arith.constant 0 : index
    %swap3A_69 = arith.constant 0 : index
    %swap3A_70 = vector.load %arg8[%swap3A_68, %swap3A_69] : memref<8x128xf32, #tpu.memory_space<vmem>>, vector<1x128xf32>
    tpu.vector_store %arg8[%swap3A_68, %swap3A_69], %add3A_67 {strides = array<i32>} : memref<8x128xf32, #tpu.memory_space<vmem>>, vector<1x128xf32>,
    %get3A_71 = arith.constant 1 : index
    %get3A_72 = arith.constant 0 : index
    %get3A_73 = vector.load %arg8[%get3A_71, %get3A_72] : memref<8x128xf32, #tpu.memory_space<vmem>>, vector<1x128xf32>
    %add3A_74 = arith.addf %get3A_73, %broadcast_in_dim3A_63 : vector<1x128xf32>
    %swap3A_75 = arith.constant 1 : index
    %swap3A_76 = arith.constant 0 : index
    %swap3A_77 = vector.load %arg8[%swap3A_75, %swap3A_76] : memref<8x128xf32, #tpu.memory_space<vmem>>, vector<1x128xf32>
    tpu.vector_store %arg8[%swap3A_75, %swap3A_76], %add3A_74 {strides = array<i32>} : memref<8x128xf32, #tpu.memory_space<vmem>>, vector<1x128xf32>,
    return
  }
  func.func @transform_0(%arg0: i32) -> (i32, i32) {
    %c0_i32 = arith.constant 0 : i32
    %c0_i32_0 = arith.constant 0 : i32
    return %arg0, %c0_i32 : i32, i32
  }
  func.func @transform_1(%arg0: i32) -> (i32, i32) {
    %c0_i32 = arith.constant 0 : i32
    %c0_i32_0 = arith.constant 0 : i32
    return %arg0, %c0_i32 : i32, i32
  }
  func.func @transform_2(%arg0: i32) -> (i32, i32) {
    %c0_i32 = arith.constant 0 : i32
    %c0_i32_0 = arith.constant 0 : i32
    %c0_i32_1 = arith.constant 0 : i32
    return %c0_i32, %c0_i32_0 : i32, i32
  }
  func.func @transform_3(%arg0: i32) -> (i32, i32) {
    %c0_i32 = arith.constant 0 : i32
    %c0_i32_0 = arith.constant 0 : i32
    %c0_i32_1 = arith.constant 0 : i32
    return %c0_i32, %c0_i32_0 : i32, i32
  }
  func.func @transform_4(%arg0: i32) -> (i32, i32) {
    %c0_i32 = arith.constant 0 : i32
    %c0_i32_0 = arith.constant 0 : i32
    %c0_i32_1 = arith.constant 0 : i32
    return %c0_i32, %c0_i32_0 : i32, i32
  }
  func.func @transform_5(%arg0: i32) -> (i32, i32) {
    %c0_i32 = arith.constant 0 : i32
    %c0_i32_0 = arith.constant 0 : i32
    %c0_i32_1 = arith.constant 0 : i32
    return %c0_i32, %c0_i32_0 : i32, i32
  }
  func.func @transform_6(%arg0: i32) -> (i32, i32) {
    %c0_i32 = arith.constant 0 : i32
    %c0_i32_0 = arith.constant 0 : i32
    return %arg0, %c0_i32 : i32, i32
  }
  func.func @transform_7(%arg0: i32) -> (i32, i32) {
    %c0_i32 = arith.constant 0 : i32
    %c0_i32_0 = arith.constant 0 : i32
    %c0_i32_1 = arith.constant 0 : i32
    return %c0_i32, %c0_i32_0 : i32, i32
  }
}

module attributes {stable_mosaic.version = 14 : i64} {
  func.func @_p6_body(%arg0: i32, %arg1: memref<4096x128xf32, #tpu.memory_space<vmem>>, %arg2: memref<8x128xf32, #tpu.memory_space<vmem>>, %arg3: memref<128x128xbf16, #tpu.memory_space<vmem>>, %arg4: memref<1x64xf32, #tpu.memory_space<vmem>>, %arg5: memref<1x64xf32, #tpu.memory_space<vmem>>, %arg6: memref<4096x128xf32, #tpu.memory_space<vmem>>, %arg7: memref<8x128xf32, #tpu.memory_space<vmem>>) attributes {dimension_semantics = [#tpu.dimension_semantics<arbitrary>], iteration_bounds = array<i64: 32>, scalar_prefetch = 0 : i64, scratch_operands = 0 : i64, tpu.core_type = #tpu.core_type<tc>, window_params = [{transform_indices = @transform_0, window_bounds = array<i64: 4096, 128>}, {pipeline_mode = #tpu.pipeline_mode<synchronous>, transform_indices = @transform_1, window_bounds = array<i64: 8, 128>}, {pipeline_mode = #tpu.pipeline_mode<synchronous>, transform_indices = @transform_2, window_bounds = array<i64: 128, 128>}, {pipeline_mode = #tpu.pipeline_mode<synchronous>, transform_indices = @transform_3, window_bounds = array<i64: 1, 64>}, {pipeline_mode = #tpu.pipeline_mode<synchronous>, transform_indices = @transform_4, window_bounds = array<i64: 1, 64>}, {transform_indices = @transform_5, window_bounds = array<i64: 4096, 128>}, {pipeline_mode = #tpu.pipeline_mode<synchronous>, transform_indices = @transform_6, window_bounds = array<i64: 8, 128>}]} {
    %get3A = arith.constant 0 : index
    %get3A_0 = arith.constant 0 : index
    %get3A_1 = vector.load %arg2[%get3A, %get3A_0] : memref<8x128xf32, #tpu.memory_space<vmem>>, vector<1x64xf32>
    %get3A_2 = arith.constant 0 : index
    %get3A_3 = arith.constant 64 : index
    %get3A_4 = vector.load %arg2[%get3A_2, %get3A_3] : memref<8x128xf32, #tpu.memory_space<vmem>>, vector<1x64xf32>
    %add3A = arith.addf %get3A_1, %get3A_4 : vector<1x64xf32>
    %get3A_5 = arith.constant 1 : index
    %get3A_6 = arith.constant 0 : index
    %get3A_7 = vector.load %arg2[%get3A_5, %get3A_6] : memref<8x128xf32, #tpu.memory_space<vmem>>, vector<1x64xf32>
    %get3A_8 = arith.constant 1 : index
    %get3A_9 = arith.constant 64 : index
    %get3A_10 = vector.load %arg2[%get3A_8, %get3A_9] : memref<8x128xf32, #tpu.memory_space<vmem>>, vector<1x64xf32>
    %add3A_11 = arith.addf %get3A_7, %get3A_10 : vector<1x64xf32>
    %div3A = arith.constant 2.621440e+05 : f32
    %div3A_12 = vector.broadcast %div3A : f32 to vector<1x64xf32>
    %div3A_13 = arith.divf %add3A, %div3A_12 : vector<1x64xf32>
    %div3A_14 = arith.constant 2.621440e+05 : f32
    %div3A_15 = vector.broadcast %div3A_14 : f32 to vector<1x64xf32>
    %div3A_16 = arith.divf %add3A_11, %div3A_15 : vector<1x64xf32>
    %mul3A = arith.mulf %div3A_13, %div3A_13 : vector<1x64xf32>
    %sub3A = arith.subf %div3A_16, %mul3A : vector<1x64xf32>
    %get3A_17 = arith.constant 0 : index
    %get3A_18 = arith.constant 0 : index
    %get3A_19 = vector.load %arg4[%get3A_17, %get3A_18] : memref<1x64xf32, #tpu.memory_space<vmem>>, vector<1x64xf32>
    %add3A_20 = arith.constant 9.99999974E-6 : f32
    %add3A_21 = vector.broadcast %add3A_20 : f32 to vector<1x64xf32>
    %add3A_22 = arith.addf %sub3A, %add3A_21 : vector<1x64xf32>
    %rsqrt3A = math.rsqrt %add3A_22 : vector<1x64xf32>
    %mul3A_23 = arith.mulf %get3A_19, %rsqrt3A : vector<1x64xf32>
    %get3A_24 = arith.constant 0 : index
    %get3A_25 = arith.constant 0 : index
    %get3A_26 = vector.load %arg5[%get3A_24, %get3A_25] : memref<1x64xf32, #tpu.memory_space<vmem>>, vector<1x64xf32>
    %mul3A_27 = arith.mulf %div3A_13, %mul3A_23 : vector<1x64xf32>
    %sub3A_28 = arith.subf %get3A_26, %mul3A_27 : vector<1x64xf32>
    %concatenate3A = tpu.concatenate %mul3A_23, %mul3A_23 in 1 : vector<1x64xf32>, vector<1x64xf32> -> vector<1x128xf32>
    %concatenate3A_29 = tpu.concatenate %sub3A_28, %sub3A_28 in 1 : vector<1x64xf32>, vector<1x64xf32> -> vector<1x128xf32>
    %get3A_30 = arith.constant 0 : index
    %get3A_31 = arith.constant 0 : index
    %get3A_32 = vector.load %arg1[%get3A_30, %get3A_31] : memref<4096x128xf32, #tpu.memory_space<vmem>>, vector<4096x128xf32>
    %mul3A_33 = vector.broadcast %concatenate3A : vector<1x128xf32> to vector<4096x128xf32>
    %mul3A_34 = arith.mulf %get3A_32, %mul3A_33 : vector<4096x128xf32>
    %add3A_35 = vector.broadcast %concatenate3A_29 : vector<1x128xf32> to vector<4096x128xf32>
    %add3A_36 = arith.addf %mul3A_34, %add3A_35 : vector<4096x128xf32>
    %max3A = arith.constant 0.000000e+00 : f32
    %max3A_37 = vector.broadcast %max3A : f32 to vector<4096x128xf32>
    %max3A_38 = arith.maximumf %add3A_36, %max3A_37 : vector<4096x128xf32>
    %convert_element_type3A = arith.truncf %max3A_38 : vector<4096x128xf32> to vector<4096x128xbf16>
    %get3A_39 = arith.constant 0 : index
    %get3A_40 = arith.constant 0 : index
    %get3A_41 = vector.load %arg3[%get3A_39, %get3A_40] : memref<128x128xbf16, #tpu.memory_space<vmem>>, vector<128x128xbf16>
    %dot_general3A = arith.constant dense<0.000000e+00> : vector<4096x128xf32>
    %dot_general3A_42 = tpu.matmul %convert_element_type3A, %get3A_41, %dot_general3A {dimension_numbers = #tpu.dot_dimension_numbers<[1], [0], [0], [1], [0, 0, 1, 1], [], []>, transpose_lhs_hint = false} : vector<4096x128xbf16>, vector<128x128xbf16>, vector<4096x128xf32> -> vector<4096x128xf32>
    %swap3A = arith.constant 0 : index
    %swap3A_43 = arith.constant 0 : index
    %swap3A_44 = vector.load %arg6[%swap3A, %swap3A_43] : memref<4096x128xf32, #tpu.memory_space<vmem>>, vector<4096x128xf32>
    tpu.vector_store %arg6[%swap3A, %swap3A_43], %dot_general3A_42 {strides = array<i32>} : memref<4096x128xf32, #tpu.memory_space<vmem>>, vector<4096x128xf32>,
    %eq3A = arith.constant 0 : i32
    %eq3A_45 = arith.cmpi eq, %arg0, %eq3A : i32
    %convert_element_type3A_46 = arith.extui %eq3A_45 : i1 to i32
    %cond3A = arith.constant 0 : i32
    %cond3A_47 = arith.cmpi ne, %convert_element_type3A_46, %cond3A : i32
    scf.if %cond3A_47 {
      %broadcast_in_dim3A_67 = arith.constant 0.000000e+00 : f32
      %broadcast_in_dim3A_68 = vector.broadcast %broadcast_in_dim3A_67 : f32 to vector<8x128xf32>
      %swap3A_69 = arith.constant 0 : index
      %swap3A_70 = arith.constant 0 : index
      %swap3A_71 = vector.load %arg7[%swap3A_69, %swap3A_70] : memref<8x128xf32, #tpu.memory_space<vmem>>, vector<8x128xf32>
      tpu.vector_store %arg7[%swap3A_69, %swap3A_70], %broadcast_in_dim3A_68 {strides = array<i32>} : memref<8x128xf32, #tpu.memory_space<vmem>>, vector<8x128xf32>,
    } else {
    }
    %reduce_sum3A = arith.constant dense<0.000000e+00> : vector<128xf32>
    %reduce_sum3A_48 = vector.multi_reduction <add>, %dot_general3A_42, %reduce_sum3A [0] : vector<4096x128xf32> to vector<128xf32>
    %broadcast_in_dim3A = vector.shape_cast %reduce_sum3A_48 : vector<128xf32> to vector<1x128xf32>
    %mul3A_49 = arith.mulf %dot_general3A_42, %dot_general3A_42 : vector<4096x128xf32>
    %reduce_sum3A_50 = arith.constant dense<0.000000e+00> : vector<128xf32>
    %reduce_sum3A_51 = vector.multi_reduction <add>, %mul3A_49, %reduce_sum3A_50 [0] : vector<4096x128xf32> to vector<128xf32>
    %broadcast_in_dim3A_52 = vector.shape_cast %reduce_sum3A_51 : vector<128xf32> to vector<1x128xf32>
    %get3A_53 = arith.constant 0 : index
    %get3A_54 = arith.constant 0 : index
    %get3A_55 = vector.load %arg7[%get3A_53, %get3A_54] : memref<8x128xf32, #tpu.memory_space<vmem>>, vector<1x128xf32>
    %add3A_56 = arith.addf %get3A_55, %broadcast_in_dim3A : vector<1x128xf32>
    %swap3A_57 = arith.constant 0 : index
    %swap3A_58 = arith.constant 0 : index
    %swap3A_59 = vector.load %arg7[%swap3A_57, %swap3A_58] : memref<8x128xf32, #tpu.memory_space<vmem>>, vector<1x128xf32>
    tpu.vector_store %arg7[%swap3A_57, %swap3A_58], %add3A_56 {strides = array<i32>} : memref<8x128xf32, #tpu.memory_space<vmem>>, vector<1x128xf32>,
    %get3A_60 = arith.constant 1 : index
    %get3A_61 = arith.constant 0 : index
    %get3A_62 = vector.load %arg7[%get3A_60, %get3A_61] : memref<8x128xf32, #tpu.memory_space<vmem>>, vector<1x128xf32>
    %add3A_63 = arith.addf %get3A_62, %broadcast_in_dim3A_52 : vector<1x128xf32>
    %swap3A_64 = arith.constant 1 : index
    %swap3A_65 = arith.constant 0 : index
    %swap3A_66 = vector.load %arg7[%swap3A_64, %swap3A_65] : memref<8x128xf32, #tpu.memory_space<vmem>>, vector<1x128xf32>
    tpu.vector_store %arg7[%swap3A_64, %swap3A_65], %add3A_63 {strides = array<i32>} : memref<8x128xf32, #tpu.memory_space<vmem>>, vector<1x128xf32>,
    return
  }
  func.func @transform_0(%arg0: i32) -> (i32, i32) {
    %c0_i32 = arith.constant 0 : i32
    %c0_i32_0 = arith.constant 0 : i32
    return %arg0, %c0_i32 : i32, i32
  }
  func.func @transform_1(%arg0: i32) -> (i32, i32) {
    %c0_i32 = arith.constant 0 : i32
    %c0_i32_0 = arith.constant 0 : i32
    %c0_i32_1 = arith.constant 0 : i32
    return %c0_i32, %c0_i32_0 : i32, i32
  }
  func.func @transform_2(%arg0: i32) -> (i32, i32) {
    %c0_i32 = arith.constant 0 : i32
    %c0_i32_0 = arith.constant 0 : i32
    %c0_i32_1 = arith.constant 0 : i32
    return %c0_i32, %c0_i32_0 : i32, i32
  }
  func.func @transform_3(%arg0: i32) -> (i32, i32) {
    %c0_i32 = arith.constant 0 : i32
    %c0_i32_0 = arith.constant 0 : i32
    %c0_i32_1 = arith.constant 0 : i32
    return %c0_i32, %c0_i32_0 : i32, i32
  }
  func.func @transform_4(%arg0: i32) -> (i32, i32) {
    %c0_i32 = arith.constant 0 : i32
    %c0_i32_0 = arith.constant 0 : i32
    %c0_i32_1 = arith.constant 0 : i32
    return %c0_i32, %c0_i32_0 : i32, i32
  }
  func.func @transform_5(%arg0: i32) -> (i32, i32) {
    %c0_i32 = arith.constant 0 : i32
    %c0_i32_0 = arith.constant 0 : i32
    return %arg0, %c0_i32 : i32, i32
  }
  func.func @transform_6(%arg0: i32) -> (i32, i32) {
    %c0_i32 = arith.constant 0 : i32
    %c0_i32_0 = arith.constant 0 : i32
    %c0_i32_1 = arith.constant 0 : i32
    return %c0_i32, %c0_i32_0 : i32, i32
  }
}

module attributes {stable_mosaic.version = 14 : i64} {
  func.func @_p7_body(%arg0: i32, %arg1: memref<4096x128xf32, #tpu.memory_space<vmem>>, %arg2: memref<8x128xf32, #tpu.memory_space<vmem>>, %arg3: memref<512x64xf32, #tpu.memory_space<vmem>>, %arg4: memref<1x64xf32, #tpu.memory_space<vmem>>, %arg5: memref<1x64xf32, #tpu.memory_space<vmem>>, %arg6: memref<1x64x512xf32, #tpu.memory_space<vmem>>) attributes {dimension_semantics = [#tpu.dimension_semantics<arbitrary>], iteration_bounds = array<i64: 32>, scalar_prefetch = 0 : i64, scratch_operands = 0 : i64, tpu.core_type = #tpu.core_type<tc>, window_params = [{transform_indices = @transform_0, window_bounds = array<i64: 4096, 128>}, {pipeline_mode = #tpu.pipeline_mode<synchronous>, transform_indices = @transform_1, window_bounds = array<i64: 8, 128>}, {transform_indices = @transform_2, window_bounds = array<i64: 512, 64>}, {pipeline_mode = #tpu.pipeline_mode<synchronous>, transform_indices = @transform_3, window_bounds = array<i64: 1, 64>}, {pipeline_mode = #tpu.pipeline_mode<synchronous>, transform_indices = @transform_4, window_bounds = array<i64: 1, 64>}, {transform_indices = @transform_5, window_bounds = array<i64: 1, 64, 512>}]} {
    %get3A = arith.constant 0 : index
    %get3A_0 = arith.constant 0 : index
    %get3A_1 = vector.load %arg2[%get3A, %get3A_0] : memref<8x128xf32, #tpu.memory_space<vmem>>, vector<1x64xf32>
    %get3A_2 = arith.constant 0 : index
    %get3A_3 = arith.constant 64 : index
    %get3A_4 = vector.load %arg2[%get3A_2, %get3A_3] : memref<8x128xf32, #tpu.memory_space<vmem>>, vector<1x64xf32>
    %add3A = arith.addf %get3A_1, %get3A_4 : vector<1x64xf32>
    %get3A_5 = arith.constant 1 : index
    %get3A_6 = arith.constant 0 : index
    %get3A_7 = vector.load %arg2[%get3A_5, %get3A_6] : memref<8x128xf32, #tpu.memory_space<vmem>>, vector<1x64xf32>
    %get3A_8 = arith.constant 1 : index
    %get3A_9 = arith.constant 64 : index
    %get3A_10 = vector.load %arg2[%get3A_8, %get3A_9] : memref<8x128xf32, #tpu.memory_space<vmem>>, vector<1x64xf32>
    %add3A_11 = arith.addf %get3A_7, %get3A_10 : vector<1x64xf32>
    %div3A = arith.constant 2.621440e+05 : f32
    %div3A_12 = vector.broadcast %div3A : f32 to vector<1x64xf32>
    %div3A_13 = arith.divf %add3A, %div3A_12 : vector<1x64xf32>
    %div3A_14 = arith.constant 2.621440e+05 : f32
    %div3A_15 = vector.broadcast %div3A_14 : f32 to vector<1x64xf32>
    %div3A_16 = arith.divf %add3A_11, %div3A_15 : vector<1x64xf32>
    %mul3A = arith.mulf %div3A_13, %div3A_13 : vector<1x64xf32>
    %sub3A = arith.subf %div3A_16, %mul3A : vector<1x64xf32>
    %get3A_17 = arith.constant 0 : index
    %get3A_18 = arith.constant 0 : index
    %get3A_19 = vector.load %arg4[%get3A_17, %get3A_18] : memref<1x64xf32, #tpu.memory_space<vmem>>, vector<1x64xf32>
    %add3A_20 = arith.constant 9.99999974E-6 : f32
    %add3A_21 = vector.broadcast %add3A_20 : f32 to vector<1x64xf32>
    %add3A_22 = arith.addf %sub3A, %add3A_21 : vector<1x64xf32>
    %rsqrt3A = math.rsqrt %add3A_22 : vector<1x64xf32>
    %mul3A_23 = arith.mulf %get3A_19, %rsqrt3A : vector<1x64xf32>
    %get3A_24 = arith.constant 0 : index
    %get3A_25 = arith.constant 0 : index
    %get3A_26 = vector.load %arg5[%get3A_24, %get3A_25] : memref<1x64xf32, #tpu.memory_space<vmem>>, vector<1x64xf32>
    %mul3A_27 = arith.mulf %div3A_13, %mul3A_23 : vector<1x64xf32>
    %sub3A_28 = arith.subf %get3A_26, %mul3A_27 : vector<1x64xf32>
    %concatenate3A = tpu.concatenate %mul3A_23, %mul3A_23 in 1 : vector<1x64xf32>, vector<1x64xf32> -> vector<1x128xf32>
    %concatenate3A_29 = tpu.concatenate %sub3A_28, %sub3A_28 in 1 : vector<1x64xf32>, vector<1x64xf32> -> vector<1x128xf32>
    %get3A_30 = arith.constant 0 : index
    %get3A_31 = arith.constant 0 : index
    %get3A_32 = vector.load %arg1[%get3A_30, %get3A_31] : memref<4096x128xf32, #tpu.memory_space<vmem>>, vector<4096x128xf32>
    %mul3A_33 = vector.broadcast %concatenate3A : vector<1x128xf32> to vector<4096x128xf32>
    %mul3A_34 = arith.mulf %get3A_32, %mul3A_33 : vector<4096x128xf32>
    %add3A_35 = vector.broadcast %concatenate3A_29 : vector<1x128xf32> to vector<4096x128xf32>
    %add3A_36 = arith.addf %mul3A_34, %add3A_35 : vector<4096x128xf32>
    %max3A = arith.constant 0.000000e+00 : f32
    %max3A_37 = vector.broadcast %max3A : f32 to vector<4096x128xf32>
    %max3A_38 = arith.maximumf %add3A_36, %max3A_37 : vector<4096x128xf32>
    %reshape3A = vector.shape_cast %max3A_38 : vector<4096x128xf32> to vector<512x8x128xf32>
    %reduce_sum3A = arith.constant dense<0.000000e+00> : vector<512x128xf32>
    %reduce_sum3A_39 = vector.multi_reduction <add>, %reshape3A, %reduce_sum3A [1] : vector<512x8x128xf32> to vector<512x128xf32>
    %slice3A = vector.extract_strided_slice %reduce_sum3A_39 {offsets = [0, 0], sizes = [512, 64], strides = [1, 1]} : vector<512x128xf32> to vector<512x64xf32>
    %slice3A_40 = vector.extract_strided_slice %reduce_sum3A_39 {offsets = [0, 64], sizes = [512, 64], strides = [1, 1]} : vector<512x128xf32> to vector<512x64xf32>
    %add3A_41 = arith.addf %slice3A, %slice3A_40 : vector<512x64xf32>
    %mul3A_42 = arith.constant 6.250000e-02 : f32
    %mul3A_43 = vector.broadcast %mul3A_42 : f32 to vector<512x64xf32>
    %mul3A_44 = arith.mulf %add3A_41, %mul3A_43 : vector<512x64xf32>
    %get3A_45 = arith.constant 0 : index
    %get3A_46 = arith.constant 0 : index
    %get3A_47 = vector.load %arg3[%get3A_45, %get3A_46] : memref<512x64xf32, #tpu.memory_space<vmem>>, vector<512x64xf32>
    %add3A_48 = arith.addf %get3A_47, %mul3A_44 : vector<512x64xf32>
    %max3A_49 = arith.constant 0.000000e+00 : f32
    %max3A_50 = vector.broadcast %max3A_49 : f32 to vector<512x64xf32>
    %max3A_51 = arith.maximumf %add3A_48, %max3A_50 : vector<512x64xf32>
    %transpose3A = tpu.transpose %max3A_51, [1, 0] : vector<512x64xf32> -> vector<64x512xf32>
    %swap3A = arith.constant 0 : index
    %swap3A_52 = arith.constant 0 : index
    %swap3A_53 = arith.constant 0 : index
    %swap3A_54 = vector.load %arg6[%swap3A, %swap3A_52, %swap3A_53] : memref<1x64x512xf32, #tpu.memory_space<vmem>>, vector<1x64x512xf32>
    %swap3A_55 = vector.shape_cast %swap3A_54 : vector<1x64x512xf32> to vector<64x512xf32>
    %swap3A_56 = vector.shape_cast %transpose3A : vector<64x512xf32> to vector<1x64x512xf32>
    tpu.vector_store %arg6[%swap3A, %swap3A_52, %swap3A_53], %swap3A_56 {strides = array<i32>} : memref<1x64x512xf32, #tpu.memory_space<vmem>>, vector<1x64x512xf32>,
    return
  }
  func.func @transform_0(%arg0: i32) -> (i32, i32) {
    %c0_i32 = arith.constant 0 : i32
    %c0_i32_0 = arith.constant 0 : i32
    return %arg0, %c0_i32 : i32, i32
  }
  func.func @transform_1(%arg0: i32) -> (i32, i32) {
    %c0_i32 = arith.constant 0 : i32
    %c0_i32_0 = arith.constant 0 : i32
    %c0_i32_1 = arith.constant 0 : i32
    return %c0_i32, %c0_i32_0 : i32, i32
  }
  func.func @transform_2(%arg0: i32) -> (i32, i32) {
    %c0_i32 = arith.constant 0 : i32
    %c0_i32_0 = arith.constant 0 : i32
    return %arg0, %c0_i32 : i32, i32
  }
  func.func @transform_3(%arg0: i32) -> (i32, i32) {
    %c0_i32 = arith.constant 0 : i32
    %c0_i32_0 = arith.constant 0 : i32
    %c0_i32_1 = arith.constant 0 : i32
    return %c0_i32, %c0_i32_0 : i32, i32
  }
  func.func @transform_4(%arg0: i32) -> (i32, i32) {
    %c0_i32 = arith.constant 0 : i32
    %c0_i32_0 = arith.constant 0 : i32
    %c0_i32_1 = arith.constant 0 : i32
    return %c0_i32, %c0_i32_0 : i32, i32
  }
  func.func @transform_5(%arg0: i32) -> (i32, i32, i32) {
    %jit3A = arith.constant 4 : i32
    %div3A = arith.divsi %arg0, %jit3A : i32
    %sign3A = arith.constant 0 : i32
    %sign3A_0 = arith.cmpi sgt, %arg0, %sign3A : i32
    %sign3A_1 = arith.extui %sign3A_0 : i1 to i32
    %sign3A_2 = arith.constant 0 : i32
    %sign3A_3 = arith.cmpi slt, %arg0, %sign3A_2 : i32
    %sign3A_4 = arith.extui %sign3A_3 : i1 to i32
    %sign3A_5 = arith.subi %sign3A_1, %sign3A_4 : i32
    %sign3A_6 = arith.constant 0 : i32
    %sign3A_7 = arith.cmpi sgt, %jit3A, %sign3A_6 : i32
    %sign3A_8 = arith.extui %sign3A_7 : i1 to i32
    %sign3A_9 = arith.constant 0 : i32
    %sign3A_10 = arith.cmpi slt, %jit3A, %sign3A_9 : i32
    %sign3A_11 = arith.extui %sign3A_10 : i1 to i32
    %sign3A_12 = arith.subi %sign3A_8, %sign3A_11 : i32
    %ne3A = arith.cmpi ne, %sign3A_5, %sign3A_12 : i32
    %rem3A = arith.remsi %arg0, %jit3A : i32
    %ne3A_13 = arith.constant 0 : i32
    %ne3A_14 = arith.cmpi ne, %rem3A, %ne3A_13 : i32
    %and3A = arith.andi %ne3A, %ne3A_14 : i1
    %sub3A = arith.constant 1 : i32
    %sub3A_15 = arith.subi %div3A, %sub3A : i32
    %select_n3A = arith.select %and3A, %sub3A_15, %div3A : i32
    %jit3A_16 = arith.constant 4 : i32
    %eq3A = arith.constant 0 : i32
    %eq3A_17 = arith.cmpi eq, %jit3A_16, %eq3A : i32
    %jit3A_18 = arith.constant 1 : i32
    %select_n3A_19 = arith.select %eq3A_17, %jit3A_18, %jit3A_16 : i32
    %rem3A_20 = arith.remsi %arg0, %select_n3A_19 : i32
    %ne3A_21 = arith.constant 0 : i32
    %ne3A_22 = arith.cmpi ne, %rem3A_20, %ne3A_21 : i32
    %lt3A = arith.constant 0 : i32
    %lt3A_23 = arith.cmpi slt, %rem3A_20, %lt3A : i32
    %lt3A_24 = arith.constant 0 : i32
    %lt3A_25 = arith.cmpi slt, %select_n3A_19, %lt3A_24 : i32
    %ne3A_26 = arith.xori %lt3A_23, %lt3A_25 : i1
    %and3A_27 = arith.andi %ne3A_26, %ne3A_22 : i1
    %add3A = arith.addi %rem3A_20, %select_n3A_19 : i32
    %select_n3A_28 = arith.select %and3A_27, %add3A, %rem3A_20 : i32
    %c0_i32 = arith.constant 0 : i32
    %c0_i32_29 = arith.constant 0 : i32
    return %select_n3A, %c0_i32, %select_n3A_28 : i32, i32, i32
  }
}

</mosaic_0001>

<sc_bundles>
// kernel: kernel.8.cloned.1.call-start
scs
__scs_entry_jumppad:
0x0: {  	(pc) =	sbr.rel $0x88, $3  }
0x1: {  	(tag) =	ssettag $0x0;
	lr =	simm.s32 $0x1  }
0x2: {  	[smem:$0x3F96] =	sst lr;
	_ =	strace $0xD0000000  }
0x3: {  	_ = 	snop  }
0x4: {  	_ = 	snop  }
0x5: {  	_ = 	snop  }
0x6: {  	_ = 	snop  }
0x7: {  	_ = 	snop  }
__scs_overlays_trampoline_lowered:
0x8: {  	[smem:$0x3FA5] =	sst s0  }
0x9: {  	[smem:$0x3FA6] =	sst s1  }
0xa: {  	[smem:$0x3FA7] =	sst s2  }
0xb: {  	[smem:$0x3FA8] =	sst s3  }
0xc: {  	[smem:$0x3FA9] =	sst s4  }
0xd: {  	[smem:$0x3FAA] =	sst s5  }
0xe: {  	[smem:$0x3FAB] =	sst s6  }
0xf: {  	[smem:$0x3FAC] =	sst s7  }
0x10: {  	[smem:$0x3FAD] =	sst s8  }
0x11: {  	[smem:$0x3FAE] =	sst s9;
	s0 =	simm.s32 @!p0 $0x0  }
0x12: {  	s1 =	sld [smem:$0x3F94];
	s0 =	simm.s32 @p0 $0x1  }
0x13: {  	[smem:$0x3FAF] =	sst s0;
	s0 =	simm.s32 @!p1 $0x0  }
0x14: {  	s2 =	sld [smem:$0x3F93];
	s0 =	simm.s32 @p1 $0x1  }
0x15: {  	[smem:$0x3FB0] =	sst s0;
	s0 =	simm.s32 @!p2 $0x0  }
0x16: {  	s3 =	sld [smem:$0x3FDB];
	s0 =	simm.s32 @p2 $0x1  }
0x17: {  	s4 =	simm.s32 $0x1BF5;
	[smem:$0x3FB2] =	sst s0  }
0x18: {  	s0 =	sld [smem:$0x3F95];
	_ =	swait.ge [sflag:s4], $0x0  }
0x19: {  	s7 =	sld [smem:$0x3F96]  }
0x1a: {  	s8 =	sadd.s32 $0xFFFFE003, lr  }
0x1b: {  	s9 =	sadd.s32 $0xFFFFFEF7, lr;
	s5 =	simm.s32 $0xFFFFFFFF;
	p2 =	slt.u32 s8, $0xFFFFF086  }
0x1c: {  	p1 =	slt.u32 s9, $0xF7A;
	s5 =	simm.s32 @!p2 $0x0  }
0x1d: {  	s5 =	simm.s32 @p1 $0x1;
	p0 =	seq.s32 s7, s2  }
0x1e: {  	s7 =	smul.u32 @!p0 $0xF7A, s2;
	p2 =	seq.s32 @!p0 s5, $0x0  }
0x1f: {  	s9 =	smul.u32 $0xF7A, s1;
	s8 =	simm.s32 @!p0 $0x1BF5;
	p2 =	por !p2, p0  }
0x20: {  	[sflag:s8] =	ssyncset.s32 @!p0 $0xFFFFF086;
	s6 =	sadd.s32 @!p0 s3, s7;
	s7 =	simm.s32 @!p0 $0x108  }
0x21: {  	s3 =	sadd.s32 s3, s9;
	s6 =	sadd.s32 @!p0 $0x88, s6;
	s7 =	simm.s32 @p2 $0x1082  }
0x22: {  	[simem:s7], [sflag:s8] =	dma.local @!p0 [hbm:s6], $0xF7A  }
0x23: {  	s9 =	sor.u32 $0xD0000000, s2;
	s6 =	simm.s32 $0x108;
	_ =	swait.ge @!p0 [sflag:s8], $0x0  }
0x24: {  	s3 =	sadd.s32 $0x88, s3;
	s6 =	simm.s32 @!p1 $0x1082;
	[sflag:s4] =	ssyncset.s32 $0xFFFFF086  }
0x25: {  	[simem:s6], [sflag:s4] =	dma.local [hbm:s3], $0xF7A  }
0x26: {  	[smem:$0x3F96] =	sst s1;
	(tag) =	ssettag s2;
	_ =	strace s9  }
0x27: {  	s1 =	sld [smem:$0x3FA6]  }
0x28: {  	s2 =	sld [smem:$0x3FA7]  }
0x29: {  	s4 =	sld [smem:$0x3FA9]  }
0x2a: {  	p0 =	seq.s32 s5, $0x0;
	s5 =	sld [smem:$0x3FAA]  }
0x2b: {  	s6 =	sld [smem:$0x3FAB]  }
0x2c: {  	s7 =	sld [smem:$0x3FAC]  }
0x2d: {  	s3 =	simm.s32 $0x108;
	s8 =	sld [smem:$0x3FAD]  }
0x2e: {  	s3 =	simm.s32 @!p0 $0x1082;
	s9 =	sld [smem:$0x3FAE]  }
0x2f: {  	lr =	sadd.s32 s0, s3;
	s0 =	sld [smem:$0x3FA5]  }
0x30: {  	s3 =	sld [smem:$0x3FA8]  }
0x31: {  	[smem:$0x3FB1] =	sst s10  }
0x32: {  	s10 =	sld [smem:$0x3FAF];
	_ =	sdelay $0x3  }
0x33: {  	p0 =	seq.s32 s10, $0x1;
	s10 =	sld [smem:$0x3FB1];
	_ =	sdelay $0x3  }
0x34: {  	[smem:$0x3FB1] =	sst s10  }
0x35: {  	s10 =	sld [smem:$0x3FB0];
	_ =	sdelay $0x3  }
0x36: {  	p1 =	seq.s32 s10, $0x1;
	s10 =	sld [smem:$0x3FB1];
	_ =	sdelay $0x3  }
0x37: {  	[smem:$0x3FB1] =	sst s10  }
0x38: {  	s10 =	sld [smem:$0x3FB2]  }
0x39: {  	_ = 	snop;
	(pc) =	sbr.ind lr, $3  }
0x3a: {  	_ = 	snop  }
0x3b: {  	_ = 	snop  }
0x3c: {  	p2 =	seq.s32 s10, $0x1;
	s10 =	sld [smem:$0x3FB1]  }
0x3d: {  	_ =	shalt  }
0x3e: {  	_ =	shalt  }
0x3f: {  	_ =	shalt  }
0x40: {  	_ =	shalt  }
0x41: {  	_ =	shalt  }
0x42: {  	_ =	shalt  }
0x43: {  	_ =	shalt  }
0x44: {  	_ =	shalt  }
0x45: {  	_ =	shalt  }
0x46: {  	_ =	shalt  }
0x47: {  	_ =	shalt  }
0x48: {  	_ =	shalt  }
0x49: {  	_ =	shalt  }
0x4a: {  	_ =	shalt  }
0x4b: {  	_ =	shalt  }
0x4c: {  	_ =	shalt  }
0x4d: {  	_ =	shalt  }
0x4e: {  	_ =	shalt  }
0x4f: {  	_ =	shalt  }
0x50: {  	_ =	shalt  }
0x51: {  	_ =	shalt  }
0x52: {  	_ =	shalt  }
0x53: {  	_ =	shalt  }
0x54: {  	_ =	shalt  }
0x55: {  	_ =	shalt  }
0x56: {  	_ =	shalt  }
0x57: {  	_ =	shalt  }
0x58: {  	_ =	shalt  }
0x59: {  	_ =	shalt  }
0x5a: {  	_ =	shalt  }
0x5b: {  	_ =	shalt  }
0x5c: {  	_ =	shalt  }
0x5d: {  	_ =	shalt  }
0x5e: {  	_ =	shalt  }
0x5f: {  	_ =	shalt  }
0x60: {  	_ =	shalt  }
0x61: {  	_ =	shalt  }
0x62: {  	_ =	shalt  }
0x63: {  	_ =	shalt  }
0x64: {  	_ =	shalt  }
0x65: {  	_ =	shalt  }
0x66: {  	_ =	shalt  }
0x67: {  	_ =	shalt  }
0x68: {  	_ =	shalt  }
0x69: {  	_ =	shalt  }
0x6a: {  	_ =	shalt  }
0x6b: {  	_ =	shalt  }
0x6c: {  	_ =	shalt  }
0x6d: {  	_ =	shalt  }
0x6e: {  	_ =	shalt  }
0x6f: {  	_ =	shalt  }
0x70: {  	_ =	shalt  }
0x71: {  	_ =	shalt  }
0x72: {  	_ =	shalt  }
0x73: {  	_ =	shalt  }
0x74: {  	_ =	shalt  }
0x75: {  	_ =	shalt  }
0x76: {  	_ =	shalt  }
0x77: {  	_ =	shalt  }
0x78: {  	_ =	shalt  }
0x79: {  	_ =	shalt  }
0x7a: {  	_ =	shalt  }
0x7b: {  	_ =	shalt  }
0x7c: {  	_ =	shalt  }
0x7d: {  	_ =	shalt  }
0x7e: {  	_ =	shalt  }
0x7f: {  	_ =	shalt  }
0x80: {  	_ =	shalt  }
0x81: {  	_ =	shalt  }
0x82: {  	_ =	shalt  }
0x83: {  	_ =	shalt  }
0x84: {  	_ =	shalt  }
0x85: {  	_ =	shalt  }
0x86: {  	_ =	shalt  }
0x87: {  	_ =	shalt  }
.Lfunc_end0:
.L_simem_size_0:
called_computation_lowered:
.L_overlay_start_0:
0x88: {  	s2 =	sld [smem:$0x3FD9]  }
0x89: {  	s3 =	sld [smem:$0x3FFE];
	_ =	sdelay $0x1  }
0x8a: {  	s1 =	srdreg.scid  }
0x8b: {  	s0 =	sand.u32 $0x1, s1  }
0x8c: {  	s17 =	sshll.u32 s0, $0xA;
	s2 =	sadd.s32 s3, s2  }
0x8d: {  	s2 =	sadd.s32 s2, s17  }
0x8e: {  	[smem:$0x3FBD] =	sst s2  }
0x8f: {  	_ = 	snop  }
0x90: {  	s2 =	sld [smem:$0x3FD0];
	(tm) =	ssettm $0x1  }
0x91: {  	s18 =	sld [smem:$0x3FFB];
	_ =	sdelay $0x3  }
0x92: {  	_ =	strace s18  }
0x93: {  	s3 =	sld [smem:$0x3FFC];
	_ =	sdelay $0x3  }
0x94: {  	_ =	strace s3  }
0x95: {  	s3 =	sld [smem:$0x3FFD];
	_ =	sdelay $0x3  }
0x96: {  	_ =	strace s3  }
0x97: {  	_ =	strace $0x8FFFFFFF  }
0x98: {  	s19 =	sld [smem:$0x3FDB];
	_ =	sdelay $0x1  }
0x99: {  	s4 =	simm.s32 $_scs_section_size  }
0x9a: {  	s5 =	simm.s32 $_size__tile_overlayer_lowered;
	s6 =	simm.s32 $_tile_overlayer_lowered  }
0x9b: {  	s22 =	simm.s32 $0x1BFF;
	s21 =	sshll.u32 s6, $0x1;
	s3 =	sadd.s32 s4, s19  }
0x9c: {  	s7 =	simm.s32 $0x0;
	s20 =	sshll.u32 s5, $0x1;
	s5 =	sadd.s32 s21, s3  }
0x9d: {  	[timem:s7], [sflag:s22] =	dma.local [hbm:s5], s20  }
0x9e: {  	_ =	swait.ge [sflag:s22], s20  }
0x9f: {  	s4 =	ssub.s32 $0x0, s20;
	[sflag:s22] =	ssyncset.done $0x0  }
0xa0: {  	[sflag:s22] =	ssyncadd.s32 s4;
	_ =	sdelay $0x1  }
0xa1: {  	s23 =	simm.s32 $0x1B8B  }
0xa2: {  	_ =	swait.ge [sflag:s23], $0x1  }
0xa3: {  	[sflag:s23] =	ssyncset.done $0x0  }
0xa4: {  	s25 =	simm.s32 $0x1B8E;
	s24 =	sld [smem:$0x3FFE];
	[sflag:s23] =	ssyncadd.s32 $0xFFFFFFFF  }
0xa5: {  	s26 =	simm.s32 $execute0_lowered;
	[smem:$0x3FD2] =	sst s25  }
0xa6: {  	s5 =	sshll.u32 s26, $0x1;
	_ =	strace $0x80000046;
	[dreg:$0x1] =	wrdreg $0xFFFFFFFF  }
0xa7: {  	s28 =	simm.s32 $_size_execute0_lowered;
	s3 =	sadd.s32 s3, s5;
	[dreg:$0x0] =	wrdreg $0x0  }
0xa8: {  	s5 =	sshll.u32 s28, $0x1;
	[dreg:$0x2] =	wrdreg s3  }
0xa9: {  	[dreg:$0x3] =	wrdreg s5  }
0xaa: {  	[dreg:$0x4] =	wrdreg $0xC0  }
0xab: {  	_ =	task [dreg:s7], $0x5FFFF  }
0xac: {  	[dreg:$0x1] =	wrdreg $0xFFFFFFFF  }
0xad: {  	[dreg:$0x0] =	wrdreg $0x60  }
0xae: {  	[dreg:$0x2] =	wrdreg s2  }
0xaf: {  	[dreg:$0x3] =	wrdreg s24  }
0xb0: {  	[dreg:$0x4] =	wrdreg $0x9  }
0xb1: {  	_ =	task.clear_ibuf [dreg:s7], $0x5FFFF;
	_ =	strace $0x90000046  }
0xb2: {  	s29 =	simm.s32 $0x9;
	_ =	strace $0x80000048  }
0xb3: {  	_ =	swait.ge [sflag:s29], $0x1  }
0xb4: {  	[sflag:s29] =	ssyncadd.s32 $0xFFFFFFFF  }
0xb5: {  	_ =	strace $0x90000048  }
0xb6: {  	_ =	sfence  }
0xb7: {  	s30 =	sld [smem:$0x0];
	_ =	sdelay $0x2  }
0xb8: {  	s31 =	sshll.u32 s1, $0xD;
	s1 =	sshrl.u32 s1, $0x2  }
0xb9: {  	s3 =	sand.u32 $0x4000, s31;
	s1 =	sadd.s32 s1, s30  }
0xba: {  	s0 =	sor.u32 s3, s0;
	s1 =	sshll.u32 s1, $0x11  }
0xbb: {  	s0 =	sor.u32 s1, s0  }
0xbc: {  	s0 =	sadd.s32 $0x8F2B, s0  }
0xbd: {  	[sflag:s0] =	ssyncadd.remote.s32 $0x1  }
0xbe: {  	_ =	sfence.sel $0xFFFF  }
0xbf: {  	[dreg:$0x0] =	wrdreg $0xFFFFFFFF;
	(pc) =	sbr.abs _section_cstart, $3  }
0xc0: {  	[dreg:$0x1] =	wrdreg $0xFFFFFFFF  }
0xc1: {  	_ =	task.clear_ibuf [dreg:s7], $0x2FFFF;
	_ =	strace $0x9FFFFFFF  }
0xc2: {  	(tm) =	ssettm $0x7FFFFFFF  }
0xc3: {  	_ =	shalt  }
tec
execute0_lowered:
.L_overlay_start_1:
0x0: {  	(tag) =	ssettag $0x1  }
0x1: {  	s0 =	srdreg.scid  }
0x2: {  	s15 =	stileid.u32;
	s1 =	sand.u32 $0x1, s0  }
0x3: {  	s3 =	rddreg [dreg:$0x0];
	s5 =	sshll.u32 s15, $0xE;
	s2 =	sshll.u32 s1, $0xD  }
0x4: {  	s4 =	rddreg [dreg:$0x1];
	s0 =	sor.u32 s2, s5;
	s2 =	simm.s32 $0x0  }
0x5: {  	s23 =	simm.s32 $0x100;
	s24 =	simm.s32 $0x180;
	[smem:$0x7FF] =	sst s2  }
0x6: {  	s25 =	simm.s32 $0x200;
	_ =	strace $0x80000047;
	[dreg:$0x14] =	wrdreg s23  }
0x7: {  	s26 =	simm.s32 $0x280;
	s5 =	sshrl.u32 s0, $0x3;
	[dreg:$0x15] =	wrdreg s24  }
0x8: {  	s0 =	sshll.u32 s0, $0x3;
	s5 =	sadd.s32 s5, s4;
	[dreg:$0x16] =	wrdreg s25  }
0x9: {  	s0 =	sadd.s32 s0, s4;
	[dreg:$0x17] =	wrdreg s26;
	s4 =	simm.s32 $0x300  }
0xa: {  	s23 =	simm.s32 $0xC00;
	[dreg:$0x18] =	wrdreg s4  }
0xb: {  	s24 =	simm.s32 $0xC80;
	[smem:$0x7E5] =	sst s23  }
0xc: {  	s25 =	simm.s32 $0xD00;
	[smem:$0x7E6] =	sst s24  }
0xd: {  	s26 =	simm.s32 $0xD80;
	[smem:$0x7E7] =	sst s25  }
0xe: {  	s6 =	sadd.s32 $0x2A00, s5;
	[smem:$0x7E8] =	sst s26  }
0xf: {  	s7 =	sadd.s32 $0x82A00, s0;
	[dreg:$0x3] =	wrdreg s6  }
0x10: {  	s8 =	sadd.s32 $0x83A00, s0;
	[dreg:$0x4] =	wrdreg s7  }
0x11: {  	s9 =	sadd.s32 $0x84A00, s0;
	[dreg:$0x5] =	wrdreg s8  }
0x12: {  	s10 =	sadd.s32 $0x85A00, s0;
	[dreg:$0x6] =	wrdreg s9  }
0x13: {  	s11 =	sadd.s32 $0x86A00, s0;
	[dreg:$0x7] =	wrdreg s10  }
0x14: {  	s12 =	sadd.s32 $0x87A00, s0;
	[dreg:$0x8] =	wrdreg s11  }
0x15: {  	s13 =	sadd.s32 $0x88A00, s0;
	[dreg:$0x9] =	wrdreg s12  }
0x16: {  	s14 =	sadd.s32 $0x89A00, s0;
	[dreg:$0xa] =	wrdreg s13  }
0x17: {  	s16 =	sadd.s32 $0x8AA00, s0;
	[dreg:$0xb] =	wrdreg s14  }
0x18: {  	s17 =	sadd.s32 $0x8BA00, s0;
	[dreg:$0xc] =	wrdreg s16  }
0x19: {  	s18 =	sadd.s32 $0x8CA00, s0;
	[dreg:$0xd] =	wrdreg s17  }
0x1a: {  	s19 =	sadd.s32 $0x8DA00, s0;
	[dreg:$0xe] =	wrdreg s18  }
0x1b: {  	s20 =	sadd.s32 $0x8EA00, s0;
	[dreg:$0xf] =	wrdreg s19  }
0x1c: {  	s21 =	sadd.s32 $0x8FA00, s0;
	[dreg:$0x10] =	wrdreg s20  }
0x1d: {  	s22 =	sadd.s32 $0x90A00, s0;
	[dreg:$0x11] =	wrdreg s21  }
0x1e: {  	s0 =	sadd.s32 $0x91A00, s0;
	[dreg:$0x12] =	wrdreg s22  }
0x1f: {  	s5 =	simm.s32 $0x380;
	[dreg:$0x13] =	wrdreg s0  }
0x20: {  	s4 =	simm.s32 $0xE00;
	[dreg:$0x19] =	wrdreg s5  }
0x21: {  	s23 =	simm.s32 $0x1680;
	[smem:$0x7E9] =	sst s4  }
0x22: {  	s24 =	simm.s32 $0x1700;
	[smem:$0x7FA] =	sst s23  }
0x23: {  	s25 =	simm.s32 $0x1780;
	[smem:$0x7FB] =	sst s24  }
0x24: {  	s26 =	simm.s32 $0x1800;
	[smem:$0x7FC] =	sst s25  }
0x25: {  	s6 =	simm.s32 $0x400;
	[smem:$0x7FD] =	sst s26  }
0x26: {  	s7 =	simm.s32 $0x480;
	[dreg:$0x1a] =	wrdreg s6  }
0x27: {  	s8 =	simm.s32 $0x500;
	[dreg:$0x1b] =	wrdreg s7  }
0x28: {  	s9 =	simm.s32 $0x580;
	[dreg:$0x1c] =	wrdreg s8  }
0x29: {  	s10 =	simm.s32 $0x600;
	[dreg:$0x1d] =	wrdreg s9  }
0x2a: {  	s11 =	simm.s32 $0x680;
	[dreg:$0x1e] =	wrdreg s10  }
0x2b: {  	s12 =	simm.s32 $0x700;
	[dreg:$0x1f] =	wrdreg s11  }
0x2c: {  	s13 =	simm.s32 $0x780;
	[smem:$0x7DB] =	sst s12  }
0x2d: {  	s14 =	simm.s32 $0x800;
	[smem:$0x7DC] =	sst s13  }
0x2e: {  	s16 =	simm.s32 $0x880;
	[smem:$0x7DD] =	sst s14  }
0x2f: {  	s17 =	simm.s32 $0x900;
	[smem:$0x7DE] =	sst s16  }
0x30: {  	s18 =	simm.s32 $0x980;
	[smem:$0x7DF] =	sst s17  }
0x31: {  	s19 =	simm.s32 $0xA00;
	[smem:$0x7E0] =	sst s18  }
0x32: {  	s20 =	simm.s32 $0xA80;
	[smem:$0x7E1] =	sst s19  }
0x33: {  	s31 =	simm.s32 $0x3;
	s21 =	simm.s32 $0xB00;
	[smem:$0x7E2] =	sst s20  }
0x34: {  	s29 =	simm.s32 $0x1880;
	s22 =	simm.s32 $0xB80;
	[smem:$0x7E3] =	sst s21  }
0x35: {  	s30 =	simm.s32 $0x1900;
	s5 =	simm.s32 $0xE80;
	[smem:$0x7E4] =	sst s22  }
0x36: {  	s28 =	simm.s32 $0x1B80;
	p0 =	por $0x0, $0x0;
	[smem:$0x7EA] =	sst s5  }
0x37: {  	s1 =	ssub.s32 $0x2, s1;
	s6 =	simm.s32 $0xF00;
	s0 =	rddreg [dreg:$0x3]  }
0x38: {  	s4 =	simm.s32 $0x80;
	s7 =	simm.s32 $0xF80;
	[smem:$0x7EB] =	sst s6  }
0x39: {  	s24 =	simm.s32 $0x1A00;
	s8 =	simm.s32 $0x1000;
	[smem:$0x7EC] =	sst s7  }
0x3a: {  	s25 =	simm.s32 $0x1A80;
	s9 =	simm.s32 $0x1080;
	[smem:$0x7ED] =	sst s8  }
0x3b: {  	s26 =	simm.s32 $0x1B00;
	s10 =	simm.s32 $0x1100;
	[smem:$0x7EE] =	sst s9  }
0x3c: {  	s23 =	simm.s32 $0x1D80;
	s12 =	simm.s32 $0x1180;
	[smem:$0x7EF] =	sst s10  }
0x3d: {  	s11 =	sshrl.u32 s1, $0x1;
	s13 =	simm.s32 $0x1200;
	[smem:$0x7F0] =	sst s12  }
0x3e: {  	s14 =	simm.s32 $0x1280;
	s16 =	simm.s32 $0x1300;
	[smem:$0x7F1] =	sst s13  }
0x3f: {  	s17 =	simm.s32 $0x1380;
	s18 =	simm.s32 $0x1400;
	[smem:$0x7F2] =	sst s14  }
0x40: {  	s19 =	simm.s32 $0x1480;
	s20 =	simm.s32 $0x1500;
	[smem:$0x7F3] =	sst s16  }
0x41: {  	s21 =	simm.s32 $0x1580;
	s5 =	simm.s32 $0x1;
	[smem:$0x7F4] =	sst s17  }
0x42: {  	s22 =	simm.s32 $0x1600;
	s1 =	ssub.s32 s1, s11;
	[smem:$0x7F5] =	sst s18  }
0x43: {  	s7 =	simm.s32 $0x2000;
	s12 =	simm.s32 $0x4000;
	[smem:$0x7F6] =	sst s19  }
0x44: {  	s13 =	simm.s32 $0x6000;
	[smem:$0x7F7] =	sst s20;
	s1 =	smax.u32 s1, $0x1  }
0x45: {  	s14 =	simm.s32 $0x8000;
	[smem:$0x7F8] =	sst s21;
	p1 =	sne.s32 s1, $0x1  }
.Ltmp0:
0x46: {  	s6 =	simm.s32 $0xA000;
	[smem:$0x7F9] =	sst s22;
	(pc) =	sbr.rel @!p1 .LBB2_1-.Ltmp0, $4  }
0x47: {  	s9 =	simm.s32 $0xC000;
	s10 =	simm.s32 $0xE000;
	s11 =	simm.s32 $0x10000  }
0x48: {  	s8 =	simm.s32 $0x2;
	s20 =	simm.s32 $0x1980;
	s21 =	simm.s32 $0x1C80  }
0x49: {  	s22 =	simm.s32 $0x1D00;
	s16 =	simm.s32 $0x1E00;
	s17 =	simm.s32 $0x1E80  }
0x4a: {  	s18 =	simm.s32 $0x1F00;
	s19 =	simm.s32 $0x1F80;
	s1 =	sadd.s32 $0xFFFFFFFF, s1  }
0x4b: {  	[tilespmem:s2], [sflag:$0x3] =	stream.linear.gather [hbm4b:s0+s2], $0x2000, $0x38;
	[tilespmem:$0x12000] =	vst v63  }
0x4c: {  	_ =	swait.ge [sflag:s31], $0x2000  }
0x4d: {  	[sflag:s31] =	ssyncset.done $0x0  }
0x4e: {  	[sflag:s31] =	ssyncadd.s32 $0xFFFFE000  }
0x4f: {  	[tilespmem:s7], [sflag:$0x1] =	stream.indirect.gather [hbm4b:s3+s4], $0x40, s2, s4, $0xb8;
	[tilespmem:$0x12000] =	vst v63  }
0x50: {  	_ = 	snop  }
0x51: {  	[tilespmem:s12], [sflag:$0x1] =	stream.indirect.gather [hbm4b:s3+s4], $0x40, s4, s4, $0xb8;
	[tilespmem:$0x12000] =	vst v63  }
0x52: {  	s0 =	rddreg [dreg:$0x14]  }
0x53: {  	[tilespmem:s13], [sflag:$0x1] =	stream.indirect.gather [hbm4b:s3+s4], $0x40, s0, s4, $0xb8;
	[tilespmem:$0x12000] =	vst v63  }
0x54: {  	s15 =	smov.u32 s1;
	s1 =	rddreg [dreg:$0x15]  }
0x55: {  	[tilespmem:s14], [sflag:$0x1] =	stream.indirect.gather [hbm4b:s3+s4], $0x40, s1, s4, $0xb8;
	[tilespmem:$0x12000] =	vst v63  }
0x56: {  	_ =	swait.ge [sflag:s5], $0x2000  }
0x57: {  	[sflag:s5] =	ssyncset.done $0x0  }
0x58: {  	[sflag:s5] =	ssyncadd.s32 $0xFFFFE000  }
0x59: {  	_ =	swait.ge [sflag:s5], $0x2000  }
0x5a: {  	[sflag:s5] =	ssyncset.done $0x0  }
0x5b: {  	[sflag:s5] =	ssyncadd.s32 $0xFFFFE000  }
0x5c: {  	_ =	swait.ge [sflag:s5], $0x2000  }
0x5d: {  	[sflag:s5] =	ssyncset.done $0x0  }
0x5e: {  	[sflag:s5] =	ssyncadd.s32 $0xFFFFE000  }
0x5f: {  	_ =	swait.ge [sflag:s5], $0x2000  }
0x60: {  	[sflag:s5] =	ssyncset.done $0x0  }
0x61: {  	s0 =	rddreg [dreg:$0x4];
	[sflag:s5] =	ssyncadd.s32 $0xFFFFE000  }
0x62: {  	[hbm4b:s0+s2] =	stream.linear.scatter [tilespmem:s7], [sflag:$0x2], $0x8000, $0x38;
	[tilespmem:$0x12000] =	vst v63  }
0x63: {  	s1 =	rddreg [dreg:$0x16]  }
0x64: {  	[tilespmem:s6], [sflag:$0x1] =	stream.indirect.gather [hbm4b:s3+s4], $0x40, s1, s4, $0xb8;
	[tilespmem:$0x12000] =	vst v63  }
0x65: {  	s0 =	rddreg [dreg:$0x17]  }
0x66: {  	[tilespmem:s9], [sflag:$0x1] =	stream.indirect.gather [hbm4b:s3+s4], $0x40, s0, s4, $0xb8;
	[tilespmem:$0x12000] =	vst v63  }
0x67: {  	s1 =	rddreg [dreg:$0x18]  }
0x68: {  	[tilespmem:s10], [sflag:$0x1] =	stream.indirect.gather [hbm4b:s3+s4], $0x40, s1, s4, $0xb8;
	[tilespmem:$0x12000] =	vst v63  }
0x69: {  	s0 =	rddreg [dreg:$0x19]  }
0x6a: {  	[tilespmem:s11], [sflag:$0x1] =	stream.indirect.gather [hbm4b:s3+s4], $0x40, s0, s4, $0xb8;
	[tilespmem:$0x12000] =	vst v63  }
0x6b: {  	_ =	swait.ge [sflag:s5], $0x2000  }
0x6c: {  	[sflag:s5] =	ssyncset.done $0x0  }
0x6d: {  	[sflag:s5] =	ssyncadd.s32 $0xFFFFE000  }
0x6e: {  	_ =	swait.ge [sflag:s5], $0x2000  }
0x6f: {  	[sflag:s5] =	ssyncset.done $0x0  }
0x70: {  	[sflag:s5] =	ssyncadd.s32 $0xFFFFE000  }
0x71: {  	_ =	swait.ge [sflag:s5], $0x2000  }
0x72: {  	[sflag:s5] =	ssyncset.done $0x0  }
0x73: {  	[sflag:s5] =	ssyncadd.s32 $0xFFFFE000  }
0x74: {  	_ =	swait.ge [sflag:s5], $0x2000  }
0x75: {  	[sflag:s5] =	ssyncset.done $0x0  }
0x76: {  	s1 =	rddreg [dreg:$0x5];
	[sflag:s5] =	ssyncadd.s32 $0xFFFFE000  }
0x77: {  	[hbm4b:s1+s2] =	stream.linear.scatter [tilespmem:s6], [sflag:$0x2], $0x8000, $0x38;
	[tilespmem:$0x12000] =	vst v63  }
0x78: {  	_ =	swait.ge [sflag:s8], $0x8000  }
0x79: {  	[sflag:s8] =	ssyncset.done $0x0  }
0x7a: {  	s0 =	rddreg [dreg:$0x1a];
	[sflag:s8] =	ssyncadd.s32 $0xFFFF8000  }
0x7b: {  	[tilespmem:s7], [sflag:$0x1] =	stream.indirect.gather [hbm4b:s3+s4], $0x40, s0, s4, $0xb8;
	[tilespmem:$0x12000] =	vst v63  }
0x7c: {  	s1 =	rddreg [dreg:$0x1b]  }
0x7d: {  	[tilespmem:s12], [sflag:$0x1] =	stream.indirect.gather [hbm4b:s3+s4], $0x40, s1, s4, $0xb8;
	[tilespmem:$0x12000] =	vst v63  }
0x7e: {  	s0 =	rddreg [dreg:$0x1c]  }
0x7f: {  	[tilespmem:s13], [sflag:$0x1] =	stream.indirect.gather [hbm4b:s3+s4], $0x40, s0, s4, $0xb8;
	[tilespmem:$0x12000] =	vst v63  }
0x80: {  	s1 =	rddreg [dreg:$0x1d]  }
0x81: {  	[tilespmem:s14], [sflag:$0x1] =	stream.indirect.gather [hbm4b:s3+s4], $0x40, s1, s4, $0xb8;
	[tilespmem:$0x12000] =	vst v63  }
0x82: {  	_ =	swait.ge [sflag:s5], $0x2000  }
0x83: {  	[sflag:s5] =	ssyncset.done $0x0  }
0x84: {  	[sflag:s5] =	ssyncadd.s32 $0xFFFFE000  }
0x85: {  	_ =	swait.ge [sflag:s5], $0x2000  }
0x86: {  	[sflag:s5] =	ssyncset.done $0x0  }
0x87: {  	[sflag:s5] =	ssyncadd.s32 $0xFFFFE000  }
0x88: {  	_ =	swait.ge [sflag:s5], $0x2000  }
0x89: {  	[sflag:s5] =	ssyncset.done $0x0  }
0x8a: {  	[sflag:s5] =	ssyncadd.s32 $0xFFFFE000  }
0x8b: {  	_ =	swait.ge [sflag:s5], $0x2000  }
0x8c: {  	[sflag:s5] =	ssyncset.done $0x0  }
0x8d: {  	s1 =	rddreg [dreg:$0x6];
	[sflag:s5] =	ssyncadd.s32 $0xFFFFE000  }
0x8e: {  	[hbm4b:s1+s2] =	stream.linear.scatter [tilespmem:s7], [sflag:$0x2], $0x8000, $0x38;
	[tilespmem:$0x12000] =	vst v63  }
0x8f: {  	_ =	swait.ge [sflag:s8], $0x8000  }
0x90: {  	s0 =	rddreg [dreg:$0x1e];
	[sflag:s8] =	ssyncset.done $0x0  }
0x91: {  	s1 =	rddreg [dreg:$0x1f];
	[sflag:s8] =	ssyncadd.s32 $0xFFFF8000  }
0x92: {  	[tilespmem:s6], [sflag:$0x1] =	stream.indirect.gather [hbm4b:s3+s4], $0x40, s0, s4, $0xb8;
	[tilespmem:$0x12000] =	vst v63  }
0x93: {  	s0 =	sld [smem:$0x7DB]  }
0x94: {  	[tilespmem:s9], [sflag:$0x1] =	stream.indirect.gather [hbm4b:s3+s4], $0x40, s1, s4, $0xb8;
	[tilespmem:$0x12000] =	vst v63  }
0x95: {  	s1 =	sld [smem:$0x7DC]  }
0x96: {  	[tilespmem:s10], [sflag:$0x1] =	stream.indirect.gather [hbm4b:s3+s4], $0x40, s0, s4, $0xb8;
	[tilespmem:$0x12000] =	vst v63  }
0x97: {  	_ = 	snop  }
0x98: {  	[tilespmem:s11], [sflag:$0x1] =	stream.indirect.gather [hbm4b:s3+s4], $0x40, s1, s4, $0xb8;
	[tilespmem:$0x12000] =	vst v63  }
0x99: {  	_ =	swait.ge [sflag:s5], $0x2000  }
0x9a: {  	[sflag:s5] =	ssyncset.done $0x0  }
0x9b: {  	[sflag:s5] =	ssyncadd.s32 $0xFFFFE000  }
0x9c: {  	_ =	swait.ge [sflag:s5], $0x2000  }
0x9d: {  	[sflag:s5] =	ssyncset.done $0x0  }
0x9e: {  	[sflag:s5] =	ssyncadd.s32 $0xFFFFE000  }
0x9f: {  	_ =	swait.ge [sflag:s5], $0x2000  }
0xa0: {  	[sflag:s5] =	ssyncset.done $0x0  }
0xa1: {  	[sflag:s5] =	ssyncadd.s32 $0xFFFFE000  }
0xa2: {  	_ =	swait.ge [sflag:s5], $0x2000  }
0xa3: {  	[sflag:s5] =	ssyncset.done $0x0  }
0xa4: {  	s1 =	rddreg [dreg:$0x7];
	[sflag:s5] =	ssyncadd.s32 $0xFFFFE000  }
0xa5: {  	[hbm4b:s1+s2] =	stream.linear.scatter [tilespmem:s6], [sflag:$0x2], $0x8000, $0x38;
	[tilespmem:$0x12000] =	vst v63  }
0xa6: {  	_ =	swait.ge [sflag:s8], $0x8000  }
0xa7: {  	s0 =	sld [smem:$0x7DD]  }
0xa8: {  	[sflag:s8] =	ssyncset.done $0x0  }
0xa9: {  	s1 =	sld [smem:$0x7DE];
	[sflag:s8] =	ssyncadd.s32 $0xFFFF8000  }
0xaa: {  	[tilespmem:s7], [sflag:$0x1] =	stream.indirect.gather [hbm4b:s3+s4], $0x40, s0, s4, $0xb8;
	[tilespmem:$0x12000] =	vst v63  }
0xab: {  	s0 =	sld [smem:$0x7DF]  }
0xac: {  	[tilespmem:s12], [sflag:$0x1] =	stream.indirect.gather [hbm4b:s3+s4], $0x40, s1, s4, $0xb8;
	[tilespmem:$0x12000] =	vst v63  }
0xad: {  	s1 =	sld [smem:$0x7E0]  }
0xae: {  	[tilespmem:s13], [sflag:$0x1] =	stream.indirect.gather [hbm4b:s3+s4], $0x40, s0, s4, $0xb8;
	[tilespmem:$0x12000] =	vst v63  }
0xaf: {  	_ = 	snop  }
0xb0: {  	[tilespmem:s14], [sflag:$0x1] =	stream.indirect.gather [hbm4b:s3+s4], $0x40, s1, s4, $0xb8;
	[tilespmem:$0x12000] =	vst v63  }
0xb1: {  	_ =	swait.ge [sflag:s5], $0x2000  }
0xb2: {  	[sflag:s5] =	ssyncset.done $0x0  }
0xb3: {  	[sflag:s5] =	ssyncadd.s32 $0xFFFFE000  }
0xb4: {  	_ =	swait.ge [sflag:s5], $0x2000  }
0xb5: {  	[sflag:s5] =	ssyncset.done $0x0  }
0xb6: {  	[sflag:s5] =	ssyncadd.s32 $0xFFFFE000  }
0xb7: {  	_ =	swait.ge [sflag:s5], $0x2000  }
0xb8: {  	[sflag:s5] =	ssyncset.done $0x0  }
0xb9: {  	[sflag:s5] =	ssyncadd.s32 $0xFFFFE000  }
0xba: {  	_ =	swait.ge [sflag:s5], $0x2000  }
0xbb: {  	[sflag:s5] =	ssyncset.done $0x0  }
0xbc: {  	s1 =	rddreg [dreg:$0x8];
	[sflag:s5] =	ssyncadd.s32 $0xFFFFE000  }
0xbd: {  	[hbm4b:s1+s2] =	stream.linear.scatter [tilespmem:s7], [sflag:$0x2], $0x8000, $0x38;
	[tilespmem:$0x12000] =	vst v63  }
0xbe: {  	_ =	swait.ge [sflag:s8], $0x8000  }
0xbf: {  	s0 =	sld [smem:$0x7E1]  }
0xc0: {  	[sflag:s8] =	ssyncset.done $0x0  }
0xc1: {  	s1 =	sld [smem:$0x7E2];
	[sflag:s8] =	ssyncadd.s32 $0xFFFF8000  }
0xc2: {  	[tilespmem:s6], [sflag:$0x1] =	stream.indirect.gather [hbm4b:s3+s4], $0x40, s0, s4, $0xb8;
	[tilespmem:$0x12000] =	vst v63  }
0xc3: {  	s0 =	sld [smem:$0x7E3]  }
0xc4: {  	[tilespmem:s9], [sflag:$0x1] =	stream.indirect.gather [hbm4b:s3+s4], $0x40, s1, s4, $0xb8;
	[tilespmem:$0x12000] =	vst v63  }
0xc5: {  	s1 =	sld [smem:$0x7E4]  }
0xc6: {  	[tilespmem:s10], [sflag:$0x1] =	stream.indirect.gather [hbm4b:s3+s4], $0x40, s0, s4, $0xb8;
	[tilespmem:$0x12000] =	vst v63  }
0xc7: {  	_ = 	snop  }
0xc8: {  	[tilespmem:s11], [sflag:$0x1] =	stream.indirect.gather [hbm4b:s3+s4], $0x40, s1, s4, $0xb8;
	[tilespmem:$0x12000] =	vst v63  }
0xc9: {  	_ =	swait.ge [sflag:s5], $0x2000  }
0xca: {  	[sflag:s5] =	ssyncset.done $0x0  }
0xcb: {  	[sflag:s5] =	ssyncadd.s32 $0xFFFFE000  }
0xcc: {  	_ =	swait.ge [sflag:s5], $0x2000  }
0xcd: {  	[sflag:s5] =	ssyncset.done $0x0  }
0xce: {  	[sflag:s5] =	ssyncadd.s32 $0xFFFFE000  }
0xcf: {  	_ =	swait.ge [sflag:s5], $0x2000  }
0xd0: {  	[sflag:s5] =	ssyncset.done $0x0  }
0xd1: {  	[sflag:s5] =	ssyncadd.s32 $0xFFFFE000  }
0xd2: {  	_ =	swait.ge [sflag:s5], $0x2000  }
0xd3: {  	[sflag:s5] =	ssyncset.done $0x0  }
0xd4: {  	s1 =	rddreg [dreg:$0x9];
	[sflag:s5] =	ssyncadd.s32 $0xFFFFE000  }
0xd5: {  	[hbm4b:s1+s2] =	stream.linear.scatter [tilespmem:s6], [sflag:$0x2], $0x8000, $0x38;
	[tilespmem:$0x12000] =	vst v63  }
0xd6: {  	_ =	swait.ge [sflag:s8], $0x8000  }
0xd7: {  	s0 =	sld [smem:$0x7E5]  }
0xd8: {  	[sflag:s8] =	ssyncset.done $0x0  }
0xd9: {  	s1 =	sld [smem:$0x7E6];
	[sflag:s8] =	ssyncadd.s32 $0xFFFF8000  }
0xda: {  	[tilespmem:s7], [sflag:$0x1] =	stream.indirect.gather [hbm4b:s3+s4], $0x40, s0, s4, $0xb8;
	[tilespmem:$0x12000] =	vst v63  }
0xdb: {  	s0 =	sld [smem:$0x7E7]  }
0xdc: {  	[tilespmem:s12], [sflag:$0x1] =	stream.indirect.gather [hbm4b:s3+s4], $0x40, s1, s4, $0xb8;
	[tilespmem:$0x12000] =	vst v63  }
0xdd: {  	s1 =	sld [smem:$0x7E8]  }
0xde: {  	[tilespmem:s13], [sflag:$0x1] =	stream.indirect.gather [hbm4b:s3+s4], $0x40, s0, s4, $0xb8;
	[tilespmem:$0x12000] =	vst v63  }
0xdf: {  	_ = 	snop  }
0xe0: {  	[tilespmem:s14], [sflag:$0x1] =	stream.indirect.gather [hbm4b:s3+s4], $0x40, s1, s4, $0xb8;
	[tilespmem:$0x12000] =	vst v63  }
0xe1: {  	_ =	swait.ge [sflag:s5], $0x2000  }
0xe2: {  	[sflag:s5] =	ssyncset.done $0x0  }
0xe3: {  	[sflag:s5] =	ssyncadd.s32 $0xFFFFE000  }
0xe4: {  	_ =	swait.ge [sflag:s5], $0x2000  }
0xe5: {  	[sflag:s5] =	ssyncset.done $0x0  }
0xe6: {  	[sflag:s5] =	ssyncadd.s32 $0xFFFFE000  }
0xe7: {  	_ =	swait.ge [sflag:s5], $0x2000  }
0xe8: {  	[sflag:s5] =	ssyncset.done $0x0  }
0xe9: {  	[sflag:s5] =	ssyncadd.s32 $0xFFFFE000  }
0xea: {  	_ =	swait.ge [sflag:s5], $0x2000  }
0xeb: {  	[sflag:s5] =	ssyncset.done $0x0  }
0xec: {  	s1 =	rddreg [dreg:$0xa];
	[sflag:s5] =	ssyncadd.s32 $0xFFFFE000  }
0xed: {  	[hbm4b:s1+s2] =	stream.linear.scatter [tilespmem:s7], [sflag:$0x2], $0x8000, $0x38;
	[tilespmem:$0x12000] =	vst v63  }
0xee: {  	_ =	swait.ge [sflag:s8], $0x8000  }
0xef: {  	s0 =	sld [smem:$0x7E9]  }
0xf0: {  	[sflag:s8] =	ssyncset.done $0x0  }
0xf1: {  	s1 =	sld [smem:$0x7EA];
	[sflag:s8] =	ssyncadd.s32 $0xFFFF8000  }
0xf2: {  	[tilespmem:s6], [sflag:$0x1] =	stream.indirect.gather [hbm4b:s3+s4], $0x40, s0, s4, $0xb8;
	[tilespmem:$0x12000] =	vst v63  }
0xf3: {  	s0 =	sld [smem:$0x7EB]  }
0xf4: {  	[tilespmem:s9], [sflag:$0x1] =	stream.indirect.gather [hbm4b:s3+s4], $0x40, s1, s4, $0xb8;
	[tilespmem:$0x12000] =	vst v63  }
0xf5: {  	s1 =	sld [smem:$0x7EC]  }
0xf6: {  	[tilespmem:s10], [sflag:$0x1] =	stream.indirect.gather [hbm4b:s3+s4], $0x40, s0, s4, $0xb8;
	[tilespmem:$0x12000] =	vst v63  }
0xf7: {  	_ = 	snop  }
0xf8: {  	[tilespmem:s11], [sflag:$0x1] =	stream.indirect.gather [hbm4b:s3+s4], $0x40, s1, s4, $0xb8;
	[tilespmem:$0x12000] =	vst v63  }
0xf9: {  	_ =	swait.ge [sflag:s5], $0x2000  }
0xfa: {  	[sflag:s5] =	ssyncset.done $0x0  }
0xfb: {  	[sflag:s5] =	ssyncadd.s32 $0xFFFFE000  }
0xfc: {  	_ =	swait.ge [sflag:s5], $0x2000  }
0xfd: {  	[sflag:s5] =	ssyncset.done $0x0  }
0xfe: {  	[sflag:s5] =	ssyncadd.s32 $0xFFFFE000  }
0xff: {  	_ =	swait.ge [sflag:s5], $0x2000  }
0x100: {  	[sflag:s5] =	ssyncset.done $0x0  }
0x101: {  	[sflag:s5] =	ssyncadd.s32 $0xFFFFE000  }
0x102: {  	_ =	swait.ge [sflag:s5], $0x2000  }
0x103: {  	[sflag:s5] =	ssyncset.done $0x0  }
0x104: {  	s1 =	rddreg [dreg:$0xb];
	[sflag:s5] =	ssyncadd.s32 $0xFFFFE000  }
0x105: {  	[hbm4b:s1+s2] =	stream.linear.scatter [tilespmem:s6], [sflag:$0x2], $0x8000, $0x38;
	[tilespmem:$0x12000] =	vst v63  }
0x106: {  	_ =	swait.ge [sflag:s8], $0x8000  }
0x107: {  	s0 =	sld [smem:$0x7ED]  }
0x108: {  	[sflag:s8] =	ssyncset.done $0x0  }
0x109: {  	s1 =	sld [smem:$0x7EE];
	[sflag:s8] =	ssyncadd.s32 $0xFFFF8000  }
0x10a: {  	[tilespmem:s7], [sflag:$0x1] =	stream.indirect.gather [hbm4b:s3+s4], $0x40, s0, s4, $0xb8;
	[tilespmem:$0x12000] =	vst v63  }
0x10b: {  	s0 =	sld [smem:$0x7EF]  }
0x10c: {  	[tilespmem:s12], [sflag:$0x1] =	stream.indirect.gather [hbm4b:s3+s4], $0x40, s1, s4, $0xb8;
	[tilespmem:$0x12000] =	vst v63  }
0x10d: {  	s1 =	sld [smem:$0x7F0]  }
0x10e: {  	[tilespmem:s13], [sflag:$0x1] =	stream.indirect.gather [hbm4b:s3+s4], $0x40, s0, s4, $0xb8;
	[tilespmem:$0x12000] =	vst v63  }
0x10f: {  	_ = 	snop  }
0x110: {  	[tilespmem:s14], [sflag:$0x1] =	stream.indirect.gather [hbm4b:s3+s4], $0x40, s1, s4, $0xb8;
	[tilespmem:$0x12000] =	vst v63  }
0x111: {  	_ =	swait.ge [sflag:s5], $0x2000  }
0x112: {  	[sflag:s5] =	ssyncset.done $0x0  }
0x113: {  	[sflag:s5] =	ssyncadd.s32 $0xFFFFE000  }
0x114: {  	_ =	swait.ge [sflag:s5], $0x2000  }
0x115: {  	[sflag:s5] =	ssyncset.done $0x0  }
0x116: {  	[sflag:s5] =	ssyncadd.s32 $0xFFFFE000  }
0x117: {  	_ =	swait.ge [sflag:s5], $0x2000  }
0x118: {  	[sflag:s5] =	ssyncset.done $0x0  }
0x119: {  	[sflag:s5] =	ssyncadd.s32 $0xFFFFE000  }
0x11a: {  	_ =	swait.ge [sflag:s5], $0x2000  }
0x11b: {  	[sflag:s5] =	ssyncset.done $0x0  }
0x11c: {  	s1 =	rddreg [dreg:$0xc];
	[sflag:s5] =	ssyncadd.s32 $0xFFFFE000  }
0x11d: {  	[hbm4b:s1+s2] =	stream.linear.scatter [tilespmem:s7], [sflag:$0x2], $0x8000, $0x38;
	[tilespmem:$0x12000] =	vst v63  }
0x11e: {  	_ =	swait.ge [sflag:s8], $0x8000  }
0x11f: {  	s0 =	sld [smem:$0x7F1]  }
0x120: {  	[sflag:s8] =	ssyncset.done $0x0  }
0x121: {  	s1 =	sld [smem:$0x7F2];
	[sflag:s8] =	ssyncadd.s32 $0xFFFF8000  }
0x122: {  	[tilespmem:s6], [sflag:$0x1] =	stream.indirect.gather [hbm4b:s3+s4], $0x40, s0, s4, $0xb8;
	[tilespmem:$0x12000] =	vst v63  }
0x123: {  	s0 =	sld [smem:$0x7F3]  }
0x124: {  	[tilespmem:s9], [sflag:$0x1] =	stream.indirect.gather [hbm4b:s3+s4], $0x40, s1, s4, $0xb8;
	[tilespmem:$0x12000] =	vst v63  }
0x125: {  	s1 =	sld [smem:$0x7F4]  }
0x126: {  	[tilespmem:s10], [sflag:$0x1] =	stream.indirect.gather [hbm4b:s3+s4], $0x40, s0, s4, $0xb8;
	[tilespmem:$0x12000] =	vst v63  }
0x127: {  	_ = 	snop  }
0x128: {  	[tilespmem:s11], [sflag:$0x1] =	stream.indirect.gather [hbm4b:s3+s4], $0x40, s1, s4, $0xb8;
	[tilespmem:$0x12000] =	vst v63  }
0x129: {  	_ =	swait.ge [sflag:s5], $0x2000  }
0x12a: {  	[sflag:s5] =	ssyncset.done $0x0  }
0x12b: {  	[sflag:s5] =	ssyncadd.s32 $0xFFFFE000  }
0x12c: {  	_ =	swait.ge [sflag:s5], $0x2000  }
0x12d: {  	[sflag:s5] =	ssyncset.done $0x0  }
0x12e: {  	[sflag:s5] =	ssyncadd.s32 $0xFFFFE000  }
0x12f: {  	_ =	swait.ge [sflag:s5], $0x2000  }
0x130: {  	[sflag:s5] =	ssyncset.done $0x0  }
0x131: {  	[sflag:s5] =	ssyncadd.s32 $0xFFFFE000  }
0x132: {  	_ =	swait.ge [sflag:s5], $0x2000  }
0x133: {  	[sflag:s5] =	ssyncset.done $0x0  }
0x134: {  	s1 =	rddreg [dreg:$0xd];
	[sflag:s5] =	ssyncadd.s32 $0xFFFFE000  }
0x135: {  	[hbm4b:s1+s2] =	stream.linear.scatter [tilespmem:s6], [sflag:$0x2], $0x8000, $0x38;
	[tilespmem:$0x12000] =	vst v63  }
0x136: {  	_ =	swait.ge [sflag:s8], $0x8000  }
0x137: {  	s0 =	sld [smem:$0x7F5]  }
0x138: {  	[sflag:s8] =	ssyncset.done $0x0  }
0x139: {  	s1 =	sld [smem:$0x7F6];
	[sflag:s8] =	ssyncadd.s32 $0xFFFF8000  }
0x13a: {  	[tilespmem:s7], [sflag:$0x1] =	stream.indirect.gather [hbm4b:s3+s4], $0x40, s0, s4, $0xb8;
	[tilespmem:$0x12000] =	vst v63  }
0x13b: {  	s0 =	sld [smem:$0x7F7]  }
0x13c: {  	[tilespmem:s12], [sflag:$0x1] =	stream.indirect.gather [hbm4b:s3+s4], $0x40, s1, s4, $0xb8;
	[tilespmem:$0x12000] =	vst v63  }
0x13d: {  	s1 =	sld [smem:$0x7F8]  }
0x13e: {  	[tilespmem:s13], [sflag:$0x1] =	stream.indirect.gather [hbm4b:s3+s4], $0x40, s0, s4, $0xb8;
	[tilespmem:$0x12000] =	vst v63  }
0x13f: {  	_ = 	snop  }
0x140: {  	[tilespmem:s14], [sflag:$0x1] =	stream.indirect.gather [hbm4b:s3+s4], $0x40, s1, s4, $0xb8;
	[tilespmem:$0x12000] =	vst v63  }
0x141: {  	_ =	swait.ge [sflag:s5], $0x2000  }
0x142: {  	[sflag:s5] =	ssyncset.done $0x0  }
0x143: {  	[sflag:s5] =	ssyncadd.s32 $0xFFFFE000  }
0x144: {  	_ =	swait.ge [sflag:s5], $0x2000  }
0x145: {  	[sflag:s5] =	ssyncset.done $0x0  }
0x146: {  	[sflag:s5] =	ssyncadd.s32 $0xFFFFE000  }
0x147: {  	_ =	swait.ge [sflag:s5], $0x2000  }
0x148: {  	[sflag:s5] =	ssyncset.done $0x0  }
0x149: {  	[sflag:s5] =	ssyncadd.s32 $0xFFFFE000  }
0x14a: {  	_ =	swait.ge [sflag:s5], $0x2000  }
0x14b: {  	[sflag:s5] =	ssyncset.done $0x0  }
0x14c: {  	s1 =	rddreg [dreg:$0xe];
	[sflag:s5] =	ssyncadd.s32 $0xFFFFE000  }
0x14d: {  	[hbm4b:s1+s2] =	stream.linear.scatter [tilespmem:s7], [sflag:$0x2], $0x8000, $0x38;
	[tilespmem:$0x12000] =	vst v63  }
0x14e: {  	_ =	swait.ge [sflag:s8], $0x8000  }
0x14f: {  	s0 =	sld [smem:$0x7F9]  }
0x150: {  	[sflag:s8] =	ssyncset.done $0x0  }
0x151: {  	s1 =	sld [smem:$0x7FA];
	[sflag:s8] =	ssyncadd.s32 $0xFFFF8000  }
0x152: {  	[tilespmem:s6], [sflag:$0x1] =	stream.indirect.gather [hbm4b:s3+s4], $0x40, s0, s4, $0xb8;
	[tilespmem:$0x12000] =	vst v63  }
0x153: {  	s0 =	sld [smem:$0x7FB]  }
0x154: {  	[tilespmem:s9], [sflag:$0x1] =	stream.indirect.gather [hbm4b:s3+s4], $0x40, s1, s4, $0xb8;
	[tilespmem:$0x12000] =	vst v63  }
0x155: {  	s1 =	sld [smem:$0x7FC]  }
0x156: {  	[tilespmem:s10], [sflag:$0x1] =	stream.indirect.gather [hbm4b:s3+s4], $0x40, s0, s4, $0xb8;
	[tilespmem:$0x12000] =	vst v63  }
0x157: {  	_ = 	snop  }
0x158: {  	[tilespmem:s11], [sflag:$0x1] =	stream.indirect.gather [hbm4b:s3+s4], $0x40, s1, s4, $0xb8;
	[tilespmem:$0x12000] =	vst v63  }
0x159: {  	_ =	swait.ge [sflag:s5], $0x2000  }
0x15a: {  	[sflag:s5] =	ssyncset.done $0x0  }
0x15b: {  	[sflag:s5] =	ssyncadd.s32 $0xFFFFE000  }
0x15c: {  	_ =	swait.ge [sflag:s5], $0x2000  }
0x15d: {  	[sflag:s5] =	ssyncset.done $0x0  }
0x15e: {  	[sflag:s5] =	ssyncadd.s32 $0xFFFFE000  }
0x15f: {  	_ =	swait.ge [sflag:s5], $0x2000  }
0x160: {  	[sflag:s5] =	ssyncset.done $0x0  }
0x161: {  	[sflag:s5] =	ssyncadd.s32 $0xFFFFE000  }
0x162: {  	_ =	swait.ge [sflag:s5], $0x2000  }
0x163: {  	[sflag:s5] =	ssyncset.done $0x0  }
0x164: {  	s1 =	rddreg [dreg:$0xf];
	[sflag:s5] =	ssyncadd.s32 $0xFFFFE000  }
0x165: {  	[hbm4b:s1+s2] =	stream.linear.scatter [tilespmem:s6], [sflag:$0x2], $0x8000, $0x38;
	[tilespmem:$0x12000] =	vst v63  }
0x166: {  	_ =	swait.ge [sflag:s8], $0x8000  }
0x167: {  	s1 =	sld [smem:$0x7FD]  }
0x168: {  	[sflag:s8] =	ssyncset.done $0x0  }
0x169: {  	[sflag:s8] =	ssyncadd.s32 $0xFFFF8000  }
0x16a: {  	[tilespmem:s7], [sflag:$0x1] =	stream.indirect.gather [hbm4b:s3+s4], $0x40, s1, s4, $0xb8;
	[tilespmem:$0x12000] =	vst v63  }
0x16b: {  	_ = 	snop  }
0x16c: {  	[tilespmem:s12], [sflag:$0x1] =	stream.indirect.gather [hbm4b:s3+s4], $0x40, s29, s4, $0xb8;
	[tilespmem:$0x12000] =	vst v63  }
0x16d: {  	_ = 	snop  }
0x16e: {  	[tilespmem:s13], [sflag:$0x1] =	stream.indirect.gather [hbm4b:s3+s4], $0x40, s30, s4, $0xb8;
	[tilespmem:$0x12000] =	vst v63  }
0x16f: {  	_ = 	snop  }
0x170: {  	[tilespmem:s14], [sflag:$0x1] =	stream.indirect.gather [hbm4b:s3+s4], $0x40, s20, s4, $0xb8;
	[tilespmem:$0x12000] =	vst v63  }
0x171: {  	_ =	swait.ge [sflag:s5], $0x2000  }
0x172: {  	[sflag:s5] =	ssyncset.done $0x0  }
0x173: {  	[sflag:s5] =	ssyncadd.s32 $0xFFFFE000  }
0x174: {  	_ =	swait.ge [sflag:s5], $0x2000  }
0x175: {  	[sflag:s5] =	ssyncset.done $0x0  }
0x176: {  	[sflag:s5] =	ssyncadd.s32 $0xFFFFE000  }
0x177: {  	_ =	swait.ge [sflag:s5], $0x2000  }
0x178: {  	[sflag:s5] =	ssyncset.done $0x0  }
0x179: {  	[sflag:s5] =	ssyncadd.s32 $0xFFFFE000  }
0x17a: {  	_ =	swait.ge [sflag:s5], $0x2000  }
0x17b: {  	[sflag:s5] =	ssyncset.done $0x0  }
0x17c: {  	s1 =	rddreg [dreg:$0x10];
	[sflag:s5] =	ssyncadd.s32 $0xFFFFE000  }
0x17d: {  	[hbm4b:s1+s2] =	stream.linear.scatter [tilespmem:s7], [sflag:$0x2], $0x8000, $0x38;
	[tilespmem:$0x12000] =	vst v63  }
0x17e: {  	_ =	swait.ge [sflag:s8], $0x8000  }
0x17f: {  	[sflag:s8] =	ssyncset.done $0x0  }
0x180: {  	[sflag:s8] =	ssyncadd.s32 $0xFFFF8000  }
0x181: {  	[tilespmem:s6], [sflag:$0x1] =	stream.indirect.gather [hbm4b:s3+s4], $0x40, s24, s4, $0xb8;
	[tilespmem:$0x12000] =	vst v63  }
0x182: {  	_ = 	snop  }
0x183: {  	[tilespmem:s9], [sflag:$0x1] =	stream.indirect.gather [hbm4b:s3+s4], $0x40, s25, s4, $0xb8;
	[tilespmem:$0x12000] =	vst v63  }
0x184: {  	_ = 	snop  }
0x185: {  	[tilespmem:s10], [sflag:$0x1] =	stream.indirect.gather [hbm4b:s3+s4], $0x40, s26, s4, $0xb8;
	[tilespmem:$0x12000] =	vst v63  }
0x186: {  	_ = 	snop  }
0x187: {  	[tilespmem:s11], [sflag:$0x1] =	stream.indirect.gather [hbm4b:s3+s4], $0x40, s28, s4, $0xb8;
	[tilespmem:$0x12000] =	vst v63  }
0x188: {  	_ =	swait.ge [sflag:s5], $0x2000  }
0x189: {  	[sflag:s5] =	ssyncset.done $0x0  }
0x18a: {  	[sflag:s5] =	ssyncadd.s32 $0xFFFFE000  }
0x18b: {  	_ =	swait.ge [sflag:s5], $0x2000  }
0x18c: {  	[sflag:s5] =	ssyncset.done $0x0  }
0x18d: {  	[sflag:s5] =	ssyncadd.s32 $0xFFFFE000  }
0x18e: {  	_ =	swait.ge [sflag:s5], $0x2000  }
0x18f: {  	[sflag:s5] =	ssyncset.done $0x0  }
0x190: {  	[sflag:s5] =	ssyncadd.s32 $0xFFFFE000  }
0x191: {  	_ =	swait.ge [sflag:s5], $0x2000  }
0x192: {  	[sflag:s5] =	ssyncset.done $0x0  }
0x193: {  	s1 =	rddreg [dreg:$0x11];
	[sflag:s5] =	ssyncadd.s32 $0xFFFFE000  }
0x194: {  	[hbm4b:s1+s2] =	stream.linear.scatter [tilespmem:s6], [sflag:$0x2], $0x8000, $0x38;
	[tilespmem:$0x12000] =	vst v63  }
0x195: {  	_ =	swait.ge [sflag:s8], $0x8000  }
0x196: {  	[sflag:s8] =	ssyncset.done $0x0  }
0x197: {  	s1 =	simm.s32 $0x1C00;
	[sflag:s8] =	ssyncadd.s32 $0xFFFF8000  }
0x198: {  	[tilespmem:s7], [sflag:$0x1] =	stream.indirect.gather [hbm4b:s3+s4], $0x40, s1, s4, $0xb8;
	[tilespmem:$0x12000] =	vst v63  }
0x199: {  	_ = 	snop  }
0x19a: {  	[tilespmem:s12], [sflag:$0x1] =	stream.indirect.gather [hbm4b:s3+s4], $0x40, s21, s4, $0xb8;
	[tilespmem:$0x12000] =	vst v63  }
0x19b: {  	_ = 	snop  }
0x19c: {  	[tilespmem:s13], [sflag:$0x1] =	stream.indirect.gather [hbm4b:s3+s4], $0x40, s22, s4, $0xb8;
	[tilespmem:$0x12000] =	vst v63  }
0x19d: {  	_ = 	snop  }
0x19e: {  	[tilespmem:s14], [sflag:$0x1] =	stream.indirect.gather [hbm4b:s3+s4], $0x40, s23, s4, $0xb8;
	[tilespmem:$0x12000] =	vst v63  }
0x19f: {  	_ =	swait.ge [sflag:s5], $0x2000  }
0x1a0: {  	[sflag:s5] =	ssyncset.done $0x0  }
0x1a1: {  	[sflag:s5] =	ssyncadd.s32 $0xFFFFE000  }
0x1a2: {  	_ =	swait.ge [sflag:s5], $0x2000  }
0x1a3: {  	[sflag:s5] =	ssyncset.done $0x0  }
0x1a4: {  	[sflag:s5] =	ssyncadd.s32 $0xFFFFE000  }
0x1a5: {  	_ =	swait.ge [sflag:s5], $0x2000  }
0x1a6: {  	[sflag:s5] =	ssyncset.done $0x0  }
0x1a7: {  	[sflag:s5] =	ssyncadd.s32 $0xFFFFE000  }
0x1a8: {  	_ =	swait.ge [sflag:s5], $0x2000  }
0x1a9: {  	[sflag:s5] =	ssyncset.done $0x0  }
0x1aa: {  	s1 =	rddreg [dreg:$0x12];
	[sflag:s5] =	ssyncadd.s32 $0xFFFFE000  }
0x1ab: {  	[hbm4b:s1+s2] =	stream.linear.scatter [tilespmem:s7], [sflag:$0x2], $0x8000, $0x38;
	[tilespmem:$0x12000] =	vst v63  }
0x1ac: {  	_ =	swait.ge [sflag:s8], $0x8000  }
0x1ad: {  	[sflag:s8] =	ssyncset.done $0x0  }
0x1ae: {  	[sflag:s8] =	ssyncadd.s32 $0xFFFF8000  }
0x1af: {  	[tilespmem:s6], [sflag:$0x1] =	stream.indirect.gather [hbm4b:s3+s4], $0x40, s16, s4, $0xb8;
	[tilespmem:$0x12000] =	vst v63  }
0x1b0: {  	_ = 	snop  }
0x1b1: {  	[tilespmem:s9], [sflag:$0x1] =	stream.indirect.gather [hbm4b:s3+s4], $0x40, s17, s4, $0xb8;
	[tilespmem:$0x12000] =	vst v63  }
0x1b2: {  	_ = 	snop  }
0x1b3: {  	[tilespmem:s10], [sflag:$0x1] =	stream.indirect.gather [hbm4b:s3+s4], $0x40, s18, s4, $0xb8;
	[tilespmem:$0x12000] =	vst v63  }
0x1b4: {  	_ = 	snop  }
0x1b5: {  	[tilespmem:s11], [sflag:$0x1] =	stream.indirect.gather [hbm4b:s3+s4], $0x40, s19, s4, $0xb8;
	[tilespmem:$0x12000] =	vst v63  }
0x1b6: {  	_ =	swait.ge [sflag:s5], $0x2000  }
0x1b7: {  	[sflag:s5] =	ssyncset.done $0x0  }
0x1b8: {  	[sflag:s5] =	ssyncadd.s32 $0xFFFFE000  }
0x1b9: {  	_ =	swait.ge [sflag:s5], $0x2000  }
0x1ba: {  	[sflag:s5] =	ssyncset.done $0x0  }
0x1bb: {  	[sflag:s5] =	ssyncadd.s32 $0xFFFFE000  }
0x1bc: {  	_ =	swait.ge [sflag:s5], $0x2000  }
0x1bd: {  	[sflag:s5] =	ssyncset.done $0x0  }
0x1be: {  	[sflag:s5] =	ssyncadd.s32 $0xFFFFE000  }
0x1bf: {  	_ =	swait.ge [sflag:s5], $0x2000  }
0x1c0: {  	[sflag:s5] =	ssyncset.done $0x0  }
0x1c1: {  	p1 =	sne.s32 s15, $0x1;
	s1 =	rddreg [dreg:$0x13];
	[sflag:s5] =	ssyncadd.s32 $0xFFFFE000  }
0x1c2: {  	[hbm4b:s1+s2] =	stream.linear.scatter [tilespmem:s6], [sflag:$0x2], $0x8000, $0x38;
	[tilespmem:$0x12000] =	vst v63  }
.Ltmp1:
0x1c3: {  	_ =	swait.ge [sflag:s8], $0x8000;
	(pc) =	sbr.rel @!p1 .LBB2_3-.Ltmp1, $4  }
0x1c4: {  	[sflag:s8] =	ssyncset.done $0x0  }
0x1c5: {  	[sflag:s8] =	ssyncadd.s32 $0xFFFF8000  }
0x1c6: {  	p0 =	por $0x1, $0x1;
	_ =	swait.ge [sflag:s8], $0x8000  }
0x1c7: {  	s1 =	sadd.s32 $0xFFFFFFFF, s15;
	s0 =	rddreg [dreg:$0x3];
	[sflag:s8] =	ssyncset.done $0x0  }
.LBB2_4:
0x1c8: {  	[sflag:s8] =	ssyncadd.s32 $0xFFFF8000  }
0x1c9: {  	[tilespmem:s2], [sflag:$0x3] =	stream.linear.gather [hbm4b:s0+s2], $0x2000, $0x38;
	[tilespmem:$0x12000] =	vst v63  }
0x1ca: {  	_ =	swait.ge [sflag:s31], $0x2000  }
0x1cb: {  	[sflag:s31] =	ssyncset.done $0x0  }
0x1cc: {  	[sflag:s31] =	ssyncadd.s32 $0xFFFFE000  }
0x1cd: {  	[tilespmem:s7], [sflag:$0x1] =	stream.indirect.gather [hbm4b:s3+s4], $0x40, s2, s4, $0xb8;
	[tilespmem:$0x12000] =	vst v63  }
0x1ce: {  	_ = 	snop  }
0x1cf: {  	[tilespmem:s12], [sflag:$0x1] =	stream.indirect.gather [hbm4b:s3+s4], $0x40, s4, s4, $0xb8;
	[tilespmem:$0x12000] =	vst v63  }
0x1d0: {  	s0 =	rddreg [dreg:$0x14]  }
0x1d1: {  	[tilespmem:s13], [sflag:$0x1] =	stream.indirect.gather [hbm4b:s3+s4], $0x40, s0, s4, $0xb8;
	[tilespmem:$0x12000] =	vst v63  }
0x1d2: {  	s15 =	rddreg [dreg:$0x15]  }
0x1d3: {  	[tilespmem:s14], [sflag:$0x1] =	stream.indirect.gather [hbm4b:s3+s4], $0x40, s15, s4, $0xb8;
	[tilespmem:$0x12000] =	vst v63  }
0x1d4: {  	_ =	swait.ge [sflag:s5], $0x2000  }
0x1d5: {  	[sflag:s5] =	ssyncset.done $0x0  }
0x1d6: {  	[sflag:s5] =	ssyncadd.s32 $0xFFFFE000  }
0x1d7: {  	_ =	swait.ge [sflag:s5], $0x2000  }
0x1d8: {  	[sflag:s5] =	ssyncset.done $0x0  }
0x1d9: {  	[sflag:s5] =	ssyncadd.s32 $0xFFFFE000  }
0x1da: {  	_ =	swait.ge [sflag:s5], $0x2000  }
0x1db: {  	[sflag:s5] =	ssyncset.done $0x0  }
0x1dc: {  	[sflag:s5] =	ssyncadd.s32 $0xFFFFE000  }
0x1dd: {  	_ =	swait.ge [sflag:s5], $0x2000  }
0x1de: {  	[sflag:s5] =	ssyncset.done $0x0  }
0x1df: {  	s0 =	rddreg [dreg:$0x4];
	[sflag:s5] =	ssyncadd.s32 $0xFFFFE000  }
0x1e0: {  	[hbm4b:s0+s2] =	stream.linear.scatter [tilespmem:s7], [sflag:$0x2], $0x8000, $0x38;
	[tilespmem:$0x12000] =	vst v63  }
0x1e1: {  	s15 =	rddreg [dreg:$0x16]  }
0x1e2: {  	[tilespmem:s6], [sflag:$0x1] =	stream.indirect.gather [hbm4b:s3+s4], $0x40, s15, s4, $0xb8;
	[tilespmem:$0x12000] =	vst v63  }
0x1e3: {  	s0 =	rddreg [dreg:$0x17]  }
0x1e4: {  	[tilespmem:s9], [sflag:$0x1] =	stream.indirect.gather [hbm4b:s3+s4], $0x40, s0, s4, $0xb8;
	[tilespmem:$0x12000] =	vst v63  }
0x1e5: {  	s15 =	rddreg [dreg:$0x18]  }
0x1e6: {  	[tilespmem:s10], [sflag:$0x1] =	stream.indirect.gather [hbm4b:s3+s4], $0x40, s15, s4, $0xb8;
	[tilespmem:$0x12000] =	vst v63  }
0x1e7: {  	s0 =	rddreg [dreg:$0x19]  }
0x1e8: {  	[tilespmem:s11], [sflag:$0x1] =	stream.indirect.gather [hbm4b:s3+s4], $0x40, s0, s4, $0xb8;
	[tilespmem:$0x12000] =	vst v63  }
0x1e9: {  	_ =	swait.ge [sflag:s5], $0x2000  }
0x1ea: {  	[sflag:s5] =	ssyncset.done $0x0  }
0x1eb: {  	[sflag:s5] =	ssyncadd.s32 $0xFFFFE000  }
0x1ec: {  	_ =	swait.ge [sflag:s5], $0x2000  }
0x1ed: {  	[sflag:s5] =	ssyncset.done $0x0  }
0x1ee: {  	[sflag:s5] =	ssyncadd.s32 $0xFFFFE000  }
0x1ef: {  	_ =	swait.ge [sflag:s5], $0x2000  }
0x1f0: {  	[sflag:s5] =	ssyncset.done $0x0  }
0x1f1: {  	[sflag:s5] =	ssyncadd.s32 $0xFFFFE000  }
0x1f2: {  	_ =	swait.ge [sflag:s5], $0x2000  }
0x1f3: {  	[sflag:s5] =	ssyncset.done $0x0  }
0x1f4: {  	s15 =	rddreg [dreg:$0x5];
	[sflag:s5] =	ssyncadd.s32 $0xFFFFE000  }
0x1f5: {  	[hbm4b:s15+s2] =	stream.linear.scatter [tilespmem:s6], [sflag:$0x2], $0x8000, $0x38;
	[tilespmem:$0x12000] =	vst v63  }
0x1f6: {  	_ =	swait.ge [sflag:s8], $0x8000  }
0x1f7: {  	[sflag:s8] =	ssyncset.done $0x0  }
0x1f8: {  	s0 =	rddreg [dreg:$0x1a];
	[sflag:s8] =	ssyncadd.s32 $0xFFFF8000  }
0x1f9: {  	[tilespmem:s7], [sflag:$0x1] =	stream.indirect.gather [hbm4b:s3+s4], $0x40, s0, s4, $0xb8;
	[tilespmem:$0x12000] =	vst v63  }
0x1fa: {  	s15 =	rddreg [dreg:$0x1b]  }
0x1fb: {  	[tilespmem:s12], [sflag:$0x1] =	stream.indirect.gather [hbm4b:s3+s4], $0x40, s15, s4, $0xb8;
	[tilespmem:$0x12000] =	vst v63  }
0x1fc: {  	s0 =	rddreg [dreg:$0x1c]  }
0x1fd: {  	[tilespmem:s13], [sflag:$0x1] =	stream.indirect.gather [hbm4b:s3+s4], $0x40, s0, s4, $0xb8;
	[tilespmem:$0x12000] =	vst v63  }
0x1fe: {  	s15 =	rddreg [dreg:$0x1d]  }
0x1ff: {  	[tilespmem:s14], [sflag:$0x1] =	stream.indirect.gather [hbm4b:s3+s4], $0x40, s15, s4, $0xb8;
	[tilespmem:$0x12000] =	vst v63  }
0x200: {  	_ =	swait.ge [sflag:s5], $0x2000  }
0x201: {  	[sflag:s5] =	ssyncset.done $0x0  }
0x202: {  	[sflag:s5] =	ssyncadd.s32 $0xFFFFE000  }
0x203: {  	_ =	swait.ge [sflag:s5], $0x2000  }
0x204: {  	[sflag:s5] =	ssyncset.done $0x0  }
0x205: {  	[sflag:s5] =	ssyncadd.s32 $0xFFFFE000  }
0x206: {  	_ =	swait.ge [sflag:s5], $0x2000  }
0x207: {  	[sflag:s5] =	ssyncset.done $0x0  }
0x208: {  	[sflag:s5] =	ssyncadd.s32 $0xFFFFE000  }
0x209: {  	_ =	swait.ge [sflag:s5], $0x2000  }
0x20a: {  	[sflag:s5] =	ssyncset.done $0x0  }
0x20b: {  	s15 =	rddreg [dreg:$0x6];
	[sflag:s5] =	ssyncadd.s32 $0xFFFFE000  }
0x20c: {  	[hbm4b:s15+s2] =	stream.linear.scatter [tilespmem:s7], [sflag:$0x2], $0x8000, $0x38;
	[tilespmem:$0x12000] =	vst v63  }
0x20d: {  	_ =	swait.ge [sflag:s8], $0x8000  }
0x20e: {  	s0 =	rddreg [dreg:$0x1e];
	[sflag:s8] =	ssyncset.done $0x0  }
0x20f: {  	s15 =	rddreg [dreg:$0x1f];
	[sflag:s8] =	ssyncadd.s32 $0xFFFF8000  }
0x210: {  	[tilespmem:s6], [sflag:$0x1] =	stream.indirect.gather [hbm4b:s3+s4], $0x40, s0, s4, $0xb8;
	[tilespmem:$0x12000] =	vst v63  }
0x211: {  	s0 =	sld [smem:$0x7DB]  }
0x212: {  	[tilespmem:s9], [sflag:$0x1] =	stream.indirect.gather [hbm4b:s3+s4], $0x40, s15, s4, $0xb8;
	[tilespmem:$0x12000] =	vst v63  }
0x213: {  	s15 =	sld [smem:$0x7DC]  }
0x214: {  	[tilespmem:s10], [sflag:$0x1] =	stream.indirect.gather [hbm4b:s3+s4], $0x40, s0, s4, $0xb8;
	[tilespmem:$0x12000] =	vst v63  }
0x215: {  	_ = 	snop  }
0x216: {  	[tilespmem:s11], [sflag:$0x1] =	stream.indirect.gather [hbm4b:s3+s4], $0x40, s15, s4, $0xb8;
	[tilespmem:$0x12000] =	vst v63  }
0x217: {  	_ =	swait.ge [sflag:s5], $0x2000  }
0x218: {  	[sflag:s5] =	ssyncset.done $0x0  }
0x219: {  	[sflag:s5] =	ssyncadd.s32 $0xFFFFE000  }
0x21a: {  	_ =	swait.ge [sflag:s5], $0x2000  }
0x21b: {  	[sflag:s5] =	ssyncset.done $0x0  }
0x21c: {  	[sflag:s5] =	ssyncadd.s32 $0xFFFFE000  }
0x21d: {  	_ =	swait.ge [sflag:s5], $0x2000  }
0x21e: {  	[sflag:s5] =	ssyncset.done $0x0  }
0x21f: {  	[sflag:s5] =	ssyncadd.s32 $0xFFFFE000  }
0x220: {  	_ =	swait.ge [sflag:s5], $0x2000  }
0x221: {  	[sflag:s5] =	ssyncset.done $0x0  }
0x222: {  	s15 =	rddreg [dreg:$0x7];
	[sflag:s5] =	ssyncadd.s32 $0xFFFFE000  }
0x223: {  	[hbm4b:s15+s2] =	stream.linear.scatter [tilespmem:s6], [sflag:$0x2], $0x8000, $0x38;
	[tilespmem:$0x12000] =	vst v63  }
0x224: {  	_ =	swait.ge [sflag:s8], $0x8000  }
0x225: {  	s0 =	sld [smem:$0x7DD]  }
0x226: {  	[sflag:s8] =	ssyncset.done $0x0  }
0x227: {  	s15 =	sld [smem:$0x7DE];
	[sflag:s8] =	ssyncadd.s32 $0xFFFF8000  }
0x228: {  	[tilespmem:s7], [sflag:$0x1] =	stream.indirect.gather [hbm4b:s3+s4], $0x40, s0, s4, $0xb8;
	[tilespmem:$0x12000] =	vst v63  }
0x229: {  	s0 =	sld [smem:$0x7DF]  }
0x22a: {  	[tilespmem:s12], [sflag:$0x1] =	stream.indirect.gather [hbm4b:s3+s4], $0x40, s15, s4, $0xb8;
	[tilespmem:$0x12000] =	vst v63  }
0x22b: {  	s15 =	sld [smem:$0x7E0]  }
0x22c: {  	[tilespmem:s13], [sflag:$0x1] =	stream.indirect.gather [hbm4b:s3+s4], $0x40, s0, s4, $0xb8;
	[tilespmem:$0x12000] =	vst v63  }
0x22d: {  	_ = 	snop  }
0x22e: {  	[tilespmem:s14], [sflag:$0x1] =	stream.indirect.gather [hbm4b:s3+s4], $0x40, s15, s4, $0xb8;
	[tilespmem:$0x12000] =	vst v63  }
0x22f: {  	_ =	swait.ge [sflag:s5], $0x2000  }
0x230: {  	[sflag:s5] =	ssyncset.done $0x0  }
0x231: {  	[sflag:s5] =	ssyncadd.s32 $0xFFFFE000  }
0x232: {  	_ =	swait.ge [sflag:s5], $0x2000  }
0x233: {  	[sflag:s5] =	ssyncset.done $0x0  }
0x234: {  	[sflag:s5] =	ssyncadd.s32 $0xFFFFE000  }
0x235: {  	_ =	swait.ge [sflag:s5], $0x2000  }
0x236: {  	[sflag:s5] =	ssyncset.done $0x0  }
0x237: {  	[sflag:s5] =	ssyncadd.s32 $0xFFFFE000  }
0x238: {  	_ =	swait.ge [sflag:s5], $0x2000  }
0x239: {  	[sflag:s5] =	ssyncset.done $0x0  }
0x23a: {  	s15 =	rddreg [dreg:$0x8];
	[sflag:s5] =	ssyncadd.s32 $0xFFFFE000  }
0x23b: {  	[hbm4b:s15+s2] =	stream.linear.scatter [tilespmem:s7], [sflag:$0x2], $0x8000, $0x38;
	[tilespmem:$0x12000] =	vst v63  }
0x23c: {  	_ =	swait.ge [sflag:s8], $0x8000  }
0x23d: {  	s0 =	sld [smem:$0x7E1]  }
0x23e: {  	[sflag:s8] =	ssyncset.done $0x0  }
0x23f: {  	s15 =	sld [smem:$0x7E2];
	[sflag:s8] =	ssyncadd.s32 $0xFFFF8000  }
0x240: {  	[tilespmem:s6], [sflag:$0x1] =	stream.indirect.gather [hbm4b:s3+s4], $0x40, s0, s4, $0xb8;
	[tilespmem:$0x12000] =	vst v63  }
0x241: {  	s0 =	sld [smem:$0x7E3]  }
0x242: {  	[tilespmem:s9], [sflag:$0x1] =	stream.indirect.gather [hbm4b:s3+s4], $0x40, s15, s4, $0xb8;
	[tilespmem:$0x12000] =	vst v63  }
0x243: {  	s15 =	sld [smem:$0x7E4]  }
0x244: {  	[tilespmem:s10], [sflag:$0x1] =	stream.indirect.gather [hbm4b:s3+s4], $0x40, s0, s4, $0xb8;
	[tilespmem:$0x12000] =	vst v63  }
0x245: {  	_ = 	snop  }
0x246: {  	[tilespmem:s11], [sflag:$0x1] =	stream.indirect.gather [hbm4b:s3+s4], $0x40, s15, s4, $0xb8;
	[tilespmem:$0x12000] =	vst v63  }
0x247: {  	_ =	swait.ge [sflag:s5], $0x2000  }
0x248: {  	[sflag:s5] =	ssyncset.done $0x0  }
0x249: {  	[sflag:s5] =	ssyncadd.s32 $0xFFFFE000  }
0x24a: {  	_ =	swait.ge [sflag:s5], $0x2000  }
0x24b: {  	[sflag:s5] =	ssyncset.done $0x0  }
0x24c: {  	[sflag:s5] =	ssyncadd.s32 $0xFFFFE000  }
0x24d: {  	_ =	swait.ge [sflag:s5], $0x2000  }
0x24e: {  	[sflag:s5] =	ssyncset.done $0x0  }
0x24f: {  	[sflag:s5] =	ssyncadd.s32 $0xFFFFE000  }
0x250: {  	_ =	swait.ge [sflag:s5], $0x2000  }
0x251: {  	[sflag:s5] =	ssyncset.done $0x0  }
0x252: {  	s15 =	rddreg [dreg:$0x9];
	[sflag:s5] =	ssyncadd.s32 $0xFFFFE000  }
0x253: {  	[hbm4b:s15+s2] =	stream.linear.scatter [tilespmem:s6], [sflag:$0x2], $0x8000, $0x38;
	[tilespmem:$0x12000] =	vst v63  }
0x254: {  	_ =	swait.ge [sflag:s8], $0x8000  }
0x255: {  	s0 =	sld [smem:$0x7E5]  }
0x256: {  	[sflag:s8] =	ssyncset.done $0x0  }
0x257: {  	s15 =	sld [smem:$0x7E6];
	[sflag:s8] =	ssyncadd.s32 $0xFFFF8000  }
0x258: {  	[tilespmem:s7], [sflag:$0x1] =	stream.indirect.gather [hbm4b:s3+s4], $0x40, s0, s4, $0xb8;
	[tilespmem:$0x12000] =	vst v63  }
0x259: {  	s0 =	sld [smem:$0x7E7]  }
0x25a: {  	[tilespmem:s12], [sflag:$0x1] =	stream.indirect.gather [hbm4b:s3+s4], $0x40, s15, s4, $0xb8;
	[tilespmem:$0x12000] =	vst v63  }
0x25b: {  	s15 =	sld [smem:$0x7E8]  }
0x25c: {  	[tilespmem:s13], [sflag:$0x1] =	stream.indirect.gather [hbm4b:s3+s4], $0x40, s0, s4, $0xb8;
	[tilespmem:$0x12000] =	vst v63  }
0x25d: {  	_ = 	snop  }
0x25e: {  	[tilespmem:s14], [sflag:$0x1] =	stream.indirect.gather [hbm4b:s3+s4], $0x40, s15, s4, $0xb8;
	[tilespmem:$0x12000] =	vst v63  }
0x25f: {  	_ =	swait.ge [sflag:s5], $0x2000  }
0x260: {  	[sflag:s5] =	ssyncset.done $0x0  }
0x261: {  	[sflag:s5] =	ssyncadd.s32 $0xFFFFE000  }
0x262: {  	_ =	swait.ge [sflag:s5], $0x2000  }
0x263: {  	[sflag:s5] =	ssyncset.done $0x0  }
0x264: {  	[sflag:s5] =	ssyncadd.s32 $0xFFFFE000  }
0x265: {  	_ =	swait.ge [sflag:s5], $0x2000  }
0x266: {  	[sflag:s5] =	ssyncset.done $0x0  }
0x267: {  	[sflag:s5] =	ssyncadd.s32 $0xFFFFE000  }
0x268: {  	_ =	swait.ge [sflag:s5], $0x2000  }
0x269: {  	[sflag:s5] =	ssyncset.done $0x0  }
0x26a: {  	s15 =	rddreg [dreg:$0xa];
	[sflag:s5] =	ssyncadd.s32 $0xFFFFE000  }
0x26b: {  	[hbm4b:s15+s2] =	stream.linear.scatter [tilespmem:s7], [sflag:$0x2], $0x8000, $0x38;
	[tilespmem:$0x12000] =	vst v63  }
0x26c: {  	_ =	swait.ge [sflag:s8], $0x8000  }
0x26d: {  	s0 =	sld [smem:$0x7E9]  }
0x26e: {  	[sflag:s8] =	ssyncset.done $0x0  }
0x26f: {  	s15 =	sld [smem:$0x7EA];
	[sflag:s8] =	ssyncadd.s32 $0xFFFF8000  }
0x270: {  	[tilespmem:s6], [sflag:$0x1] =	stream.indirect.gather [hbm4b:s3+s4], $0x40, s0, s4, $0xb8;
	[tilespmem:$0x12000] =	vst v63  }
0x271: {  	s0 =	sld [smem:$0x7EB]  }
0x272: {  	[tilespmem:s9], [sflag:$0x1] =	stream.indirect.gather [hbm4b:s3+s4], $0x40, s15, s4, $0xb8;
	[tilespmem:$0x12000] =	vst v63  }
0x273: {  	s15 =	sld [smem:$0x7EC]  }
0x274: {  	[tilespmem:s10], [sflag:$0x1] =	stream.indirect.gather [hbm4b:s3+s4], $0x40, s0, s4, $0xb8;
	[tilespmem:$0x12000] =	vst v63  }
0x275: {  	_ = 	snop  }
0x276: {  	[tilespmem:s11], [sflag:$0x1] =	stream.indirect.gather [hbm4b:s3+s4], $0x40, s15, s4, $0xb8;
	[tilespmem:$0x12000] =	vst v63  }
0x277: {  	_ =	swait.ge [sflag:s5], $0x2000  }
0x278: {  	[sflag:s5] =	ssyncset.done $0x0  }
0x279: {  	[sflag:s5] =	ssyncadd.s32 $0xFFFFE000  }
0x27a: {  	_ =	swait.ge [sflag:s5], $0x2000  }
0x27b: {  	[sflag:s5] =	ssyncset.done $0x0  }
0x27c: {  	[sflag:s5] =	ssyncadd.s32 $0xFFFFE000  }
0x27d: {  	_ =	swait.ge [sflag:s5], $0x2000  }
0x27e: {  	[sflag:s5] =	ssyncset.done $0x0  }
0x27f: {  	[sflag:s5] =	ssyncadd.s32 $0xFFFFE000  }
0x280: {  	_ =	swait.ge [sflag:s5], $0x2000  }
0x281: {  	[sflag:s5] =	ssyncset.done $0x0  }
0x282: {  	s15 =	rddreg [dreg:$0xb];
	[sflag:s5] =	ssyncadd.s32 $0xFFFFE000  }
0x283: {  	[hbm4b:s15+s2] =	stream.linear.scatter [tilespmem:s6], [sflag:$0x2], $0x8000, $0x38;
	[tilespmem:$0x12000] =	vst v63  }
0x284: {  	_ =	swait.ge [sflag:s8], $0x8000  }
0x285: {  	s0 =	sld [smem:$0x7ED]  }
0x286: {  	[sflag:s8] =	ssyncset.done $0x0  }
0x287: {  	s15 =	sld [smem:$0x7EE];
	[sflag:s8] =	ssyncadd.s32 $0xFFFF8000  }
0x288: {  	[tilespmem:s7], [sflag:$0x1] =	stream.indirect.gather [hbm4b:s3+s4], $0x40, s0, s4, $0xb8;
	[tilespmem:$0x12000] =	vst v63  }
0x289: {  	s0 =	sld [smem:$0x7EF]  }
0x28a: {  	[tilespmem:s12], [sflag:$0x1] =	stream.indirect.gather [hbm4b:s3+s4], $0x40, s15, s4, $0xb8;
	[tilespmem:$0x12000] =	vst v63  }
0x28b: {  	s15 =	sld [smem:$0x7F0]  }
0x28c: {  	[tilespmem:s13], [sflag:$0x1] =	stream.indirect.gather [hbm4b:s3+s4], $0x40, s0, s4, $0xb8;
	[tilespmem:$0x12000] =	vst v63  }
0x28d: {  	_ = 	snop  }
0x28e: {  	[tilespmem:s14], [sflag:$0x1] =	stream.indirect.gather [hbm4b:s3+s4], $0x40, s15, s4, $0xb8;
	[tilespmem:$0x12000] =	vst v63  }
0x28f: {  	_ =	swait.ge [sflag:s5], $0x2000  }
0x290: {  	[sflag:s5] =	ssyncset.done $0x0  }
0x291: {  	[sflag:s5] =	ssyncadd.s32 $0xFFFFE000  }
0x292: {  	_ =	swait.ge [sflag:s5], $0x2000  }
0x293: {  	[sflag:s5] =	ssyncset.done $0x0  }
0x294: {  	[sflag:s5] =	ssyncadd.s32 $0xFFFFE000  }
0x295: {  	_ =	swait.ge [sflag:s5], $0x2000  }
0x296: {  	[sflag:s5] =	ssyncset.done $0x0  }
0x297: {  	[sflag:s5] =	ssyncadd.s32 $0xFFFFE000  }
0x298: {  	_ =	swait.ge [sflag:s5], $0x2000  }
0x299: {  	[sflag:s5] =	ssyncset.done $0x0  }
0x29a: {  	s15 =	rddreg [dreg:$0xc];
	[sflag:s5] =	ssyncadd.s32 $0xFFFFE000  }
0x29b: {  	[hbm4b:s15+s2] =	stream.linear.scatter [tilespmem:s7], [sflag:$0x2], $0x8000, $0x38;
	[tilespmem:$0x12000] =	vst v63  }
0x29c: {  	_ =	swait.ge [sflag:s8], $0x8000  }
0x29d: {  	s0 =	sld [smem:$0x7F1]  }
0x29e: {  	[sflag:s8] =	ssyncset.done $0x0  }
0x29f: {  	s15 =	sld [smem:$0x7F2];
	[sflag:s8] =	ssyncadd.s32 $0xFFFF8000  }
0x2a0: {  	[tilespmem:s6], [sflag:$0x1] =	stream.indirect.gather [hbm4b:s3+s4], $0x40, s0, s4, $0xb8;
	[tilespmem:$0x12000] =	vst v63  }
0x2a1: {  	s0 =	sld [smem:$0x7F3]  }
0x2a2: {  	[tilespmem:s9], [sflag:$0x1] =	stream.indirect.gather [hbm4b:s3+s4], $0x40, s15, s4, $0xb8;
	[tilespmem:$0x12000] =	vst v63  }
0x2a3: {  	s15 =	sld [smem:$0x7F4]  }
0x2a4: {  	[tilespmem:s10], [sflag:$0x1] =	stream.indirect.gather [hbm4b:s3+s4], $0x40, s0, s4, $0xb8;
	[tilespmem:$0x12000] =	vst v63  }
0x2a5: {  	_ = 	snop  }
0x2a6: {  	[tilespmem:s11], [sflag:$0x1] =	stream.indirect.gather [hbm4b:s3+s4], $0x40, s15, s4, $0xb8;
	[tilespmem:$0x12000] =	vst v63  }
0x2a7: {  	_ =	swait.ge [sflag:s5], $0x2000  }
0x2a8: {  	[sflag:s5] =	ssyncset.done $0x0  }
0x2a9: {  	[sflag:s5] =	ssyncadd.s32 $0xFFFFE000  }
0x2aa: {  	_ =	swait.ge [sflag:s5], $0x2000  }
0x2ab: {  	[sflag:s5] =	ssyncset.done $0x0  }
0x2ac: {  	[sflag:s5] =	ssyncadd.s32 $0xFFFFE000  }
0x2ad: {  	_ =	swait.ge [sflag:s5], $0x2000  }
0x2ae: {  	[sflag:s5] =	ssyncset.done $0x0  }
0x2af: {  	[sflag:s5] =	ssyncadd.s32 $0xFFFFE000  }
0x2b0: {  	_ =	swait.ge [sflag:s5], $0x2000  }
0x2b1: {  	[sflag:s5] =	ssyncset.done $0x0  }
0x2b2: {  	s15 =	rddreg [dreg:$0xd];
	[sflag:s5] =	ssyncadd.s32 $0xFFFFE000  }
0x2b3: {  	[hbm4b:s15+s2] =	stream.linear.scatter [tilespmem:s6], [sflag:$0x2], $0x8000, $0x38;
	[tilespmem:$0x12000] =	vst v63  }
0x2b4: {  	_ =	swait.ge [sflag:s8], $0x8000  }
0x2b5: {  	s0 =	sld [smem:$0x7F5]  }
0x2b6: {  	[sflag:s8] =	ssyncset.done $0x0  }
0x2b7: {  	s15 =	sld [smem:$0x7F6];
	[sflag:s8] =	ssyncadd.s32 $0xFFFF8000  }
0x2b8: {  	[tilespmem:s7], [sflag:$0x1] =	stream.indirect.gather [hbm4b:s3+s4], $0x40, s0, s4, $0xb8;
	[tilespmem:$0x12000] =	vst v63  }
0x2b9: {  	s0 =	sld [smem:$0x7F7]  }
0x2ba: {  	[tilespmem:s12], [sflag:$0x1] =	stream.indirect.gather [hbm4b:s3+s4], $0x40, s15, s4, $0xb8;
	[tilespmem:$0x12000] =	vst v63  }
0x2bb: {  	s15 =	sld [smem:$0x7F8]  }
0x2bc: {  	[tilespmem:s13], [sflag:$0x1] =	stream.indirect.gather [hbm4b:s3+s4], $0x40, s0, s4, $0xb8;
	[tilespmem:$0x12000] =	vst v63  }
0x2bd: {  	_ = 	snop  }
0x2be: {  	[tilespmem:s14], [sflag:$0x1] =	stream.indirect.gather [hbm4b:s3+s4], $0x40, s15, s4, $0xb8;
	[tilespmem:$0x12000] =	vst v63  }
0x2bf: {  	_ =	swait.ge [sflag:s5], $0x2000  }
0x2c0: {  	[sflag:s5] =	ssyncset.done $0x0  }
0x2c1: {  	[sflag:s5] =	ssyncadd.s32 $0xFFFFE000  }
0x2c2: {  	_ =	swait.ge [sflag:s5], $0x2000  }
0x2c3: {  	[sflag:s5] =	ssyncset.done $0x0  }
0x2c4: {  	[sflag:s5] =	ssyncadd.s32 $0xFFFFE000  }
0x2c5: {  	_ =	swait.ge [sflag:s5], $0x2000  }
0x2c6: {  	[sflag:s5] =	ssyncset.done $0x0  }
0x2c7: {  	[sflag:s5] =	ssyncadd.s32 $0xFFFFE000  }
0x2c8: {  	_ =	swait.ge [sflag:s5], $0x2000  }
0x2c9: {  	[sflag:s5] =	ssyncset.done $0x0  }
0x2ca: {  	s15 =	rddreg [dreg:$0xe];
	[sflag:s5] =	ssyncadd.s32 $0xFFFFE000  }
0x2cb: {  	[hbm4b:s15+s2] =	stream.linear.scatter [tilespmem:s7], [sflag:$0x2], $0x8000, $0x38;
	[tilespmem:$0x12000] =	vst v63  }
0x2cc: {  	_ =	swait.ge [sflag:s8], $0x8000  }
0x2cd: {  	s0 =	sld [smem:$0x7F9]  }
0x2ce: {  	[sflag:s8] =	ssyncset.done $0x0  }
0x2cf: {  	s15 =	sld [smem:$0x7FA];
	[sflag:s8] =	ssyncadd.s32 $0xFFFF8000  }
0x2d0: {  	[tilespmem:s6], [sflag:$0x1] =	stream.indirect.gather [hbm4b:s3+s4], $0x40, s0, s4, $0xb8;
	[tilespmem:$0x12000] =	vst v63  }
0x2d1: {  	s0 =	sld [smem:$0x7FB]  }
0x2d2: {  	[tilespmem:s9], [sflag:$0x1] =	stream.indirect.gather [hbm4b:s3+s4], $0x40, s15, s4, $0xb8;
	[tilespmem:$0x12000] =	vst v63  }
0x2d3: {  	s15 =	sld [smem:$0x7FC]  }
0x2d4: {  	[tilespmem:s10], [sflag:$0x1] =	stream.indirect.gather [hbm4b:s3+s4], $0x40, s0, s4, $0xb8;
	[tilespmem:$0x12000] =	vst v63  }
0x2d5: {  	_ = 	snop  }
0x2d6: {  	[tilespmem:s11], [sflag:$0x1] =	stream.indirect.gather [hbm4b:s3+s4], $0x40, s15, s4, $0xb8;
	[tilespmem:$0x12000] =	vst v63  }
0x2d7: {  	_ =	swait.ge [sflag:s5], $0x2000  }
0x2d8: {  	[sflag:s5] =	ssyncset.done $0x0  }
0x2d9: {  	[sflag:s5] =	ssyncadd.s32 $0xFFFFE000  }
0x2da: {  	_ =	swait.ge [sflag:s5], $0x2000  }
0x2db: {  	[sflag:s5] =	ssyncset.done $0x0  }
0x2dc: {  	[sflag:s5] =	ssyncadd.s32 $0xFFFFE000  }
0x2dd: {  	_ =	swait.ge [sflag:s5], $0x2000  }
0x2de: {  	[sflag:s5] =	ssyncset.done $0x0  }
0x2df: {  	[sflag:s5] =	ssyncadd.s32 $0xFFFFE000  }
0x2e0: {  	_ =	swait.ge [sflag:s5], $0x2000  }
0x2e1: {  	[sflag:s5] =	ssyncset.done $0x0  }
0x2e2: {  	s15 =	rddreg [dreg:$0xf];
	[sflag:s5] =	ssyncadd.s32 $0xFFFFE000  }
0x2e3: {  	[hbm4b:s15+s2] =	stream.linear.scatter [tilespmem:s6], [sflag:$0x2], $0x8000, $0x38;
	[tilespmem:$0x12000] =	vst v63  }
0x2e4: {  	_ =	swait.ge [sflag:s8], $0x8000  }
0x2e5: {  	s15 =	sld [smem:$0x7FD]  }
0x2e6: {  	[sflag:s8] =	ssyncset.done $0x0  }
0x2e7: {  	[sflag:s8] =	ssyncadd.s32 $0xFFFF8000  }
0x2e8: {  	[tilespmem:s7], [sflag:$0x1] =	stream.indirect.gather [hbm4b:s3+s4], $0x40, s15, s4, $0xb8;
	[tilespmem:$0x12000] =	vst v63  }
0x2e9: {  	_ = 	snop  }
0x2ea: {  	[tilespmem:s12], [sflag:$0x1] =	stream.indirect.gather [hbm4b:s3+s4], $0x40, s29, s4, $0xb8;
	[tilespmem:$0x12000] =	vst v63  }
0x2eb: {  	_ = 	snop  }
0x2ec: {  	[tilespmem:s13], [sflag:$0x1] =	stream.indirect.gather [hbm4b:s3+s4], $0x40, s30, s4, $0xb8;
	[tilespmem:$0x12000] =	vst v63  }
0x2ed: {  	_ = 	snop  }
0x2ee: {  	[tilespmem:s14], [sflag:$0x1] =	stream.indirect.gather [hbm4b:s3+s4], $0x40, s20, s4, $0xb8;
	[tilespmem:$0x12000] =	vst v63  }
0x2ef: {  	_ =	swait.ge [sflag:s5], $0x2000  }
0x2f0: {  	[sflag:s5] =	ssyncset.done $0x0  }
0x2f1: {  	[sflag:s5] =	ssyncadd.s32 $0xFFFFE000  }
0x2f2: {  	_ =	swait.ge [sflag:s5], $0x2000  }
0x2f3: {  	[sflag:s5] =	ssyncset.done $0x0  }
0x2f4: {  	[sflag:s5] =	ssyncadd.s32 $0xFFFFE000  }
0x2f5: {  	_ =	swait.ge [sflag:s5], $0x2000  }
0x2f6: {  	[sflag:s5] =	ssyncset.done $0x0  }
0x2f7: {  	[sflag:s5] =	ssyncadd.s32 $0xFFFFE000  }
0x2f8: {  	_ =	swait.ge [sflag:s5], $0x2000  }
0x2f9: {  	[sflag:s5] =	ssyncset.done $0x0  }
0x2fa: {  	s15 =	rddreg [dreg:$0x10];
	[sflag:s5] =	ssyncadd.s32 $0xFFFFE000  }
0x2fb: {  	[hbm4b:s15+s2] =	stream.linear.scatter [tilespmem:s7], [sflag:$0x2], $0x8000, $0x38;
	[tilespmem:$0x12000] =	vst v63  }
0x2fc: {  	_ =	swait.ge [sflag:s8], $0x8000  }
0x2fd: {  	[sflag:s8] =	ssyncset.done $0x0  }
0x2fe: {  	[sflag:s8] =	ssyncadd.s32 $0xFFFF8000  }
0x2ff: {  	[tilespmem:s6], [sflag:$0x1] =	stream.indirect.gather [hbm4b:s3+s4], $0x40, s24, s4, $0xb8;
	[tilespmem:$0x12000] =	vst v63  }
0x300: {  	_ = 	snop  }
0x301: {  	[tilespmem:s9], [sflag:$0x1] =	stream.indirect.gather [hbm4b:s3+s4], $0x40, s25, s4, $0xb8;
	[tilespmem:$0x12000] =	vst v63  }
0x302: {  	_ = 	snop  }
0x303: {  	[tilespmem:s10], [sflag:$0x1] =	stream.indirect.gather [hbm4b:s3+s4], $0x40, s26, s4, $0xb8;
	[tilespmem:$0x12000] =	vst v63  }
0x304: {  	_ = 	snop  }
0x305: {  	[tilespmem:s11], [sflag:$0x1] =	stream.indirect.gather [hbm4b:s3+s4], $0x40, s28, s4, $0xb8;
	[tilespmem:$0x12000] =	vst v63  }
0x306: {  	_ =	swait.ge [sflag:s5], $0x2000  }
0x307: {  	[sflag:s5] =	ssyncset.done $0x0  }
0x308: {  	[sflag:s5] =	ssyncadd.s32 $0xFFFFE000  }
0x309: {  	_ =	swait.ge [sflag:s5], $0x2000  }
0x30a: {  	[sflag:s5] =	ssyncset.done $0x0  }
0x30b: {  	[sflag:s5] =	ssyncadd.s32 $0xFFFFE000  }
0x30c: {  	_ =	swait.ge [sflag:s5], $0x2000  }
0x30d: {  	[sflag:s5] =	ssyncset.done $0x0  }
0x30e: {  	[sflag:s5] =	ssyncadd.s32 $0xFFFFE000  }
0x30f: {  	_ =	swait.ge [sflag:s5], $0x2000  }
0x310: {  	[sflag:s5] =	ssyncset.done $0x0  }
0x311: {  	s15 =	rddreg [dreg:$0x11];
	[sflag:s5] =	ssyncadd.s32 $0xFFFFE000  }
0x312: {  	[hbm4b:s15+s2] =	stream.linear.scatter [tilespmem:s6], [sflag:$0x2], $0x8000, $0x38;
	[tilespmem:$0x12000] =	vst v63  }
0x313: {  	_ =	swait.ge [sflag:s8], $0x8000  }
0x314: {  	[sflag:s8] =	ssyncset.done $0x0  }
0x315: {  	s15 =	simm.s32 $0x1C00;
	[sflag:s8] =	ssyncadd.s32 $0xFFFF8000  }
0x316: {  	[tilespmem:s7], [sflag:$0x1] =	stream.indirect.gather [hbm4b:s3+s4], $0x40, s15, s4, $0xb8;
	[tilespmem:$0x12000] =	vst v63  }
0x317: {  	_ = 	snop  }
0x318: {  	[tilespmem:s12], [sflag:$0x1] =	stream.indirect.gather [hbm4b:s3+s4], $0x40, s21, s4, $0xb8;
	[tilespmem:$0x12000] =	vst v63  }
0x319: {  	_ = 	snop  }
0x31a: {  	[tilespmem:s13], [sflag:$0x1] =	stream.indirect.gather [hbm4b:s3+s4], $0x40, s22, s4, $0xb8;
	[tilespmem:$0x12000] =	vst v63  }
0x31b: {  	_ = 	snop  }
0x31c: {  	[tilespmem:s14], [sflag:$0x1] =	stream.indirect.gather [hbm4b:s3+s4], $0x40, s23, s4, $0xb8;
	[tilespmem:$0x12000] =	vst v63  }
0x31d: {  	_ =	swait.ge [sflag:s5], $0x2000  }
0x31e: {  	[sflag:s5] =	ssyncset.done $0x0  }
0x31f: {  	[sflag:s5] =	ssyncadd.s32 $0xFFFFE000  }
0x320: {  	_ =	swait.ge [sflag:s5], $0x2000  }
0x321: {  	[sflag:s5] =	ssyncset.done $0x0  }
0x322: {  	[sflag:s5] =	ssyncadd.s32 $0xFFFFE000  }
0x323: {  	_ =	swait.ge [sflag:s5], $0x2000  }
0x324: {  	[sflag:s5] =	ssyncset.done $0x0  }
0x325: {  	[sflag:s5] =	ssyncadd.s32 $0xFFFFE000  }
0x326: {  	_ =	swait.ge [sflag:s5], $0x2000  }
0x327: {  	[sflag:s5] =	ssyncset.done $0x0  }
0x328: {  	s15 =	rddreg [dreg:$0x12];
	[sflag:s5] =	ssyncadd.s32 $0xFFFFE000  }
0x329: {  	[hbm4b:s15+s2] =	stream.linear.scatter [tilespmem:s7], [sflag:$0x2], $0x8000, $0x38;
	[tilespmem:$0x12000] =	vst v63  }
0x32a: {  	_ =	swait.ge [sflag:s8], $0x8000  }
0x32b: {  	[sflag:s8] =	ssyncset.done $0x0  }
0x32c: {  	[sflag:s8] =	ssyncadd.s32 $0xFFFF8000  }
0x32d: {  	[tilespmem:s6], [sflag:$0x1] =	stream.indirect.gather [hbm4b:s3+s4], $0x40, s16, s4, $0xb8;
	[tilespmem:$0x12000] =	vst v63  }
0x32e: {  	_ = 	snop  }
0x32f: {  	[tilespmem:s9], [sflag:$0x1] =	stream.indirect.gather [hbm4b:s3+s4], $0x40, s17, s4, $0xb8;
	[tilespmem:$0x12000] =	vst v63  }
0x330: {  	_ = 	snop  }
0x331: {  	[tilespmem:s10], [sflag:$0x1] =	stream.indirect.gather [hbm4b:s3+s4], $0x40, s18, s4, $0xb8;
	[tilespmem:$0x12000] =	vst v63  }
0x332: {  	_ = 	snop  }
0x333: {  	[tilespmem:s11], [sflag:$0x1] =	stream.indirect.gather [hbm4b:s3+s4], $0x40, s19, s4, $0xb8;
	[tilespmem:$0x12000] =	vst v63  }
0x334: {  	_ =	swait.ge [sflag:s5], $0x2000  }
0x335: {  	[sflag:s5] =	ssyncset.done $0x0  }
0x336: {  	[sflag:s5] =	ssyncadd.s32 $0xFFFFE000  }
0x337: {  	_ =	swait.ge [sflag:s5], $0x2000  }
0x338: {  	[sflag:s5] =	ssyncset.done $0x0  }
0x339: {  	[sflag:s5] =	ssyncadd.s32 $0xFFFFE000  }
0x33a: {  	_ =	swait.ge [sflag:s5], $0x2000  }
0x33b: {  	[sflag:s5] =	ssyncset.done $0x0  }
0x33c: {  	[sflag:s5] =	ssyncadd.s32 $0xFFFFE000  }
0x33d: {  	_ =	swait.ge [sflag:s5], $0x2000  }
0x33e: {  	[sflag:s5] =	ssyncset.done $0x0  }
0x33f: {  	p1 =	sne.s32 s1, $0x1;
	s15 =	rddreg [dreg:$0x13];
	[sflag:s5] =	ssyncadd.s32 $0xFFFFE000  }
0x340: {  	[hbm4b:s15+s2] =	stream.linear.scatter [tilespmem:s6], [sflag:$0x2], $0x8000, $0x38;
	[tilespmem:$0x12000] =	vst v63  }
.Ltmp2:
0x341: {  	_ =	swait.ge [sflag:s8], $0x8000;
	(pc) =	sbr.rel @p1 .LBB2_4-.Ltmp2, $4  }
0x342: {  	[sflag:s8] =	ssyncset.done $0x0  }
0x343: {  	[sflag:s8] =	ssyncadd.s32 $0xFFFF8000  }
0x344: {  	_ =	swait.ge [sflag:s8], $0x8000  }
0x345: {  	s1 =	sadd.s32 $0xFFFFFFFF, s1;
	s0 =	rddreg [dreg:$0x3];
	[sflag:s8] =	ssyncset.done $0x0  }
0x346: {  	s19 =	simm.s32 $0x1980;
	s30 =	simm.s32 $0x1900;
	s29 =	simm.s32 $0x1880  }
0x347: {  	s28 =	simm.s32 $0x1B80;
	s26 =	simm.s32 $0x1B00;
	s25 =	simm.s32 $0x1A80  }
0x348: {  	s24 =	simm.s32 $0x1A00;
	s23 =	simm.s32 $0x1D80;
	s22 =	simm.s32 $0x1D00  }
0x349: {  	s21 =	simm.s32 $0x1C80;
	s20 =	simm.s32 $0x1C00;
	s18 =	simm.s32 $0x1F00  }
0x34a: {  	s17 =	simm.s32 $0x1E80;
	s16 =	simm.s32 $0x1E00;
	s15 =	stileid.u32  }
.LBB2_6:
0x34b: {  	[sflag:s8] =	ssyncadd.s32 @p0 $0xFFFF8000  }
0x34c: {  	[tilespmem:s2], [sflag:$0x3] =	stream.linear.gather [hbm4b:s0+s2], $0x2000, $0x38;
	[tilespmem:$0x12000] =	vst v63  }
0x34d: {  	_ =	swait.ge [sflag:s31], $0x2000  }
0x34e: {  	[sflag:s31] =	ssyncset.done $0x0  }
0x34f: {  	[sflag:s31] =	ssyncadd.s32 $0xFFFFE000  }
0x350: {  	[tilespmem:s7], [sflag:$0x1] =	stream.indirect.gather [hbm4b:s3+s4], $0x40, s2, s4, $0xb8;
	[tilespmem:$0x12000] =	vst v63  }
0x351: {  	_ = 	snop  }
0x352: {  	[tilespmem:s12], [sflag:$0x1] =	stream.indirect.gather [hbm4b:s3+s4], $0x40, s4, s4, $0xb8;
	[tilespmem:$0x12000] =	vst v63  }
0x353: {  	s31 =	rddreg [dreg:$0x14]  }
0x354: {  	[tilespmem:s13], [sflag:$0x1] =	stream.indirect.gather [hbm4b:s3+s4], $0x40, s31, s4, $0xb8;
	[tilespmem:$0x12000] =	vst v63  }
0x355: {  	s1 =	rddreg [dreg:$0x15]  }
0x356: {  	[tilespmem:s14], [sflag:$0x1] =	stream.indirect.gather [hbm4b:s3+s4], $0x40, s1, s4, $0xb8;
	[tilespmem:$0x12000] =	vst v63  }
0x357: {  	_ =	swait.ge [sflag:s5], $0x2000  }
0x358: {  	[sflag:s5] =	ssyncset.done $0x0  }
0x359: {  	[sflag:s5] =	ssyncadd.s32 $0xFFFFE000  }
0x35a: {  	_ =	swait.ge [sflag:s5], $0x2000  }
0x35b: {  	[sflag:s5] =	ssyncset.done $0x0  }
0x35c: {  	[sflag:s5] =	ssyncadd.s32 $0xFFFFE000  }
0x35d: {  	_ =	swait.ge [sflag:s5], $0x2000  }
0x35e: {  	[sflag:s5] =	ssyncset.done $0x0  }
0x35f: {  	[sflag:s5] =	ssyncadd.s32 $0xFFFFE000  }
0x360: {  	_ =	swait.ge [sflag:s5], $0x2000  }
0x361: {  	[sflag:s5] =	ssyncset.done $0x0  }
0x362: {  	s31 =	rddreg [dreg:$0x4];
	[sflag:s5] =	ssyncadd.s32 $0xFFFFE000  }
0x363: {  	[hbm4b:s31+s2] =	stream.linear.scatter [tilespmem:s7], [sflag:$0x2], $0x8000, $0x38;
	[tilespmem:$0x12000] =	vst v63  }
0x364: {  	s1 =	rddreg [dreg:$0x16]  }
0x365: {  	[tilespmem:s6], [sflag:$0x1] =	stream.indirect.gather [hbm4b:s3+s4], $0x40, s1, s4, $0xb8;
	[tilespmem:$0x12000] =	vst v63  }
0x366: {  	s31 =	rddreg [dreg:$0x17]  }
0x367: {  	[tilespmem:s9], [sflag:$0x1] =	stream.indirect.gather [hbm4b:s3+s4], $0x40, s31, s4, $0xb8;
	[tilespmem:$0x12000] =	vst v63  }
0x368: {  	s1 =	rddreg [dreg:$0x18]  }
0x369: {  	[tilespmem:s10], [sflag:$0x1] =	stream.indirect.gather [hbm4b:s3+s4], $0x40, s1, s4, $0xb8;
	[tilespmem:$0x12000] =	vst v63  }
0x36a: {  	s31 =	rddreg [dreg:$0x19]  }
0x36b: {  	[tilespmem:s11], [sflag:$0x1] =	stream.indirect.gather [hbm4b:s3+s4], $0x40, s31, s4, $0xb8;
	[tilespmem:$0x12000] =	vst v63  }
0x36c: {  	_ =	swait.ge [sflag:s5], $0x2000  }
0x36d: {  	[sflag:s5] =	ssyncset.done $0x0  }
0x36e: {  	[sflag:s5] =	ssyncadd.s32 $0xFFFFE000  }
0x36f: {  	_ =	swait.ge [sflag:s5], $0x2000  }
0x370: {  	[sflag:s5] =	ssyncset.done $0x0  }
0x371: {  	[sflag:s5] =	ssyncadd.s32 $0xFFFFE000  }
0x372: {  	_ =	swait.ge [sflag:s5], $0x2000  }
0x373: {  	[sflag:s5] =	ssyncset.done $0x0  }
0x374: {  	[sflag:s5] =	ssyncadd.s32 $0xFFFFE000  }
0x375: {  	_ =	swait.ge [sflag:s5], $0x2000  }
0x376: {  	[sflag:s5] =	ssyncset.done $0x0  }
0x377: {  	s31 =	rddreg [dreg:$0x5];
	[sflag:s5] =	ssyncadd.s32 $0xFFFFE000  }
0x378: {  	[hbm4b:s31+s2] =	stream.linear.scatter [tilespmem:s6], [sflag:$0x2], $0x8000, $0x38;
	[tilespmem:$0x12000] =	vst v63  }
0x379: {  	_ =	swait.ge [sflag:s8], $0x8000  }
0x37a: {  	[sflag:s8] =	ssyncset.done $0x0  }
0x37b: {  	s1 =	rddreg [dreg:$0x1a];
	[sflag:s8] =	ssyncadd.s32 $0xFFFF8000  }
0x37c: {  	[tilespmem:s7], [sflag:$0x1] =	stream.indirect.gather [hbm4b:s3+s4], $0x40, s1, s4, $0xb8;
	[tilespmem:$0x12000] =	vst v63  }
0x37d: {  	s31 =	rddreg [dreg:$0x1b]  }
0x37e: {  	[tilespmem:s12], [sflag:$0x1] =	stream.indirect.gather [hbm4b:s3+s4], $0x40, s31, s4, $0xb8;
	[tilespmem:$0x12000] =	vst v63  }
0x37f: {  	s0 =	rddreg [dreg:$0x1c]  }
0x380: {  	[tilespmem:s13], [sflag:$0x1] =	stream.indirect.gather [hbm4b:s3+s4], $0x40, s0, s4, $0xb8;
	[tilespmem:$0x12000] =	vst v63  }
0x381: {  	s31 =	rddreg [dreg:$0x1d]  }
0x382: {  	[tilespmem:s14], [sflag:$0x1] =	stream.indirect.gather [hbm4b:s3+s4], $0x40, s31, s4, $0xb8;
	[tilespmem:$0x12000] =	vst v63  }
0x383: {  	_ =	swait.ge [sflag:s5], $0x2000  }
0x384: {  	[sflag:s5] =	ssyncset.done $0x0  }
0x385: {  	[sflag:s5] =	ssyncadd.s32 $0xFFFFE000  }
0x386: {  	_ =	swait.ge [sflag:s5], $0x2000  }
0x387: {  	[sflag:s5] =	ssyncset.done $0x0  }
0x388: {  	[sflag:s5] =	ssyncadd.s32 $0xFFFFE000  }
0x389: {  	_ =	swait.ge [sflag:s5], $0x2000  }
0x38a: {  	[sflag:s5] =	ssyncset.done $0x0  }
0x38b: {  	[sflag:s5] =	ssyncadd.s32 $0xFFFFE000  }
0x38c: {  	_ =	swait.ge [sflag:s5], $0x2000  }
0x38d: {  	[sflag:s5] =	ssyncset.done $0x0  }
0x38e: {  	s31 =	rddreg [dreg:$0x6];
	[sflag:s5] =	ssyncadd.s32 $0xFFFFE000  }
0x38f: {  	[hbm4b:s31+s2] =	stream.linear.scatter [tilespmem:s7], [sflag:$0x2], $0x8000, $0x38;
	[tilespmem:$0x12000] =	vst v63  }
0x390: {  	_ =	swait.ge [sflag:s8], $0x8000  }
0x391: {  	s1 =	rddreg [dreg:$0x1e];
	[sflag:s8] =	ssyncset.done $0x0  }
0x392: {  	s31 =	rddreg [dreg:$0x1f];
	[sflag:s8] =	ssyncadd.s32 $0xFFFF8000  }
0x393: {  	[tilespmem:s6], [sflag:$0x1] =	stream.indirect.gather [hbm4b:s3+s4], $0x40, s1, s4, $0xb8;
	[tilespmem:$0x12000] =	vst v63  }
0x394: {  	s0 =	sld [smem:$0x7DB]  }
0x395: {  	[tilespmem:s9], [sflag:$0x1] =	stream.indirect.gather [hbm4b:s3+s4], $0x40, s31, s4, $0xb8;
	[tilespmem:$0x12000] =	vst v63  }
0x396: {  	s31 =	sld [smem:$0x7DC]  }
0x397: {  	[tilespmem:s10], [sflag:$0x1] =	stream.indirect.gather [hbm4b:s3+s4], $0x40, s0, s4, $0xb8;
	[tilespmem:$0x12000] =	vst v63  }
0x398: {  	_ = 	snop  }
0x399: {  	[tilespmem:s11], [sflag:$0x1] =	stream.indirect.gather [hbm4b:s3+s4], $0x40, s31, s4, $0xb8;
	[tilespmem:$0x12000] =	vst v63  }
0x39a: {  	_ =	swait.ge [sflag:s5], $0x2000  }
0x39b: {  	[sflag:s5] =	ssyncset.done $0x0  }
0x39c: {  	[sflag:s5] =	ssyncadd.s32 $0xFFFFE000  }
0x39d: {  	_ =	swait.ge [sflag:s5], $0x2000  }
0x39e: {  	[sflag:s5] =	ssyncset.done $0x0  }
0x39f: {  	[sflag:s5] =	ssyncadd.s32 $0xFFFFE000  }
0x3a0: {  	_ =	swait.ge [sflag:s5], $0x2000  }
0x3a1: {  	[sflag:s5] =	ssyncset.done $0x0  }
0x3a2: {  	[sflag:s5] =	ssyncadd.s32 $0xFFFFE000  }
0x3a3: {  	_ =	swait.ge [sflag:s5], $0x2000  }
0x3a4: {  	[sflag:s5] =	ssyncset.done $0x0  }
0x3a5: {  	s31 =	rddreg [dreg:$0x7];
	[sflag:s5] =	ssyncadd.s32 $0xFFFFE000  }
0x3a6: {  	[hbm4b:s31+s2] =	stream.linear.scatter [tilespmem:s6], [sflag:$0x2], $0x8000, $0x38;
	[tilespmem:$0x12000] =	vst v63  }
0x3a7: {  	_ =	swait.ge [sflag:s8], $0x8000  }
0x3a8: {  	s1 =	sld [smem:$0x7DD]  }
0x3a9: {  	[sflag:s8] =	ssyncset.done $0x0  }
0x3aa: {  	s31 =	sld [smem:$0x7DE];
	[sflag:s8] =	ssyncadd.s32 $0xFFFF8000  }
0x3ab: {  	[tilespmem:s7], [sflag:$0x1] =	stream.indirect.gather [hbm4b:s3+s4], $0x40, s1, s4, $0xb8;
	[tilespmem:$0x12000] =	vst v63  }
0x3ac: {  	s0 =	sld [smem:$0x7DF]  }
0x3ad: {  	[tilespmem:s12], [sflag:$0x1] =	stream.indirect.gather [hbm4b:s3+s4], $0x40, s31, s4, $0xb8;
	[tilespmem:$0x12000] =	vst v63  }
0x3ae: {  	s31 =	sld [smem:$0x7E0]  }
0x3af: {  	[tilespmem:s13], [sflag:$0x1] =	stream.indirect.gather [hbm4b:s3+s4], $0x40, s0, s4, $0xb8;
	[tilespmem:$0x12000] =	vst v63  }
0x3b0: {  	_ = 	snop  }
0x3b1: {  	[tilespmem:s14], [sflag:$0x1] =	stream.indirect.gather [hbm4b:s3+s4], $0x40, s31, s4, $0xb8;
	[tilespmem:$0x12000] =	vst v63  }
0x3b2: {  	_ =	swait.ge [sflag:s5], $0x2000  }
0x3b3: {  	[sflag:s5] =	ssyncset.done $0x0  }
0x3b4: {  	[sflag:s5] =	ssyncadd.s32 $0xFFFFE000  }
0x3b5: {  	_ =	swait.ge [sflag:s5], $0x2000  }
0x3b6: {  	[sflag:s5] =	ssyncset.done $0x0  }
0x3b7: {  	[sflag:s5] =	ssyncadd.s32 $0xFFFFE000  }
0x3b8: {  	_ =	swait.ge [sflag:s5], $0x2000  }
0x3b9: {  	[sflag:s5] =	ssyncset.done $0x0  }
0x3ba: {  	[sflag:s5] =	ssyncadd.s32 $0xFFFFE000  }
0x3bb: {  	_ =	swait.ge [sflag:s5], $0x2000  }
0x3bc: {  	[sflag:s5] =	ssyncset.done $0x0  }
0x3bd: {  	s31 =	rddreg [dreg:$0x8];
	[sflag:s5] =	ssyncadd.s32 $0xFFFFE000  }
0x3be: {  	[hbm4b:s31+s2] =	stream.linear.scatter [tilespmem:s7], [sflag:$0x2], $0x8000, $0x38;
	[tilespmem:$0x12000] =	vst v63  }
0x3bf: {  	_ =	swait.ge [sflag:s8], $0x8000  }
0x3c0: {  	s1 =	sld [smem:$0x7E1]  }
0x3c1: {  	[sflag:s8] =	ssyncset.done $0x0  }
0x3c2: {  	s31 =	sld [smem:$0x7E2];
	[sflag:s8] =	ssyncadd.s32 $0xFFFF8000  }
0x3c3: {  	[tilespmem:s6], [sflag:$0x1] =	stream.indirect.gather [hbm4b:s3+s4], $0x40, s1, s4, $0xb8;
	[tilespmem:$0x12000] =	vst v63  }
0x3c4: {  	s0 =	sld [smem:$0x7E3]  }
0x3c5: {  	[tilespmem:s9], [sflag:$0x1] =	stream.indirect.gather [hbm4b:s3+s4], $0x40, s31, s4, $0xb8;
	[tilespmem:$0x12000] =	vst v63  }
0x3c6: {  	s31 =	sld [smem:$0x7E4]  }
0x3c7: {  	[tilespmem:s10], [sflag:$0x1] =	stream.indirect.gather [hbm4b:s3+s4], $0x40, s0, s4, $0xb8;
	[tilespmem:$0x12000] =	vst v63  }
0x3c8: {  	_ = 	snop  }
0x3c9: {  	[tilespmem:s11], [sflag:$0x1] =	stream.indirect.gather [hbm4b:s3+s4], $0x40, s31, s4, $0xb8;
	[tilespmem:$0x12000] =	vst v63  }
0x3ca: {  	_ =	swait.ge [sflag:s5], $0x2000  }
0x3cb: {  	[sflag:s5] =	ssyncset.done $0x0  }
0x3cc: {  	[sflag:s5] =	ssyncadd.s32 $0xFFFFE000  }
0x3cd: {  	_ =	swait.ge [sflag:s5], $0x2000  }
0x3ce: {  	[sflag:s5] =	ssyncset.done $0x0  }
0x3cf: {  	[sflag:s5] =	ssyncadd.s32 $0xFFFFE000  }
0x3d0: {  	_ =	swait.ge [sflag:s5], $0x2000  }
0x3d1: {  	[sflag:s5] =	ssyncset.done $0x0  }
0x3d2: {  	[sflag:s5] =	ssyncadd.s32 $0xFFFFE000  }
0x3d3: {  	_ =	swait.ge [sflag:s5], $0x2000  }
0x3d4: {  	[sflag:s5] =	ssyncset.done $0x0  }
0x3d5: {  	s31 =	rddreg [dreg:$0x9];
	[sflag:s5] =	ssyncadd.s32 $0xFFFFE000  }
0x3d6: {  	[hbm4b:s31+s2] =	stream.linear.scatter [tilespmem:s6], [sflag:$0x2], $0x8000, $0x38;
	[tilespmem:$0x12000] =	vst v63  }
0x3d7: {  	_ =	swait.ge [sflag:s8], $0x8000  }
0x3d8: {  	s1 =	sld [smem:$0x7E5]  }
0x3d9: {  	[sflag:s8] =	ssyncset.done $0x0  }
0x3da: {  	s31 =	sld [smem:$0x7E6];
	[sflag:s8] =	ssyncadd.s32 $0xFFFF8000  }
0x3db: {  	[tilespmem:s7], [sflag:$0x1] =	stream.indirect.gather [hbm4b:s3+s4], $0x40, s1, s4, $0xb8;
	[tilespmem:$0x12000] =	vst v63  }
0x3dc: {  	s0 =	sld [smem:$0x7E7]  }
0x3dd: {  	[tilespmem:s12], [sflag:$0x1] =	stream.indirect.gather [hbm4b:s3+s4], $0x40, s31, s4, $0xb8;
	[tilespmem:$0x12000] =	vst v63  }
0x3de: {  	s31 =	sld [smem:$0x7E8]  }
0x3df: {  	[tilespmem:s13], [sflag:$0x1] =	stream.indirect.gather [hbm4b:s3+s4], $0x40, s0, s4, $0xb8;
	[tilespmem:$0x12000] =	vst v63  }
0x3e0: {  	_ = 	snop  }
0x3e1: {  	[tilespmem:s14], [sflag:$0x1] =	stream.indirect.gather [hbm4b:s3+s4], $0x40, s31, s4, $0xb8;
	[tilespmem:$0x12000] =	vst v63  }
0x3e2: {  	_ =	swait.ge [sflag:s5], $0x2000  }
0x3e3: {  	[sflag:s5] =	ssyncset.done $0x0  }
0x3e4: {  	[sflag:s5] =	ssyncadd.s32 $0xFFFFE000  }
0x3e5: {  	_ =	swait.ge [sflag:s5], $0x2000  }
0x3e6: {  	[sflag:s5] =	ssyncset.done $0x0  }
0x3e7: {  	[sflag:s5] =	ssyncadd.s32 $0xFFFFE000  }
0x3e8: {  	_ =	swait.ge [sflag:s5], $0x2000  }
0x3e9: {  	[sflag:s5] =	ssyncset.done $0x0  }
0x3ea: {  	[sflag:s5] =	ssyncadd.s32 $0xFFFFE000  }
0x3eb: {  	_ =	swait.ge [sflag:s5], $0x2000  }
0x3ec: {  	[sflag:s5] =	ssyncset.done $0x0  }
0x3ed: {  	s31 =	rddreg [dreg:$0xa];
	[sflag:s5] =	ssyncadd.s32 $0xFFFFE000  }
0x3ee: {  	[hbm4b:s31+s2] =	stream.linear.scatter [tilespmem:s7], [sflag:$0x2], $0x8000, $0x38;
	[tilespmem:$0x12000] =	vst v63  }
0x3ef: {  	_ =	swait.ge [sflag:s8], $0x8000  }
0x3f0: {  	s1 =	sld [smem:$0x7E9]  }
0x3f1: {  	[sflag:s8] =	ssyncset.done $0x0  }
0x3f2: {  	s31 =	sld [smem:$0x7EA];
	[sflag:s8] =	ssyncadd.s32 $0xFFFF8000  }
0x3f3: {  	[tilespmem:s6], [sflag:$0x1] =	stream.indirect.gather [hbm4b:s3+s4], $0x40, s1, s4, $0xb8;
	[tilespmem:$0x12000] =	vst v63  }
0x3f4: {  	s0 =	sld [smem:$0x7EB]  }
0x3f5: {  	[tilespmem:s9], [sflag:$0x1] =	stream.indirect.gather [hbm4b:s3+s4], $0x40, s31, s4, $0xb8;
	[tilespmem:$0x12000] =	vst v63  }
0x3f6: {  	s31 =	sld [smem:$0x7EC]  }
0x3f7: {  	[tilespmem:s10], [sflag:$0x1] =	stream.indirect.gather [hbm4b:s3+s4], $0x40, s0, s4, $0xb8;
	[tilespmem:$0x12000] =	vst v63  }
0x3f8: {  	_ = 	snop  }
0x3f9: {  	[tilespmem:s11], [sflag:$0x1] =	stream.indirect.gather [hbm4b:s3+s4], $0x40, s31, s4, $0xb8;
	[tilespmem:$0x12000] =	vst v63  }
0x3fa: {  	_ =	swait.ge [sflag:s5], $0x2000  }
0x3fb: {  	[sflag:s5] =	ssyncset.done $0x0  }
0x3fc: {  	[sflag:s5] =	ssyncadd.s32 $0xFFFFE000  }
0x3fd: {  	_ =	swait.ge [sflag:s5], $0x2000  }
0x3fe: {  	[sflag:s5] =	ssyncset.done $0x0  }
0x3ff: {  	[sflag:s5] =	ssyncadd.s32 $0xFFFFE000  }
0x400: {  	_ =	swait.ge [sflag:s5], $0x2000  }
0x401: {  	[sflag:s5] =	ssyncset.done $0x0  }
0x402: {  	[sflag:s5] =	ssyncadd.s32 $0xFFFFE000  }
0x403: {  	_ =	swait.ge [sflag:s5], $0x2000  }
0x404: {  	[sflag:s5] =	ssyncset.done $0x0  }
0x405: {  	s31 =	rddreg [dreg:$0xb];
	[sflag:s5] =	ssyncadd.s32 $0xFFFFE000  }
0x406: {  	[hbm4b:s31+s2] =	stream.linear.scatter [tilespmem:s6], [sflag:$0x2], $0x8000, $0x38;
	[tilespmem:$0x12000] =	vst v63  }
0x407: {  	_ =	swait.ge [sflag:s8], $0x8000  }
0x408: {  	s1 =	sld [smem:$0x7ED]  }
0x409: {  	[sflag:s8] =	ssyncset.done $0x0  }
0x40a: {  	s31 =	sld [smem:$0x7EE];
	[sflag:s8] =	ssyncadd.s32 $0xFFFF8000  }
0x40b: {  	[tilespmem:s7], [sflag:$0x1] =	stream.indirect.gather [hbm4b:s3+s4], $0x40, s1, s4, $0xb8;
	[tilespmem:$0x12000] =	vst v63  }
0x40c: {  	s0 =	sld [smem:$0x7EF]  }
0x40d: {  	[tilespmem:s12], [sflag:$0x1] =	stream.indirect.gather [hbm4b:s3+s4], $0x40, s31, s4, $0xb8;
	[tilespmem:$0x12000] =	vst v63  }
0x40e: {  	s31 =	sld [smem:$0x7F0]  }
0x40f: {  	[tilespmem:s13], [sflag:$0x1] =	stream.indirect.gather [hbm4b:s3+s4], $0x40, s0, s4, $0xb8;
	[tilespmem:$0x12000] =	vst v63  }
0x410: {  	_ = 	snop  }
0x411: {  	[tilespmem:s14], [sflag:$0x1] =	stream.indirect.gather [hbm4b:s3+s4], $0x40, s31, s4, $0xb8;
	[tilespmem:$0x12000] =	vst v63  }
0x412: {  	_ =	swait.ge [sflag:s5], $0x2000  }
0x413: {  	[sflag:s5] =	ssyncset.done $0x0  }
0x414: {  	[sflag:s5] =	ssyncadd.s32 $0xFFFFE000  }
0x415: {  	_ =	swait.ge [sflag:s5], $0x2000  }
0x416: {  	[sflag:s5] =	ssyncset.done $0x0  }
0x417: {  	[sflag:s5] =	ssyncadd.s32 $0xFFFFE000  }
0x418: {  	_ =	swait.ge [sflag:s5], $0x2000  }
0x419: {  	[sflag:s5] =	ssyncset.done $0x0  }
0x41a: {  	[sflag:s5] =	ssyncadd.s32 $0xFFFFE000  }
0x41b: {  	_ =	swait.ge [sflag:s5], $0x2000  }
0x41c: {  	[sflag:s5] =	ssyncset.done $0x0  }
0x41d: {  	s31 =	rddreg [dreg:$0xc];
	[sflag:s5] =	ssyncadd.s32 $0xFFFFE000  }
0x41e: {  	[hbm4b:s31+s2] =	stream.linear.scatter [tilespmem:s7], [sflag:$0x2], $0x8000, $0x38;
	[tilespmem:$0x12000] =	vst v63  }
0x41f: {  	_ =	swait.ge [sflag:s8], $0x8000  }
0x420: {  	s1 =	sld [smem:$0x7F1]  }
0x421: {  	[sflag:s8] =	ssyncset.done $0x0  }
0x422: {  	s31 =	sld [smem:$0x7F2];
	[sflag:s8] =	ssyncadd.s32 $0xFFFF8000  }
0x423: {  	[tilespmem:s6], [sflag:$0x1] =	stream.indirect.gather [hbm4b:s3+s4], $0x40, s1, s4, $0xb8;
	[tilespmem:$0x12000] =	vst v63  }
0x424: {  	s0 =	sld [smem:$0x7F3]  }
0x425: {  	[tilespmem:s9], [sflag:$0x1] =	stream.indirect.gather [hbm4b:s3+s4], $0x40, s31, s4, $0xb8;
	[tilespmem:$0x12000] =	vst v63  }
0x426: {  	s31 =	sld [smem:$0x7F4]  }
0x427: {  	[tilespmem:s10], [sflag:$0x1] =	stream.indirect.gather [hbm4b:s3+s4], $0x40, s0, s4, $0xb8;
	[tilespmem:$0x12000] =	vst v63  }
0x428: {  	_ = 	snop  }
0x429: {  	[tilespmem:s11], [sflag:$0x1] =	stream.indirect.gather [hbm4b:s3+s4], $0x40, s31, s4, $0xb8;
	[tilespmem:$0x12000] =	vst v63  }
0x42a: {  	_ =	swait.ge [sflag:s5], $0x2000  }
0x42b: {  	[sflag:s5] =	ssyncset.done $0x0  }
0x42c: {  	[sflag:s5] =	ssyncadd.s32 $0xFFFFE000  }
0x42d: {  	_ =	swait.ge [sflag:s5], $0x2000  }
0x42e: {  	[sflag:s5] =	ssyncset.done $0x0  }
0x42f: {  	[sflag:s5] =	ssyncadd.s32 $0xFFFFE000  }
0x430: {  	_ =	swait.ge [sflag:s5], $0x2000  }
0x431: {  	[sflag:s5] =	ssyncset.done $0x0  }
0x432: {  	[sflag:s5] =	ssyncadd.s32 $0xFFFFE000  }
0x433: {  	_ =	swait.ge [sflag:s5], $0x2000  }
0x434: {  	[sflag:s5] =	ssyncset.done $0x0  }
0x435: {  	s31 =	rddreg [dreg:$0xd];
	[sflag:s5] =	ssyncadd.s32 $0xFFFFE000  }
0x436: {  	[hbm4b:s31+s2] =	stream.linear.scatter [tilespmem:s6], [sflag:$0x2], $0x8000, $0x38;
	[tilespmem:$0x12000] =	vst v63  }
0x437: {  	_ =	swait.ge [sflag:s8], $0x8000  }
0x438: {  	s1 =	sld [smem:$0x7F5]  }
0x439: {  	[sflag:s8] =	ssyncset.done $0x0  }
0x43a: {  	s31 =	sld [smem:$0x7F6];
	[sflag:s8] =	ssyncadd.s32 $0xFFFF8000  }
0x43b: {  	[tilespmem:s7], [sflag:$0x1] =	stream.indirect.gather [hbm4b:s3+s4], $0x40, s1, s4, $0xb8;
	[tilespmem:$0x12000] =	vst v63  }
0x43c: {  	s0 =	sld [smem:$0x7F7]  }
0x43d: {  	[tilespmem:s12], [sflag:$0x1] =	stream.indirect.gather [hbm4b:s3+s4], $0x40, s31, s4, $0xb8;
	[tilespmem:$0x12000] =	vst v63  }
0x43e: {  	s31 =	sld [smem:$0x7F8]  }
0x43f: {  	[tilespmem:s13], [sflag:$0x1] =	stream.indirect.gather [hbm4b:s3+s4], $0x40, s0, s4, $0xb8;
	[tilespmem:$0x12000] =	vst v63  }
0x440: {  	_ = 	snop  }
0x441: {  	[tilespmem:s14], [sflag:$0x1] =	stream.indirect.gather [hbm4b:s3+s4], $0x40, s31, s4, $0xb8;
	[tilespmem:$0x12000] =	vst v63  }
0x442: {  	_ =	swait.ge [sflag:s5], $0x2000  }
0x443: {  	[sflag:s5] =	ssyncset.done $0x0  }
0x444: {  	[sflag:s5] =	ssyncadd.s32 $0xFFFFE000  }
0x445: {  	_ =	swait.ge [sflag:s5], $0x2000  }
0x446: {  	[sflag:s5] =	ssyncset.done $0x0  }
0x447: {  	[sflag:s5] =	ssyncadd.s32 $0xFFFFE000  }
0x448: {  	_ =	swait.ge [sflag:s5], $0x2000  }
0x449: {  	[sflag:s5] =	ssyncset.done $0x0  }
0x44a: {  	[sflag:s5] =	ssyncadd.s32 $0xFFFFE000  }
0x44b: {  	_ =	swait.ge [sflag:s5], $0x2000  }
0x44c: {  	[sflag:s5] =	ssyncset.done $0x0  }
0x44d: {  	s31 =	rddreg [dreg:$0xe];
	[sflag:s5] =	ssyncadd.s32 $0xFFFFE000  }
0x44e: {  	[hbm4b:s31+s2] =	stream.linear.scatter [tilespmem:s7], [sflag:$0x2], $0x8000, $0x38;
	[tilespmem:$0x12000] =	vst v63  }
0x44f: {  	_ =	swait.ge [sflag:s8], $0x8000  }
0x450: {  	s1 =	sld [smem:$0x7F9]  }
0x451: {  	[sflag:s8] =	ssyncset.done $0x0  }
0x452: {  	s31 =	sld [smem:$0x7FA];
	[sflag:s8] =	ssyncadd.s32 $0xFFFF8000  }
0x453: {  	[tilespmem:s6], [sflag:$0x1] =	stream.indirect.gather [hbm4b:s3+s4], $0x40, s1, s4, $0xb8;
	[tilespmem:$0x12000] =	vst v63  }
0x454: {  	s0 =	sld [smem:$0x7FB]  }
0x455: {  	[tilespmem:s9], [sflag:$0x1] =	stream.indirect.gather [hbm4b:s3+s4], $0x40, s31, s4, $0xb8;
	[tilespmem:$0x12000] =	vst v63  }
0x456: {  	s31 =	sld [smem:$0x7FC]  }
0x457: {  	[tilespmem:s10], [sflag:$0x1] =	stream.indirect.gather [hbm4b:s3+s4], $0x40, s0, s4, $0xb8;
	[tilespmem:$0x12000] =	vst v63  }
0x458: {  	_ = 	snop  }
0x459: {  	[tilespmem:s11], [sflag:$0x1] =	stream.indirect.gather [hbm4b:s3+s4], $0x40, s31, s4, $0xb8;
	[tilespmem:$0x12000] =	vst v63  }
0x45a: {  	_ =	swait.ge [sflag:s5], $0x2000  }
0x45b: {  	[sflag:s5] =	ssyncset.done $0x0  }
0x45c: {  	[sflag:s5] =	ssyncadd.s32 $0xFFFFE000  }
0x45d: {  	_ =	swait.ge [sflag:s5], $0x2000  }
0x45e: {  	[sflag:s5] =	ssyncset.done $0x0  }
0x45f: {  	[sflag:s5] =	ssyncadd.s32 $0xFFFFE000  }
0x460: {  	_ =	swait.ge [sflag:s5], $0x2000  }
0x461: {  	[sflag:s5] =	ssyncset.done $0x0  }
0x462: {  	[sflag:s5] =	ssyncadd.s32 $0xFFFFE000  }
0x463: {  	_ =	swait.ge [sflag:s5], $0x2000  }
0x464: {  	[sflag:s5] =	ssyncset.done $0x0  }
0x465: {  	s31 =	rddreg [dreg:$0xf];
	[sflag:s5] =	ssyncadd.s32 $0xFFFFE000  }
0x466: {  	[hbm4b:s31+s2] =	stream.linear.scatter [tilespmem:s6], [sflag:$0x2], $0x8000, $0x38;
	[tilespmem:$0x12000] =	vst v63  }
0x467: {  	_ =	swait.ge [sflag:s8], $0x8000  }
0x468: {  	s1 =	sld [smem:$0x7FD]  }
0x469: {  	[sflag:s8] =	ssyncset.done $0x0  }
0x46a: {  	[sflag:s8] =	ssyncadd.s32 $0xFFFF8000  }
0x46b: {  	[tilespmem:s7], [sflag:$0x1] =	stream.indirect.gather [hbm4b:s3+s4], $0x40, s1, s4, $0xb8;
	[tilespmem:$0x12000] =	vst v63  }
0x46c: {  	_ = 	snop  }
0x46d: {  	[tilespmem:s12], [sflag:$0x1] =	stream.indirect.gather [hbm4b:s3+s4], $0x40, s29, s4, $0xb8;
	[tilespmem:$0x12000] =	vst v63  }
0x46e: {  	_ = 	snop  }
0x46f: {  	[tilespmem:s13], [sflag:$0x1] =	stream.indirect.gather [hbm4b:s3+s4], $0x40, s30, s4, $0xb8;
	[tilespmem:$0x12000] =	vst v63  }
0x470: {  	_ = 	snop  }
0x471: {  	[tilespmem:s14], [sflag:$0x1] =	stream.indirect.gather [hbm4b:s3+s4], $0x40, s19, s4, $0xb8;
	[tilespmem:$0x12000] =	vst v63  }
0x472: {  	_ =	swait.ge [sflag:s5], $0x2000  }
0x473: {  	[sflag:s5] =	ssyncset.done $0x0  }
0x474: {  	[sflag:s5] =	ssyncadd.s32 $0xFFFFE000  }
0x475: {  	_ =	swait.ge [sflag:s5], $0x2000  }
0x476: {  	[sflag:s5] =	ssyncset.done $0x0  }
0x477: {  	[sflag:s5] =	ssyncadd.s32 $0xFFFFE000  }
0x478: {  	_ =	swait.ge [sflag:s5], $0x2000  }
0x479: {  	[sflag:s5] =	ssyncset.done $0x0  }
0x47a: {  	[sflag:s5] =	ssyncadd.s32 $0xFFFFE000  }
0x47b: {  	_ =	swait.ge [sflag:s5], $0x2000  }
0x47c: {  	[sflag:s5] =	ssyncset.done $0x0  }
0x47d: {  	s19 =	rddreg [dreg:$0x10];
	[sflag:s5] =	ssyncadd.s32 $0xFFFFE000  }
0x47e: {  	[hbm4b:s19+s2] =	stream.linear.scatter [tilespmem:s7], [sflag:$0x2], $0x8000, $0x38;
	[tilespmem:$0x12000] =	vst v63  }
0x47f: {  	_ =	swait.ge [sflag:s8], $0x8000  }
0x480: {  	[sflag:s8] =	ssyncset.done $0x0  }
0x481: {  	[sflag:s8] =	ssyncadd.s32 $0xFFFF8000  }
0x482: {  	[tilespmem:s6], [sflag:$0x1] =	stream.indirect.gather [hbm4b:s3+s4], $0x40, s24, s4, $0xb8;
	[tilespmem:$0x12000] =	vst v63  }
0x483: {  	_ = 	snop  }
0x484: {  	[tilespmem:s9], [sflag:$0x1] =	stream.indirect.gather [hbm4b:s3+s4], $0x40, s25, s4, $0xb8;
	[tilespmem:$0x12000] =	vst v63  }
0x485: {  	_ = 	snop  }
0x486: {  	[tilespmem:s10], [sflag:$0x1] =	stream.indirect.gather [hbm4b:s3+s4], $0x40, s26, s4, $0xb8;
	[tilespmem:$0x12000] =	vst v63  }
0x487: {  	_ = 	snop  }
0x488: {  	[tilespmem:s11], [sflag:$0x1] =	stream.indirect.gather [hbm4b:s3+s4], $0x40, s28, s4, $0xb8;
	[tilespmem:$0x12000] =	vst v63  }
0x489: {  	_ =	swait.ge [sflag:s5], $0x2000  }
0x48a: {  	[sflag:s5] =	ssyncset.done $0x0  }
0x48b: {  	[sflag:s5] =	ssyncadd.s32 $0xFFFFE000  }
0x48c: {  	_ =	swait.ge [sflag:s5], $0x2000  }
0x48d: {  	[sflag:s5] =	ssyncset.done $0x0  }
0x48e: {  	[sflag:s5] =	ssyncadd.s32 $0xFFFFE000  }
0x48f: {  	_ =	swait.ge [sflag:s5], $0x2000  }
0x490: {  	[sflag:s5] =	ssyncset.done $0x0  }
0x491: {  	[sflag:s5] =	ssyncadd.s32 $0xFFFFE000  }
0x492: {  	_ =	swait.ge [sflag:s5], $0x2000  }
0x493: {  	[sflag:s5] =	ssyncset.done $0x0  }
0x494: {  	s28 =	rddreg [dreg:$0x11];
	[sflag:s5] =	ssyncadd.s32 $0xFFFFE000  }
0x495: {  	[hbm4b:s28+s2] =	stream.linear.scatter [tilespmem:s6], [sflag:$0x2], $0x8000, $0x38;
	[tilespmem:$0x12000] =	vst v63  }
0x496: {  	_ =	swait.ge [sflag:s8], $0x8000  }
0x497: {  	[sflag:s8] =	ssyncset.done $0x0  }
0x498: {  	[sflag:s8] =	ssyncadd.s32 $0xFFFF8000  }
0x499: {  	[tilespmem:s7], [sflag:$0x1] =	stream.indirect.gather [hbm4b:s3+s4], $0x40, s20, s4, $0xb8;
	[tilespmem:$0x12000] =	vst v63  }
0x49a: {  	_ = 	snop  }
0x49b: {  	[tilespmem:s12], [sflag:$0x1] =	stream.indirect.gather [hbm4b:s3+s4], $0x40, s21, s4, $0xb8;
	[tilespmem:$0x12000] =	vst v63  }
0x49c: {  	_ = 	snop  }
0x49d: {  	[tilespmem:s13], [sflag:$0x1] =	stream.indirect.gather [hbm4b:s3+s4], $0x40, s22, s4, $0xb8;
	[tilespmem:$0x12000] =	vst v63  }
0x49e: {  	_ = 	snop  }
0x49f: {  	[tilespmem:s14], [sflag:$0x1] =	stream.indirect.gather [hbm4b:s3+s4], $0x40, s23, s4, $0xb8;
	[tilespmem:$0x12000] =	vst v63  }
0x4a0: {  	_ =	swait.ge [sflag:s5], $0x2000  }
0x4a1: {  	[sflag:s5] =	ssyncset.done $0x0  }
0x4a2: {  	[sflag:s5] =	ssyncadd.s32 $0xFFFFE000  }
0x4a3: {  	_ =	swait.ge [sflag:s5], $0x2000  }
0x4a4: {  	[sflag:s5] =	ssyncset.done $0x0  }
0x4a5: {  	[sflag:s5] =	ssyncadd.s32 $0xFFFFE000  }
0x4a6: {  	_ =	swait.ge [sflag:s5], $0x2000  }
0x4a7: {  	[sflag:s5] =	ssyncset.done $0x0  }
0x4a8: {  	[sflag:s5] =	ssyncadd.s32 $0xFFFFE000  }
0x4a9: {  	_ =	swait.ge [sflag:s5], $0x2000  }
0x4aa: {  	[sflag:s5] =	ssyncset.done $0x0  }
0x4ab: {  	s29 =	rddreg [dreg:$0x12];
	[sflag:s5] =	ssyncadd.s32 $0xFFFFE000  }
0x4ac: {  	[hbm4b:s29+s2] =	stream.linear.scatter [tilespmem:s7], [sflag:$0x2], $0x8000, $0x38;
	[tilespmem:$0x12000] =	vst v63  }
0x4ad: {  	_ =	swait.ge [sflag:s8], $0x8000  }
0x4ae: {  	[sflag:s8] =	ssyncset.done $0x0  }
0x4af: {  	[sflag:s8] =	ssyncadd.s32 $0xFFFF8000  }
0x4b0: {  	[tilespmem:s6], [sflag:$0x1] =	stream.indirect.gather [hbm4b:s3+s4], $0x40, s16, s4, $0xb8;
	[tilespmem:$0x12000] =	vst v63  }
0x4b1: {  	_ = 	snop  }
0x4b2: {  	[tilespmem:s9], [sflag:$0x1] =	stream.indirect.gather [hbm4b:s3+s4], $0x40, s17, s4, $0xb8;
	[tilespmem:$0x12000] =	vst v63  }
0x4b3: {  	_ = 	snop  }
0x4b4: {  	[tilespmem:s10], [sflag:$0x1] =	stream.indirect.gather [hbm4b:s3+s4], $0x40, s18, s4, $0xb8;
	[tilespmem:$0x12000] =	vst v63  }
0x4b5: {  	s30 =	simm.s32 $0x1F80  }
0x4b6: {  	[tilespmem:s11], [sflag:$0x1] =	stream.indirect.gather [hbm4b:s3+s4], $0x40, s30, s4, $0xb8;
	[tilespmem:$0x12000] =	vst v63  }
0x4b7: {  	_ =	swait.ge [sflag:s5], $0x2000  }
0x4b8: {  	[sflag:s5] =	ssyncset.done $0x0  }
0x4b9: {  	[sflag:s5] =	ssyncadd.s32 $0xFFFFE000  }
0x4ba: {  	_ =	swait.ge [sflag:s5], $0x2000  }
0x4bb: {  	[sflag:s5] =	ssyncset.done $0x0  }
0x4bc: {  	[sflag:s5] =	ssyncadd.s32 $0xFFFFE000  }
0x4bd: {  	_ =	swait.ge [sflag:s5], $0x2000  }
0x4be: {  	[sflag:s5] =	ssyncset.done $0x0  }
0x4bf: {  	[sflag:s5] =	ssyncadd.s32 $0xFFFFE000  }
0x4c0: {  	_ =	swait.ge [sflag:s5], $0x2000  }
0x4c1: {  	[sflag:s5] =	ssyncset.done $0x0  }
0x4c2: {  	s31 =	rddreg [dreg:$0x13];
	[sflag:s5] =	ssyncadd.s32 $0xFFFFE000  }
0x4c3: {  	[hbm4b:s31+s2] =	stream.linear.scatter [tilespmem:s6], [sflag:$0x2], $0x8000, $0x38;
	[tilespmem:$0x12000] =	vst v63  }
0x4c4: {  	_ =	swait.ge [sflag:s8], $0x8000  }
0x4c5: {  	[sflag:s8] =	ssyncset.done $0x0  }
0x4c6: {  	[sflag:s8] =	ssyncadd.s32 $0xFFFF8000  }
0x4c7: {  	_ =	swait.ge [sflag:s8], $0x8000  }
0x4c8: {  	[sflag:s8] =	ssyncset.done $0x0  }
0x4c9: {  	[sflag:s8] =	ssyncadd.s32 $0xFFFF8000  }
0x4ca: {  	_ =	sfence.sel $0x180000  }
0x4cb: {  	[bflag:$0x0] =	sbarrier.arrive $0xFFFF  }
0x4cc: {  	_ =	strace $0x90000047  }
0x4cd: {  	[bflag:$0x2] =	sbarrier.arrive $0xFFFF  }
0x4ce: {  	p0 =	sne.s32 s15, $0x0;
	s0 =	rddreg [dreg:$0x2]  }
0x4cf: {  	s0 =	sadd.s32 @!p0 $0x100000, s0  }
0x4d0: {  	[sflag:s0] =	ssyncadd.tile.s32 @!p0 $0x1;
	_ =	shalt  }
.LBB2_1:
.Ltmp3:
0x4d1: {  	s19 =	simm.s32 $0x1980;
	s30 =	simm.s32 $0x1900;
	(pc) =	sbr.rel .LBB2_6-.Ltmp3, $4  }
0x4d2: {  	s29 =	simm.s32 $0x1880;
	s28 =	simm.s32 $0x1B80;
	s26 =	simm.s32 $0x1B00  }
0x4d3: {  	s25 =	simm.s32 $0x1A80;
	s24 =	simm.s32 $0x1A00;
	s23 =	simm.s32 $0x1D80  }
0x4d4: {  	s22 =	simm.s32 $0x1D00;
	s21 =	simm.s32 $0x1C80;
	s20 =	simm.s32 $0x1C00  }
0x4d5: {  	s18 =	simm.s32 $0x1F00;
	s17 =	simm.s32 $0x1E80;
	s16 =	simm.s32 $0x1E00  }
.LBB2_3:
0x4d6: {  	s19 =	simm.s32 $0x1980  }
.Ltmp4:
0x4d7: {  	s30 =	simm.s32 $0x1900;
	s29 =	simm.s32 $0x1880;
	(pc) =	sbr.rel .LBB2_6-.Ltmp4, $4  }
0x4d8: {  	s28 =	simm.s32 $0x1B80;
	s26 =	simm.s32 $0x1B00;
	s25 =	simm.s32 $0x1A80  }
0x4d9: {  	s24 =	simm.s32 $0x1A00;
	s23 =	simm.s32 $0x1D80;
	s22 =	simm.s32 $0x1D00  }
0x4da: {  	s21 =	simm.s32 $0x1C80;
	s20 =	simm.s32 $0x1C00;
	s18 =	simm.s32 $0x1F00  }
0x4db: {  	s17 =	simm.s32 $0x1E80;
	s16 =	simm.s32 $0x1E00;
	s15 =	stileid.u32  }
.Lfunc_end2:
_tile_overlayer_lowered:
.L_overlay_start_2:
0x4dc: {  	(tag) =	ssettag $0x2  }
0x4dd: {  	s0 =	rddreg [dreg:$0x0];
	s2 =	stileid.u32  }
0x4de: {  	s1 =	rddreg [dreg:$0x1];
	p0 =	sne.s32 s2, $0x0  }
0x4df: {  	s3 =	rddreg [dreg:$0x2];
	[bflag:$0x3] =	sbarrier.arrive $0xFFFF;
	s2 =	simm.s32 @!p0 $0x1C03  }
0x4e0: {  	[timem:s3], [sflag:s2] =	dma.local @!p0 [hbm:s0], s1  }
0x4e1: {  	s0 =	simm.s32 @!p0 $0x3  }
0x4e2: {  	_ =	swait.ge @!p0 [sflag:s0], s1  }
0x4e3: {  	s1 =	ssub.s32 @!p0 $0x0, s1;
	[sflag:s0] =	ssyncset.done @!p0 $0x0  }
0x4e4: {  	[sflag:s0] =	ssyncadd.s32 @!p0 s1  }
0x4e5: {  	[bflag:$0x3] =	sbarrier.arrive $0xFFFF  }
0x4e6: {  	_ =	shalt  }

</sc_bundles>
